<compile_context>
chip_gen: v7x
topology: tpu7x:2x2x1
jax: 0.10.2.dev20260603
libtpu: 0.0.44.dev20260713+nightly
codegen_flags: <defaults>
</compile_context>

<pallas_src>
import functools

import jax
import jax.numpy as jnp
from jax import lax
from jax.experimental import pallas as pl
from jax.experimental.pallas import tpu as pltpu
from jax.experimental.pallas import tpu_sc as plsc

N_HASHES = 8
BUCKET_SIZE = 64
N_BUCKETS = 64
S = 4096
D = 1024
HASH_TILE = 512
N_CHUNKS = N_HASHES * N_BUCKETS



def _hash_kernel(qk_ref, rot_ref, buckets_ref, keys_ref):
    s_blk = pl.program_id(1)
    x = qk_ref[0]
    r = rot_ref[0]
    rr = lax.dot_general(x, r, (((1,), (0,)), ((), ())),
                         preferred_element_type=jnp.float32,
                         precision=lax.Precision.DEFAULT)
    lane = lax.broadcasted_iota(jnp.int32, (HASH_TILE, N_BUCKETS // 2), 1)
    t_vec = s_blk * HASH_TILE + lax.broadcasted_iota(jnp.int32, (HASH_TILE,), 0)
    half = N_BUCKETS // 2
    for h in range(N_HASHES):
        sub = rr[:, h * half:(h + 1) * half]
        mx = jnp.max(sub, axis=1, keepdims=True)
        mn = jnp.min(sub, axis=1, keepdims=True)
        pos = jnp.min(jnp.where(sub == mx, lane, N_BUCKETS), axis=1)
        neg = jnp.min(jnp.where(sub == mn, lane, N_BUCKETS), axis=1)
        b_loc = jnp.where(mx[:, 0] >= -mn[:, 0], pos, half + neg)
        buckets_ref[0, h, :] = b_loc + h * N_BUCKETS
        keys_ref[0, h, :] = b_loc * S + t_vec


def _hash_stage(qk, rot):
    B = qk.shape[0]
    grid = (B, S // HASH_TILE)
    buckets, keys = pl.pallas_call(
        _hash_kernel,
        grid=grid,
        in_specs=[
            pl.BlockSpec((1, HASH_TILE, D), lambda b, s: (b, s, 0)),
            pl.BlockSpec((1, D, N_HASHES * (N_BUCKETS // 2)), lambda b, s: (b, 0, 0)),
        ],
        out_specs=[
            pl.BlockSpec((1, N_HASHES, HASH_TILE), lambda b, s: (b, 0, s)),
            pl.BlockSpec((1, N_HASHES, HASH_TILE), lambda b, s: (b, 0, s)),
        ],
        out_shape=[
            jax.ShapeDtypeStruct((B, N_HASHES, S), jnp.int32),
            jax.ShapeDtypeStruct((B, N_HASHES, S), jnp.int32),
        ],
    )(qk, rot)
    return buckets, keys



_N_WORKERS = 32
_GC = 16


def _sc_gather_body(qk_hbm, v_hbm, idx_hbm, sqk_hbm, sv_hbm,
                    idx_all, qkr, vr,
                    gq0, gq1, gv0, gv1, sq0, sq1, sv0, sv1):
    gq = (gq0, gq1)
    gv = (gv0, gv1)
    sq = (sq0, sq1)
    svs = (sv0, sv1)
    rows_per_w = sqk_hbm.shape[0] // _N_WORKERS
    n_steps = rows_per_w // _GC
    wid = lax.axis_index("s") * 2 + lax.axis_index("c")
    base = wid * rows_per_w
    pltpu.sync_copy(idx_hbm.at[pl.ds(base, rows_per_w)], idx_all)

    def idxs(c):
        return idx_all.at[pl.ds(c * _GC, _GC)]

    def issue_gather(par, c):
        pltpu.async_copy(qk_hbm.at[idxs(c)], qkr.at[par], gq[par])
        pltpu.async_copy(v_hbm.at[idxs(c)], vr.at[par], gv[par])

    def wait_gather(par, c):
        pltpu.make_async_copy(qk_hbm.at[idxs(c)], qkr.at[par], gq[par]).wait()
        pltpu.make_async_copy(v_hbm.at[idxs(c)], vr.at[par], gv[par]).wait()

    def issue_store(par, c):
        off = base + c * _GC
        pltpu.async_copy(qkr.at[par], sqk_hbm.at[pl.ds(off, _GC)], sq[par])
        pltpu.async_copy(vr.at[par], sv_hbm.at[pl.ds(off, _GC)], svs[par])

    def wait_store(par, c):
        off = base + c * _GC
        pltpu.make_async_copy(qkr.at[par], sqk_hbm.at[pl.ds(off, _GC)],
                              sq[par]).wait()
        pltpu.make_async_copy(vr.at[par], sv_hbm.at[pl.ds(off, _GC)],
                              svs[par]).wait()

    issue_gather(0, 0)

    def step2(c2, carry):
        for par in (0, 1):
            c = c2 * 2 + par
            other = 1 - par

            wait_gather(par, c)

            @pl.when(c + 1 < n_steps)
            def _():
                @pl.when(c >= 1)
                def _():
                    wait_store(other, c - 1)
                issue_gather(other, c + 1)

            issue_store(par, c)
        return carry

    lax.fori_loop(0, n_steps // 2, step2, 0)
    wait_store(0, n_steps - 2)
    wait_store(1, n_steps - 1)


def _sc_gather(qk2, v2, idx):
    n = idx.shape[0]
    f = jax.ShapeDtypeStruct((n, D), jnp.float32)
    run = pl.kernel(
        _sc_gather_body,
        out_type=[f, f],
        mesh=plsc.VectorSubcoreMesh(core_axis_name="c", subcore_axis_name="s"),
        scratch_types=[
            pltpu.VMEM((n // _N_WORKERS,), jnp.int32),
            pltpu.VMEM((2, _GC, D), jnp.float32),
            pltpu.VMEM((2, _GC, D), jnp.float32),
            pltpu.SemaphoreType.DMA,
            pltpu.SemaphoreType.DMA,
            pltpu.SemaphoreType.DMA,
            pltpu.SemaphoreType.DMA,
            pltpu.SemaphoreType.DMA,
            pltpu.SemaphoreType.DMA,
            pltpu.SemaphoreType.DMA,
            pltpu.SemaphoreType.DMA,
        ],
    )
    return run(qk2, v2, idx)



_TC8 = 8


def _sc_combine_body(idx_hbm, so_hbm, slogw_hbm, out_hbm,
                     idxbuf, rows, lrows, outbuf, sem, seml):
    total_t = out_hbm.shape[0]
    t_per_w = total_t // _N_WORKERS
    wid = lax.axis_index("s") * 2 + lax.axis_index("c")
    tbase = wid * t_per_w

    def chunk_step(c, carry):
        pltpu.sync_copy(idx_hbm.at[pl.ds((tbase + c * _TC8) * N_HASHES,
                                         _TC8 * N_HASHES)], idxbuf)
        cr = pltpu.async_copy(so_hbm.at[idxbuf], rows, sem)
        cl = pltpu.async_copy(slogw_hbm.at[idxbuf], lrows, seml)
        cr.wait()
        cl.wait()
        for tt in range(_TC8):
            ls = [lrows[tt * N_HASHES + h, pl.ds(0, 16)] for h in range(N_HASHES)]
            m = ls[0]
            for h in range(1, N_HASHES):
                m = jnp.maximum(m, ls[h])
            es = [jnp.exp(l - m) for l in ls]
            ssum = es[0]
            for h in range(1, N_HASHES):
                ssum = ssum + es[h]
            ws = [e / ssum for e in es]

            def d_step(dc, carry2):
                sl = pl.ds(dc * 16, 16)
                acc = ws[0] * rows[tt * N_HASHES, sl]
                for h in range(1, N_HASHES):
                    acc = acc + ws[h] * rows[tt * N_HASHES + h, sl]
                outbuf[tt, sl] = acc
                return carry2

            lax.fori_loop(0, D // 16, d_step, 0)
        pltpu.sync_copy(outbuf, out_hbm.at[pl.ds(tbase + c * _TC8, _TC8)])
        return carry

    lax.fori_loop(0, t_per_w // _TC8, chunk_step, 0)


def _sc_combine(idx_o, so_flat, slogw):
    total_t = so_flat.shape[0] // N_HASHES
    run = pl.kernel(
        _sc_combine_body,
        out_type=jax.ShapeDtypeStruct((total_t, D), jnp.float32),
        mesh=plsc.VectorSubcoreMesh(core_axis_name="c", subcore_axis_name="s"),
        scratch_types=[
            pltpu.VMEM((_TC8 * N_HASHES,), jnp.int32),
            pltpu.VMEM((_TC8 * N_HASHES, D), jnp.float32),
            pltpu.VMEM((_TC8 * N_HASHES, 128), jnp.float32),
            pltpu.VMEM((_TC8, D), jnp.float32),
            pltpu.SemaphoreType.DMA,
            pltpu.SemaphoreType.DMA,
        ],
    )
    return run(idx_o, so_flat, slogw)



_CB = 16


def _attn_kernel(sqk_c, sqk_p, sv_c, sv_p, st_c, st_p, so_ref, slog_ref):
    def unit(x):
        return x * jax.lax.rsqrt(jnp.sum(x * x, axis=1, keepdims=True) + 1e-6)

    kn = [unit(sqk_p[0, 0])] + [unit(sqk_c[0, j]) for j in range(_CB)]
    vs = [sv_p[0, 0]] + [sv_c[0, j] for j in range(_CB)]
    kt = [st_p[0, 0, 0]] + [st_c[0, j, 0] for j in range(_CB)]
    for j in range(_CB):
        q = sqk_c[0, j]
        k = jnp.concatenate([kn[j + 1], kn[j]], axis=0)
        v = jnp.concatenate([vs[j + 1], vs[j]], axis=0)
        dots = lax.dot_general(q, k, (((1,), (1,)), ((), ())),
                               preferred_element_type=jnp.float32,
                               precision=lax.Precision.DEFAULT) * (D ** -0.5)
        qt = kt[j + 1]
        ktj = jnp.concatenate([kt[j + 1], kt[j]])
        dots = jnp.where(qt[:, None] == ktj[None, :], -50000.0, dots)
        mx = jnp.max(dots, axis=1, keepdims=True)
        e = jnp.exp(dots - mx)
        ssum = jnp.sum(e, axis=1, keepdims=True)
        p = e / ssum
        so_ref[0, j] = lax.dot_general(p, v, (((1,), (0,)), ((), ())),
                                       preferred_element_type=jnp.float32,
                                       precision=lax.Precision.DEFAULT)
        slog_ref[0, j] = jnp.broadcast_to(jnp.log(ssum) + mx,
                                          (BUCKET_SIZE, 128))


def _attn_stage(sqk, sv, st):
    B = sqk.shape[0]
    grid = (B, N_CHUNKS // _CB)
    data_spec_c = pl.BlockSpec((1, _CB, BUCKET_SIZE, D),
                               lambda b, i: (b, i, 0, 0))
    data_spec_p = pl.BlockSpec((1, 1, BUCKET_SIZE, D),
                               lambda b, i: (b, (i * _CB - 1) % N_CHUNKS, 0, 0))
    st_spec_c = pl.BlockSpec((1, _CB, 1, BUCKET_SIZE), lambda b, i: (b, i, 0, 0))
    st_spec_p = pl.BlockSpec((1, 1, 1, BUCKET_SIZE),
                             lambda b, i: (b, (i * _CB - 1) % N_CHUNKS, 0, 0))
    so, slog = pl.pallas_call(
        _attn_kernel,
        grid=grid,
        in_specs=[data_spec_c, data_spec_p, data_spec_c, data_spec_p,
                  st_spec_c, st_spec_p],
        out_specs=[
            pl.BlockSpec((1, _CB, BUCKET_SIZE, D), lambda b, i: (b, i, 0, 0)),
            pl.BlockSpec((1, _CB, BUCKET_SIZE, 128), lambda b, i: (b, i, 0, 0)),
        ],
        out_shape=[
            jax.ShapeDtypeStruct((B, N_CHUNKS, BUCKET_SIZE, D), jnp.float32),
            jax.ShapeDtypeStruct((B, N_CHUNKS, BUCKET_SIZE, 128), jnp.float32),
        ],
    )(sqk, sqk, sv, sv, st, st)
    return so, slog



def kernel(qk, v, seed_):
    B = qk.shape[0]
    rot = jax.random.normal(jax.random.key(seed_),
                            (B, D, N_HASHES, N_BUCKETS // 2), dtype=qk.dtype)
    rot2 = rot.reshape(B, D, N_HASHES * (N_BUCKETS // 2))

    buckets, keys = _hash_stage(qk, rot2)
    buckets_out = buckets.reshape(B, N_HASHES * S)

    st_local = jnp.argsort(keys, axis=-1).astype(jnp.int32)
    bidx = jnp.arange(B, dtype=jnp.int32)[:, None, None]
    hidx = jnp.arange(N_HASHES, dtype=jnp.int32)[None, :, None]
    iota_s = jnp.broadcast_to(jnp.arange(S, dtype=jnp.int32), (B, N_HASHES, S))
    inv = jnp.zeros((B, N_HASHES, S), jnp.int32).at[bidx, hidx, st_local].set(iota_s)

    st_flat = st_local.reshape(B, N_HASHES * S)
    gidx = (st_local
            + (jnp.arange(B, dtype=jnp.int32) * S)[:, None, None]).reshape(-1)
    sqk_f, sv_f = _sc_gather(qk.reshape(B * S, D), v.reshape(B * S, D), gidx)

    sqk = sqk_f.reshape(B, N_CHUNKS, BUCKET_SIZE, D)
    sv = sv_f.reshape(B, N_CHUNKS, BUCKET_SIZE, D)
    st4 = st_flat.reshape(B, N_CHUNKS, 1, BUCKET_SIZE)

    so, slog = _attn_stage(sqk, sv, st4)
    so_flat = so.reshape(B * N_HASHES * S, D)
    slogw = slog.reshape(B * N_HASHES * S, 128)

    idx_o = (inv
             + (jnp.arange(N_HASHES, dtype=jnp.int32) * S)[None, :, None]
             + (jnp.arange(B, dtype=jnp.int32) * (N_HASHES * S))[:, None, None])
    idx_o = jnp.transpose(idx_o, (0, 2, 1)).reshape(-1)
    out = _sc_combine(idx_o, so_flat, slogw).reshape(B, S, D)
    return out, buckets_out

# --- scband reference (transcript-rebuilt; emitter-appended) ---
"""Pipeline reference for scband-tflshattention-79903571575026 (READ-ONLY COPY).

The authoritative reference and input builder live on the scoring server;
editing this copy changes nothing except your own understanding.
"""

import jax, jax.numpy as jnp
import numpy as np

N_HASHES = 8
BUCKET_SIZE = 64
CAUSAL = False


def sort_key_val(keys, values, axis=-1):
    idx = jnp.argsort(keys, axis=axis)
    return jnp.take_along_axis(keys, idx, axis=axis), jnp.take_along_axis(values, idx, axis=axis)


def batched_index_select(values, indices):
    B, T = indices.shape
    D = values.shape[-1]
    idx = jnp.broadcast_to(indices[:, :, None], (B, T, D))
    return jnp.take_along_axis(values, idx, axis=1)


def make_unit_length(x, eps=1e-6):
    n = jnp.sqrt(jnp.sum(x * x, axis=-1, keepdims=True) + eps)
    return x / n


def look_one_back(x):
    x_extra = jnp.concatenate([x[:, -1:, ...], x[:, :-1, ...]], axis=1)
    return jnp.concatenate([x, x_extra], axis=2)


def setup_inputs(seed: int = 0) -> dict:
    key = jax.random.key(seed)
    k1, k2 = jax.random.split(key)
    qk = jax.random.normal(k1, (2, 4096, 1024), dtype=jnp.float32)
    v = jax.random.normal(k2, (2, 4096, 1024), dtype=jnp.float32)
    return {"qk": qk, "v": v, "seed_": 0}


def _lsh_attention_fwd(qk, v, seed_):
    B, S, D = qk.shape
    n_buckets = S // BUCKET_SIZE
    n_bins = n_buckets
    # hash_vectors: random rotations (dropout_for_hash is identity at rate 0)
    rot = jax.random.normal(jax.random.key(seed_), (B, D, N_HASHES, n_buckets // 2), dtype=qk.dtype)
    rotated = jnp.einsum('btf,bfhi->bthi', qk, rot)
    rotated = jnp.transpose(rotated, (0, 2, 1, 3))
    rotated = jnp.concatenate([rotated, -rotated], axis=-1)
    buckets = jnp.argmax(rotated, axis=-1).astype(jnp.int64)  # [B, H, S]
    offsets = (jnp.arange(N_HASHES, dtype=jnp.int64) * n_buckets).reshape(1, -1, 1)
    buckets = (buckets + offsets).reshape(B, -1)  # [B, H*S]

    ticker = jnp.broadcast_to(jnp.arange(S * N_HASHES, dtype=jnp.int64)[None, :], (B, S * N_HASHES))
    buckets_and_t = S * buckets + (ticker % S)
    buckets_and_t = jax.lax.stop_gradient(buckets_and_t)
    sbuckets_and_t, sticker = sort_key_val(buckets_and_t, ticker, axis=-1)
    _, undo_sort = sort_key_val(sticker, ticker, axis=-1)
    sbuckets_and_t = jax.lax.stop_gradient(sbuckets_and_t)
    sticker = jax.lax.stop_gradient(sticker)
    undo_sort = jax.lax.stop_gradient(undo_sort)

    st = sticker % S
    sqk = batched_index_select(qk, st)
    sv = batched_index_select(v, st)

    bq_t = bkv_t = st.reshape(B, N_HASHES * n_bins, -1)
    bqk = sqk.reshape(B, N_HASHES * n_bins, -1, sqk.shape[-1])
    bv = sv.reshape(B, N_HASHES * n_bins, -1, sv.shape[-1])
    bq_buckets = bkv_buckets = (sbuckets_and_t // S).reshape(B, N_HASHES * n_bins, -1)

    bq = bqk
    bk = make_unit_length(bqk)
    bk = look_one_back(bk)
    bv = look_one_back(bv)
    bkv_t = look_one_back(bkv_t)
    bkv_buckets = look_one_back(bkv_buckets)

    dots = jnp.einsum('bhie,bhje->bhij', bq, bk) * (bq.shape[-1] ** -0.5)
    if CAUSAL:
        mask = (bq_t[:, :, :, None] < bkv_t[:, :, None, :]).astype(jnp.float32)
        dots = dots * (1.0 - mask) + mask * (-50000.0)
    self_mask = (bq_t[:, :, :, None] == bkv_t[:, :, None, :]).astype(jnp.float32)
    dots = dots * (1.0 - self_mask) + self_mask * (-50000.0)
    # attend_across_buckets=True -> no bucket mask

    dots_logsumexp = jax.scipy.special.logsumexp(dots, axis=-1, keepdims=True)
    dots = jnp.exp(dots - dots_logsumexp)
    # dropout rate 0 -> identity
    bo = jnp.einsum('buij,buje->buie', dots, bv)
    so = bo.reshape(B, -1, bo.shape[-1])
    slogits = dots_logsumexp.reshape(B, -1)

    o = batched_index_select(so, undo_sort)
    _, logits = sort_key_val(sticker, slogits, axis=-1)

    if N_HASHES == 1:
        out = o
    else:
        o = o.reshape(B, N_HASHES, S, o.shape[-1])
        logits = logits.reshape(B, N_HASHES, S, 1).astype(jnp.float32)
        logits_logsumexp = jax.scipy.special.logsumexp(logits, axis=1, keepdims=True)
        probs = jnp.exp(logits - logits_logsumexp)
        out = jnp.sum(o * probs, axis=1)
    return out, buckets


def reference(qk, v, seed_):
    return _lsh_attention_fwd(qk, v, seed_)

if __name__ == "__main__":
    import jax
    _d = setup_inputs()
    print(jax.jit(kernel)(*tuple(_d.values())))

</pallas_src>

<mosaic_0001>
#map = affine_map<(d0, d1) -> (0)>
#map1 = affine_map<(d0, d1) -> (0, 0)>
module attributes {stable_mosaic.version = 14 : i64} {
  func.func @_sc_combine_body(%arg0: i32, %arg1: i32, %arg2: memref<65536xi32, #tpu.memory_space<hbm>>, %arg3: memref<65536x1024xf32, #tpu.memory_space<hbm>>, %arg4: memref<65536x128xf32, #tpu.memory_space<hbm>>, %arg5: memref<8192x1024xf32, #tpu.memory_space<hbm>>, %arg6: memref<64xi32, #tpu.memory_space<vmem>>, %arg7: memref<64x1024xf32, #tpu.memory_space<vmem>>, %arg8: memref<64x128xf32, #tpu.memory_space<vmem>>, %arg9: memref<8x1024xf32, #tpu.memory_space<vmem>>, %arg10: memref<!tpu.dma_semaphore, #tpu.memory_space<semaphore_mem>>, %arg11: memref<!tpu.dma_semaphore, #tpu.memory_space<semaphore_mem>>) attributes {dimension_semantics = [#tpu.dimension_semantics<core_parallel>, #tpu.dimension_semantics<subcore_parallel>], iteration_bounds = array<i64: 2, 16>, scalar_prefetch = 0 : i64, scratch_operands = 6 : i64, tpu.core_type = #tpu.core_type<sc_vector_subcore>, window_params = [{transform_indices = #map}, {transform_indices = #map1}, {transform_indices = #map1}, {transform_indices = #map1}]} {
    %mul3A = arith.constant 2 : i32
    %mul3A_0 = arith.muli %arg1, %mul3A : i32
    %add3A = arith.addi %mul3A_0, %arg0 : i32
    %mul3A_1 = arith.constant 256 : i32
    %mul3A_2 = arith.muli %add3A, %mul3A_1 : i32
    %scan3A = arith.constant 0 : i32
    %scan3A_3 = arith.constant 0 : i32
    %scan3A_4 = arith.constant 32 : i32
    %scan3A_5 = arith.addi %scan3A_3, %scan3A_4 : i32
    %scan3A_6 = arith.constant 1 : i32
    scf.for %scan3A_8 = %scan3A_3 to %scan3A_5 step %scan3A_6  : i32 {
      %mul3A_9 = arith.constant 8 : i32
      %mul3A_10 = arith.muli %scan3A_8, %mul3A_9 : i32
      %add3A_11 = arith.addi %mul3A_2, %mul3A_10 : i32
      %mul3A_12 = arith.constant 8 : i32
      %mul3A_13 = arith.muli %add3A_11, %mul3A_12 : i32
      "tpu.region"() ({
        %run_scoped3A = tpu.sem_alloc : memref<!tpu.dma_semaphore, #tpu.memory_space<semaphore_mem>>
        %dma_start3A_694 = tpu.memref_slice %arg2[%mul3A_13] : memref<65536xi32, #tpu.memory_space<hbm>> -> memref<64xi32, #tpu.memory_space<hbm>>
        %dma_start3A_695 = tpu.memref_slice %arg2[%mul3A_13] : memref<65536xi32, #tpu.memory_space<hbm>> -> memref<64xi32, #tpu.memory_space<hbm>>
        tpu.enqueue_dma source(%dma_start3A_695 : memref<64xi32, #tpu.memory_space<hbm>>) target(%arg6 : memref<64xi32, #tpu.memory_space<vmem>>) target_semaphore(%run_scoped3A : memref<!tpu.dma_semaphore, #tpu.memory_space<semaphore_mem>>)
        %dma_wait3A_696 = tpu.memref_slice %arg2[%mul3A_13] : memref<65536xi32, #tpu.memory_space<hbm>> -> memref<64xi32, #tpu.memory_space<hbm>>
        %dma_wait3A_697 = tpu.memref_slice %arg2[%mul3A_13] : memref<65536xi32, #tpu.memory_space<hbm>> -> memref<64xi32, #tpu.memory_space<hbm>>
        tpu.wait_dma2 semaphore(%run_scoped3A : memref<!tpu.dma_semaphore, #tpu.memory_space<semaphore_mem>>) src(%dma_wait3A_697 : memref<64xi32, #tpu.memory_space<hbm>>) dst(%arg6 : memref<64xi32, #tpu.memory_space<vmem>>)
        tpu.yield
      }) : () -> ()
      %dma_start3A = arith.constant 0 : i32
      %dma_start3A_14 = arith.constant 0 : i32
      %dma_start3A_15 = tpu.memref_slice %arg3[%dma_start3A, %dma_start3A_14] : memref<65536x1024xf32, #tpu.memory_space<hbm>> -> memref<65536x1024xf32, #tpu.memory_space<hbm>>
      tpu.enqueue_indirect_dma source(%dma_start3A_15 : memref<65536x1024xf32, #tpu.memory_space<hbm>>) target(%arg7 : memref<64x1024xf32, #tpu.memory_space<vmem>>) offsets(%arg6 : memref<64xi32, #tpu.memory_space<vmem>>) semaphore(%arg10 : memref<!tpu.dma_semaphore, #tpu.memory_space<semaphore_mem>>)
      %dma_start3A_16 = arith.constant 0 : i32
      %dma_start3A_17 = arith.constant 0 : i32
      %dma_start3A_18 = tpu.memref_slice %arg4[%dma_start3A_16, %dma_start3A_17] : memref<65536x128xf32, #tpu.memory_space<hbm>> -> memref<65536x128xf32, #tpu.memory_space<hbm>>
      tpu.enqueue_indirect_dma source(%dma_start3A_18 : memref<65536x128xf32, #tpu.memory_space<hbm>>) target(%arg8 : memref<64x128xf32, #tpu.memory_space<vmem>>) offsets(%arg6 : memref<64xi32, #tpu.memory_space<vmem>>) semaphore(%arg11 : memref<!tpu.dma_semaphore, #tpu.memory_space<semaphore_mem>>)
      %dma_wait3A = arith.constant 0 : i32
      %dma_wait3A_19 = arith.constant 0 : i32
      %dma_wait3A_20 = tpu.memref_slice %arg3[%dma_wait3A, %dma_wait3A_19] : memref<65536x1024xf32, #tpu.memory_space<hbm>> -> memref<65536x1024xf32, #tpu.memory_space<hbm>>
      tpu.wait_indirect_dma semaphore(%arg10 : memref<!tpu.dma_semaphore, #tpu.memory_space<semaphore_mem>>) src(%dma_wait3A_20 : memref<65536x1024xf32, #tpu.memory_space<hbm>>) dst(%arg7 : memref<64x1024xf32, #tpu.memory_space<vmem>>)
      %dma_wait3A_21 = arith.constant 0 : i32
      %dma_wait3A_22 = arith.constant 0 : i32
      %dma_wait3A_23 = tpu.memref_slice %arg4[%dma_wait3A_21, %dma_wait3A_22] : memref<65536x128xf32, #tpu.memory_space<hbm>> -> memref<65536x128xf32, #tpu.memory_space<hbm>>
      tpu.wait_indirect_dma semaphore(%arg11 : memref<!tpu.dma_semaphore, #tpu.memory_space<semaphore_mem>>) src(%dma_wait3A_23 : memref<65536x128xf32, #tpu.memory_space<hbm>>) dst(%arg8 : memref<64x128xf32, #tpu.memory_space<vmem>>)
      %get3A = arith.constant 0 : i32
      %get3A_24 = arith.index_cast %get3A : i32 to index
      %get3A_25 = arith.constant 0 : index
      %get3A_26 = tpu.vector_load %arg8[%get3A_24, %get3A_25] {strides = array<i32>} : memref<64x128xf32, #tpu.memory_space<vmem>>, vector<1x16xf32>,
      %get3A_27 = vector.shape_cast %get3A_26 : vector<1x16xf32> to vector<16xf32>
      %get3A_28 = arith.constant 1 : i32
      %get3A_29 = arith.index_cast %get3A_28 : i32 to index
      %get3A_30 = arith.constant 0 : index
      %get3A_31 = tpu.vector_load %arg8[%get3A_29, %get3A_30] {strides = array<i32>} : memref<64x128xf32, #tpu.memory_space<vmem>>, vector<1x16xf32>,
      %get3A_32 = vector.shape_cast %get3A_31 : vector<1x16xf32> to vector<16xf32>
      %get3A_33 = arith.constant 2 : i32
      %get3A_34 = arith.index_cast %get3A_33 : i32 to index
      %get3A_35 = arith.constant 0 : index
      %get3A_36 = tpu.vector_load %arg8[%get3A_34, %get3A_35] {strides = array<i32>} : memref<64x128xf32, #tpu.memory_space<vmem>>, vector<1x16xf32>,
      %get3A_37 = vector.shape_cast %get3A_36 : vector<1x16xf32> to vector<16xf32>
      %get3A_38 = arith.constant 3 : i32
      %get3A_39 = arith.index_cast %get3A_38 : i32 to index
      %get3A_40 = arith.constant 0 : index
      %get3A_41 = tpu.vector_load %arg8[%get3A_39, %get3A_40] {strides = array<i32>} : memref<64x128xf32, #tpu.memory_space<vmem>>, vector<1x16xf32>,
      %get3A_42 = vector.shape_cast %get3A_41 : vector<1x16xf32> to vector<16xf32>
      %get3A_43 = arith.constant 4 : i32
      %get3A_44 = arith.index_cast %get3A_43 : i32 to index
      %get3A_45 = arith.constant 0 : index
      %get3A_46 = tpu.vector_load %arg8[%get3A_44, %get3A_45] {strides = array<i32>} : memref<64x128xf32, #tpu.memory_space<vmem>>, vector<1x16xf32>,
      %get3A_47 = vector.shape_cast %get3A_46 : vector<1x16xf32> to vector<16xf32>
      %get3A_48 = arith.constant 5 : i32
      %get3A_49 = arith.index_cast %get3A_48 : i32 to index
      %get3A_50 = arith.constant 0 : index
      %get3A_51 = tpu.vector_load %arg8[%get3A_49, %get3A_50] {strides = array<i32>} : memref<64x128xf32, #tpu.memory_space<vmem>>, vector<1x16xf32>,
      %get3A_52 = vector.shape_cast %get3A_51 : vector<1x16xf32> to vector<16xf32>
      %get3A_53 = arith.constant 6 : i32
      %get3A_54 = arith.index_cast %get3A_53 : i32 to index
      %get3A_55 = arith.constant 0 : index
      %get3A_56 = tpu.vector_load %arg8[%get3A_54, %get3A_55] {strides = array<i32>} : memref<64x128xf32, #tpu.memory_space<vmem>>, vector<1x16xf32>,
      %get3A_57 = vector.shape_cast %get3A_56 : vector<1x16xf32> to vector<16xf32>
      %get3A_58 = arith.constant 7 : i32
      %get3A_59 = arith.index_cast %get3A_58 : i32 to index
      %get3A_60 = arith.constant 0 : index
      %get3A_61 = tpu.vector_load %arg8[%get3A_59, %get3A_60] {strides = array<i32>} : memref<64x128xf32, #tpu.memory_space<vmem>>, vector<1x16xf32>,
      %get3A_62 = vector.shape_cast %get3A_61 : vector<1x16xf32> to vector<16xf32>
      %max3A = arith.maximumf %get3A_27, %get3A_32 : vector<16xf32>
      %max3A_63 = arith.maximumf %max3A, %get3A_37 : vector<16xf32>
      %max3A_64 = arith.maximumf %max3A_63, %get3A_42 : vector<16xf32>
      %max3A_65 = arith.maximumf %max3A_64, %get3A_47 : vector<16xf32>
      %max3A_66 = arith.maximumf %max3A_65, %get3A_52 : vector<16xf32>
      %max3A_67 = arith.maximumf %max3A_66, %get3A_57 : vector<16xf32>
      %max3A_68 = arith.maximumf %max3A_67, %get3A_62 : vector<16xf32>
      %sub3A = arith.subf %get3A_27, %max3A_68 : vector<16xf32>
      %exp3A = math.exp %sub3A : vector<16xf32>
      %sub3A_69 = arith.subf %get3A_32, %max3A_68 : vector<16xf32>
      %exp3A_70 = math.exp %sub3A_69 : vector<16xf32>
      %sub3A_71 = arith.subf %get3A_37, %max3A_68 : vector<16xf32>
      %exp3A_72 = math.exp %sub3A_71 : vector<16xf32>
      %sub3A_73 = arith.subf %get3A_42, %max3A_68 : vector<16xf32>
      %exp3A_74 = math.exp %sub3A_73 : vector<16xf32>
      %sub3A_75 = arith.subf %get3A_47, %max3A_68 : vector<16xf32>
      %exp3A_76 = math.exp %sub3A_75 : vector<16xf32>
      %sub3A_77 = arith.subf %get3A_52, %max3A_68 : vector<16xf32>
      %exp3A_78 = math.exp %sub3A_77 : vector<16xf32>
      %sub3A_79 = arith.subf %get3A_57, %max3A_68 : vector<16xf32>
      %exp3A_80 = math.exp %sub3A_79 : vector<16xf32>
      %sub3A_81 = arith.subf %get3A_62, %max3A_68 : vector<16xf32>
      %exp3A_82 = math.exp %sub3A_81 : vector<16xf32>
      %add3A_83 = arith.addf %exp3A, %exp3A_70 : vector<16xf32>
      %add3A_84 = arith.addf %add3A_83, %exp3A_72 : vector<16xf32>
      %add3A_85 = arith.addf %add3A_84, %exp3A_74 : vector<16xf32>
      %add3A_86 = arith.addf %add3A_85, %exp3A_76 : vector<16xf32>
      %add3A_87 = arith.addf %add3A_86, %exp3A_78 : vector<16xf32>
      %add3A_88 = arith.addf %add3A_87, %exp3A_80 : vector<16xf32>
      %add3A_89 = arith.addf %add3A_88, %exp3A_82 : vector<16xf32>
      %div3A = arith.divf %exp3A, %add3A_89 : vector<16xf32>
      %div3A_90 = arith.divf %exp3A_70, %add3A_89 : vector<16xf32>
      %div3A_91 = arith.divf %exp3A_72, %add3A_89 : vector<16xf32>
      %div3A_92 = arith.divf %exp3A_74, %add3A_89 : vector<16xf32>
      %div3A_93 = arith.divf %exp3A_76, %add3A_89 : vector<16xf32>
      %div3A_94 = arith.divf %exp3A_78, %add3A_89 : vector<16xf32>
      %div3A_95 = arith.divf %exp3A_80, %add3A_89 : vector<16xf32>
      %div3A_96 = arith.divf %exp3A_82, %add3A_89 : vector<16xf32>
      %scan3A_97 = arith.constant 0 : i32
      %scan3A_98 = arith.constant 0 : i32
      %scan3A_99 = arith.constant 64 : i32
      %scan3A_100 = arith.addi %scan3A_98, %scan3A_99 : i32
      %scan3A_101 = arith.constant 1 : i32
      scf.for %scan3A_694 = %scan3A_98 to %scan3A_100 step %scan3A_101  : i32 {
        %mul3A_695 = arith.constant 16 : i32
        %mul3A_696 = arith.muli %scan3A_694, %mul3A_695 : i32
        %get3A_697 = arith.constant 0 : i32
        %get3A_698 = arith.index_cast %get3A_697 : i32 to index
        %get3A_699 = arith.index_cast %mul3A_696 : i32 to index
        %get3A_700 = tpu.vector_load %arg7[%get3A_698, %get3A_699] {strides = array<i32>} : memref<64x1024xf32, #tpu.memory_space<vmem>>, vector<1x16xf32>,
        %get3A_701 = vector.shape_cast %get3A_700 : vector<1x16xf32> to vector<16xf32>
        %mul3A_702 = arith.mulf %div3A, %get3A_701 : vector<16xf32>
        %get3A_703 = arith.constant 1 : i32
        %get3A_704 = arith.index_cast %get3A_703 : i32 to index
        %get3A_705 = arith.index_cast %mul3A_696 : i32 to index
        %get3A_706 = tpu.vector_load %arg7[%get3A_704, %get3A_705] {strides = array<i32>} : memref<64x1024xf32, #tpu.memory_space<vmem>>, vector<1x16xf32>,
        %get3A_707 = vector.shape_cast %get3A_706 : vector<1x16xf32> to vector<16xf32>
        %mul3A_708 = arith.mulf %div3A_90, %get3A_707 : vector<16xf32>
        %add3A_709 = arith.addf %mul3A_702, %mul3A_708 : vector<16xf32>
        %get3A_710 = arith.constant 2 : i32
        %get3A_711 = arith.index_cast %get3A_710 : i32 to index
        %get3A_712 = arith.index_cast %mul3A_696 : i32 to index
        %get3A_713 = tpu.vector_load %arg7[%get3A_711, %get3A_712] {strides = array<i32>} : memref<64x1024xf32, #tpu.memory_space<vmem>>, vector<1x16xf32>,
        %get3A_714 = vector.shape_cast %get3A_713 : vector<1x16xf32> to vector<16xf32>
        %mul3A_715 = arith.mulf %div3A_91, %get3A_714 : vector<16xf32>
        %add3A_716 = arith.addf %add3A_709, %mul3A_715 : vector<16xf32>
        %get3A_717 = arith.constant 3 : i32
        %get3A_718 = arith.index_cast %get3A_717 : i32 to index
        %get3A_719 = arith.index_cast %mul3A_696 : i32 to index
        %get3A_720 = tpu.vector_load %arg7[%get3A_718, %get3A_719] {strides = array<i32>} : memref<64x1024xf32, #tpu.memory_space<vmem>>, vector<1x16xf32>,
        %get3A_721 = vector.shape_cast %get3A_720 : vector<1x16xf32> to vector<16xf32>
        %mul3A_722 = arith.mulf %div3A_92, %get3A_721 : vector<16xf32>
        %add3A_723 = arith.addf %add3A_716, %mul3A_722 : vector<16xf32>
        %get3A_724 = arith.constant 4 : i32
        %get3A_725 = arith.index_cast %get3A_724 : i32 to index
        %get3A_726 = arith.index_cast %mul3A_696 : i32 to index
        %get3A_727 = tpu.vector_load %arg7[%get3A_725, %get3A_726] {strides = array<i32>} : memref<64x1024xf32, #tpu.memory_space<vmem>>, vector<1x16xf32>,
        %get3A_728 = vector.shape_cast %get3A_727 : vector<1x16xf32> to vector<16xf32>
        %mul3A_729 = arith.mulf %div3A_93, %get3A_728 : vector<16xf32>
        %add3A_730 = arith.addf %add3A_723, %mul3A_729 : vector<16xf32>
        %get3A_731 = arith.constant 5 : i32
        %get3A_732 = arith.index_cast %get3A_731 : i32 to index
        %get3A_733 = arith.index_cast %mul3A_696 : i32 to index
        %get3A_734 = tpu.vector_load %arg7[%get3A_732, %get3A_733] {strides = array<i32>} : memref<64x1024xf32, #tpu.memory_space<vmem>>, vector<1x16xf32>,
        %get3A_735 = vector.shape_cast %get3A_734 : vector<1x16xf32> to vector<16xf32>
        %mul3A_736 = arith.mulf %div3A_94, %get3A_735 : vector<16xf32>
        %add3A_737 = arith.addf %add3A_730, %mul3A_736 : vector<16xf32>
        %get3A_738 = arith.constant 6 : i32
        %get3A_739 = arith.index_cast %get3A_738 : i32 to index
        %get3A_740 = arith.index_cast %mul3A_696 : i32 to index
        %get3A_741 = tpu.vector_load %arg7[%get3A_739, %get3A_740] {strides = array<i32>} : memref<64x1024xf32, #tpu.memory_space<vmem>>, vector<1x16xf32>,
        %get3A_742 = vector.shape_cast %get3A_741 : vector<1x16xf32> to vector<16xf32>
        %mul3A_743 = arith.mulf %div3A_95, %get3A_742 : vector<16xf32>
        %add3A_744 = arith.addf %add3A_737, %mul3A_743 : vector<16xf32>
        %get3A_745 = arith.constant 7 : i32
        %get3A_746 = arith.index_cast %get3A_745 : i32 to index
        %get3A_747 = arith.index_cast %mul3A_696 : i32 to index
        %get3A_748 = tpu.vector_load %arg7[%get3A_746, %get3A_747] {strides = array<i32>} : memref<64x1024xf32, #tpu.memory_space<vmem>>, vector<1x16xf32>,
        %get3A_749 = vector.shape_cast %get3A_748 : vector<1x16xf32> to vector<16xf32>
        %mul3A_750 = arith.mulf %div3A_96, %get3A_749 : vector<16xf32>
        %add3A_751 = arith.addf %add3A_744, %mul3A_750 : vector<16xf32>
        %swap3A = arith.constant 0 : i32
        %swap3A_752 = arith.index_cast %swap3A : i32 to index
        %swap3A_753 = arith.index_cast %mul3A_696 : i32 to index
        %swap3A_754 = tpu.vector_load %arg9[%swap3A_752, %swap3A_753] {strides = array<i32>} : memref<8x1024xf32, #tpu.memory_space<vmem>>, vector<1x16xf32>,
        %swap3A_755 = vector.shape_cast %swap3A_754 : vector<1x16xf32> to vector<16xf32>
        %swap3A_756 = vector.shape_cast %add3A_751 : vector<16xf32> to vector<1x16xf32>
        tpu.vector_store %arg9[%swap3A_752, %swap3A_753], %swap3A_756 {strides = array<i32>} : memref<8x1024xf32, #tpu.memory_space<vmem>>, vector<1x16xf32>,
      }
      %scan3A_102 = arith.constant 64 : i32
      %get3A_103 = arith.constant 8 : i32
      %get3A_104 = arith.index_cast %get3A_103 : i32 to index
      %get3A_105 = arith.constant 0 : index
      %get3A_106 = tpu.vector_load %arg8[%get3A_104, %get3A_105] {strides = array<i32>} : memref<64x128xf32, #tpu.memory_space<vmem>>, vector<1x16xf32>,
      %get3A_107 = vector.shape_cast %get3A_106 : vector<1x16xf32> to vector<16xf32>
      %get3A_108 = arith.constant 9 : i32
      %get3A_109 = arith.index_cast %get3A_108 : i32 to index
      %get3A_110 = arith.constant 0 : index
      %get3A_111 = tpu.vector_load %arg8[%get3A_109, %get3A_110] {strides = array<i32>} : memref<64x128xf32, #tpu.memory_space<vmem>>, vector<1x16xf32>,
      %get3A_112 = vector.shape_cast %get3A_111 : vector<1x16xf32> to vector<16xf32>
      %get3A_113 = arith.constant 10 : i32
      %get3A_114 = arith.index_cast %get3A_113 : i32 to index
      %get3A_115 = arith.constant 0 : index
      %get3A_116 = tpu.vector_load %arg8[%get3A_114, %get3A_115] {strides = array<i32>} : memref<64x128xf32, #tpu.memory_space<vmem>>, vector<1x16xf32>,
      %get3A_117 = vector.shape_cast %get3A_116 : vector<1x16xf32> to vector<16xf32>
      %get3A_118 = arith.constant 11 : i32
      %get3A_119 = arith.index_cast %get3A_118 : i32 to index
      %get3A_120 = arith.constant 0 : index
      %get3A_121 = tpu.vector_load %arg8[%get3A_119, %get3A_120] {strides = array<i32>} : memref<64x128xf32, #tpu.memory_space<vmem>>, vector<1x16xf32>,
      %get3A_122 = vector.shape_cast %get3A_121 : vector<1x16xf32> to vector<16xf32>
      %get3A_123 = arith.constant 12 : i32
      %get3A_124 = arith.index_cast %get3A_123 : i32 to index
      %get3A_125 = arith.constant 0 : index
      %get3A_126 = tpu.vector_load %arg8[%get3A_124, %get3A_125] {strides = array<i32>} : memref<64x128xf32, #tpu.memory_space<vmem>>, vector<1x16xf32>,
      %get3A_127 = vector.shape_cast %get3A_126 : vector<1x16xf32> to vector<16xf32>
      %get3A_128 = arith.constant 13 : i32
      %get3A_129 = arith.index_cast %get3A_128 : i32 to index
      %get3A_130 = arith.constant 0 : index
      %get3A_131 = tpu.vector_load %arg8[%get3A_129, %get3A_130] {strides = array<i32>} : memref<64x128xf32, #tpu.memory_space<vmem>>, vector<1x16xf32>,
      %get3A_132 = vector.shape_cast %get3A_131 : vector<1x16xf32> to vector<16xf32>
      %get3A_133 = arith.constant 14 : i32
      %get3A_134 = arith.index_cast %get3A_133 : i32 to index
      %get3A_135 = arith.constant 0 : index
      %get3A_136 = tpu.vector_load %arg8[%get3A_134, %get3A_135] {strides = array<i32>} : memref<64x128xf32, #tpu.memory_space<vmem>>, vector<1x16xf32>,
      %get3A_137 = vector.shape_cast %get3A_136 : vector<1x16xf32> to vector<16xf32>
      %get3A_138 = arith.constant 15 : i32
      %get3A_139 = arith.index_cast %get3A_138 : i32 to index
      %get3A_140 = arith.constant 0 : index
      %get3A_141 = tpu.vector_load %arg8[%get3A_139, %get3A_140] {strides = array<i32>} : memref<64x128xf32, #tpu.memory_space<vmem>>, vector<1x16xf32>,
      %get3A_142 = vector.shape_cast %get3A_141 : vector<1x16xf32> to vector<16xf32>
      %max3A_143 = arith.maximumf %get3A_107, %get3A_112 : vector<16xf32>
      %max3A_144 = arith.maximumf %max3A_143, %get3A_117 : vector<16xf32>
      %max3A_145 = arith.maximumf %max3A_144, %get3A_122 : vector<16xf32>
      %max3A_146 = arith.maximumf %max3A_145, %get3A_127 : vector<16xf32>
      %max3A_147 = arith.maximumf %max3A_146, %get3A_132 : vector<16xf32>
      %max3A_148 = arith.maximumf %max3A_147, %get3A_137 : vector<16xf32>
      %max3A_149 = arith.maximumf %max3A_148, %get3A_142 : vector<16xf32>
      %sub3A_150 = arith.subf %get3A_107, %max3A_149 : vector<16xf32>
      %exp3A_151 = math.exp %sub3A_150 : vector<16xf32>
      %sub3A_152 = arith.subf %get3A_112, %max3A_149 : vector<16xf32>
      %exp3A_153 = math.exp %sub3A_152 : vector<16xf32>
      %sub3A_154 = arith.subf %get3A_117, %max3A_149 : vector<16xf32>
      %exp3A_155 = math.exp %sub3A_154 : vector<16xf32>
      %sub3A_156 = arith.subf %get3A_122, %max3A_149 : vector<16xf32>
      %exp3A_157 = math.exp %sub3A_156 : vector<16xf32>
      %sub3A_158 = arith.subf %get3A_127, %max3A_149 : vector<16xf32>
      %exp3A_159 = math.exp %sub3A_158 : vector<16xf32>
      %sub3A_160 = arith.subf %get3A_132, %max3A_149 : vector<16xf32>
      %exp3A_161 = math.exp %sub3A_160 : vector<16xf32>
      %sub3A_162 = arith.subf %get3A_137, %max3A_149 : vector<16xf32>
      %exp3A_163 = math.exp %sub3A_162 : vector<16xf32>
      %sub3A_164 = arith.subf %get3A_142, %max3A_149 : vector<16xf32>
      %exp3A_165 = math.exp %sub3A_164 : vector<16xf32>
      %add3A_166 = arith.addf %exp3A_151, %exp3A_153 : vector<16xf32>
      %add3A_167 = arith.addf %add3A_166, %exp3A_155 : vector<16xf32>
      %add3A_168 = arith.addf %add3A_167, %exp3A_157 : vector<16xf32>
      %add3A_169 = arith.addf %add3A_168, %exp3A_159 : vector<16xf32>
      %add3A_170 = arith.addf %add3A_169, %exp3A_161 : vector<16xf32>
      %add3A_171 = arith.addf %add3A_170, %exp3A_163 : vector<16xf32>
      %add3A_172 = arith.addf %add3A_171, %exp3A_165 : vector<16xf32>
      %div3A_173 = arith.divf %exp3A_151, %add3A_172 : vector<16xf32>
      %div3A_174 = arith.divf %exp3A_153, %add3A_172 : vector<16xf32>
      %div3A_175 = arith.divf %exp3A_155, %add3A_172 : vector<16xf32>
      %div3A_176 = arith.divf %exp3A_157, %add3A_172 : vector<16xf32>
      %div3A_177 = arith.divf %exp3A_159, %add3A_172 : vector<16xf32>
      %div3A_178 = arith.divf %exp3A_161, %add3A_172 : vector<16xf32>
      %div3A_179 = arith.divf %exp3A_163, %add3A_172 : vector<16xf32>
      %div3A_180 = arith.divf %exp3A_165, %add3A_172 : vector<16xf32>
      %scan3A_181 = arith.constant 0 : i32
      %scan3A_182 = arith.constant 0 : i32
      %scan3A_183 = arith.constant 64 : i32
      %scan3A_184 = arith.addi %scan3A_182, %scan3A_183 : i32
      %scan3A_185 = arith.constant 1 : i32
      scf.for %scan3A_694 = %scan3A_182 to %scan3A_184 step %scan3A_185  : i32 {
        %mul3A_695 = arith.constant 16 : i32
        %mul3A_696 = arith.muli %scan3A_694, %mul3A_695 : i32
        %get3A_697 = arith.constant 8 : i32
        %get3A_698 = arith.index_cast %get3A_697 : i32 to index
        %get3A_699 = arith.index_cast %mul3A_696 : i32 to index
        %get3A_700 = tpu.vector_load %arg7[%get3A_698, %get3A_699] {strides = array<i32>} : memref<64x1024xf32, #tpu.memory_space<vmem>>, vector<1x16xf32>,
        %get3A_701 = vector.shape_cast %get3A_700 : vector<1x16xf32> to vector<16xf32>
        %mul3A_702 = arith.mulf %div3A_173, %get3A_701 : vector<16xf32>
        %get3A_703 = arith.constant 9 : i32
        %get3A_704 = arith.index_cast %get3A_703 : i32 to index
        %get3A_705 = arith.index_cast %mul3A_696 : i32 to index
        %get3A_706 = tpu.vector_load %arg7[%get3A_704, %get3A_705] {strides = array<i32>} : memref<64x1024xf32, #tpu.memory_space<vmem>>, vector<1x16xf32>,
        %get3A_707 = vector.shape_cast %get3A_706 : vector<1x16xf32> to vector<16xf32>
        %mul3A_708 = arith.mulf %div3A_174, %get3A_707 : vector<16xf32>
        %add3A_709 = arith.addf %mul3A_702, %mul3A_708 : vector<16xf32>
        %get3A_710 = arith.constant 10 : i32
        %get3A_711 = arith.index_cast %get3A_710 : i32 to index
        %get3A_712 = arith.index_cast %mul3A_696 : i32 to index
        %get3A_713 = tpu.vector_load %arg7[%get3A_711, %get3A_712] {strides = array<i32>} : memref<64x1024xf32, #tpu.memory_space<vmem>>, vector<1x16xf32>,
        %get3A_714 = vector.shape_cast %get3A_713 : vector<1x16xf32> to vector<16xf32>
        %mul3A_715 = arith.mulf %div3A_175, %get3A_714 : vector<16xf32>
        %add3A_716 = arith.addf %add3A_709, %mul3A_715 : vector<16xf32>
        %get3A_717 = arith.constant 11 : i32
        %get3A_718 = arith.index_cast %get3A_717 : i32 to index
        %get3A_719 = arith.index_cast %mul3A_696 : i32 to index
        %get3A_720 = tpu.vector_load %arg7[%get3A_718, %get3A_719] {strides = array<i32>} : memref<64x1024xf32, #tpu.memory_space<vmem>>, vector<1x16xf32>,
        %get3A_721 = vector.shape_cast %get3A_720 : vector<1x16xf32> to vector<16xf32>
        %mul3A_722 = arith.mulf %div3A_176, %get3A_721 : vector<16xf32>
        %add3A_723 = arith.addf %add3A_716, %mul3A_722 : vector<16xf32>
        %get3A_724 = arith.constant 12 : i32
        %get3A_725 = arith.index_cast %get3A_724 : i32 to index
        %get3A_726 = arith.index_cast %mul3A_696 : i32 to index
        %get3A_727 = tpu.vector_load %arg7[%get3A_725, %get3A_726] {strides = array<i32>} : memref<64x1024xf32, #tpu.memory_space<vmem>>, vector<1x16xf32>,
        %get3A_728 = vector.shape_cast %get3A_727 : vector<1x16xf32> to vector<16xf32>
        %mul3A_729 = arith.mulf %div3A_177, %get3A_728 : vector<16xf32>
        %add3A_730 = arith.addf %add3A_723, %mul3A_729 : vector<16xf32>
        %get3A_731 = arith.constant 13 : i32
        %get3A_732 = arith.index_cast %get3A_731 : i32 to index
        %get3A_733 = arith.index_cast %mul3A_696 : i32 to index
        %get3A_734 = tpu.vector_load %arg7[%get3A_732, %get3A_733] {strides = array<i32>} : memref<64x1024xf32, #tpu.memory_space<vmem>>, vector<1x16xf32>,
        %get3A_735 = vector.shape_cast %get3A_734 : vector<1x16xf32> to vector<16xf32>
        %mul3A_736 = arith.mulf %div3A_178, %get3A_735 : vector<16xf32>
        %add3A_737 = arith.addf %add3A_730, %mul3A_736 : vector<16xf32>
        %get3A_738 = arith.constant 14 : i32
        %get3A_739 = arith.index_cast %get3A_738 : i32 to index
        %get3A_740 = arith.index_cast %mul3A_696 : i32 to index
        %get3A_741 = tpu.vector_load %arg7[%get3A_739, %get3A_740] {strides = array<i32>} : memref<64x1024xf32, #tpu.memory_space<vmem>>, vector<1x16xf32>,
        %get3A_742 = vector.shape_cast %get3A_741 : vector<1x16xf32> to vector<16xf32>
        %mul3A_743 = arith.mulf %div3A_179, %get3A_742 : vector<16xf32>
        %add3A_744 = arith.addf %add3A_737, %mul3A_743 : vector<16xf32>
        %get3A_745 = arith.constant 15 : i32
        %get3A_746 = arith.index_cast %get3A_745 : i32 to index
        %get3A_747 = arith.index_cast %mul3A_696 : i32 to index
        %get3A_748 = tpu.vector_load %arg7[%get3A_746, %get3A_747] {strides = array<i32>} : memref<64x1024xf32, #tpu.memory_space<vmem>>, vector<1x16xf32>,
        %get3A_749 = vector.shape_cast %get3A_748 : vector<1x16xf32> to vector<16xf32>
        %mul3A_750 = arith.mulf %div3A_180, %get3A_749 : vector<16xf32>
        %add3A_751 = arith.addf %add3A_744, %mul3A_750 : vector<16xf32>
        %swap3A = arith.constant 1 : i32
        %swap3A_752 = arith.index_cast %swap3A : i32 to index
        %swap3A_753 = arith.index_cast %mul3A_696 : i32 to index
        %swap3A_754 = tpu.vector_load %arg9[%swap3A_752, %swap3A_753] {strides = array<i32>} : memref<8x1024xf32, #tpu.memory_space<vmem>>, vector<1x16xf32>,
        %swap3A_755 = vector.shape_cast %swap3A_754 : vector<1x16xf32> to vector<16xf32>
        %swap3A_756 = vector.shape_cast %add3A_751 : vector<16xf32> to vector<1x16xf32>
        tpu.vector_store %arg9[%swap3A_752, %swap3A_753], %swap3A_756 {strides = array<i32>} : memref<8x1024xf32, #tpu.memory_space<vmem>>, vector<1x16xf32>,
      }
      %scan3A_186 = arith.constant 64 : i32
      %get3A_187 = arith.constant 16 : i32
      %get3A_188 = arith.index_cast %get3A_187 : i32 to index
      %get3A_189 = arith.constant 0 : index
      %get3A_190 = tpu.vector_load %arg8[%get3A_188, %get3A_189] {strides = array<i32>} : memref<64x128xf32, #tpu.memory_space<vmem>>, vector<1x16xf32>,
      %get3A_191 = vector.shape_cast %get3A_190 : vector<1x16xf32> to vector<16xf32>
      %get3A_192 = arith.constant 17 : i32
      %get3A_193 = arith.index_cast %get3A_192 : i32 to index
      %get3A_194 = arith.constant 0 : index
      %get3A_195 = tpu.vector_load %arg8[%get3A_193, %get3A_194] {strides = array<i32>} : memref<64x128xf32, #tpu.memory_space<vmem>>, vector<1x16xf32>,
      %get3A_196 = vector.shape_cast %get3A_195 : vector<1x16xf32> to vector<16xf32>
      %get3A_197 = arith.constant 18 : i32
      %get3A_198 = arith.index_cast %get3A_197 : i32 to index
      %get3A_199 = arith.constant 0 : index
      %get3A_200 = tpu.vector_load %arg8[%get3A_198, %get3A_199] {strides = array<i32>} : memref<64x128xf32, #tpu.memory_space<vmem>>, vector<1x16xf32>,
      %get3A_201 = vector.shape_cast %get3A_200 : vector<1x16xf32> to vector<16xf32>
      %get3A_202 = arith.constant 19 : i32
      %get3A_203 = arith.index_cast %get3A_202 : i32 to index
      %get3A_204 = arith.constant 0 : index
      %get3A_205 = tpu.vector_load %arg8[%get3A_203, %get3A_204] {strides = array<i32>} : memref<64x128xf32, #tpu.memory_space<vmem>>, vector<1x16xf32>,
      %get3A_206 = vector.shape_cast %get3A_205 : vector<1x16xf32> to vector<16xf32>
      %get3A_207 = arith.constant 20 : i32
      %get3A_208 = arith.index_cast %get3A_207 : i32 to index
      %get3A_209 = arith.constant 0 : index
      %get3A_210 = tpu.vector_load %arg8[%get3A_208, %get3A_209] {strides = array<i32>} : memref<64x128xf32, #tpu.memory_space<vmem>>, vector<1x16xf32>,
      %get3A_211 = vector.shape_cast %get3A_210 : vector<1x16xf32> to vector<16xf32>
      %get3A_212 = arith.constant 21 : i32
      %get3A_213 = arith.index_cast %get3A_212 : i32 to index
      %get3A_214 = arith.constant 0 : index
      %get3A_215 = tpu.vector_load %arg8[%get3A_213, %get3A_214] {strides = array<i32>} : memref<64x128xf32, #tpu.memory_space<vmem>>, vector<1x16xf32>,
      %get3A_216 = vector.shape_cast %get3A_215 : vector<1x16xf32> to vector<16xf32>
      %get3A_217 = arith.constant 22 : i32
      %get3A_218 = arith.index_cast %get3A_217 : i32 to index
      %get3A_219 = arith.constant 0 : index
      %get3A_220 = tpu.vector_load %arg8[%get3A_218, %get3A_219] {strides = array<i32>} : memref<64x128xf32, #tpu.memory_space<vmem>>, vector<1x16xf32>,
      %get3A_221 = vector.shape_cast %get3A_220 : vector<1x16xf32> to vector<16xf32>
      %get3A_222 = arith.constant 23 : i32
      %get3A_223 = arith.index_cast %get3A_222 : i32 to index
      %get3A_224 = arith.constant 0 : index
      %get3A_225 = tpu.vector_load %arg8[%get3A_223, %get3A_224] {strides = array<i32>} : memref<64x128xf32, #tpu.memory_space<vmem>>, vector<1x16xf32>,
      %get3A_226 = vector.shape_cast %get3A_225 : vector<1x16xf32> to vector<16xf32>
      %max3A_227 = arith.maximumf %get3A_191, %get3A_196 : vector<16xf32>
      %max3A_228 = arith.maximumf %max3A_227, %get3A_201 : vector<16xf32>
      %max3A_229 = arith.maximumf %max3A_228, %get3A_206 : vector<16xf32>
      %max3A_230 = arith.maximumf %max3A_229, %get3A_211 : vector<16xf32>
      %max3A_231 = arith.maximumf %max3A_230, %get3A_216 : vector<16xf32>
      %max3A_232 = arith.maximumf %max3A_231, %get3A_221 : vector<16xf32>
      %max3A_233 = arith.maximumf %max3A_232, %get3A_226 : vector<16xf32>
      %sub3A_234 = arith.subf %get3A_191, %max3A_233 : vector<16xf32>
      %exp3A_235 = math.exp %sub3A_234 : vector<16xf32>
      %sub3A_236 = arith.subf %get3A_196, %max3A_233 : vector<16xf32>
      %exp3A_237 = math.exp %sub3A_236 : vector<16xf32>
      %sub3A_238 = arith.subf %get3A_201, %max3A_233 : vector<16xf32>
      %exp3A_239 = math.exp %sub3A_238 : vector<16xf32>
      %sub3A_240 = arith.subf %get3A_206, %max3A_233 : vector<16xf32>
      %exp3A_241 = math.exp %sub3A_240 : vector<16xf32>
      %sub3A_242 = arith.subf %get3A_211, %max3A_233 : vector<16xf32>
      %exp3A_243 = math.exp %sub3A_242 : vector<16xf32>
      %sub3A_244 = arith.subf %get3A_216, %max3A_233 : vector<16xf32>
      %exp3A_245 = math.exp %sub3A_244 : vector<16xf32>
      %sub3A_246 = arith.subf %get3A_221, %max3A_233 : vector<16xf32>
      %exp3A_247 = math.exp %sub3A_246 : vector<16xf32>
      %sub3A_248 = arith.subf %get3A_226, %max3A_233 : vector<16xf32>
      %exp3A_249 = math.exp %sub3A_248 : vector<16xf32>
      %add3A_250 = arith.addf %exp3A_235, %exp3A_237 : vector<16xf32>
      %add3A_251 = arith.addf %add3A_250, %exp3A_239 : vector<16xf32>
      %add3A_252 = arith.addf %add3A_251, %exp3A_241 : vector<16xf32>
      %add3A_253 = arith.addf %add3A_252, %exp3A_243 : vector<16xf32>
      %add3A_254 = arith.addf %add3A_253, %exp3A_245 : vector<16xf32>
      %add3A_255 = arith.addf %add3A_254, %exp3A_247 : vector<16xf32>
      %add3A_256 = arith.addf %add3A_255, %exp3A_249 : vector<16xf32>
      %div3A_257 = arith.divf %exp3A_235, %add3A_256 : vector<16xf32>
      %div3A_258 = arith.divf %exp3A_237, %add3A_256 : vector<16xf32>
      %div3A_259 = arith.divf %exp3A_239, %add3A_256 : vector<16xf32>
      %div3A_260 = arith.divf %exp3A_241, %add3A_256 : vector<16xf32>
      %div3A_261 = arith.divf %exp3A_243, %add3A_256 : vector<16xf32>
      %div3A_262 = arith.divf %exp3A_245, %add3A_256 : vector<16xf32>
      %div3A_263 = arith.divf %exp3A_247, %add3A_256 : vector<16xf32>
      %div3A_264 = arith.divf %exp3A_249, %add3A_256 : vector<16xf32>
      %scan3A_265 = arith.constant 0 : i32
      %scan3A_266 = arith.constant 0 : i32
      %scan3A_267 = arith.constant 64 : i32
      %scan3A_268 = arith.addi %scan3A_266, %scan3A_267 : i32
      %scan3A_269 = arith.constant 1 : i32
      scf.for %scan3A_694 = %scan3A_266 to %scan3A_268 step %scan3A_269  : i32 {
        %mul3A_695 = arith.constant 16 : i32
        %mul3A_696 = arith.muli %scan3A_694, %mul3A_695 : i32
        %get3A_697 = arith.constant 16 : i32
        %get3A_698 = arith.index_cast %get3A_697 : i32 to index
        %get3A_699 = arith.index_cast %mul3A_696 : i32 to index
        %get3A_700 = tpu.vector_load %arg7[%get3A_698, %get3A_699] {strides = array<i32>} : memref<64x1024xf32, #tpu.memory_space<vmem>>, vector<1x16xf32>,
        %get3A_701 = vector.shape_cast %get3A_700 : vector<1x16xf32> to vector<16xf32>
        %mul3A_702 = arith.mulf %div3A_257, %get3A_701 : vector<16xf32>
        %get3A_703 = arith.constant 17 : i32
        %get3A_704 = arith.index_cast %get3A_703 : i32 to index
        %get3A_705 = arith.index_cast %mul3A_696 : i32 to index
        %get3A_706 = tpu.vector_load %arg7[%get3A_704, %get3A_705] {strides = array<i32>} : memref<64x1024xf32, #tpu.memory_space<vmem>>, vector<1x16xf32>,
        %get3A_707 = vector.shape_cast %get3A_706 : vector<1x16xf32> to vector<16xf32>
        %mul3A_708 = arith.mulf %div3A_258, %get3A_707 : vector<16xf32>
        %add3A_709 = arith.addf %mul3A_702, %mul3A_708 : vector<16xf32>
        %get3A_710 = arith.constant 18 : i32
        %get3A_711 = arith.index_cast %get3A_710 : i32 to index
        %get3A_712 = arith.index_cast %mul3A_696 : i32 to index
        %get3A_713 = tpu.vector_load %arg7[%get3A_711, %get3A_712] {strides = array<i32>} : memref<64x1024xf32, #tpu.memory_space<vmem>>, vector<1x16xf32>,
        %get3A_714 = vector.shape_cast %get3A_713 : vector<1x16xf32> to vector<16xf32>
        %mul3A_715 = arith.mulf %div3A_259, %get3A_714 : vector<16xf32>
        %add3A_716 = arith.addf %add3A_709, %mul3A_715 : vector<16xf32>
        %get3A_717 = arith.constant 19 : i32
        %get3A_718 = arith.index_cast %get3A_717 : i32 to index
        %get3A_719 = arith.index_cast %mul3A_696 : i32 to index
        %get3A_720 = tpu.vector_load %arg7[%get3A_718, %get3A_719] {strides = array<i32>} : memref<64x1024xf32, #tpu.memory_space<vmem>>, vector<1x16xf32>,
        %get3A_721 = vector.shape_cast %get3A_720 : vector<1x16xf32> to vector<16xf32>
        %mul3A_722 = arith.mulf %div3A_260, %get3A_721 : vector<16xf32>
        %add3A_723 = arith.addf %add3A_716, %mul3A_722 : vector<16xf32>
        %get3A_724 = arith.constant 20 : i32
        %get3A_725 = arith.index_cast %get3A_724 : i32 to index
        %get3A_726 = arith.index_cast %mul3A_696 : i32 to index
        %get3A_727 = tpu.vector_load %arg7[%get3A_725, %get3A_726] {strides = array<i32>} : memref<64x1024xf32, #tpu.memory_space<vmem>>, vector<1x16xf32>,
        %get3A_728 = vector.shape_cast %get3A_727 : vector<1x16xf32> to vector<16xf32>
        %mul3A_729 = arith.mulf %div3A_261, %get3A_728 : vector<16xf32>
        %add3A_730 = arith.addf %add3A_723, %mul3A_729 : vector<16xf32>
        %get3A_731 = arith.constant 21 : i32
        %get3A_732 = arith.index_cast %get3A_731 : i32 to index
        %get3A_733 = arith.index_cast %mul3A_696 : i32 to index
        %get3A_734 = tpu.vector_load %arg7[%get3A_732, %get3A_733] {strides = array<i32>} : memref<64x1024xf32, #tpu.memory_space<vmem>>, vector<1x16xf32>,
        %get3A_735 = vector.shape_cast %get3A_734 : vector<1x16xf32> to vector<16xf32>
        %mul3A_736 = arith.mulf %div3A_262, %get3A_735 : vector<16xf32>
        %add3A_737 = arith.addf %add3A_730, %mul3A_736 : vector<16xf32>
        %get3A_738 = arith.constant 22 : i32
        %get3A_739 = arith.index_cast %get3A_738 : i32 to index
        %get3A_740 = arith.index_cast %mul3A_696 : i32 to index
        %get3A_741 = tpu.vector_load %arg7[%get3A_739, %get3A_740] {strides = array<i32>} : memref<64x1024xf32, #tpu.memory_space<vmem>>, vector<1x16xf32>,
        %get3A_742 = vector.shape_cast %get3A_741 : vector<1x16xf32> to vector<16xf32>
        %mul3A_743 = arith.mulf %div3A_263, %get3A_742 : vector<16xf32>
        %add3A_744 = arith.addf %add3A_737, %mul3A_743 : vector<16xf32>
        %get3A_745 = arith.constant 23 : i32
        %get3A_746 = arith.index_cast %get3A_745 : i32 to index
        %get3A_747 = arith.index_cast %mul3A_696 : i32 to index
        %get3A_748 = tpu.vector_load %arg7[%get3A_746, %get3A_747] {strides = array<i32>} : memref<64x1024xf32, #tpu.memory_space<vmem>>, vector<1x16xf32>,
        %get3A_749 = vector.shape_cast %get3A_748 : vector<1x16xf32> to vector<16xf32>
        %mul3A_750 = arith.mulf %div3A_264, %get3A_749 : vector<16xf32>
        %add3A_751 = arith.addf %add3A_744, %mul3A_750 : vector<16xf32>
        %swap3A = arith.constant 2 : i32
        %swap3A_752 = arith.index_cast %swap3A : i32 to index
        %swap3A_753 = arith.index_cast %mul3A_696 : i32 to index
        %swap3A_754 = tpu.vector_load %arg9[%swap3A_752, %swap3A_753] {strides = array<i32>} : memref<8x1024xf32, #tpu.memory_space<vmem>>, vector<1x16xf32>,
        %swap3A_755 = vector.shape_cast %swap3A_754 : vector<1x16xf32> to vector<16xf32>
        %swap3A_756 = vector.shape_cast %add3A_751 : vector<16xf32> to vector<1x16xf32>
        tpu.vector_store %arg9[%swap3A_752, %swap3A_753], %swap3A_756 {strides = array<i32>} : memref<8x1024xf32, #tpu.memory_space<vmem>>, vector<1x16xf32>,
      }
      %scan3A_270 = arith.constant 64 : i32
      %get3A_271 = arith.constant 24 : i32
      %get3A_272 = arith.index_cast %get3A_271 : i32 to index
      %get3A_273 = arith.constant 0 : index
      %get3A_274 = tpu.vector_load %arg8[%get3A_272, %get3A_273] {strides = array<i32>} : memref<64x128xf32, #tpu.memory_space<vmem>>, vector<1x16xf32>,
      %get3A_275 = vector.shape_cast %get3A_274 : vector<1x16xf32> to vector<16xf32>
      %get3A_276 = arith.constant 25 : i32
      %get3A_277 = arith.index_cast %get3A_276 : i32 to index
      %get3A_278 = arith.constant 0 : index
      %get3A_279 = tpu.vector_load %arg8[%get3A_277, %get3A_278] {strides = array<i32>} : memref<64x128xf32, #tpu.memory_space<vmem>>, vector<1x16xf32>,
      %get3A_280 = vector.shape_cast %get3A_279 : vector<1x16xf32> to vector<16xf32>
      %get3A_281 = arith.constant 26 : i32
      %get3A_282 = arith.index_cast %get3A_281 : i32 to index
      %get3A_283 = arith.constant 0 : index
      %get3A_284 = tpu.vector_load %arg8[%get3A_282, %get3A_283] {strides = array<i32>} : memref<64x128xf32, #tpu.memory_space<vmem>>, vector<1x16xf32>,
      %get3A_285 = vector.shape_cast %get3A_284 : vector<1x16xf32> to vector<16xf32>
      %get3A_286 = arith.constant 27 : i32
      %get3A_287 = arith.index_cast %get3A_286 : i32 to index
      %get3A_288 = arith.constant 0 : index
      %get3A_289 = tpu.vector_load %arg8[%get3A_287, %get3A_288] {strides = array<i32>} : memref<64x128xf32, #tpu.memory_space<vmem>>, vector<1x16xf32>,
      %get3A_290 = vector.shape_cast %get3A_289 : vector<1x16xf32> to vector<16xf32>
      %get3A_291 = arith.constant 28 : i32
      %get3A_292 = arith.index_cast %get3A_291 : i32 to index
      %get3A_293 = arith.constant 0 : index
      %get3A_294 = tpu.vector_load %arg8[%get3A_292, %get3A_293] {strides = array<i32>} : memref<64x128xf32, #tpu.memory_space<vmem>>, vector<1x16xf32>,
      %get3A_295 = vector.shape_cast %get3A_294 : vector<1x16xf32> to vector<16xf32>
      %get3A_296 = arith.constant 29 : i32
      %get3A_297 = arith.index_cast %get3A_296 : i32 to index
      %get3A_298 = arith.constant 0 : index
      %get3A_299 = tpu.vector_load %arg8[%get3A_297, %get3A_298] {strides = array<i32>} : memref<64x128xf32, #tpu.memory_space<vmem>>, vector<1x16xf32>,
      %get3A_300 = vector.shape_cast %get3A_299 : vector<1x16xf32> to vector<16xf32>
      %get3A_301 = arith.constant 30 : i32
      %get3A_302 = arith.index_cast %get3A_301 : i32 to index
      %get3A_303 = arith.constant 0 : index
      %get3A_304 = tpu.vector_load %arg8[%get3A_302, %get3A_303] {strides = array<i32>} : memref<64x128xf32, #tpu.memory_space<vmem>>, vector<1x16xf32>,
      %get3A_305 = vector.shape_cast %get3A_304 : vector<1x16xf32> to vector<16xf32>
      %get3A_306 = arith.constant 31 : i32
      %get3A_307 = arith.index_cast %get3A_306 : i32 to index
      %get3A_308 = arith.constant 0 : index
      %get3A_309 = tpu.vector_load %arg8[%get3A_307, %get3A_308] {strides = array<i32>} : memref<64x128xf32, #tpu.memory_space<vmem>>, vector<1x16xf32>,
      %get3A_310 = vector.shape_cast %get3A_309 : vector<1x16xf32> to vector<16xf32>
      %max3A_311 = arith.maximumf %get3A_275, %get3A_280 : vector<16xf32>
      %max3A_312 = arith.maximumf %max3A_311, %get3A_285 : vector<16xf32>
      %max3A_313 = arith.maximumf %max3A_312, %get3A_290 : vector<16xf32>
      %max3A_314 = arith.maximumf %max3A_313, %get3A_295 : vector<16xf32>
      %max3A_315 = arith.maximumf %max3A_314, %get3A_300 : vector<16xf32>
      %max3A_316 = arith.maximumf %max3A_315, %get3A_305 : vector<16xf32>
      %max3A_317 = arith.maximumf %max3A_316, %get3A_310 : vector<16xf32>
      %sub3A_318 = arith.subf %get3A_275, %max3A_317 : vector<16xf32>
      %exp3A_319 = math.exp %sub3A_318 : vector<16xf32>
      %sub3A_320 = arith.subf %get3A_280, %max3A_317 : vector<16xf32>
      %exp3A_321 = math.exp %sub3A_320 : vector<16xf32>
      %sub3A_322 = arith.subf %get3A_285, %max3A_317 : vector<16xf32>
      %exp3A_323 = math.exp %sub3A_322 : vector<16xf32>
      %sub3A_324 = arith.subf %get3A_290, %max3A_317 : vector<16xf32>
      %exp3A_325 = math.exp %sub3A_324 : vector<16xf32>
      %sub3A_326 = arith.subf %get3A_295, %max3A_317 : vector<16xf32>
      %exp3A_327 = math.exp %sub3A_326 : vector<16xf32>
      %sub3A_328 = arith.subf %get3A_300, %max3A_317 : vector<16xf32>
      %exp3A_329 = math.exp %sub3A_328 : vector<16xf32>
      %sub3A_330 = arith.subf %get3A_305, %max3A_317 : vector<16xf32>
      %exp3A_331 = math.exp %sub3A_330 : vector<16xf32>
      %sub3A_332 = arith.subf %get3A_310, %max3A_317 : vector<16xf32>
      %exp3A_333 = math.exp %sub3A_332 : vector<16xf32>
      %add3A_334 = arith.addf %exp3A_319, %exp3A_321 : vector<16xf32>
      %add3A_335 = arith.addf %add3A_334, %exp3A_323 : vector<16xf32>
      %add3A_336 = arith.addf %add3A_335, %exp3A_325 : vector<16xf32>
      %add3A_337 = arith.addf %add3A_336, %exp3A_327 : vector<16xf32>
      %add3A_338 = arith.addf %add3A_337, %exp3A_329 : vector<16xf32>
      %add3A_339 = arith.addf %add3A_338, %exp3A_331 : vector<16xf32>
      %add3A_340 = arith.addf %add3A_339, %exp3A_333 : vector<16xf32>
      %div3A_341 = arith.divf %exp3A_319, %add3A_340 : vector<16xf32>
      %div3A_342 = arith.divf %exp3A_321, %add3A_340 : vector<16xf32>
      %div3A_343 = arith.divf %exp3A_323, %add3A_340 : vector<16xf32>
      %div3A_344 = arith.divf %exp3A_325, %add3A_340 : vector<16xf32>
      %div3A_345 = arith.divf %exp3A_327, %add3A_340 : vector<16xf32>
      %div3A_346 = arith.divf %exp3A_329, %add3A_340 : vector<16xf32>
      %div3A_347 = arith.divf %exp3A_331, %add3A_340 : vector<16xf32>
      %div3A_348 = arith.divf %exp3A_333, %add3A_340 : vector<16xf32>
      %scan3A_349 = arith.constant 0 : i32
      %scan3A_350 = arith.constant 0 : i32
      %scan3A_351 = arith.constant 64 : i32
      %scan3A_352 = arith.addi %scan3A_350, %scan3A_351 : i32
      %scan3A_353 = arith.constant 1 : i32
      scf.for %scan3A_694 = %scan3A_350 to %scan3A_352 step %scan3A_353  : i32 {
        %mul3A_695 = arith.constant 16 : i32
        %mul3A_696 = arith.muli %scan3A_694, %mul3A_695 : i32
        %get3A_697 = arith.constant 24 : i32
        %get3A_698 = arith.index_cast %get3A_697 : i32 to index
        %get3A_699 = arith.index_cast %mul3A_696 : i32 to index
        %get3A_700 = tpu.vector_load %arg7[%get3A_698, %get3A_699] {strides = array<i32>} : memref<64x1024xf32, #tpu.memory_space<vmem>>, vector<1x16xf32>,
        %get3A_701 = vector.shape_cast %get3A_700 : vector<1x16xf32> to vector<16xf32>
        %mul3A_702 = arith.mulf %div3A_341, %get3A_701 : vector<16xf32>
        %get3A_703 = arith.constant 25 : i32
        %get3A_704 = arith.index_cast %get3A_703 : i32 to index
        %get3A_705 = arith.index_cast %mul3A_696 : i32 to index
        %get3A_706 = tpu.vector_load %arg7[%get3A_704, %get3A_705] {strides = array<i32>} : memref<64x1024xf32, #tpu.memory_space<vmem>>, vector<1x16xf32>,
        %get3A_707 = vector.shape_cast %get3A_706 : vector<1x16xf32> to vector<16xf32>
        %mul3A_708 = arith.mulf %div3A_342, %get3A_707 : vector<16xf32>
        %add3A_709 = arith.addf %mul3A_702, %mul3A_708 : vector<16xf32>
        %get3A_710 = arith.constant 26 : i32
        %get3A_711 = arith.index_cast %get3A_710 : i32 to index
        %get3A_712 = arith.index_cast %mul3A_696 : i32 to index
        %get3A_713 = tpu.vector_load %arg7[%get3A_711, %get3A_712] {strides = array<i32>} : memref<64x1024xf32, #tpu.memory_space<vmem>>, vector<1x16xf32>,
        %get3A_714 = vector.shape_cast %get3A_713 : vector<1x16xf32> to vector<16xf32>
        %mul3A_715 = arith.mulf %div3A_343, %get3A_714 : vector<16xf32>
        %add3A_716 = arith.addf %add3A_709, %mul3A_715 : vector<16xf32>
        %get3A_717 = arith.constant 27 : i32
        %get3A_718 = arith.index_cast %get3A_717 : i32 to index
        %get3A_719 = arith.index_cast %mul3A_696 : i32 to index
        %get3A_720 = tpu.vector_load %arg7[%get3A_718, %get3A_719] {strides = array<i32>} : memref<64x1024xf32, #tpu.memory_space<vmem>>, vector<1x16xf32>,
        %get3A_721 = vector.shape_cast %get3A_720 : vector<1x16xf32> to vector<16xf32>
        %mul3A_722 = arith.mulf %div3A_344, %get3A_721 : vector<16xf32>
        %add3A_723 = arith.addf %add3A_716, %mul3A_722 : vector<16xf32>
        %get3A_724 = arith.constant 28 : i32
        %get3A_725 = arith.index_cast %get3A_724 : i32 to index
        %get3A_726 = arith.index_cast %mul3A_696 : i32 to index
        %get3A_727 = tpu.vector_load %arg7[%get3A_725, %get3A_726] {strides = array<i32>} : memref<64x1024xf32, #tpu.memory_space<vmem>>, vector<1x16xf32>,
        %get3A_728 = vector.shape_cast %get3A_727 : vector<1x16xf32> to vector<16xf32>
        %mul3A_729 = arith.mulf %div3A_345, %get3A_728 : vector<16xf32>
        %add3A_730 = arith.addf %add3A_723, %mul3A_729 : vector<16xf32>
        %get3A_731 = arith.constant 29 : i32
        %get3A_732 = arith.index_cast %get3A_731 : i32 to index
        %get3A_733 = arith.index_cast %mul3A_696 : i32 to index
        %get3A_734 = tpu.vector_load %arg7[%get3A_732, %get3A_733] {strides = array<i32>} : memref<64x1024xf32, #tpu.memory_space<vmem>>, vector<1x16xf32>,
        %get3A_735 = vector.shape_cast %get3A_734 : vector<1x16xf32> to vector<16xf32>
        %mul3A_736 = arith.mulf %div3A_346, %get3A_735 : vector<16xf32>
        %add3A_737 = arith.addf %add3A_730, %mul3A_736 : vector<16xf32>
        %get3A_738 = arith.constant 30 : i32
        %get3A_739 = arith.index_cast %get3A_738 : i32 to index
        %get3A_740 = arith.index_cast %mul3A_696 : i32 to index
        %get3A_741 = tpu.vector_load %arg7[%get3A_739, %get3A_740] {strides = array<i32>} : memref<64x1024xf32, #tpu.memory_space<vmem>>, vector<1x16xf32>,
        %get3A_742 = vector.shape_cast %get3A_741 : vector<1x16xf32> to vector<16xf32>
        %mul3A_743 = arith.mulf %div3A_347, %get3A_742 : vector<16xf32>
        %add3A_744 = arith.addf %add3A_737, %mul3A_743 : vector<16xf32>
        %get3A_745 = arith.constant 31 : i32
        %get3A_746 = arith.index_cast %get3A_745 : i32 to index
        %get3A_747 = arith.index_cast %mul3A_696 : i32 to index
        %get3A_748 = tpu.vector_load %arg7[%get3A_746, %get3A_747] {strides = array<i32>} : memref<64x1024xf32, #tpu.memory_space<vmem>>, vector<1x16xf32>,
        %get3A_749 = vector.shape_cast %get3A_748 : vector<1x16xf32> to vector<16xf32>
        %mul3A_750 = arith.mulf %div3A_348, %get3A_749 : vector<16xf32>
        %add3A_751 = arith.addf %add3A_744, %mul3A_750 : vector<16xf32>
        %swap3A = arith.constant 3 : i32
        %swap3A_752 = arith.index_cast %swap3A : i32 to index
        %swap3A_753 = arith.index_cast %mul3A_696 : i32 to index
        %swap3A_754 = tpu.vector_load %arg9[%swap3A_752, %swap3A_753] {strides = array<i32>} : memref<8x1024xf32, #tpu.memory_space<vmem>>, vector<1x16xf32>,
        %swap3A_755 = vector.shape_cast %swap3A_754 : vector<1x16xf32> to vector<16xf32>
        %swap3A_756 = vector.shape_cast %add3A_751 : vector<16xf32> to vector<1x16xf32>
        tpu.vector_store %arg9[%swap3A_752, %swap3A_753], %swap3A_756 {strides = array<i32>} : memref<8x1024xf32, #tpu.memory_space<vmem>>, vector<1x16xf32>,
      }
      %scan3A_354 = arith.constant 64 : i32
      %get3A_355 = arith.constant 32 : i32
      %get3A_356 = arith.index_cast %get3A_355 : i32 to index
      %get3A_357 = arith.constant 0 : index
      %get3A_358 = tpu.vector_load %arg8[%get3A_356, %get3A_357] {strides = array<i32>} : memref<64x128xf32, #tpu.memory_space<vmem>>, vector<1x16xf32>,
      %get3A_359 = vector.shape_cast %get3A_358 : vector<1x16xf32> to vector<16xf32>
      %get3A_360 = arith.constant 33 : i32
      %get3A_361 = arith.index_cast %get3A_360 : i32 to index
      %get3A_362 = arith.constant 0 : index
      %get3A_363 = tpu.vector_load %arg8[%get3A_361, %get3A_362] {strides = array<i32>} : memref<64x128xf32, #tpu.memory_space<vmem>>, vector<1x16xf32>,
      %get3A_364 = vector.shape_cast %get3A_363 : vector<1x16xf32> to vector<16xf32>
      %get3A_365 = arith.constant 34 : i32
      %get3A_366 = arith.index_cast %get3A_365 : i32 to index
      %get3A_367 = arith.constant 0 : index
      %get3A_368 = tpu.vector_load %arg8[%get3A_366, %get3A_367] {strides = array<i32>} : memref<64x128xf32, #tpu.memory_space<vmem>>, vector<1x16xf32>,
      %get3A_369 = vector.shape_cast %get3A_368 : vector<1x16xf32> to vector<16xf32>
      %get3A_370 = arith.constant 35 : i32
      %get3A_371 = arith.index_cast %get3A_370 : i32 to index
      %get3A_372 = arith.constant 0 : index
      %get3A_373 = tpu.vector_load %arg8[%get3A_371, %get3A_372] {strides = array<i32>} : memref<64x128xf32, #tpu.memory_space<vmem>>, vector<1x16xf32>,
      %get3A_374 = vector.shape_cast %get3A_373 : vector<1x16xf32> to vector<16xf32>
      %get3A_375 = arith.constant 36 : i32
      %get3A_376 = arith.index_cast %get3A_375 : i32 to index
      %get3A_377 = arith.constant 0 : index
      %get3A_378 = tpu.vector_load %arg8[%get3A_376, %get3A_377] {strides = array<i32>} : memref<64x128xf32, #tpu.memory_space<vmem>>, vector<1x16xf32>,
      %get3A_379 = vector.shape_cast %get3A_378 : vector<1x16xf32> to vector<16xf32>
      %get3A_380 = arith.constant 37 : i32
      %get3A_381 = arith.index_cast %get3A_380 : i32 to index
      %get3A_382 = arith.constant 0 : index
      %get3A_383 = tpu.vector_load %arg8[%get3A_381, %get3A_382] {strides = array<i32>} : memref<64x128xf32, #tpu.memory_space<vmem>>, vector<1x16xf32>,
      %get3A_384 = vector.shape_cast %get3A_383 : vector<1x16xf32> to vector<16xf32>
      %get3A_385 = arith.constant 38 : i32
      %get3A_386 = arith.index_cast %get3A_385 : i32 to index
      %get3A_387 = arith.constant 0 : index
      %get3A_388 = tpu.vector_load %arg8[%get3A_386, %get3A_387] {strides = array<i32>} : memref<64x128xf32, #tpu.memory_space<vmem>>, vector<1x16xf32>,
      %get3A_389 = vector.shape_cast %get3A_388 : vector<1x16xf32> to vector<16xf32>
      %get3A_390 = arith.constant 39 : i32
      %get3A_391 = arith.index_cast %get3A_390 : i32 to index
      %get3A_392 = arith.constant 0 : index
      %get3A_393 = tpu.vector_load %arg8[%get3A_391, %get3A_392] {strides = array<i32>} : memref<64x128xf32, #tpu.memory_space<vmem>>, vector<1x16xf32>,
      %get3A_394 = vector.shape_cast %get3A_393 : vector<1x16xf32> to vector<16xf32>
      %max3A_395 = arith.maximumf %get3A_359, %get3A_364 : vector<16xf32>
      %max3A_396 = arith.maximumf %max3A_395, %get3A_369 : vector<16xf32>
      %max3A_397 = arith.maximumf %max3A_396, %get3A_374 : vector<16xf32>
      %max3A_398 = arith.maximumf %max3A_397, %get3A_379 : vector<16xf32>
      %max3A_399 = arith.maximumf %max3A_398, %get3A_384 : vector<16xf32>
      %max3A_400 = arith.maximumf %max3A_399, %get3A_389 : vector<16xf32>
      %max3A_401 = arith.maximumf %max3A_400, %get3A_394 : vector<16xf32>
      %sub3A_402 = arith.subf %get3A_359, %max3A_401 : vector<16xf32>
      %exp3A_403 = math.exp %sub3A_402 : vector<16xf32>
      %sub3A_404 = arith.subf %get3A_364, %max3A_401 : vector<16xf32>
      %exp3A_405 = math.exp %sub3A_404 : vector<16xf32>
      %sub3A_406 = arith.subf %get3A_369, %max3A_401 : vector<16xf32>
      %exp3A_407 = math.exp %sub3A_406 : vector<16xf32>
      %sub3A_408 = arith.subf %get3A_374, %max3A_401 : vector<16xf32>
      %exp3A_409 = math.exp %sub3A_408 : vector<16xf32>
      %sub3A_410 = arith.subf %get3A_379, %max3A_401 : vector<16xf32>
      %exp3A_411 = math.exp %sub3A_410 : vector<16xf32>
      %sub3A_412 = arith.subf %get3A_384, %max3A_401 : vector<16xf32>
      %exp3A_413 = math.exp %sub3A_412 : vector<16xf32>
      %sub3A_414 = arith.subf %get3A_389, %max3A_401 : vector<16xf32>
      %exp3A_415 = math.exp %sub3A_414 : vector<16xf32>
      %sub3A_416 = arith.subf %get3A_394, %max3A_401 : vector<16xf32>
      %exp3A_417 = math.exp %sub3A_416 : vector<16xf32>
      %add3A_418 = arith.addf %exp3A_403, %exp3A_405 : vector<16xf32>
      %add3A_419 = arith.addf %add3A_418, %exp3A_407 : vector<16xf32>
      %add3A_420 = arith.addf %add3A_419, %exp3A_409 : vector<16xf32>
      %add3A_421 = arith.addf %add3A_420, %exp3A_411 : vector<16xf32>
      %add3A_422 = arith.addf %add3A_421, %exp3A_413 : vector<16xf32>
      %add3A_423 = arith.addf %add3A_422, %exp3A_415 : vector<16xf32>
      %add3A_424 = arith.addf %add3A_423, %exp3A_417 : vector<16xf32>
      %div3A_425 = arith.divf %exp3A_403, %add3A_424 : vector<16xf32>
      %div3A_426 = arith.divf %exp3A_405, %add3A_424 : vector<16xf32>
      %div3A_427 = arith.divf %exp3A_407, %add3A_424 : vector<16xf32>
      %div3A_428 = arith.divf %exp3A_409, %add3A_424 : vector<16xf32>
      %div3A_429 = arith.divf %exp3A_411, %add3A_424 : vector<16xf32>
      %div3A_430 = arith.divf %exp3A_413, %add3A_424 : vector<16xf32>
      %div3A_431 = arith.divf %exp3A_415, %add3A_424 : vector<16xf32>
      %div3A_432 = arith.divf %exp3A_417, %add3A_424 : vector<16xf32>
      %scan3A_433 = arith.constant 0 : i32
      %scan3A_434 = arith.constant 0 : i32
      %scan3A_435 = arith.constant 64 : i32
      %scan3A_436 = arith.addi %scan3A_434, %scan3A_435 : i32
      %scan3A_437 = arith.constant 1 : i32
      scf.for %scan3A_694 = %scan3A_434 to %scan3A_436 step %scan3A_437  : i32 {
        %mul3A_695 = arith.constant 16 : i32
        %mul3A_696 = arith.muli %scan3A_694, %mul3A_695 : i32
        %get3A_697 = arith.constant 32 : i32
        %get3A_698 = arith.index_cast %get3A_697 : i32 to index
        %get3A_699 = arith.index_cast %mul3A_696 : i32 to index
        %get3A_700 = tpu.vector_load %arg7[%get3A_698, %get3A_699] {strides = array<i32>} : memref<64x1024xf32, #tpu.memory_space<vmem>>, vector<1x16xf32>,
        %get3A_701 = vector.shape_cast %get3A_700 : vector<1x16xf32> to vector<16xf32>
        %mul3A_702 = arith.mulf %div3A_425, %get3A_701 : vector<16xf32>
        %get3A_703 = arith.constant 33 : i32
        %get3A_704 = arith.index_cast %get3A_703 : i32 to index
        %get3A_705 = arith.index_cast %mul3A_696 : i32 to index
        %get3A_706 = tpu.vector_load %arg7[%get3A_704, %get3A_705] {strides = array<i32>} : memref<64x1024xf32, #tpu.memory_space<vmem>>, vector<1x16xf32>,
        %get3A_707 = vector.shape_cast %get3A_706 : vector<1x16xf32> to vector<16xf32>
        %mul3A_708 = arith.mulf %div3A_426, %get3A_707 : vector<16xf32>
        %add3A_709 = arith.addf %mul3A_702, %mul3A_708 : vector<16xf32>
        %get3A_710 = arith.constant 34 : i32
        %get3A_711 = arith.index_cast %get3A_710 : i32 to index
        %get3A_712 = arith.index_cast %mul3A_696 : i32 to index
        %get3A_713 = tpu.vector_load %arg7[%get3A_711, %get3A_712] {strides = array<i32>} : memref<64x1024xf32, #tpu.memory_space<vmem>>, vector<1x16xf32>,
        %get3A_714 = vector.shape_cast %get3A_713 : vector<1x16xf32> to vector<16xf32>
        %mul3A_715 = arith.mulf %div3A_427, %get3A_714 : vector<16xf32>
        %add3A_716 = arith.addf %add3A_709, %mul3A_715 : vector<16xf32>
        %get3A_717 = arith.constant 35 : i32
        %get3A_718 = arith.index_cast %get3A_717 : i32 to index
        %get3A_719 = arith.index_cast %mul3A_696 : i32 to index
        %get3A_720 = tpu.vector_load %arg7[%get3A_718, %get3A_719] {strides = array<i32>} : memref<64x1024xf32, #tpu.memory_space<vmem>>, vector<1x16xf32>,
        %get3A_721 = vector.shape_cast %get3A_720 : vector<1x16xf32> to vector<16xf32>
        %mul3A_722 = arith.mulf %div3A_428, %get3A_721 : vector<16xf32>
        %add3A_723 = arith.addf %add3A_716, %mul3A_722 : vector<16xf32>
        %get3A_724 = arith.constant 36 : i32
        %get3A_725 = arith.index_cast %get3A_724 : i32 to index
        %get3A_726 = arith.index_cast %mul3A_696 : i32 to index
        %get3A_727 = tpu.vector_load %arg7[%get3A_725, %get3A_726] {strides = array<i32>} : memref<64x1024xf32, #tpu.memory_space<vmem>>, vector<1x16xf32>,
        %get3A_728 = vector.shape_cast %get3A_727 : vector<1x16xf32> to vector<16xf32>
        %mul3A_729 = arith.mulf %div3A_429, %get3A_728 : vector<16xf32>
        %add3A_730 = arith.addf %add3A_723, %mul3A_729 : vector<16xf32>
        %get3A_731 = arith.constant 37 : i32
        %get3A_732 = arith.index_cast %get3A_731 : i32 to index
        %get3A_733 = arith.index_cast %mul3A_696 : i32 to index
        %get3A_734 = tpu.vector_load %arg7[%get3A_732, %get3A_733] {strides = array<i32>} : memref<64x1024xf32, #tpu.memory_space<vmem>>, vector<1x16xf32>,
        %get3A_735 = vector.shape_cast %get3A_734 : vector<1x16xf32> to vector<16xf32>
        %mul3A_736 = arith.mulf %div3A_430, %get3A_735 : vector<16xf32>
        %add3A_737 = arith.addf %add3A_730, %mul3A_736 : vector<16xf32>
        %get3A_738 = arith.constant 38 : i32
        %get3A_739 = arith.index_cast %get3A_738 : i32 to index
        %get3A_740 = arith.index_cast %mul3A_696 : i32 to index
        %get3A_741 = tpu.vector_load %arg7[%get3A_739, %get3A_740] {strides = array<i32>} : memref<64x1024xf32, #tpu.memory_space<vmem>>, vector<1x16xf32>,
        %get3A_742 = vector.shape_cast %get3A_741 : vector<1x16xf32> to vector<16xf32>
        %mul3A_743 = arith.mulf %div3A_431, %get3A_742 : vector<16xf32>
        %add3A_744 = arith.addf %add3A_737, %mul3A_743 : vector<16xf32>
        %get3A_745 = arith.constant 39 : i32
        %get3A_746 = arith.index_cast %get3A_745 : i32 to index
        %get3A_747 = arith.index_cast %mul3A_696 : i32 to index
        %get3A_748 = tpu.vector_load %arg7[%get3A_746, %get3A_747] {strides = array<i32>} : memref<64x1024xf32, #tpu.memory_space<vmem>>, vector<1x16xf32>,
        %get3A_749 = vector.shape_cast %get3A_748 : vector<1x16xf32> to vector<16xf32>
        %mul3A_750 = arith.mulf %div3A_432, %get3A_749 : vector<16xf32>
        %add3A_751 = arith.addf %add3A_744, %mul3A_750 : vector<16xf32>
        %swap3A = arith.constant 4 : i32
        %swap3A_752 = arith.index_cast %swap3A : i32 to index
        %swap3A_753 = arith.index_cast %mul3A_696 : i32 to index
        %swap3A_754 = tpu.vector_load %arg9[%swap3A_752, %swap3A_753] {strides = array<i32>} : memref<8x1024xf32, #tpu.memory_space<vmem>>, vector<1x16xf32>,
        %swap3A_755 = vector.shape_cast %swap3A_754 : vector<1x16xf32> to vector<16xf32>
        %swap3A_756 = vector.shape_cast %add3A_751 : vector<16xf32> to vector<1x16xf32>
        tpu.vector_store %arg9[%swap3A_752, %swap3A_753], %swap3A_756 {strides = array<i32>} : memref<8x1024xf32, #tpu.memory_space<vmem>>, vector<1x16xf32>,
      }
      %scan3A_438 = arith.constant 64 : i32
      %get3A_439 = arith.constant 40 : i32
      %get3A_440 = arith.index_cast %get3A_439 : i32 to index
      %get3A_441 = arith.constant 0 : index
      %get3A_442 = tpu.vector_load %arg8[%get3A_440, %get3A_441] {strides = array<i32>} : memref<64x128xf32, #tpu.memory_space<vmem>>, vector<1x16xf32>,
      %get3A_443 = vector.shape_cast %get3A_442 : vector<1x16xf32> to vector<16xf32>
      %get3A_444 = arith.constant 41 : i32
      %get3A_445 = arith.index_cast %get3A_444 : i32 to index
      %get3A_446 = arith.constant 0 : index
      %get3A_447 = tpu.vector_load %arg8[%get3A_445, %get3A_446] {strides = array<i32>} : memref<64x128xf32, #tpu.memory_space<vmem>>, vector<1x16xf32>,
      %get3A_448 = vector.shape_cast %get3A_447 : vector<1x16xf32> to vector<16xf32>
      %get3A_449 = arith.constant 42 : i32
      %get3A_450 = arith.index_cast %get3A_449 : i32 to index
      %get3A_451 = arith.constant 0 : index
      %get3A_452 = tpu.vector_load %arg8[%get3A_450, %get3A_451] {strides = array<i32>} : memref<64x128xf32, #tpu.memory_space<vmem>>, vector<1x16xf32>,
      %get3A_453 = vector.shape_cast %get3A_452 : vector<1x16xf32> to vector<16xf32>
      %get3A_454 = arith.constant 43 : i32
      %get3A_455 = arith.index_cast %get3A_454 : i32 to index
      %get3A_456 = arith.constant 0 : index
      %get3A_457 = tpu.vector_load %arg8[%get3A_455, %get3A_456] {strides = array<i32>} : memref<64x128xf32, #tpu.memory_space<vmem>>, vector<1x16xf32>,
      %get3A_458 = vector.shape_cast %get3A_457 : vector<1x16xf32> to vector<16xf32>
      %get3A_459 = arith.constant 44 : i32
      %get3A_460 = arith.index_cast %get3A_459 : i32 to index
      %get3A_461 = arith.constant 0 : index
      %get3A_462 = tpu.vector_load %arg8[%get3A_460, %get3A_461] {strides = array<i32>} : memref<64x128xf32, #tpu.memory_space<vmem>>, vector<1x16xf32>,
      %get3A_463 = vector.shape_cast %get3A_462 : vector<1x16xf32> to vector<16xf32>
      %get3A_464 = arith.constant 45 : i32
      %get3A_465 = arith.index_cast %get3A_464 : i32 to index
      %get3A_466 = arith.constant 0 : index
      %get3A_467 = tpu.vector_load %arg8[%get3A_465, %get3A_466] {strides = array<i32>} : memref<64x128xf32, #tpu.memory_space<vmem>>, vector<1x16xf32>,
      %get3A_468 = vector.shape_cast %get3A_467 : vector<1x16xf32> to vector<16xf32>
      %get3A_469 = arith.constant 46 : i32
      %get3A_470 = arith.index_cast %get3A_469 : i32 to index
      %get3A_471 = arith.constant 0 : index
      %get3A_472 = tpu.vector_load %arg8[%get3A_470, %get3A_471] {strides = array<i32>} : memref<64x128xf32, #tpu.memory_space<vmem>>, vector<1x16xf32>,
      %get3A_473 = vector.shape_cast %get3A_472 : vector<1x16xf32> to vector<16xf32>
      %get3A_474 = arith.constant 47 : i32
      %get3A_475 = arith.index_cast %get3A_474 : i32 to index
      %get3A_476 = arith.constant 0 : index
      %get3A_477 = tpu.vector_load %arg8[%get3A_475, %get3A_476] {strides = array<i32>} : memref<64x128xf32, #tpu.memory_space<vmem>>, vector<1x16xf32>,
      %get3A_478 = vector.shape_cast %get3A_477 : vector<1x16xf32> to vector<16xf32>
      %max3A_479 = arith.maximumf %get3A_443, %get3A_448 : vector<16xf32>
      %max3A_480 = arith.maximumf %max3A_479, %get3A_453 : vector<16xf32>
      %max3A_481 = arith.maximumf %max3A_480, %get3A_458 : vector<16xf32>
      %max3A_482 = arith.maximumf %max3A_481, %get3A_463 : vector<16xf32>
      %max3A_483 = arith.maximumf %max3A_482, %get3A_468 : vector<16xf32>
      %max3A_484 = arith.maximumf %max3A_483, %get3A_473 : vector<16xf32>
      %max3A_485 = arith.maximumf %max3A_484, %get3A_478 : vector<16xf32>
      %sub3A_486 = arith.subf %get3A_443, %max3A_485 : vector<16xf32>
      %exp3A_487 = math.exp %sub3A_486 : vector<16xf32>
      %sub3A_488 = arith.subf %get3A_448, %max3A_485 : vector<16xf32>
      %exp3A_489 = math.exp %sub3A_488 : vector<16xf32>
      %sub3A_490 = arith.subf %get3A_453, %max3A_485 : vector<16xf32>
      %exp3A_491 = math.exp %sub3A_490 : vector<16xf32>
      %sub3A_492 = arith.subf %get3A_458, %max3A_485 : vector<16xf32>
      %exp3A_493 = math.exp %sub3A_492 : vector<16xf32>
      %sub3A_494 = arith.subf %get3A_463, %max3A_485 : vector<16xf32>
      %exp3A_495 = math.exp %sub3A_494 : vector<16xf32>
      %sub3A_496 = arith.subf %get3A_468, %max3A_485 : vector<16xf32>
      %exp3A_497 = math.exp %sub3A_496 : vector<16xf32>
      %sub3A_498 = arith.subf %get3A_473, %max3A_485 : vector<16xf32>
      %exp3A_499 = math.exp %sub3A_498 : vector<16xf32>
      %sub3A_500 = arith.subf %get3A_478, %max3A_485 : vector<16xf32>
      %exp3A_501 = math.exp %sub3A_500 : vector<16xf32>
      %add3A_502 = arith.addf %exp3A_487, %exp3A_489 : vector<16xf32>
      %add3A_503 = arith.addf %add3A_502, %exp3A_491 : vector<16xf32>
      %add3A_504 = arith.addf %add3A_503, %exp3A_493 : vector<16xf32>
      %add3A_505 = arith.addf %add3A_504, %exp3A_495 : vector<16xf32>
      %add3A_506 = arith.addf %add3A_505, %exp3A_497 : vector<16xf32>
      %add3A_507 = arith.addf %add3A_506, %exp3A_499 : vector<16xf32>
      %add3A_508 = arith.addf %add3A_507, %exp3A_501 : vector<16xf32>
      %div3A_509 = arith.divf %exp3A_487, %add3A_508 : vector<16xf32>
      %div3A_510 = arith.divf %exp3A_489, %add3A_508 : vector<16xf32>
      %div3A_511 = arith.divf %exp3A_491, %add3A_508 : vector<16xf32>
      %div3A_512 = arith.divf %exp3A_493, %add3A_508 : vector<16xf32>
      %div3A_513 = arith.divf %exp3A_495, %add3A_508 : vector<16xf32>
      %div3A_514 = arith.divf %exp3A_497, %add3A_508 : vector<16xf32>
      %div3A_515 = arith.divf %exp3A_499, %add3A_508 : vector<16xf32>
      %div3A_516 = arith.divf %exp3A_501, %add3A_508 : vector<16xf32>
      %scan3A_517 = arith.constant 0 : i32
      %scan3A_518 = arith.constant 0 : i32
      %scan3A_519 = arith.constant 64 : i32
      %scan3A_520 = arith.addi %scan3A_518, %scan3A_519 : i32
      %scan3A_521 = arith.constant 1 : i32
      scf.for %scan3A_694 = %scan3A_518 to %scan3A_520 step %scan3A_521  : i32 {
        %mul3A_695 = arith.constant 16 : i32
        %mul3A_696 = arith.muli %scan3A_694, %mul3A_695 : i32
        %get3A_697 = arith.constant 40 : i32
        %get3A_698 = arith.index_cast %get3A_697 : i32 to index
        %get3A_699 = arith.index_cast %mul3A_696 : i32 to index
        %get3A_700 = tpu.vector_load %arg7[%get3A_698, %get3A_699] {strides = array<i32>} : memref<64x1024xf32, #tpu.memory_space<vmem>>, vector<1x16xf32>,
        %get3A_701 = vector.shape_cast %get3A_700 : vector<1x16xf32> to vector<16xf32>
        %mul3A_702 = arith.mulf %div3A_509, %get3A_701 : vector<16xf32>
        %get3A_703 = arith.constant 41 : i32
        %get3A_704 = arith.index_cast %get3A_703 : i32 to index
        %get3A_705 = arith.index_cast %mul3A_696 : i32 to index
        %get3A_706 = tpu.vector_load %arg7[%get3A_704, %get3A_705] {strides = array<i32>} : memref<64x1024xf32, #tpu.memory_space<vmem>>, vector<1x16xf32>,
        %get3A_707 = vector.shape_cast %get3A_706 : vector<1x16xf32> to vector<16xf32>
        %mul3A_708 = arith.mulf %div3A_510, %get3A_707 : vector<16xf32>
        %add3A_709 = arith.addf %mul3A_702, %mul3A_708 : vector<16xf32>
        %get3A_710 = arith.constant 42 : i32
        %get3A_711 = arith.index_cast %get3A_710 : i32 to index
        %get3A_712 = arith.index_cast %mul3A_696 : i32 to index
        %get3A_713 = tpu.vector_load %arg7[%get3A_711, %get3A_712] {strides = array<i32>} : memref<64x1024xf32, #tpu.memory_space<vmem>>, vector<1x16xf32>,
        %get3A_714 = vector.shape_cast %get3A_713 : vector<1x16xf32> to vector<16xf32>
        %mul3A_715 = arith.mulf %div3A_511, %get3A_714 : vector<16xf32>
        %add3A_716 = arith.addf %add3A_709, %mul3A_715 : vector<16xf32>
        %get3A_717 = arith.constant 43 : i32
        %get3A_718 = arith.index_cast %get3A_717 : i32 to index
        %get3A_719 = arith.index_cast %mul3A_696 : i32 to index
        %get3A_720 = tpu.vector_load %arg7[%get3A_718, %get3A_719] {strides = array<i32>} : memref<64x1024xf32, #tpu.memory_space<vmem>>, vector<1x16xf32>,
        %get3A_721 = vector.shape_cast %get3A_720 : vector<1x16xf32> to vector<16xf32>
        %mul3A_722 = arith.mulf %div3A_512, %get3A_721 : vector<16xf32>
        %add3A_723 = arith.addf %add3A_716, %mul3A_722 : vector<16xf32>
        %get3A_724 = arith.constant 44 : i32
        %get3A_725 = arith.index_cast %get3A_724 : i32 to index
        %get3A_726 = arith.index_cast %mul3A_696 : i32 to index
        %get3A_727 = tpu.vector_load %arg7[%get3A_725, %get3A_726] {strides = array<i32>} : memref<64x1024xf32, #tpu.memory_space<vmem>>, vector<1x16xf32>,
        %get3A_728 = vector.shape_cast %get3A_727 : vector<1x16xf32> to vector<16xf32>
        %mul3A_729 = arith.mulf %div3A_513, %get3A_728 : vector<16xf32>
        %add3A_730 = arith.addf %add3A_723, %mul3A_729 : vector<16xf32>
        %get3A_731 = arith.constant 45 : i32
        %get3A_732 = arith.index_cast %get3A_731 : i32 to index
        %get3A_733 = arith.index_cast %mul3A_696 : i32 to index
        %get3A_734 = tpu.vector_load %arg7[%get3A_732, %get3A_733] {strides = array<i32>} : memref<64x1024xf32, #tpu.memory_space<vmem>>, vector<1x16xf32>,
        %get3A_735 = vector.shape_cast %get3A_734 : vector<1x16xf32> to vector<16xf32>
        %mul3A_736 = arith.mulf %div3A_514, %get3A_735 : vector<16xf32>
        %add3A_737 = arith.addf %add3A_730, %mul3A_736 : vector<16xf32>
        %get3A_738 = arith.constant 46 : i32
        %get3A_739 = arith.index_cast %get3A_738 : i32 to index
        %get3A_740 = arith.index_cast %mul3A_696 : i32 to index
        %get3A_741 = tpu.vector_load %arg7[%get3A_739, %get3A_740] {strides = array<i32>} : memref<64x1024xf32, #tpu.memory_space<vmem>>, vector<1x16xf32>,
        %get3A_742 = vector.shape_cast %get3A_741 : vector<1x16xf32> to vector<16xf32>
        %mul3A_743 = arith.mulf %div3A_515, %get3A_742 : vector<16xf32>
        %add3A_744 = arith.addf %add3A_737, %mul3A_743 : vector<16xf32>
        %get3A_745 = arith.constant 47 : i32
        %get3A_746 = arith.index_cast %get3A_745 : i32 to index
        %get3A_747 = arith.index_cast %mul3A_696 : i32 to index
        %get3A_748 = tpu.vector_load %arg7[%get3A_746, %get3A_747] {strides = array<i32>} : memref<64x1024xf32, #tpu.memory_space<vmem>>, vector<1x16xf32>,
        %get3A_749 = vector.shape_cast %get3A_748 : vector<1x16xf32> to vector<16xf32>
        %mul3A_750 = arith.mulf %div3A_516, %get3A_749 : vector<16xf32>
        %add3A_751 = arith.addf %add3A_744, %mul3A_750 : vector<16xf32>
        %swap3A = arith.constant 5 : i32
        %swap3A_752 = arith.index_cast %swap3A : i32 to index
        %swap3A_753 = arith.index_cast %mul3A_696 : i32 to index
        %swap3A_754 = tpu.vector_load %arg9[%swap3A_752, %swap3A_753] {strides = array<i32>} : memref<8x1024xf32, #tpu.memory_space<vmem>>, vector<1x16xf32>,
        %swap3A_755 = vector.shape_cast %swap3A_754 : vector<1x16xf32> to vector<16xf32>
        %swap3A_756 = vector.shape_cast %add3A_751 : vector<16xf32> to vector<1x16xf32>
        tpu.vector_store %arg9[%swap3A_752, %swap3A_753], %swap3A_756 {strides = array<i32>} : memref<8x1024xf32, #tpu.memory_space<vmem>>, vector<1x16xf32>,
      }
      %scan3A_522 = arith.constant 64 : i32
      %get3A_523 = arith.constant 48 : i32
      %get3A_524 = arith.index_cast %get3A_523 : i32 to index
      %get3A_525 = arith.constant 0 : index
      %get3A_526 = tpu.vector_load %arg8[%get3A_524, %get3A_525] {strides = array<i32>} : memref<64x128xf32, #tpu.memory_space<vmem>>, vector<1x16xf32>,
      %get3A_527 = vector.shape_cast %get3A_526 : vector<1x16xf32> to vector<16xf32>
      %get3A_528 = arith.constant 49 : i32
      %get3A_529 = arith.index_cast %get3A_528 : i32 to index
      %get3A_530 = arith.constant 0 : index
      %get3A_531 = tpu.vector_load %arg8[%get3A_529, %get3A_530] {strides = array<i32>} : memref<64x128xf32, #tpu.memory_space<vmem>>, vector<1x16xf32>,
      %get3A_532 = vector.shape_cast %get3A_531 : vector<1x16xf32> to vector<16xf32>
      %get3A_533 = arith.constant 50 : i32
      %get3A_534 = arith.index_cast %get3A_533 : i32 to index
      %get3A_535 = arith.constant 0 : index
      %get3A_536 = tpu.vector_load %arg8[%get3A_534, %get3A_535] {strides = array<i32>} : memref<64x128xf32, #tpu.memory_space<vmem>>, vector<1x16xf32>,
      %get3A_537 = vector.shape_cast %get3A_536 : vector<1x16xf32> to vector<16xf32>
      %get3A_538 = arith.constant 51 : i32
      %get3A_539 = arith.index_cast %get3A_538 : i32 to index
      %get3A_540 = arith.constant 0 : index
      %get3A_541 = tpu.vector_load %arg8[%get3A_539, %get3A_540] {strides = array<i32>} : memref<64x128xf32, #tpu.memory_space<vmem>>, vector<1x16xf32>,
      %get3A_542 = vector.shape_cast %get3A_541 : vector<1x16xf32> to vector<16xf32>
      %get3A_543 = arith.constant 52 : i32
      %get3A_544 = arith.index_cast %get3A_543 : i32 to index
      %get3A_545 = arith.constant 0 : index
      %get3A_546 = tpu.vector_load %arg8[%get3A_544, %get3A_545] {strides = array<i32>} : memref<64x128xf32, #tpu.memory_space<vmem>>, vector<1x16xf32>,
      %get3A_547 = vector.shape_cast %get3A_546 : vector<1x16xf32> to vector<16xf32>
      %get3A_548 = arith.constant 53 : i32
      %get3A_549 = arith.index_cast %get3A_548 : i32 to index
      %get3A_550 = arith.constant 0 : index
      %get3A_551 = tpu.vector_load %arg8[%get3A_549, %get3A_550] {strides = array<i32>} : memref<64x128xf32, #tpu.memory_space<vmem>>, vector<1x16xf32>,
      %get3A_552 = vector.shape_cast %get3A_551 : vector<1x16xf32> to vector<16xf32>
      %get3A_553 = arith.constant 54 : i32
      %get3A_554 = arith.index_cast %get3A_553 : i32 to index
      %get3A_555 = arith.constant 0 : index
      %get3A_556 = tpu.vector_load %arg8[%get3A_554, %get3A_555] {strides = array<i32>} : memref<64x128xf32, #tpu.memory_space<vmem>>, vector<1x16xf32>,
      %get3A_557 = vector.shape_cast %get3A_556 : vector<1x16xf32> to vector<16xf32>
      %get3A_558 = arith.constant 55 : i32
      %get3A_559 = arith.index_cast %get3A_558 : i32 to index
      %get3A_560 = arith.constant 0 : index
      %get3A_561 = tpu.vector_load %arg8[%get3A_559, %get3A_560] {strides = array<i32>} : memref<64x128xf32, #tpu.memory_space<vmem>>, vector<1x16xf32>,
      %get3A_562 = vector.shape_cast %get3A_561 : vector<1x16xf32> to vector<16xf32>
      %max3A_563 = arith.maximumf %get3A_527, %get3A_532 : vector<16xf32>
      %max3A_564 = arith.maximumf %max3A_563, %get3A_537 : vector<16xf32>
      %max3A_565 = arith.maximumf %max3A_564, %get3A_542 : vector<16xf32>
      %max3A_566 = arith.maximumf %max3A_565, %get3A_547 : vector<16xf32>
      %max3A_567 = arith.maximumf %max3A_566, %get3A_552 : vector<16xf32>
      %max3A_568 = arith.maximumf %max3A_567, %get3A_557 : vector<16xf32>
      %max3A_569 = arith.maximumf %max3A_568, %get3A_562 : vector<16xf32>
      %sub3A_570 = arith.subf %get3A_527, %max3A_569 : vector<16xf32>
      %exp3A_571 = math.exp %sub3A_570 : vector<16xf32>
      %sub3A_572 = arith.subf %get3A_532, %max3A_569 : vector<16xf32>
      %exp3A_573 = math.exp %sub3A_572 : vector<16xf32>
      %sub3A_574 = arith.subf %get3A_537, %max3A_569 : vector<16xf32>
      %exp3A_575 = math.exp %sub3A_574 : vector<16xf32>
      %sub3A_576 = arith.subf %get3A_542, %max3A_569 : vector<16xf32>
      %exp3A_577 = math.exp %sub3A_576 : vector<16xf32>
      %sub3A_578 = arith.subf %get3A_547, %max3A_569 : vector<16xf32>
      %exp3A_579 = math.exp %sub3A_578 : vector<16xf32>
      %sub3A_580 = arith.subf %get3A_552, %max3A_569 : vector<16xf32>
      %exp3A_581 = math.exp %sub3A_580 : vector<16xf32>
      %sub3A_582 = arith.subf %get3A_557, %max3A_569 : vector<16xf32>
      %exp3A_583 = math.exp %sub3A_582 : vector<16xf32>
      %sub3A_584 = arith.subf %get3A_562, %max3A_569 : vector<16xf32>
      %exp3A_585 = math.exp %sub3A_584 : vector<16xf32>
      %add3A_586 = arith.addf %exp3A_571, %exp3A_573 : vector<16xf32>
      %add3A_587 = arith.addf %add3A_586, %exp3A_575 : vector<16xf32>
      %add3A_588 = arith.addf %add3A_587, %exp3A_577 : vector<16xf32>
      %add3A_589 = arith.addf %add3A_588, %exp3A_579 : vector<16xf32>
      %add3A_590 = arith.addf %add3A_589, %exp3A_581 : vector<16xf32>
      %add3A_591 = arith.addf %add3A_590, %exp3A_583 : vector<16xf32>
      %add3A_592 = arith.addf %add3A_591, %exp3A_585 : vector<16xf32>
      %div3A_593 = arith.divf %exp3A_571, %add3A_592 : vector<16xf32>
      %div3A_594 = arith.divf %exp3A_573, %add3A_592 : vector<16xf32>
      %div3A_595 = arith.divf %exp3A_575, %add3A_592 : vector<16xf32>
      %div3A_596 = arith.divf %exp3A_577, %add3A_592 : vector<16xf32>
      %div3A_597 = arith.divf %exp3A_579, %add3A_592 : vector<16xf32>
      %div3A_598 = arith.divf %exp3A_581, %add3A_592 : vector<16xf32>
      %div3A_599 = arith.divf %exp3A_583, %add3A_592 : vector<16xf32>
      %div3A_600 = arith.divf %exp3A_585, %add3A_592 : vector<16xf32>
      %scan3A_601 = arith.constant 0 : i32
      %scan3A_602 = arith.constant 0 : i32
      %scan3A_603 = arith.constant 64 : i32
      %scan3A_604 = arith.addi %scan3A_602, %scan3A_603 : i32
      %scan3A_605 = arith.constant 1 : i32
      scf.for %scan3A_694 = %scan3A_602 to %scan3A_604 step %scan3A_605  : i32 {
        %mul3A_695 = arith.constant 16 : i32
        %mul3A_696 = arith.muli %scan3A_694, %mul3A_695 : i32
        %get3A_697 = arith.constant 48 : i32
        %get3A_698 = arith.index_cast %get3A_697 : i32 to index
        %get3A_699 = arith.index_cast %mul3A_696 : i32 to index
        %get3A_700 = tpu.vector_load %arg7[%get3A_698, %get3A_699] {strides = array<i32>} : memref<64x1024xf32, #tpu.memory_space<vmem>>, vector<1x16xf32>,
        %get3A_701 = vector.shape_cast %get3A_700 : vector<1x16xf32> to vector<16xf32>
        %mul3A_702 = arith.mulf %div3A_593, %get3A_701 : vector<16xf32>
        %get3A_703 = arith.constant 49 : i32
        %get3A_704 = arith.index_cast %get3A_703 : i32 to index
        %get3A_705 = arith.index_cast %mul3A_696 : i32 to index
        %get3A_706 = tpu.vector_load %arg7[%get3A_704, %get3A_705] {strides = array<i32>} : memref<64x1024xf32, #tpu.memory_space<vmem>>, vector<1x16xf32>,
        %get3A_707 = vector.shape_cast %get3A_706 : vector<1x16xf32> to vector<16xf32>
        %mul3A_708 = arith.mulf %div3A_594, %get3A_707 : vector<16xf32>
        %add3A_709 = arith.addf %mul3A_702, %mul3A_708 : vector<16xf32>
        %get3A_710 = arith.constant 50 : i32
        %get3A_711 = arith.index_cast %get3A_710 : i32 to index
        %get3A_712 = arith.index_cast %mul3A_696 : i32 to index
        %get3A_713 = tpu.vector_load %arg7[%get3A_711, %get3A_712] {strides = array<i32>} : memref<64x1024xf32, #tpu.memory_space<vmem>>, vector<1x16xf32>,
        %get3A_714 = vector.shape_cast %get3A_713 : vector<1x16xf32> to vector<16xf32>
        %mul3A_715 = arith.mulf %div3A_595, %get3A_714 : vector<16xf32>
        %add3A_716 = arith.addf %add3A_709, %mul3A_715 : vector<16xf32>
        %get3A_717 = arith.constant 51 : i32
        %get3A_718 = arith.index_cast %get3A_717 : i32 to index
        %get3A_719 = arith.index_cast %mul3A_696 : i32 to index
        %get3A_720 = tpu.vector_load %arg7[%get3A_718, %get3A_719] {strides = array<i32>} : memref<64x1024xf32, #tpu.memory_space<vmem>>, vector<1x16xf32>,
        %get3A_721 = vector.shape_cast %get3A_720 : vector<1x16xf32> to vector<16xf32>
        %mul3A_722 = arith.mulf %div3A_596, %get3A_721 : vector<16xf32>
        %add3A_723 = arith.addf %add3A_716, %mul3A_722 : vector<16xf32>
        %get3A_724 = arith.constant 52 : i32
        %get3A_725 = arith.index_cast %get3A_724 : i32 to index
        %get3A_726 = arith.index_cast %mul3A_696 : i32 to index
        %get3A_727 = tpu.vector_load %arg7[%get3A_725, %get3A_726] {strides = array<i32>} : memref<64x1024xf32, #tpu.memory_space<vmem>>, vector<1x16xf32>,
        %get3A_728 = vector.shape_cast %get3A_727 : vector<1x16xf32> to vector<16xf32>
        %mul3A_729 = arith.mulf %div3A_597, %get3A_728 : vector<16xf32>
        %add3A_730 = arith.addf %add3A_723, %mul3A_729 : vector<16xf32>
        %get3A_731 = arith.constant 53 : i32
        %get3A_732 = arith.index_cast %get3A_731 : i32 to index
        %get3A_733 = arith.index_cast %mul3A_696 : i32 to index
        %get3A_734 = tpu.vector_load %arg7[%get3A_732, %get3A_733] {strides = array<i32>} : memref<64x1024xf32, #tpu.memory_space<vmem>>, vector<1x16xf32>,
        %get3A_735 = vector.shape_cast %get3A_734 : vector<1x16xf32> to vector<16xf32>
        %mul3A_736 = arith.mulf %div3A_598, %get3A_735 : vector<16xf32>
        %add3A_737 = arith.addf %add3A_730, %mul3A_736 : vector<16xf32>
        %get3A_738 = arith.constant 54 : i32
        %get3A_739 = arith.index_cast %get3A_738 : i32 to index
        %get3A_740 = arith.index_cast %mul3A_696 : i32 to index
        %get3A_741 = tpu.vector_load %arg7[%get3A_739, %get3A_740] {strides = array<i32>} : memref<64x1024xf32, #tpu.memory_space<vmem>>, vector<1x16xf32>,
        %get3A_742 = vector.shape_cast %get3A_741 : vector<1x16xf32> to vector<16xf32>
        %mul3A_743 = arith.mulf %div3A_599, %get3A_742 : vector<16xf32>
        %add3A_744 = arith.addf %add3A_737, %mul3A_743 : vector<16xf32>
        %get3A_745 = arith.constant 55 : i32
        %get3A_746 = arith.index_cast %get3A_745 : i32 to index
        %get3A_747 = arith.index_cast %mul3A_696 : i32 to index
        %get3A_748 = tpu.vector_load %arg7[%get3A_746, %get3A_747] {strides = array<i32>} : memref<64x1024xf32, #tpu.memory_space<vmem>>, vector<1x16xf32>,
        %get3A_749 = vector.shape_cast %get3A_748 : vector<1x16xf32> to vector<16xf32>
        %mul3A_750 = arith.mulf %div3A_600, %get3A_749 : vector<16xf32>
        %add3A_751 = arith.addf %add3A_744, %mul3A_750 : vector<16xf32>
        %swap3A = arith.constant 6 : i32
        %swap3A_752 = arith.index_cast %swap3A : i32 to index
        %swap3A_753 = arith.index_cast %mul3A_696 : i32 to index
        %swap3A_754 = tpu.vector_load %arg9[%swap3A_752, %swap3A_753] {strides = array<i32>} : memref<8x1024xf32, #tpu.memory_space<vmem>>, vector<1x16xf32>,
        %swap3A_755 = vector.shape_cast %swap3A_754 : vector<1x16xf32> to vector<16xf32>
        %swap3A_756 = vector.shape_cast %add3A_751 : vector<16xf32> to vector<1x16xf32>
        tpu.vector_store %arg9[%swap3A_752, %swap3A_753], %swap3A_756 {strides = array<i32>} : memref<8x1024xf32, #tpu.memory_space<vmem>>, vector<1x16xf32>,
      }
      %scan3A_606 = arith.constant 64 : i32
      %get3A_607 = arith.constant 56 : i32
      %get3A_608 = arith.index_cast %get3A_607 : i32 to index
      %get3A_609 = arith.constant 0 : index
      %get3A_610 = tpu.vector_load %arg8[%get3A_608, %get3A_609] {strides = array<i32>} : memref<64x128xf32, #tpu.memory_space<vmem>>, vector<1x16xf32>,
      %get3A_611 = vector.shape_cast %get3A_610 : vector<1x16xf32> to vector<16xf32>
      %get3A_612 = arith.constant 57 : i32
      %get3A_613 = arith.index_cast %get3A_612 : i32 to index
      %get3A_614 = arith.constant 0 : index
      %get3A_615 = tpu.vector_load %arg8[%get3A_613, %get3A_614] {strides = array<i32>} : memref<64x128xf32, #tpu.memory_space<vmem>>, vector<1x16xf32>,
      %get3A_616 = vector.shape_cast %get3A_615 : vector<1x16xf32> to vector<16xf32>
      %get3A_617 = arith.constant 58 : i32
      %get3A_618 = arith.index_cast %get3A_617 : i32 to index
      %get3A_619 = arith.constant 0 : index
      %get3A_620 = tpu.vector_load %arg8[%get3A_618, %get3A_619] {strides = array<i32>} : memref<64x128xf32, #tpu.memory_space<vmem>>, vector<1x16xf32>,
      %get3A_621 = vector.shape_cast %get3A_620 : vector<1x16xf32> to vector<16xf32>
      %get3A_622 = arith.constant 59 : i32
      %get3A_623 = arith.index_cast %get3A_622 : i32 to index
      %get3A_624 = arith.constant 0 : index
      %get3A_625 = tpu.vector_load %arg8[%get3A_623, %get3A_624] {strides = array<i32>} : memref<64x128xf32, #tpu.memory_space<vmem>>, vector<1x16xf32>,
      %get3A_626 = vector.shape_cast %get3A_625 : vector<1x16xf32> to vector<16xf32>
      %get3A_627 = arith.constant 60 : i32
      %get3A_628 = arith.index_cast %get3A_627 : i32 to index
      %get3A_629 = arith.constant 0 : index
      %get3A_630 = tpu.vector_load %arg8[%get3A_628, %get3A_629] {strides = array<i32>} : memref<64x128xf32, #tpu.memory_space<vmem>>, vector<1x16xf32>,
      %get3A_631 = vector.shape_cast %get3A_630 : vector<1x16xf32> to vector<16xf32>
      %get3A_632 = arith.constant 61 : i32
      %get3A_633 = arith.index_cast %get3A_632 : i32 to index
      %get3A_634 = arith.constant 0 : index
      %get3A_635 = tpu.vector_load %arg8[%get3A_633, %get3A_634] {strides = array<i32>} : memref<64x128xf32, #tpu.memory_space<vmem>>, vector<1x16xf32>,
      %get3A_636 = vector.shape_cast %get3A_635 : vector<1x16xf32> to vector<16xf32>
      %get3A_637 = arith.constant 62 : i32
      %get3A_638 = arith.index_cast %get3A_637 : i32 to index
      %get3A_639 = arith.constant 0 : index
      %get3A_640 = tpu.vector_load %arg8[%get3A_638, %get3A_639] {strides = array<i32>} : memref<64x128xf32, #tpu.memory_space<vmem>>, vector<1x16xf32>,
      %get3A_641 = vector.shape_cast %get3A_640 : vector<1x16xf32> to vector<16xf32>
      %get3A_642 = arith.constant 63 : i32
      %get3A_643 = arith.index_cast %get3A_642 : i32 to index
      %get3A_644 = arith.constant 0 : index
      %get3A_645 = tpu.vector_load %arg8[%get3A_643, %get3A_644] {strides = array<i32>} : memref<64x128xf32, #tpu.memory_space<vmem>>, vector<1x16xf32>,
      %get3A_646 = vector.shape_cast %get3A_645 : vector<1x16xf32> to vector<16xf32>
      %max3A_647 = arith.maximumf %get3A_611, %get3A_616 : vector<16xf32>
      %max3A_648 = arith.maximumf %max3A_647, %get3A_621 : vector<16xf32>
      %max3A_649 = arith.maximumf %max3A_648, %get3A_626 : vector<16xf32>
      %max3A_650 = arith.maximumf %max3A_649, %get3A_631 : vector<16xf32>
      %max3A_651 = arith.maximumf %max3A_650, %get3A_636 : vector<16xf32>
      %max3A_652 = arith.maximumf %max3A_651, %get3A_641 : vector<16xf32>
      %max3A_653 = arith.maximumf %max3A_652, %get3A_646 : vector<16xf32>
      %sub3A_654 = arith.subf %get3A_611, %max3A_653 : vector<16xf32>
      %exp3A_655 = math.exp %sub3A_654 : vector<16xf32>
      %sub3A_656 = arith.subf %get3A_616, %max3A_653 : vector<16xf32>
      %exp3A_657 = math.exp %sub3A_656 : vector<16xf32>
      %sub3A_658 = arith.subf %get3A_621, %max3A_653 : vector<16xf32>
      %exp3A_659 = math.exp %sub3A_658 : vector<16xf32>
      %sub3A_660 = arith.subf %get3A_626, %max3A_653 : vector<16xf32>
      %exp3A_661 = math.exp %sub3A_660 : vector<16xf32>
      %sub3A_662 = arith.subf %get3A_631, %max3A_653 : vector<16xf32>
      %exp3A_663 = math.exp %sub3A_662 : vector<16xf32>
      %sub3A_664 = arith.subf %get3A_636, %max3A_653 : vector<16xf32>
      %exp3A_665 = math.exp %sub3A_664 : vector<16xf32>
      %sub3A_666 = arith.subf %get3A_641, %max3A_653 : vector<16xf32>
      %exp3A_667 = math.exp %sub3A_666 : vector<16xf32>
      %sub3A_668 = arith.subf %get3A_646, %max3A_653 : vector<16xf32>
      %exp3A_669 = math.exp %sub3A_668 : vector<16xf32>
      %add3A_670 = arith.addf %exp3A_655, %exp3A_657 : vector<16xf32>
      %add3A_671 = arith.addf %add3A_670, %exp3A_659 : vector<16xf32>
      %add3A_672 = arith.addf %add3A_671, %exp3A_661 : vector<16xf32>
      %add3A_673 = arith.addf %add3A_672, %exp3A_663 : vector<16xf32>
      %add3A_674 = arith.addf %add3A_673, %exp3A_665 : vector<16xf32>
      %add3A_675 = arith.addf %add3A_674, %exp3A_667 : vector<16xf32>
      %add3A_676 = arith.addf %add3A_675, %exp3A_669 : vector<16xf32>
      %div3A_677 = arith.divf %exp3A_655, %add3A_676 : vector<16xf32>
      %div3A_678 = arith.divf %exp3A_657, %add3A_676 : vector<16xf32>
      %div3A_679 = arith.divf %exp3A_659, %add3A_676 : vector<16xf32>
      %div3A_680 = arith.divf %exp3A_661, %add3A_676 : vector<16xf32>
      %div3A_681 = arith.divf %exp3A_663, %add3A_676 : vector<16xf32>
      %div3A_682 = arith.divf %exp3A_665, %add3A_676 : vector<16xf32>
      %div3A_683 = arith.divf %exp3A_667, %add3A_676 : vector<16xf32>
      %div3A_684 = arith.divf %exp3A_669, %add3A_676 : vector<16xf32>
      %scan3A_685 = arith.constant 0 : i32
      %scan3A_686 = arith.constant 0 : i32
      %scan3A_687 = arith.constant 64 : i32
      %scan3A_688 = arith.addi %scan3A_686, %scan3A_687 : i32
      %scan3A_689 = arith.constant 1 : i32
      scf.for %scan3A_694 = %scan3A_686 to %scan3A_688 step %scan3A_689  : i32 {
        %mul3A_695 = arith.constant 16 : i32
        %mul3A_696 = arith.muli %scan3A_694, %mul3A_695 : i32
        %get3A_697 = arith.constant 56 : i32
        %get3A_698 = arith.index_cast %get3A_697 : i32 to index
        %get3A_699 = arith.index_cast %mul3A_696 : i32 to index
        %get3A_700 = tpu.vector_load %arg7[%get3A_698, %get3A_699] {strides = array<i32>} : memref<64x1024xf32, #tpu.memory_space<vmem>>, vector<1x16xf32>,
        %get3A_701 = vector.shape_cast %get3A_700 : vector<1x16xf32> to vector<16xf32>
        %mul3A_702 = arith.mulf %div3A_677, %get3A_701 : vector<16xf32>
        %get3A_703 = arith.constant 57 : i32
        %get3A_704 = arith.index_cast %get3A_703 : i32 to index
        %get3A_705 = arith.index_cast %mul3A_696 : i32 to index
        %get3A_706 = tpu.vector_load %arg7[%get3A_704, %get3A_705] {strides = array<i32>} : memref<64x1024xf32, #tpu.memory_space<vmem>>, vector<1x16xf32>,
        %get3A_707 = vector.shape_cast %get3A_706 : vector<1x16xf32> to vector<16xf32>
        %mul3A_708 = arith.mulf %div3A_678, %get3A_707 : vector<16xf32>
        %add3A_709 = arith.addf %mul3A_702, %mul3A_708 : vector<16xf32>
        %get3A_710 = arith.constant 58 : i32
        %get3A_711 = arith.index_cast %get3A_710 : i32 to index
        %get3A_712 = arith.index_cast %mul3A_696 : i32 to index
        %get3A_713 = tpu.vector_load %arg7[%get3A_711, %get3A_712] {strides = array<i32>} : memref<64x1024xf32, #tpu.memory_space<vmem>>, vector<1x16xf32>,
        %get3A_714 = vector.shape_cast %get3A_713 : vector<1x16xf32> to vector<16xf32>
        %mul3A_715 = arith.mulf %div3A_679, %get3A_714 : vector<16xf32>
        %add3A_716 = arith.addf %add3A_709, %mul3A_715 : vector<16xf32>
        %get3A_717 = arith.constant 59 : i32
        %get3A_718 = arith.index_cast %get3A_717 : i32 to index
        %get3A_719 = arith.index_cast %mul3A_696 : i32 to index
        %get3A_720 = tpu.vector_load %arg7[%get3A_718, %get3A_719] {strides = array<i32>} : memref<64x1024xf32, #tpu.memory_space<vmem>>, vector<1x16xf32>,
        %get3A_721 = vector.shape_cast %get3A_720 : vector<1x16xf32> to vector<16xf32>
        %mul3A_722 = arith.mulf %div3A_680, %get3A_721 : vector<16xf32>
        %add3A_723 = arith.addf %add3A_716, %mul3A_722 : vector<16xf32>
        %get3A_724 = arith.constant 60 : i32
        %get3A_725 = arith.index_cast %get3A_724 : i32 to index
        %get3A_726 = arith.index_cast %mul3A_696 : i32 to index
        %get3A_727 = tpu.vector_load %arg7[%get3A_725, %get3A_726] {strides = array<i32>} : memref<64x1024xf32, #tpu.memory_space<vmem>>, vector<1x16xf32>,
        %get3A_728 = vector.shape_cast %get3A_727 : vector<1x16xf32> to vector<16xf32>
        %mul3A_729 = arith.mulf %div3A_681, %get3A_728 : vector<16xf32>
        %add3A_730 = arith.addf %add3A_723, %mul3A_729 : vector<16xf32>
        %get3A_731 = arith.constant 61 : i32
        %get3A_732 = arith.index_cast %get3A_731 : i32 to index
        %get3A_733 = arith.index_cast %mul3A_696 : i32 to index
        %get3A_734 = tpu.vector_load %arg7[%get3A_732, %get3A_733] {strides = array<i32>} : memref<64x1024xf32, #tpu.memory_space<vmem>>, vector<1x16xf32>,
        %get3A_735 = vector.shape_cast %get3A_734 : vector<1x16xf32> to vector<16xf32>
        %mul3A_736 = arith.mulf %div3A_682, %get3A_735 : vector<16xf32>
        %add3A_737 = arith.addf %add3A_730, %mul3A_736 : vector<16xf32>
        %get3A_738 = arith.constant 62 : i32
        %get3A_739 = arith.index_cast %get3A_738 : i32 to index
        %get3A_740 = arith.index_cast %mul3A_696 : i32 to index
        %get3A_741 = tpu.vector_load %arg7[%get3A_739, %get3A_740] {strides = array<i32>} : memref<64x1024xf32, #tpu.memory_space<vmem>>, vector<1x16xf32>,
        %get3A_742 = vector.shape_cast %get3A_741 : vector<1x16xf32> to vector<16xf32>
        %mul3A_743 = arith.mulf %div3A_683, %get3A_742 : vector<16xf32>
        %add3A_744 = arith.addf %add3A_737, %mul3A_743 : vector<16xf32>
        %get3A_745 = arith.constant 63 : i32
        %get3A_746 = arith.index_cast %get3A_745 : i32 to index
        %get3A_747 = arith.index_cast %mul3A_696 : i32 to index
        %get3A_748 = tpu.vector_load %arg7[%get3A_746, %get3A_747] {strides = array<i32>} : memref<64x1024xf32, #tpu.memory_space<vmem>>, vector<1x16xf32>,
        %get3A_749 = vector.shape_cast %get3A_748 : vector<1x16xf32> to vector<16xf32>
        %mul3A_750 = arith.mulf %div3A_684, %get3A_749 : vector<16xf32>
        %add3A_751 = arith.addf %add3A_744, %mul3A_750 : vector<16xf32>
        %swap3A = arith.constant 7 : i32
        %swap3A_752 = arith.index_cast %swap3A : i32 to index
        %swap3A_753 = arith.index_cast %mul3A_696 : i32 to index
        %swap3A_754 = tpu.vector_load %arg9[%swap3A_752, %swap3A_753] {strides = array<i32>} : memref<8x1024xf32, #tpu.memory_space<vmem>>, vector<1x16xf32>,
        %swap3A_755 = vector.shape_cast %swap3A_754 : vector<1x16xf32> to vector<16xf32>
        %swap3A_756 = vector.shape_cast %add3A_751 : vector<16xf32> to vector<1x16xf32>
        tpu.vector_store %arg9[%swap3A_752, %swap3A_753], %swap3A_756 {strides = array<i32>} : memref<8x1024xf32, #tpu.memory_space<vmem>>, vector<1x16xf32>,
      }
      %scan3A_690 = arith.constant 64 : i32
      %mul3A_691 = arith.constant 8 : i32
      %mul3A_692 = arith.muli %scan3A_8, %mul3A_691 : i32
      %add3A_693 = arith.addi %mul3A_2, %mul3A_692 : i32
      "tpu.region"() ({
        %run_scoped3A = tpu.sem_alloc : memref<!tpu.dma_semaphore, #tpu.memory_space<semaphore_mem>>
        %dma_start3A_694 = arith.constant 0 : i32
        %dma_start3A_695 = tpu.memref_slice %arg5[%add3A_693, %dma_start3A_694] : memref<8192x1024xf32, #tpu.memory_space<hbm>> -> memref<8x1024xf32, #tpu.memory_space<hbm>>
        %dma_start3A_696 = arith.constant 0 : i32
        %dma_start3A_697 = tpu.memref_slice %arg5[%add3A_693, %dma_start3A_696] : memref<8192x1024xf32, #tpu.memory_space<hbm>> -> memref<8x1024xf32, #tpu.memory_space<hbm>>
        tpu.enqueue_dma source(%arg9 : memref<8x1024xf32, #tpu.memory_space<vmem>>) target(%dma_start3A_697 : memref<8x1024xf32, #tpu.memory_space<hbm>>) target_semaphore(%run_scoped3A : memref<!tpu.dma_semaphore, #tpu.memory_space<semaphore_mem>>)
        %dma_wait3A_698 = arith.constant 0 : i32
        %dma_wait3A_699 = tpu.memref_slice %arg5[%add3A_693, %dma_wait3A_698] : memref<8192x1024xf32, #tpu.memory_space<hbm>> -> memref<8x1024xf32, #tpu.memory_space<hbm>>
        %dma_wait3A_700 = arith.constant 0 : i32
        %dma_wait3A_701 = tpu.memref_slice %arg5[%add3A_693, %dma_wait3A_700] : memref<8192x1024xf32, #tpu.memory_space<hbm>> -> memref<8x1024xf32, #tpu.memory_space<hbm>>
        tpu.wait_dma2 semaphore(%run_scoped3A : memref<!tpu.dma_semaphore, #tpu.memory_space<semaphore_mem>>) src(%arg9 : memref<8x1024xf32, #tpu.memory_space<vmem>>) dst(%dma_wait3A_701 : memref<8x1024xf32, #tpu.memory_space<hbm>>)
        tpu.yield
      }) : () -> ()
    }
    %scan3A_7 = arith.constant 32 : i32
    return
  }
}

#map = affine_map<(d0, d1) -> (0, 0)>
#map1 = affine_map<(d0, d1) -> (0)>
module attributes {stable_mosaic.version = 14 : i64} {
  func.func @_sc_gather_body(%arg0: i32, %arg1: i32, %arg2: memref<8192x1024xf32, #tpu.memory_space<hbm>>, %arg3: memref<8192x1024xf32, #tpu.memory_space<hbm>>, %arg4: memref<65536xi32, #tpu.memory_space<hbm>>, %arg5: memref<65536x1024xf32, #tpu.memory_space<hbm>>, %arg6: memref<65536x1024xf32, #tpu.memory_space<hbm>>, %arg7: memref<2048xi32, #tpu.memory_space<vmem>>, %arg8: memref<2x16x1024xf32, #tpu.memory_space<vmem>>, %arg9: memref<2x16x1024xf32, #tpu.memory_space<vmem>>, %arg10: memref<!tpu.dma_semaphore, #tpu.memory_space<semaphore_mem>>, %arg11: memref<!tpu.dma_semaphore, #tpu.memory_space<semaphore_mem>>, %arg12: memref<!tpu.dma_semaphore, #tpu.memory_space<semaphore_mem>>, %arg13: memref<!tpu.dma_semaphore, #tpu.memory_space<semaphore_mem>>, %arg14: memref<!tpu.dma_semaphore, #tpu.memory_space<semaphore_mem>>, %arg15: memref<!tpu.dma_semaphore, #tpu.memory_space<semaphore_mem>>, %arg16: memref<!tpu.dma_semaphore, #tpu.memory_space<semaphore_mem>>, %arg17: memref<!tpu.dma_semaphore, #tpu.memory_space<semaphore_mem>>) attributes {dimension_semantics = [#tpu.dimension_semantics<core_parallel>, #tpu.dimension_semantics<subcore_parallel>], iteration_bounds = array<i64: 2, 16>, scalar_prefetch = 0 : i64, scratch_operands = 11 : i64, tpu.core_type = #tpu.core_type<sc_vector_subcore>, window_params = [{transform_indices = #map}, {transform_indices = #map}, {transform_indices = #map1}, {transform_indices = #map}, {transform_indices = #map}]} {
    %mul3A = arith.constant 2 : i32
    %mul3A_0 = arith.muli %arg1, %mul3A : i32
    %add3A = arith.addi %mul3A_0, %arg0 : i32
    %mul3A_1 = arith.constant 2048 : i32
    %mul3A_2 = arith.muli %add3A, %mul3A_1 : i32
    "tpu.region"() ({
      %run_scoped3A = tpu.sem_alloc : memref<!tpu.dma_semaphore, #tpu.memory_space<semaphore_mem>>
      %dma_start3A_82 = tpu.memref_slice %arg4[%mul3A_2] : memref<65536xi32, #tpu.memory_space<hbm>> -> memref<2048xi32, #tpu.memory_space<hbm>>
      %dma_start3A_83 = tpu.memref_slice %arg4[%mul3A_2] : memref<65536xi32, #tpu.memory_space<hbm>> -> memref<2048xi32, #tpu.memory_space<hbm>>
      tpu.enqueue_dma source(%dma_start3A_83 : memref<2048xi32, #tpu.memory_space<hbm>>) target(%arg7 : memref<2048xi32, #tpu.memory_space<vmem>>) target_semaphore(%run_scoped3A : memref<!tpu.dma_semaphore, #tpu.memory_space<semaphore_mem>>)
      %dma_wait3A_84 = tpu.memref_slice %arg4[%mul3A_2] : memref<65536xi32, #tpu.memory_space<hbm>> -> memref<2048xi32, #tpu.memory_space<hbm>>
      %dma_wait3A_85 = tpu.memref_slice %arg4[%mul3A_2] : memref<65536xi32, #tpu.memory_space<hbm>> -> memref<2048xi32, #tpu.memory_space<hbm>>
      tpu.wait_dma2 semaphore(%run_scoped3A : memref<!tpu.dma_semaphore, #tpu.memory_space<semaphore_mem>>) src(%dma_wait3A_85 : memref<2048xi32, #tpu.memory_space<hbm>>) dst(%arg7 : memref<2048xi32, #tpu.memory_space<vmem>>)
      tpu.yield
    }) : () -> ()
    %dma_start3A = arith.constant 0 : i32
    %dma_start3A_3 = arith.constant 0 : i32
    %dma_start3A_4 = arith.constant 0 : i32
    %dma_start3A_5 = tpu.memref_slice %arg8[%dma_start3A, %dma_start3A_3, %dma_start3A_4] : memref<2x16x1024xf32, #tpu.memory_space<vmem>> -> memref<1x16x1024xf32, #tpu.memory_space<vmem>>
    %dma_start3A_6 = tpu.memref_squeeze %dma_start3A_5 : memref<1x16x1024xf32, #tpu.memory_space<vmem>> -> memref<16x1024xf32, #tpu.memory_space<vmem>>
    %dma_start3A_7 = arith.constant 0 : i32
    %dma_start3A_8 = tpu.memref_slice %arg7[%dma_start3A_7] : memref<2048xi32, #tpu.memory_space<vmem>> -> memref<16xi32, #tpu.memory_space<vmem>>
    %dma_start3A_9 = arith.constant 0 : i32
    %dma_start3A_10 = arith.constant 0 : i32
    %dma_start3A_11 = tpu.memref_slice %arg2[%dma_start3A_9, %dma_start3A_10] : memref<8192x1024xf32, #tpu.memory_space<hbm>> -> memref<8192x1024xf32, #tpu.memory_space<hbm>>
    tpu.enqueue_indirect_dma source(%dma_start3A_11 : memref<8192x1024xf32, #tpu.memory_space<hbm>>) target(%dma_start3A_6 : memref<16x1024xf32, #tpu.memory_space<vmem>>) offsets(%dma_start3A_8 : memref<16xi32, #tpu.memory_space<vmem>>) semaphore(%arg10 : memref<!tpu.dma_semaphore, #tpu.memory_space<semaphore_mem>>)
    %dma_start3A_12 = arith.constant 0 : i32
    %dma_start3A_13 = arith.constant 0 : i32
    %dma_start3A_14 = arith.constant 0 : i32
    %dma_start3A_15 = tpu.memref_slice %arg9[%dma_start3A_12, %dma_start3A_13, %dma_start3A_14] : memref<2x16x1024xf32, #tpu.memory_space<vmem>> -> memref<1x16x1024xf32, #tpu.memory_space<vmem>>
    %dma_start3A_16 = tpu.memref_squeeze %dma_start3A_15 : memref<1x16x1024xf32, #tpu.memory_space<vmem>> -> memref<16x1024xf32, #tpu.memory_space<vmem>>
    %dma_start3A_17 = arith.constant 0 : i32
    %dma_start3A_18 = tpu.memref_slice %arg7[%dma_start3A_17] : memref<2048xi32, #tpu.memory_space<vmem>> -> memref<16xi32, #tpu.memory_space<vmem>>
    %dma_start3A_19 = arith.constant 0 : i32
    %dma_start3A_20 = arith.constant 0 : i32
    %dma_start3A_21 = tpu.memref_slice %arg3[%dma_start3A_19, %dma_start3A_20] : memref<8192x1024xf32, #tpu.memory_space<hbm>> -> memref<8192x1024xf32, #tpu.memory_space<hbm>>
    tpu.enqueue_indirect_dma source(%dma_start3A_21 : memref<8192x1024xf32, #tpu.memory_space<hbm>>) target(%dma_start3A_16 : memref<16x1024xf32, #tpu.memory_space<vmem>>) offsets(%dma_start3A_18 : memref<16xi32, #tpu.memory_space<vmem>>) semaphore(%arg12 : memref<!tpu.dma_semaphore, #tpu.memory_space<semaphore_mem>>)
    %scan3A = arith.constant 0 : i32
    %scan3A_22 = arith.constant 0 : i32
    %scan3A_23 = arith.constant 64 : i32
    %scan3A_24 = arith.addi %scan3A_22, %scan3A_23 : i32
    %scan3A_25 = arith.constant 1 : i32
    scf.for %scan3A_82 = %scan3A_22 to %scan3A_24 step %scan3A_25  : i32 {
      %mul3A_83 = arith.constant 2 : i32
      %mul3A_84 = arith.muli %scan3A_82, %mul3A_83 : i32
      %add3A_85 = arith.constant 0 : i32
      %add3A_86 = arith.addi %mul3A_84, %add3A_85 : i32
      %mul3A_87 = arith.constant 16 : i32
      %mul3A_88 = arith.muli %add3A_86, %mul3A_87 : i32
      %dma_wait3A_89 = arith.constant 0 : i32
      %dma_wait3A_90 = arith.constant 0 : i32
      %dma_wait3A_91 = arith.constant 0 : i32
      %dma_wait3A_92 = tpu.memref_slice %arg8[%dma_wait3A_89, %dma_wait3A_90, %dma_wait3A_91] : memref<2x16x1024xf32, #tpu.memory_space<vmem>> -> memref<1x16x1024xf32, #tpu.memory_space<vmem>>
      %dma_wait3A_93 = tpu.memref_squeeze %dma_wait3A_92 : memref<1x16x1024xf32, #tpu.memory_space<vmem>> -> memref<16x1024xf32, #tpu.memory_space<vmem>>
      %dma_wait3A_94 = tpu.memref_slice %arg7[%mul3A_88] : memref<2048xi32, #tpu.memory_space<vmem>> -> memref<16xi32, #tpu.memory_space<vmem>>
      %dma_wait3A_95 = arith.constant 0 : i32
      %dma_wait3A_96 = arith.constant 0 : i32
      %dma_wait3A_97 = tpu.memref_slice %arg2[%dma_wait3A_95, %dma_wait3A_96] : memref<8192x1024xf32, #tpu.memory_space<hbm>> -> memref<8192x1024xf32, #tpu.memory_space<hbm>>
      tpu.wait_indirect_dma semaphore(%arg10 : memref<!tpu.dma_semaphore, #tpu.memory_space<semaphore_mem>>) src(%dma_wait3A_97 : memref<8192x1024xf32, #tpu.memory_space<hbm>>) dst(%dma_wait3A_93 : memref<16x1024xf32, #tpu.memory_space<vmem>>)
      %mul3A_98 = arith.constant 16 : i32
      %mul3A_99 = arith.muli %add3A_86, %mul3A_98 : i32
      %dma_wait3A_100 = arith.constant 0 : i32
      %dma_wait3A_101 = arith.constant 0 : i32
      %dma_wait3A_102 = arith.constant 0 : i32
      %dma_wait3A_103 = tpu.memref_slice %arg9[%dma_wait3A_100, %dma_wait3A_101, %dma_wait3A_102] : memref<2x16x1024xf32, #tpu.memory_space<vmem>> -> memref<1x16x1024xf32, #tpu.memory_space<vmem>>
      %dma_wait3A_104 = tpu.memref_squeeze %dma_wait3A_103 : memref<1x16x1024xf32, #tpu.memory_space<vmem>> -> memref<16x1024xf32, #tpu.memory_space<vmem>>
      %dma_wait3A_105 = tpu.memref_slice %arg7[%mul3A_99] : memref<2048xi32, #tpu.memory_space<vmem>> -> memref<16xi32, #tpu.memory_space<vmem>>
      %dma_wait3A_106 = arith.constant 0 : i32
      %dma_wait3A_107 = arith.constant 0 : i32
      %dma_wait3A_108 = tpu.memref_slice %arg3[%dma_wait3A_106, %dma_wait3A_107] : memref<8192x1024xf32, #tpu.memory_space<hbm>> -> memref<8192x1024xf32, #tpu.memory_space<hbm>>
      tpu.wait_indirect_dma semaphore(%arg12 : memref<!tpu.dma_semaphore, #tpu.memory_space<semaphore_mem>>) src(%dma_wait3A_108 : memref<8192x1024xf32, #tpu.memory_space<hbm>>) dst(%dma_wait3A_104 : memref<16x1024xf32, #tpu.memory_space<vmem>>)
      %add3A_109 = arith.constant 1 : i32
      %add3A_110 = arith.addi %add3A_86, %add3A_109 : i32
      %lt3A = arith.constant 128 : i32
      %lt3A_111 = arith.cmpi slt, %add3A_110, %lt3A : i32
      %convert_element_type3A = arith.extui %lt3A_111 : i1 to i32
      %cond3A = arith.constant 0 : i32
      %cond3A_112 = arith.cmpi ne, %convert_element_type3A, %cond3A : i32
      scf.if %cond3A_112 {
        %ge3A = arith.constant 1 : i32
        %ge3A_204 = arith.cmpi sge, %add3A_86, %ge3A : i32
        %convert_element_type3A_205 = arith.extui %ge3A_204 : i1 to i32
        %cond3A_206 = arith.constant 0 : i32
        %cond3A_207 = arith.cmpi ne, %convert_element_type3A_205, %cond3A_206 : i32
        scf.if %cond3A_207 {
          %sub3A = arith.constant 1 : i32
          %sub3A_232 = arith.subi %add3A_86, %sub3A : i32
          %mul3A_233 = arith.constant 16 : i32
          %mul3A_234 = arith.muli %sub3A_232, %mul3A_233 : i32
          %add3A_235 = arith.addi %mul3A_2, %mul3A_234 : i32
          %dma_wait3A_236 = arith.constant 1 : i32
          %dma_wait3A_237 = arith.constant 0 : i32
          %dma_wait3A_238 = arith.constant 0 : i32
          %dma_wait3A_239 = tpu.memref_slice %arg8[%dma_wait3A_236, %dma_wait3A_237, %dma_wait3A_238] : memref<2x16x1024xf32, #tpu.memory_space<vmem>> -> memref<1x16x1024xf32, #tpu.memory_space<vmem>>
          %dma_wait3A_240 = tpu.memref_squeeze %dma_wait3A_239 : memref<1x16x1024xf32, #tpu.memory_space<vmem>> -> memref<16x1024xf32, #tpu.memory_space<vmem>>
          %dma_wait3A_241 = arith.constant 0 : i32
          %dma_wait3A_242 = tpu.memref_slice %arg5[%add3A_235, %dma_wait3A_241] : memref<65536x1024xf32, #tpu.memory_space<hbm>> -> memref<16x1024xf32, #tpu.memory_space<hbm>>
          %dma_wait3A_243 = arith.constant 0 : i32
          %dma_wait3A_244 = tpu.memref_slice %arg5[%add3A_235, %dma_wait3A_243] : memref<65536x1024xf32, #tpu.memory_space<hbm>> -> memref<16x1024xf32, #tpu.memory_space<hbm>>
          %dma_wait3A_245 = arith.constant 0 : i32
          %dma_wait3A_246 = arith.constant 0 : i32
          %dma_wait3A_247 = tpu.memref_slice %arg8[%dma_wait3A_236, %dma_wait3A_245, %dma_wait3A_246] : memref<2x16x1024xf32, #tpu.memory_space<vmem>> -> memref<1x16x1024xf32, #tpu.memory_space<vmem>>
          %dma_wait3A_248 = tpu.memref_squeeze %dma_wait3A_247 : memref<1x16x1024xf32, #tpu.memory_space<vmem>> -> memref<16x1024xf32, #tpu.memory_space<vmem>>
          tpu.wait_dma2 semaphore(%arg15 : memref<!tpu.dma_semaphore, #tpu.memory_space<semaphore_mem>>) src(%dma_wait3A_248 : memref<16x1024xf32, #tpu.memory_space<vmem>>) dst(%dma_wait3A_244 : memref<16x1024xf32, #tpu.memory_space<hbm>>)
          %dma_wait3A_249 = arith.constant 1 : i32
          %dma_wait3A_250 = arith.constant 0 : i32
          %dma_wait3A_251 = arith.constant 0 : i32
          %dma_wait3A_252 = tpu.memref_slice %arg9[%dma_wait3A_249, %dma_wait3A_250, %dma_wait3A_251] : memref<2x16x1024xf32, #tpu.memory_space<vmem>> -> memref<1x16x1024xf32, #tpu.memory_space<vmem>>
          %dma_wait3A_253 = tpu.memref_squeeze %dma_wait3A_252 : memref<1x16x1024xf32, #tpu.memory_space<vmem>> -> memref<16x1024xf32, #tpu.memory_space<vmem>>
          %dma_wait3A_254 = arith.constant 0 : i32
          %dma_wait3A_255 = tpu.memref_slice %arg6[%add3A_235, %dma_wait3A_254] : memref<65536x1024xf32, #tpu.memory_space<hbm>> -> memref<16x1024xf32, #tpu.memory_space<hbm>>
          %dma_wait3A_256 = arith.constant 0 : i32
          %dma_wait3A_257 = tpu.memref_slice %arg6[%add3A_235, %dma_wait3A_256] : memref<65536x1024xf32, #tpu.memory_space<hbm>> -> memref<16x1024xf32, #tpu.memory_space<hbm>>
          %dma_wait3A_258 = arith.constant 0 : i32
          %dma_wait3A_259 = arith.constant 0 : i32
          %dma_wait3A_260 = tpu.memref_slice %arg9[%dma_wait3A_249, %dma_wait3A_258, %dma_wait3A_259] : memref<2x16x1024xf32, #tpu.memory_space<vmem>> -> memref<1x16x1024xf32, #tpu.memory_space<vmem>>
          %dma_wait3A_261 = tpu.memref_squeeze %dma_wait3A_260 : memref<1x16x1024xf32, #tpu.memory_space<vmem>> -> memref<16x1024xf32, #tpu.memory_space<vmem>>
          tpu.wait_dma2 semaphore(%arg17 : memref<!tpu.dma_semaphore, #tpu.memory_space<semaphore_mem>>) src(%dma_wait3A_261 : memref<16x1024xf32, #tpu.memory_space<vmem>>) dst(%dma_wait3A_257 : memref<16x1024xf32, #tpu.memory_space<hbm>>)
        } else {
        }
        %add3A_208 = arith.constant 1 : i32
        %add3A_209 = arith.addi %add3A_86, %add3A_208 : i32
        %mul3A_210 = arith.constant 16 : i32
        %mul3A_211 = arith.muli %add3A_209, %mul3A_210 : i32
        %dma_start3A_212 = arith.constant 1 : i32
        %dma_start3A_213 = arith.constant 0 : i32
        %dma_start3A_214 = arith.constant 0 : i32
        %dma_start3A_215 = tpu.memref_slice %arg8[%dma_start3A_212, %dma_start3A_213, %dma_start3A_214] : memref<2x16x1024xf32, #tpu.memory_space<vmem>> -> memref<1x16x1024xf32, #tpu.memory_space<vmem>>
        %dma_start3A_216 = tpu.memref_squeeze %dma_start3A_215 : memref<1x16x1024xf32, #tpu.memory_space<vmem>> -> memref<16x1024xf32, #tpu.memory_space<vmem>>
        %dma_start3A_217 = tpu.memref_slice %arg7[%mul3A_211] : memref<2048xi32, #tpu.memory_space<vmem>> -> memref<16xi32, #tpu.memory_space<vmem>>
        %dma_start3A_218 = arith.constant 0 : i32
        %dma_start3A_219 = arith.constant 0 : i32
        %dma_start3A_220 = tpu.memref_slice %arg2[%dma_start3A_218, %dma_start3A_219] : memref<8192x1024xf32, #tpu.memory_space<hbm>> -> memref<8192x1024xf32, #tpu.memory_space<hbm>>
        tpu.enqueue_indirect_dma source(%dma_start3A_220 : memref<8192x1024xf32, #tpu.memory_space<hbm>>) target(%dma_start3A_216 : memref<16x1024xf32, #tpu.memory_space<vmem>>) offsets(%dma_start3A_217 : memref<16xi32, #tpu.memory_space<vmem>>) semaphore(%arg11 : memref<!tpu.dma_semaphore, #tpu.memory_space<semaphore_mem>>)
        %mul3A_221 = arith.constant 16 : i32
        %mul3A_222 = arith.muli %add3A_209, %mul3A_221 : i32
        %dma_start3A_223 = arith.constant 1 : i32
        %dma_start3A_224 = arith.constant 0 : i32
        %dma_start3A_225 = arith.constant 0 : i32
        %dma_start3A_226 = tpu.memref_slice %arg9[%dma_start3A_223, %dma_start3A_224, %dma_start3A_225] : memref<2x16x1024xf32, #tpu.memory_space<vmem>> -> memref<1x16x1024xf32, #tpu.memory_space<vmem>>
        %dma_start3A_227 = tpu.memref_squeeze %dma_start3A_226 : memref<1x16x1024xf32, #tpu.memory_space<vmem>> -> memref<16x1024xf32, #tpu.memory_space<vmem>>
        %dma_start3A_228 = tpu.memref_slice %arg7[%mul3A_222] : memref<2048xi32, #tpu.memory_space<vmem>> -> memref<16xi32, #tpu.memory_space<vmem>>
        %dma_start3A_229 = arith.constant 0 : i32
        %dma_start3A_230 = arith.constant 0 : i32
        %dma_start3A_231 = tpu.memref_slice %arg3[%dma_start3A_229, %dma_start3A_230] : memref<8192x1024xf32, #tpu.memory_space<hbm>> -> memref<8192x1024xf32, #tpu.memory_space<hbm>>
        tpu.enqueue_indirect_dma source(%dma_start3A_231 : memref<8192x1024xf32, #tpu.memory_space<hbm>>) target(%dma_start3A_227 : memref<16x1024xf32, #tpu.memory_space<vmem>>) offsets(%dma_start3A_228 : memref<16xi32, #tpu.memory_space<vmem>>) semaphore(%arg13 : memref<!tpu.dma_semaphore, #tpu.memory_space<semaphore_mem>>)
      } else {
      }
      %mul3A_113 = arith.constant 16 : i32
      %mul3A_114 = arith.muli %add3A_86, %mul3A_113 : i32
      %add3A_115 = arith.addi %mul3A_2, %mul3A_114 : i32
      %dma_start3A_116 = arith.constant 0 : i32
      %dma_start3A_117 = arith.constant 0 : i32
      %dma_start3A_118 = arith.constant 0 : i32
      %dma_start3A_119 = tpu.memref_slice %arg8[%dma_start3A_116, %dma_start3A_117, %dma_start3A_118] : memref<2x16x1024xf32, #tpu.memory_space<vmem>> -> memref<1x16x1024xf32, #tpu.memory_space<vmem>>
      %dma_start3A_120 = tpu.memref_squeeze %dma_start3A_119 : memref<1x16x1024xf32, #tpu.memory_space<vmem>> -> memref<16x1024xf32, #tpu.memory_space<vmem>>
      %dma_start3A_121 = arith.constant 0 : i32
      %dma_start3A_122 = tpu.memref_slice %arg5[%add3A_115, %dma_start3A_121] : memref<65536x1024xf32, #tpu.memory_space<hbm>> -> memref<16x1024xf32, #tpu.memory_space<hbm>>
      %dma_start3A_123 = arith.constant 0 : i32
      %dma_start3A_124 = tpu.memref_slice %arg5[%add3A_115, %dma_start3A_123] : memref<65536x1024xf32, #tpu.memory_space<hbm>> -> memref<16x1024xf32, #tpu.memory_space<hbm>>
      %dma_start3A_125 = arith.constant 0 : i32
      %dma_start3A_126 = arith.constant 0 : i32
      %dma_start3A_127 = tpu.memref_slice %arg8[%dma_start3A_116, %dma_start3A_125, %dma_start3A_126] : memref<2x16x1024xf32, #tpu.memory_space<vmem>> -> memref<1x16x1024xf32, #tpu.memory_space<vmem>>
      %dma_start3A_128 = tpu.memref_squeeze %dma_start3A_127 : memref<1x16x1024xf32, #tpu.memory_space<vmem>> -> memref<16x1024xf32, #tpu.memory_space<vmem>>
      tpu.enqueue_dma source(%dma_start3A_128 : memref<16x1024xf32, #tpu.memory_space<vmem>>) target(%dma_start3A_124 : memref<16x1024xf32, #tpu.memory_space<hbm>>) target_semaphore(%arg14 : memref<!tpu.dma_semaphore, #tpu.memory_space<semaphore_mem>>)
      %dma_start3A_129 = arith.constant 0 : i32
      %dma_start3A_130 = arith.constant 0 : i32
      %dma_start3A_131 = arith.constant 0 : i32
      %dma_start3A_132 = tpu.memref_slice %arg9[%dma_start3A_129, %dma_start3A_130, %dma_start3A_131] : memref<2x16x1024xf32, #tpu.memory_space<vmem>> -> memref<1x16x1024xf32, #tpu.memory_space<vmem>>
      %dma_start3A_133 = tpu.memref_squeeze %dma_start3A_132 : memref<1x16x1024xf32, #tpu.memory_space<vmem>> -> memref<16x1024xf32, #tpu.memory_space<vmem>>
      %dma_start3A_134 = arith.constant 0 : i32
      %dma_start3A_135 = tpu.memref_slice %arg6[%add3A_115, %dma_start3A_134] : memref<65536x1024xf32, #tpu.memory_space<hbm>> -> memref<16x1024xf32, #tpu.memory_space<hbm>>
      %dma_start3A_136 = arith.constant 0 : i32
      %dma_start3A_137 = tpu.memref_slice %arg6[%add3A_115, %dma_start3A_136] : memref<65536x1024xf32, #tpu.memory_space<hbm>> -> memref<16x1024xf32, #tpu.memory_space<hbm>>
      %dma_start3A_138 = arith.constant 0 : i32
      %dma_start3A_139 = arith.constant 0 : i32
      %dma_start3A_140 = tpu.memref_slice %arg9[%dma_start3A_129, %dma_start3A_138, %dma_start3A_139] : memref<2x16x1024xf32, #tpu.memory_space<vmem>> -> memref<1x16x1024xf32, #tpu.memory_space<vmem>>
      %dma_start3A_141 = tpu.memref_squeeze %dma_start3A_140 : memref<1x16x1024xf32, #tpu.memory_space<vmem>> -> memref<16x1024xf32, #tpu.memory_space<vmem>>
      tpu.enqueue_dma source(%dma_start3A_141 : memref<16x1024xf32, #tpu.memory_space<vmem>>) target(%dma_start3A_137 : memref<16x1024xf32, #tpu.memory_space<hbm>>) target_semaphore(%arg16 : memref<!tpu.dma_semaphore, #tpu.memory_space<semaphore_mem>>)
      %mul3A_142 = arith.constant 2 : i32
      %mul3A_143 = arith.muli %scan3A_82, %mul3A_142 : i32
      %add3A_144 = arith.constant 1 : i32
      %add3A_145 = arith.addi %mul3A_143, %add3A_144 : i32
      %mul3A_146 = arith.constant 16 : i32
      %mul3A_147 = arith.muli %add3A_145, %mul3A_146 : i32
      %dma_wait3A_148 = arith.constant 1 : i32
      %dma_wait3A_149 = arith.constant 0 : i32
      %dma_wait3A_150 = arith.constant 0 : i32
      %dma_wait3A_151 = tpu.memref_slice %arg8[%dma_wait3A_148, %dma_wait3A_149, %dma_wait3A_150] : memref<2x16x1024xf32, #tpu.memory_space<vmem>> -> memref<1x16x1024xf32, #tpu.memory_space<vmem>>
      %dma_wait3A_152 = tpu.memref_squeeze %dma_wait3A_151 : memref<1x16x1024xf32, #tpu.memory_space<vmem>> -> memref<16x1024xf32, #tpu.memory_space<vmem>>
      %dma_wait3A_153 = tpu.memref_slice %arg7[%mul3A_147] : memref<2048xi32, #tpu.memory_space<vmem>> -> memref<16xi32, #tpu.memory_space<vmem>>
      %dma_wait3A_154 = arith.constant 0 : i32
      %dma_wait3A_155 = arith.constant 0 : i32
      %dma_wait3A_156 = tpu.memref_slice %arg2[%dma_wait3A_154, %dma_wait3A_155] : memref<8192x1024xf32, #tpu.memory_space<hbm>> -> memref<8192x1024xf32, #tpu.memory_space<hbm>>
      tpu.wait_indirect_dma semaphore(%arg11 : memref<!tpu.dma_semaphore, #tpu.memory_space<semaphore_mem>>) src(%dma_wait3A_156 : memref<8192x1024xf32, #tpu.memory_space<hbm>>) dst(%dma_wait3A_152 : memref<16x1024xf32, #tpu.memory_space<vmem>>)
      %mul3A_157 = arith.constant 16 : i32
      %mul3A_158 = arith.muli %add3A_145, %mul3A_157 : i32
      %dma_wait3A_159 = arith.constant 1 : i32
      %dma_wait3A_160 = arith.constant 0 : i32
      %dma_wait3A_161 = arith.constant 0 : i32
      %dma_wait3A_162 = tpu.memref_slice %arg9[%dma_wait3A_159, %dma_wait3A_160, %dma_wait3A_161] : memref<2x16x1024xf32, #tpu.memory_space<vmem>> -> memref<1x16x1024xf32, #tpu.memory_space<vmem>>
      %dma_wait3A_163 = tpu.memref_squeeze %dma_wait3A_162 : memref<1x16x1024xf32, #tpu.memory_space<vmem>> -> memref<16x1024xf32, #tpu.memory_space<vmem>>
      %dma_wait3A_164 = tpu.memref_slice %arg7[%mul3A_158] : memref<2048xi32, #tpu.memory_space<vmem>> -> memref<16xi32, #tpu.memory_space<vmem>>
      %dma_wait3A_165 = arith.constant 0 : i32
      %dma_wait3A_166 = arith.constant 0 : i32
      %dma_wait3A_167 = tpu.memref_slice %arg3[%dma_wait3A_165, %dma_wait3A_166] : memref<8192x1024xf32, #tpu.memory_space<hbm>> -> memref<8192x1024xf32, #tpu.memory_space<hbm>>
      tpu.wait_indirect_dma semaphore(%arg13 : memref<!tpu.dma_semaphore, #tpu.memory_space<semaphore_mem>>) src(%dma_wait3A_167 : memref<8192x1024xf32, #tpu.memory_space<hbm>>) dst(%dma_wait3A_163 : memref<16x1024xf32, #tpu.memory_space<vmem>>)
      %add3A_168 = arith.constant 1 : i32
      %add3A_169 = arith.addi %add3A_145, %add3A_168 : i32
      %lt3A_170 = arith.constant 128 : i32
      %lt3A_171 = arith.cmpi slt, %add3A_169, %lt3A_170 : i32
      %convert_element_type3A_172 = arith.extui %lt3A_171 : i1 to i32
      %cond3A_173 = arith.constant 0 : i32
      %cond3A_174 = arith.cmpi ne, %convert_element_type3A_172, %cond3A_173 : i32
      scf.if %cond3A_174 {
        %ge3A = arith.constant 1 : i32
        %ge3A_204 = arith.cmpi sge, %add3A_145, %ge3A : i32
        %convert_element_type3A_205 = arith.extui %ge3A_204 : i1 to i32
        %cond3A_206 = arith.constant 0 : i32
        %cond3A_207 = arith.cmpi ne, %convert_element_type3A_205, %cond3A_206 : i32
        scf.if %cond3A_207 {
          %sub3A = arith.constant 1 : i32
          %sub3A_232 = arith.subi %add3A_145, %sub3A : i32
          %mul3A_233 = arith.constant 16 : i32
          %mul3A_234 = arith.muli %sub3A_232, %mul3A_233 : i32
          %add3A_235 = arith.addi %mul3A_2, %mul3A_234 : i32
          %dma_wait3A_236 = arith.constant 0 : i32
          %dma_wait3A_237 = arith.constant 0 : i32
          %dma_wait3A_238 = arith.constant 0 : i32
          %dma_wait3A_239 = tpu.memref_slice %arg8[%dma_wait3A_236, %dma_wait3A_237, %dma_wait3A_238] : memref<2x16x1024xf32, #tpu.memory_space<vmem>> -> memref<1x16x1024xf32, #tpu.memory_space<vmem>>
          %dma_wait3A_240 = tpu.memref_squeeze %dma_wait3A_239 : memref<1x16x1024xf32, #tpu.memory_space<vmem>> -> memref<16x1024xf32, #tpu.memory_space<vmem>>
          %dma_wait3A_241 = arith.constant 0 : i32
          %dma_wait3A_242 = tpu.memref_slice %arg5[%add3A_235, %dma_wait3A_241] : memref<65536x1024xf32, #tpu.memory_space<hbm>> -> memref<16x1024xf32, #tpu.memory_space<hbm>>
          %dma_wait3A_243 = arith.constant 0 : i32
          %dma_wait3A_244 = tpu.memref_slice %arg5[%add3A_235, %dma_wait3A_243] : memref<65536x1024xf32, #tpu.memory_space<hbm>> -> memref<16x1024xf32, #tpu.memory_space<hbm>>
          %dma_wait3A_245 = arith.constant 0 : i32
          %dma_wait3A_246 = arith.constant 0 : i32
          %dma_wait3A_247 = tpu.memref_slice %arg8[%dma_wait3A_236, %dma_wait3A_245, %dma_wait3A_246] : memref<2x16x1024xf32, #tpu.memory_space<vmem>> -> memref<1x16x1024xf32, #tpu.memory_space<vmem>>
          %dma_wait3A_248 = tpu.memref_squeeze %dma_wait3A_247 : memref<1x16x1024xf32, #tpu.memory_space<vmem>> -> memref<16x1024xf32, #tpu.memory_space<vmem>>
          tpu.wait_dma2 semaphore(%arg14 : memref<!tpu.dma_semaphore, #tpu.memory_space<semaphore_mem>>) src(%dma_wait3A_248 : memref<16x1024xf32, #tpu.memory_space<vmem>>) dst(%dma_wait3A_244 : memref<16x1024xf32, #tpu.memory_space<hbm>>)
          %dma_wait3A_249 = arith.constant 0 : i32
          %dma_wait3A_250 = arith.constant 0 : i32
          %dma_wait3A_251 = arith.constant 0 : i32
          %dma_wait3A_252 = tpu.memref_slice %arg9[%dma_wait3A_249, %dma_wait3A_250, %dma_wait3A_251] : memref<2x16x1024xf32, #tpu.memory_space<vmem>> -> memref<1x16x1024xf32, #tpu.memory_space<vmem>>
          %dma_wait3A_253 = tpu.memref_squeeze %dma_wait3A_252 : memref<1x16x1024xf32, #tpu.memory_space<vmem>> -> memref<16x1024xf32, #tpu.memory_space<vmem>>
          %dma_wait3A_254 = arith.constant 0 : i32
          %dma_wait3A_255 = tpu.memref_slice %arg6[%add3A_235, %dma_wait3A_254] : memref<65536x1024xf32, #tpu.memory_space<hbm>> -> memref<16x1024xf32, #tpu.memory_space<hbm>>
          %dma_wait3A_256 = arith.constant 0 : i32
          %dma_wait3A_257 = tpu.memref_slice %arg6[%add3A_235, %dma_wait3A_256] : memref<65536x1024xf32, #tpu.memory_space<hbm>> -> memref<16x1024xf32, #tpu.memory_space<hbm>>
          %dma_wait3A_258 = arith.constant 0 : i32
          %dma_wait3A_259 = arith.constant 0 : i32
          %dma_wait3A_260 = tpu.memref_slice %arg9[%dma_wait3A_249, %dma_wait3A_258, %dma_wait3A_259] : memref<2x16x1024xf32, #tpu.memory_space<vmem>> -> memref<1x16x1024xf32, #tpu.memory_space<vmem>>
          %dma_wait3A_261 = tpu.memref_squeeze %dma_wait3A_260 : memref<1x16x1024xf32, #tpu.memory_space<vmem>> -> memref<16x1024xf32, #tpu.memory_space<vmem>>
          tpu.wait_dma2 semaphore(%arg16 : memref<!tpu.dma_semaphore, #tpu.memory_space<semaphore_mem>>) src(%dma_wait3A_261 : memref<16x1024xf32, #tpu.memory_space<vmem>>) dst(%dma_wait3A_257 : memref<16x1024xf32, #tpu.memory_space<hbm>>)
        } else {
        }
        %add3A_208 = arith.constant 1 : i32
        %add3A_209 = arith.addi %add3A_145, %add3A_208 : i32
        %mul3A_210 = arith.constant 16 : i32
        %mul3A_211 = arith.muli %add3A_209, %mul3A_210 : i32
        %dma_start3A_212 = arith.constant 0 : i32
        %dma_start3A_213 = arith.constant 0 : i32
        %dma_start3A_214 = arith.constant 0 : i32
        %dma_start3A_215 = tpu.memref_slice %arg8[%dma_start3A_212, %dma_start3A_213, %dma_start3A_214] : memref<2x16x1024xf32, #tpu.memory_space<vmem>> -> memref<1x16x1024xf32, #tpu.memory_space<vmem>>
        %dma_start3A_216 = tpu.memref_squeeze %dma_start3A_215 : memref<1x16x1024xf32, #tpu.memory_space<vmem>> -> memref<16x1024xf32, #tpu.memory_space<vmem>>
        %dma_start3A_217 = tpu.memref_slice %arg7[%mul3A_211] : memref<2048xi32, #tpu.memory_space<vmem>> -> memref<16xi32, #tpu.memory_space<vmem>>
        %dma_start3A_218 = arith.constant 0 : i32
        %dma_start3A_219 = arith.constant 0 : i32
        %dma_start3A_220 = tpu.memref_slice %arg2[%dma_start3A_218, %dma_start3A_219] : memref<8192x1024xf32, #tpu.memory_space<hbm>> -> memref<8192x1024xf32, #tpu.memory_space<hbm>>
        tpu.enqueue_indirect_dma source(%dma_start3A_220 : memref<8192x1024xf32, #tpu.memory_space<hbm>>) target(%dma_start3A_216 : memref<16x1024xf32, #tpu.memory_space<vmem>>) offsets(%dma_start3A_217 : memref<16xi32, #tpu.memory_space<vmem>>) semaphore(%arg10 : memref<!tpu.dma_semaphore, #tpu.memory_space<semaphore_mem>>)
        %mul3A_221 = arith.constant 16 : i32
        %mul3A_222 = arith.muli %add3A_209, %mul3A_221 : i32
        %dma_start3A_223 = arith.constant 0 : i32
        %dma_start3A_224 = arith.constant 0 : i32
        %dma_start3A_225 = arith.constant 0 : i32
        %dma_start3A_226 = tpu.memref_slice %arg9[%dma_start3A_223, %dma_start3A_224, %dma_start3A_225] : memref<2x16x1024xf32, #tpu.memory_space<vmem>> -> memref<1x16x1024xf32, #tpu.memory_space<vmem>>
        %dma_start3A_227 = tpu.memref_squeeze %dma_start3A_226 : memref<1x16x1024xf32, #tpu.memory_space<vmem>> -> memref<16x1024xf32, #tpu.memory_space<vmem>>
        %dma_start3A_228 = tpu.memref_slice %arg7[%mul3A_222] : memref<2048xi32, #tpu.memory_space<vmem>> -> memref<16xi32, #tpu.memory_space<vmem>>
        %dma_start3A_229 = arith.constant 0 : i32
        %dma_start3A_230 = arith.constant 0 : i32
        %dma_start3A_231 = tpu.memref_slice %arg3[%dma_start3A_229, %dma_start3A_230] : memref<8192x1024xf32, #tpu.memory_space<hbm>> -> memref<8192x1024xf32, #tpu.memory_space<hbm>>
        tpu.enqueue_indirect_dma source(%dma_start3A_231 : memref<8192x1024xf32, #tpu.memory_space<hbm>>) target(%dma_start3A_227 : memref<16x1024xf32, #tpu.memory_space<vmem>>) offsets(%dma_start3A_228 : memref<16xi32, #tpu.memory_space<vmem>>) semaphore(%arg12 : memref<!tpu.dma_semaphore, #tpu.memory_space<semaphore_mem>>)
      } else {
      }
      %mul3A_175 = arith.constant 16 : i32
      %mul3A_176 = arith.muli %add3A_145, %mul3A_175 : i32
      %add3A_177 = arith.addi %mul3A_2, %mul3A_176 : i32
      %dma_start3A_178 = arith.constant 1 : i32
      %dma_start3A_179 = arith.constant 0 : i32
      %dma_start3A_180 = arith.constant 0 : i32
      %dma_start3A_181 = tpu.memref_slice %arg8[%dma_start3A_178, %dma_start3A_179, %dma_start3A_180] : memref<2x16x1024xf32, #tpu.memory_space<vmem>> -> memref<1x16x1024xf32, #tpu.memory_space<vmem>>
      %dma_start3A_182 = tpu.memref_squeeze %dma_start3A_181 : memref<1x16x1024xf32, #tpu.memory_space<vmem>> -> memref<16x1024xf32, #tpu.memory_space<vmem>>
      %dma_start3A_183 = arith.constant 0 : i32
      %dma_start3A_184 = tpu.memref_slice %arg5[%add3A_177, %dma_start3A_183] : memref<65536x1024xf32, #tpu.memory_space<hbm>> -> memref<16x1024xf32, #tpu.memory_space<hbm>>
      %dma_start3A_185 = arith.constant 0 : i32
      %dma_start3A_186 = tpu.memref_slice %arg5[%add3A_177, %dma_start3A_185] : memref<65536x1024xf32, #tpu.memory_space<hbm>> -> memref<16x1024xf32, #tpu.memory_space<hbm>>
      %dma_start3A_187 = arith.constant 0 : i32
      %dma_start3A_188 = arith.constant 0 : i32
      %dma_start3A_189 = tpu.memref_slice %arg8[%dma_start3A_178, %dma_start3A_187, %dma_start3A_188] : memref<2x16x1024xf32, #tpu.memory_space<vmem>> -> memref<1x16x1024xf32, #tpu.memory_space<vmem>>
      %dma_start3A_190 = tpu.memref_squeeze %dma_start3A_189 : memref<1x16x1024xf32, #tpu.memory_space<vmem>> -> memref<16x1024xf32, #tpu.memory_space<vmem>>
      tpu.enqueue_dma source(%dma_start3A_190 : memref<16x1024xf32, #tpu.memory_space<vmem>>) target(%dma_start3A_186 : memref<16x1024xf32, #tpu.memory_space<hbm>>) target_semaphore(%arg15 : memref<!tpu.dma_semaphore, #tpu.memory_space<semaphore_mem>>)
      %dma_start3A_191 = arith.constant 1 : i32
      %dma_start3A_192 = arith.constant 0 : i32
      %dma_start3A_193 = arith.constant 0 : i32
      %dma_start3A_194 = tpu.memref_slice %arg9[%dma_start3A_191, %dma_start3A_192, %dma_start3A_193] : memref<2x16x1024xf32, #tpu.memory_space<vmem>> -> memref<1x16x1024xf32, #tpu.memory_space<vmem>>
      %dma_start3A_195 = tpu.memref_squeeze %dma_start3A_194 : memref<1x16x1024xf32, #tpu.memory_space<vmem>> -> memref<16x1024xf32, #tpu.memory_space<vmem>>
      %dma_start3A_196 = arith.constant 0 : i32
      %dma_start3A_197 = tpu.memref_slice %arg6[%add3A_177, %dma_start3A_196] : memref<65536x1024xf32, #tpu.memory_space<hbm>> -> memref<16x1024xf32, #tpu.memory_space<hbm>>
      %dma_start3A_198 = arith.constant 0 : i32
      %dma_start3A_199 = tpu.memref_slice %arg6[%add3A_177, %dma_start3A_198] : memref<65536x1024xf32, #tpu.memory_space<hbm>> -> memref<16x1024xf32, #tpu.memory_space<hbm>>
      %dma_start3A_200 = arith.constant 0 : i32
      %dma_start3A_201 = arith.constant 0 : i32
      %dma_start3A_202 = tpu.memref_slice %arg9[%dma_start3A_191, %dma_start3A_200, %dma_start3A_201] : memref<2x16x1024xf32, #tpu.memory_space<vmem>> -> memref<1x16x1024xf32, #tpu.memory_space<vmem>>
      %dma_start3A_203 = tpu.memref_squeeze %dma_start3A_202 : memref<1x16x1024xf32, #tpu.memory_space<vmem>> -> memref<16x1024xf32, #tpu.memory_space<vmem>>
      tpu.enqueue_dma source(%dma_start3A_203 : memref<16x1024xf32, #tpu.memory_space<vmem>>) target(%dma_start3A_199 : memref<16x1024xf32, #tpu.memory_space<hbm>>) target_semaphore(%arg17 : memref<!tpu.dma_semaphore, #tpu.memory_space<semaphore_mem>>)
    }
    %scan3A_26 = arith.constant 64 : i32
    %add3A_27 = arith.constant 2016 : i32
    %add3A_28 = arith.addi %mul3A_2, %add3A_27 : i32
    %dma_wait3A = arith.constant 0 : i32
    %dma_wait3A_29 = arith.constant 0 : i32
    %dma_wait3A_30 = arith.constant 0 : i32
    %dma_wait3A_31 = tpu.memref_slice %arg8[%dma_wait3A, %dma_wait3A_29, %dma_wait3A_30] : memref<2x16x1024xf32, #tpu.memory_space<vmem>> -> memref<1x16x1024xf32, #tpu.memory_space<vmem>>
    %dma_wait3A_32 = tpu.memref_squeeze %dma_wait3A_31 : memref<1x16x1024xf32, #tpu.memory_space<vmem>> -> memref<16x1024xf32, #tpu.memory_space<vmem>>
    %dma_wait3A_33 = arith.constant 0 : i32
    %dma_wait3A_34 = tpu.memref_slice %arg5[%add3A_28, %dma_wait3A_33] : memref<65536x1024xf32, #tpu.memory_space<hbm>> -> memref<16x1024xf32, #tpu.memory_space<hbm>>
    %dma_wait3A_35 = arith.constant 0 : i32
    %dma_wait3A_36 = tpu.memref_slice %arg5[%add3A_28, %dma_wait3A_35] : memref<65536x1024xf32, #tpu.memory_space<hbm>> -> memref<16x1024xf32, #tpu.memory_space<hbm>>
    %dma_wait3A_37 = arith.constant 0 : i32
    %dma_wait3A_38 = arith.constant 0 : i32
    %dma_wait3A_39 = tpu.memref_slice %arg8[%dma_wait3A, %dma_wait3A_37, %dma_wait3A_38] : memref<2x16x1024xf32, #tpu.memory_space<vmem>> -> memref<1x16x1024xf32, #tpu.memory_space<vmem>>
    %dma_wait3A_40 = tpu.memref_squeeze %dma_wait3A_39 : memref<1x16x1024xf32, #tpu.memory_space<vmem>> -> memref<16x1024xf32, #tpu.memory_space<vmem>>
    tpu.wait_dma2 semaphore(%arg14 : memref<!tpu.dma_semaphore, #tpu.memory_space<semaphore_mem>>) src(%dma_wait3A_40 : memref<16x1024xf32, #tpu.memory_space<vmem>>) dst(%dma_wait3A_36 : memref<16x1024xf32, #tpu.memory_space<hbm>>)
    %dma_wait3A_41 = arith.constant 0 : i32
    %dma_wait3A_42 = arith.constant 0 : i32
    %dma_wait3A_43 = arith.constant 0 : i32
    %dma_wait3A_44 = tpu.memref_slice %arg9[%dma_wait3A_41, %dma_wait3A_42, %dma_wait3A_43] : memref<2x16x1024xf32, #tpu.memory_space<vmem>> -> memref<1x16x1024xf32, #tpu.memory_space<vmem>>
    %dma_wait3A_45 = tpu.memref_squeeze %dma_wait3A_44 : memref<1x16x1024xf32, #tpu.memory_space<vmem>> -> memref<16x1024xf32, #tpu.memory_space<vmem>>
    %dma_wait3A_46 = arith.constant 0 : i32
    %dma_wait3A_47 = tpu.memref_slice %arg6[%add3A_28, %dma_wait3A_46] : memref<65536x1024xf32, #tpu.memory_space<hbm>> -> memref<16x1024xf32, #tpu.memory_space<hbm>>
    %dma_wait3A_48 = arith.constant 0 : i32
    %dma_wait3A_49 = tpu.memref_slice %arg6[%add3A_28, %dma_wait3A_48] : memref<65536x1024xf32, #tpu.memory_space<hbm>> -> memref<16x1024xf32, #tpu.memory_space<hbm>>
    %dma_wait3A_50 = arith.constant 0 : i32
    %dma_wait3A_51 = arith.constant 0 : i32
    %dma_wait3A_52 = tpu.memref_slice %arg9[%dma_wait3A_41, %dma_wait3A_50, %dma_wait3A_51] : memref<2x16x1024xf32, #tpu.memory_space<vmem>> -> memref<1x16x1024xf32, #tpu.memory_space<vmem>>
    %dma_wait3A_53 = tpu.memref_squeeze %dma_wait3A_52 : memref<1x16x1024xf32, #tpu.memory_space<vmem>> -> memref<16x1024xf32, #tpu.memory_space<vmem>>
    tpu.wait_dma2 semaphore(%arg16 : memref<!tpu.dma_semaphore, #tpu.memory_space<semaphore_mem>>) src(%dma_wait3A_53 : memref<16x1024xf32, #tpu.memory_space<vmem>>) dst(%dma_wait3A_49 : memref<16x1024xf32, #tpu.memory_space<hbm>>)
    %add3A_54 = arith.constant 2032 : i32
    %add3A_55 = arith.addi %mul3A_2, %add3A_54 : i32
    %dma_wait3A_56 = arith.constant 1 : i32
    %dma_wait3A_57 = arith.constant 0 : i32
    %dma_wait3A_58 = arith.constant 0 : i32
    %dma_wait3A_59 = tpu.memref_slice %arg8[%dma_wait3A_56, %dma_wait3A_57, %dma_wait3A_58] : memref<2x16x1024xf32, #tpu.memory_space<vmem>> -> memref<1x16x1024xf32, #tpu.memory_space<vmem>>
    %dma_wait3A_60 = tpu.memref_squeeze %dma_wait3A_59 : memref<1x16x1024xf32, #tpu.memory_space<vmem>> -> memref<16x1024xf32, #tpu.memory_space<vmem>>
    %dma_wait3A_61 = arith.constant 0 : i32
    %dma_wait3A_62 = tpu.memref_slice %arg5[%add3A_55, %dma_wait3A_61] : memref<65536x1024xf32, #tpu.memory_space<hbm>> -> memref<16x1024xf32, #tpu.memory_space<hbm>>
    %dma_wait3A_63 = arith.constant 0 : i32
    %dma_wait3A_64 = tpu.memref_slice %arg5[%add3A_55, %dma_wait3A_63] : memref<65536x1024xf32, #tpu.memory_space<hbm>> -> memref<16x1024xf32, #tpu.memory_space<hbm>>
    %dma_wait3A_65 = arith.constant 0 : i32
    %dma_wait3A_66 = arith.constant 0 : i32
    %dma_wait3A_67 = tpu.memref_slice %arg8[%dma_wait3A_56, %dma_wait3A_65, %dma_wait3A_66] : memref<2x16x1024xf32, #tpu.memory_space<vmem>> -> memref<1x16x1024xf32, #tpu.memory_space<vmem>>
    %dma_wait3A_68 = tpu.memref_squeeze %dma_wait3A_67 : memref<1x16x1024xf32, #tpu.memory_space<vmem>> -> memref<16x1024xf32, #tpu.memory_space<vmem>>
    tpu.wait_dma2 semaphore(%arg15 : memref<!tpu.dma_semaphore, #tpu.memory_space<semaphore_mem>>) src(%dma_wait3A_68 : memref<16x1024xf32, #tpu.memory_space<vmem>>) dst(%dma_wait3A_64 : memref<16x1024xf32, #tpu.memory_space<hbm>>)
    %dma_wait3A_69 = arith.constant 1 : i32
    %dma_wait3A_70 = arith.constant 0 : i32
    %dma_wait3A_71 = arith.constant 0 : i32
    %dma_wait3A_72 = tpu.memref_slice %arg9[%dma_wait3A_69, %dma_wait3A_70, %dma_wait3A_71] : memref<2x16x1024xf32, #tpu.memory_space<vmem>> -> memref<1x16x1024xf32, #tpu.memory_space<vmem>>
    %dma_wait3A_73 = tpu.memref_squeeze %dma_wait3A_72 : memref<1x16x1024xf32, #tpu.memory_space<vmem>> -> memref<16x1024xf32, #tpu.memory_space<vmem>>
    %dma_wait3A_74 = arith.constant 0 : i32
    %dma_wait3A_75 = tpu.memref_slice %arg6[%add3A_55, %dma_wait3A_74] : memref<65536x1024xf32, #tpu.memory_space<hbm>> -> memref<16x1024xf32, #tpu.memory_space<hbm>>
    %dma_wait3A_76 = arith.constant 0 : i32
    %dma_wait3A_77 = tpu.memref_slice %arg6[%add3A_55, %dma_wait3A_76] : memref<65536x1024xf32, #tpu.memory_space<hbm>> -> memref<16x1024xf32, #tpu.memory_space<hbm>>
    %dma_wait3A_78 = arith.constant 0 : i32
    %dma_wait3A_79 = arith.constant 0 : i32
    %dma_wait3A_80 = tpu.memref_slice %arg9[%dma_wait3A_69, %dma_wait3A_78, %dma_wait3A_79] : memref<2x16x1024xf32, #tpu.memory_space<vmem>> -> memref<1x16x1024xf32, #tpu.memory_space<vmem>>
    %dma_wait3A_81 = tpu.memref_squeeze %dma_wait3A_80 : memref<1x16x1024xf32, #tpu.memory_space<vmem>> -> memref<16x1024xf32, #tpu.memory_space<vmem>>
    tpu.wait_dma2 semaphore(%arg17 : memref<!tpu.dma_semaphore, #tpu.memory_space<semaphore_mem>>) src(%dma_wait3A_81 : memref<16x1024xf32, #tpu.memory_space<vmem>>) dst(%dma_wait3A_77 : memref<16x1024xf32, #tpu.memory_space<hbm>>)
    return
  }
}

module attributes {stable_mosaic.version = 14 : i64} {
  func.func @_hash_kernel(%arg0: i32, %arg1: i32, %arg2: memref<1x512x1024xf32, #tpu.memory_space<vmem>>, %arg3: memref<1x1024x256xf32, #tpu.memory_space<vmem>>, %arg4: memref<1x8x512xi32, #tpu.memory_space<vmem>>, %arg5: memref<1x8x512xi32, #tpu.memory_space<vmem>>) attributes {dimension_semantics = [#tpu.dimension_semantics<arbitrary>, #tpu.dimension_semantics<arbitrary>], iteration_bounds = array<i64: 2, 8>, scalar_prefetch = 0 : i64, scratch_operands = 0 : i64, tpu.core_type = #tpu.core_type<tc>, window_params = [{transform_indices = @transform_0, window_bounds = array<i64: 1, 512, 1024>}, {transform_indices = @transform_1, window_bounds = array<i64: 1, 1024, 256>}, {transform_indices = @transform_2, window_bounds = array<i64: 1, 8, 512>}, {transform_indices = @transform_3, window_bounds = array<i64: 1, 8, 512>}]} {
    %get3A = arith.constant 0 : index
    %get3A_0 = arith.constant 0 : index
    %get3A_1 = arith.constant 0 : index
    %get3A_2 = vector.load %arg2[%get3A, %get3A_0, %get3A_1] : memref<1x512x1024xf32, #tpu.memory_space<vmem>>, vector<1x512x1024xf32>
    %get3A_3 = vector.shape_cast %get3A_2 : vector<1x512x1024xf32> to vector<512x1024xf32>
    %get3A_4 = arith.constant 0 : index
    %get3A_5 = arith.constant 0 : index
    %get3A_6 = arith.constant 0 : index
    %get3A_7 = vector.load %arg3[%get3A_4, %get3A_5, %get3A_6] : memref<1x1024x256xf32, #tpu.memory_space<vmem>>, vector<1x1024x256xf32>
    %get3A_8 = vector.shape_cast %get3A_7 : vector<1x1024x256xf32> to vector<1024x256xf32>
    %dot_general3A = arith.constant dense<0.000000e+00> : vector<512x256xf32>
    %dot_general3A_9 = tpu.matmul %get3A_3, %get3A_8, %dot_general3A {dimension_numbers = #tpu.dot_dimension_numbers<[1], [0], [0], [1], [0, 0, 1, 1], [], []>, transpose_lhs_hint = false} : vector<512x1024xf32>, vector<1024x256xf32>, vector<512x256xf32> -> vector<512x256xf32>
    %iota3A = tpu.iota {dimensions = array<i32: 1>} : vector<512x32xi32>
    %mul3A = arith.constant 512 : i32
    %mul3A_10 = arith.muli %arg1, %mul3A : i32
    %iota3A_11 = tpu.iota {dimensions = array<i32: 1>} : vector<1x512xi32>
    %iota3A_12 = vector.shape_cast %iota3A_11 : vector<1x512xi32> to vector<512xi32>
    %add3A = vector.broadcast %mul3A_10 : i32 to vector<512xi32>
    %add3A_13 = arith.addi %add3A, %iota3A_12 : vector<512xi32>
    %slice3A = vector.extract_strided_slice %dot_general3A_9 {offsets = [0, 0], sizes = [512, 32], strides = [1, 1]} : vector<512x256xf32> to vector<512x32xf32>
    %reduce_max3A = arith.constant dense<0xFF800000> : vector<512xf32>
    %reduce_max3A_14 = vector.multi_reduction <maximumf>, %slice3A, %reduce_max3A [1] : vector<512x32xf32> to vector<512xf32>
    %broadcast_in_dim3A = vector.shape_cast %reduce_max3A_14 : vector<512xf32> to vector<512x1xf32>
    %reduce_min3A = arith.constant dense<0x7F800000> : vector<512xf32>
    %reduce_min3A_15 = vector.multi_reduction <minimumf>, %slice3A, %reduce_min3A [1] : vector<512x32xf32> to vector<512xf32>
    %broadcast_in_dim3A_16 = vector.shape_cast %reduce_min3A_15 : vector<512xf32> to vector<512x1xf32>
    %eq3A = vector.broadcast %broadcast_in_dim3A : vector<512x1xf32> to vector<512x32xf32>
    %eq3A_17 = arith.cmpf oeq, %slice3A, %eq3A : vector<512x32xf32>
    %jit3A = arith.constant 64 : i32
    %broadcast_in_dim3A_18 = vector.broadcast %jit3A : i32 to vector<512x32xi32>
    %select_n3A = arith.select %eq3A_17, %iota3A, %broadcast_in_dim3A_18 : vector<512x32xi1>, vector<512x32xi32>
    %reduce_min3A_19 = arith.constant dense<2147483647> : vector<512xi32>
    %reduce_min3A_20 = vector.multi_reduction <minsi>, %select_n3A, %reduce_min3A_19 [1] : vector<512x32xi32> to vector<512xi32>
    %eq3A_21 = vector.broadcast %broadcast_in_dim3A_16 : vector<512x1xf32> to vector<512x32xf32>
    %eq3A_22 = arith.cmpf oeq, %slice3A, %eq3A_21 : vector<512x32xf32>
    %jit3A_23 = arith.constant 64 : i32
    %broadcast_in_dim3A_24 = vector.broadcast %jit3A_23 : i32 to vector<512x32xi32>
    %select_n3A_25 = arith.select %eq3A_22, %iota3A, %broadcast_in_dim3A_24 : vector<512x32xi1>, vector<512x32xi32>
    %reduce_min3A_26 = arith.constant dense<2147483647> : vector<512xi32>
    %reduce_min3A_27 = vector.multi_reduction <minsi>, %select_n3A_25, %reduce_min3A_26 [1] : vector<512x32xi32> to vector<512xi32>
    %squeeze3A = vector.shape_cast %broadcast_in_dim3A : vector<512x1xf32> to vector<512xf32>
    %squeeze3A_28 = vector.shape_cast %broadcast_in_dim3A_16 : vector<512x1xf32> to vector<512xf32>
    %neg3A = arith.constant 0.000000e+00 : f32
    %neg3A_29 = vector.broadcast %neg3A : f32 to vector<512xf32>
    %neg3A_30 = arith.subf %neg3A_29, %squeeze3A_28 : vector<512xf32>
    %ge3A = arith.cmpf oge, %squeeze3A, %neg3A_30 : vector<512xf32>
    %add3A_31 = arith.constant 32 : i32
    %add3A_32 = vector.broadcast %add3A_31 : i32 to vector<512xi32>
    %add3A_33 = arith.addi %add3A_32, %reduce_min3A_27 : vector<512xi32>
    %select_n3A_34 = arith.select %ge3A, %reduce_min3A_20, %add3A_33 : vector<512xi1>, vector<512xi32>
    %add3A_35 = arith.constant 0 : i32
    %add3A_36 = vector.broadcast %add3A_35 : i32 to vector<512xi32>
    %add3A_37 = arith.addi %select_n3A_34, %add3A_36 : vector<512xi32>
    %swap3A = arith.constant 0 : index
    %swap3A_38 = arith.constant 0 : index
    %swap3A_39 = arith.constant 0 : index
    %swap3A_40 = vector.load %arg4[%swap3A, %swap3A_38, %swap3A_39] : memref<1x8x512xi32, #tpu.memory_space<vmem>>, vector<1x1x512xi32>
    %swap3A_41 = vector.shape_cast %swap3A_40 : vector<1x1x512xi32> to vector<512xi32>
    %swap3A_42 = vector.shape_cast %add3A_37 : vector<512xi32> to vector<1x1x512xi32>
    tpu.vector_store %arg4[%swap3A, %swap3A_38, %swap3A_39], %swap3A_42 {strides = array<i32>} : memref<1x8x512xi32, #tpu.memory_space<vmem>>, vector<1x1x512xi32>,
    %mul3A_43 = arith.constant 4096 : i32
    %mul3A_44 = vector.broadcast %mul3A_43 : i32 to vector<512xi32>
    %mul3A_45 = arith.muli %select_n3A_34, %mul3A_44 : vector<512xi32>
    %add3A_46 = arith.addi %mul3A_45, %add3A_13 : vector<512xi32>
    %swap3A_47 = arith.constant 0 : index
    %swap3A_48 = arith.constant 0 : index
    %swap3A_49 = arith.constant 0 : index
    %swap3A_50 = vector.load %arg5[%swap3A_47, %swap3A_48, %swap3A_49] : memref<1x8x512xi32, #tpu.memory_space<vmem>>, vector<1x1x512xi32>
    %swap3A_51 = vector.shape_cast %swap3A_50 : vector<1x1x512xi32> to vector<512xi32>
    %swap3A_52 = vector.shape_cast %add3A_46 : vector<512xi32> to vector<1x1x512xi32>
    tpu.vector_store %arg5[%swap3A_47, %swap3A_48, %swap3A_49], %swap3A_52 {strides = array<i32>} : memref<1x8x512xi32, #tpu.memory_space<vmem>>, vector<1x1x512xi32>,
    %slice3A_53 = vector.extract_strided_slice %dot_general3A_9 {offsets = [0, 32], sizes = [512, 32], strides = [1, 1]} : vector<512x256xf32> to vector<512x32xf32>
    %reduce_max3A_54 = arith.constant dense<0xFF800000> : vector<512xf32>
    %reduce_max3A_55 = vector.multi_reduction <maximumf>, %slice3A_53, %reduce_max3A_54 [1] : vector<512x32xf32> to vector<512xf32>
    %broadcast_in_dim3A_56 = vector.shape_cast %reduce_max3A_55 : vector<512xf32> to vector<512x1xf32>
    %reduce_min3A_57 = arith.constant dense<0x7F800000> : vector<512xf32>
    %reduce_min3A_58 = vector.multi_reduction <minimumf>, %slice3A_53, %reduce_min3A_57 [1] : vector<512x32xf32> to vector<512xf32>
    %broadcast_in_dim3A_59 = vector.shape_cast %reduce_min3A_58 : vector<512xf32> to vector<512x1xf32>
    %eq3A_60 = vector.broadcast %broadcast_in_dim3A_56 : vector<512x1xf32> to vector<512x32xf32>
    %eq3A_61 = arith.cmpf oeq, %slice3A_53, %eq3A_60 : vector<512x32xf32>
    %jit3A_62 = arith.constant 64 : i32
    %broadcast_in_dim3A_63 = vector.broadcast %jit3A_62 : i32 to vector<512x32xi32>
    %select_n3A_64 = arith.select %eq3A_61, %iota3A, %broadcast_in_dim3A_63 : vector<512x32xi1>, vector<512x32xi32>
    %reduce_min3A_65 = arith.constant dense<2147483647> : vector<512xi32>
    %reduce_min3A_66 = vector.multi_reduction <minsi>, %select_n3A_64, %reduce_min3A_65 [1] : vector<512x32xi32> to vector<512xi32>
    %eq3A_67 = vector.broadcast %broadcast_in_dim3A_59 : vector<512x1xf32> to vector<512x32xf32>
    %eq3A_68 = arith.cmpf oeq, %slice3A_53, %eq3A_67 : vector<512x32xf32>
    %jit3A_69 = arith.constant 64 : i32
    %broadcast_in_dim3A_70 = vector.broadcast %jit3A_69 : i32 to vector<512x32xi32>
    %select_n3A_71 = arith.select %eq3A_68, %iota3A, %broadcast_in_dim3A_70 : vector<512x32xi1>, vector<512x32xi32>
    %reduce_min3A_72 = arith.constant dense<2147483647> : vector<512xi32>
    %reduce_min3A_73 = vector.multi_reduction <minsi>, %select_n3A_71, %reduce_min3A_72 [1] : vector<512x32xi32> to vector<512xi32>
    %squeeze3A_74 = vector.shape_cast %broadcast_in_dim3A_56 : vector<512x1xf32> to vector<512xf32>
    %squeeze3A_75 = vector.shape_cast %broadcast_in_dim3A_59 : vector<512x1xf32> to vector<512xf32>
    %neg3A_76 = arith.constant 0.000000e+00 : f32
    %neg3A_77 = vector.broadcast %neg3A_76 : f32 to vector<512xf32>
    %neg3A_78 = arith.subf %neg3A_77, %squeeze3A_75 : vector<512xf32>
    %ge3A_79 = arith.cmpf oge, %squeeze3A_74, %neg3A_78 : vector<512xf32>
    %add3A_80 = arith.constant 32 : i32
    %add3A_81 = vector.broadcast %add3A_80 : i32 to vector<512xi32>
    %add3A_82 = arith.addi %add3A_81, %reduce_min3A_73 : vector<512xi32>
    %select_n3A_83 = arith.select %ge3A_79, %reduce_min3A_66, %add3A_82 : vector<512xi1>, vector<512xi32>
    %add3A_84 = arith.constant 64 : i32
    %add3A_85 = vector.broadcast %add3A_84 : i32 to vector<512xi32>
    %add3A_86 = arith.addi %select_n3A_83, %add3A_85 : vector<512xi32>
    %swap3A_87 = arith.constant 0 : index
    %swap3A_88 = arith.constant 1 : index
    %swap3A_89 = arith.constant 0 : index
    %swap3A_90 = vector.load %arg4[%swap3A_87, %swap3A_88, %swap3A_89] : memref<1x8x512xi32, #tpu.memory_space<vmem>>, vector<1x1x512xi32>
    %swap3A_91 = vector.shape_cast %swap3A_90 : vector<1x1x512xi32> to vector<512xi32>
    %swap3A_92 = vector.shape_cast %add3A_86 : vector<512xi32> to vector<1x1x512xi32>
    tpu.vector_store %arg4[%swap3A_87, %swap3A_88, %swap3A_89], %swap3A_92 {strides = array<i32>} : memref<1x8x512xi32, #tpu.memory_space<vmem>>, vector<1x1x512xi32>,
    %mul3A_93 = arith.constant 4096 : i32
    %mul3A_94 = vector.broadcast %mul3A_93 : i32 to vector<512xi32>
    %mul3A_95 = arith.muli %select_n3A_83, %mul3A_94 : vector<512xi32>
    %add3A_96 = arith.addi %mul3A_95, %add3A_13 : vector<512xi32>
    %swap3A_97 = arith.constant 0 : index
    %swap3A_98 = arith.constant 1 : index
    %swap3A_99 = arith.constant 0 : index
    %swap3A_100 = vector.load %arg5[%swap3A_97, %swap3A_98, %swap3A_99] : memref<1x8x512xi32, #tpu.memory_space<vmem>>, vector<1x1x512xi32>
    %swap3A_101 = vector.shape_cast %swap3A_100 : vector<1x1x512xi32> to vector<512xi32>
    %swap3A_102 = vector.shape_cast %add3A_96 : vector<512xi32> to vector<1x1x512xi32>
    tpu.vector_store %arg5[%swap3A_97, %swap3A_98, %swap3A_99], %swap3A_102 {strides = array<i32>} : memref<1x8x512xi32, #tpu.memory_space<vmem>>, vector<1x1x512xi32>,
    %slice3A_103 = vector.extract_strided_slice %dot_general3A_9 {offsets = [0, 64], sizes = [512, 32], strides = [1, 1]} : vector<512x256xf32> to vector<512x32xf32>
    %reduce_max3A_104 = arith.constant dense<0xFF800000> : vector<512xf32>
    %reduce_max3A_105 = vector.multi_reduction <maximumf>, %slice3A_103, %reduce_max3A_104 [1] : vector<512x32xf32> to vector<512xf32>
    %broadcast_in_dim3A_106 = vector.shape_cast %reduce_max3A_105 : vector<512xf32> to vector<512x1xf32>
    %reduce_min3A_107 = arith.constant dense<0x7F800000> : vector<512xf32>
    %reduce_min3A_108 = vector.multi_reduction <minimumf>, %slice3A_103, %reduce_min3A_107 [1] : vector<512x32xf32> to vector<512xf32>
    %broadcast_in_dim3A_109 = vector.shape_cast %reduce_min3A_108 : vector<512xf32> to vector<512x1xf32>
    %eq3A_110 = vector.broadcast %broadcast_in_dim3A_106 : vector<512x1xf32> to vector<512x32xf32>
    %eq3A_111 = arith.cmpf oeq, %slice3A_103, %eq3A_110 : vector<512x32xf32>
    %jit3A_112 = arith.constant 64 : i32
    %broadcast_in_dim3A_113 = vector.broadcast %jit3A_112 : i32 to vector<512x32xi32>
    %select_n3A_114 = arith.select %eq3A_111, %iota3A, %broadcast_in_dim3A_113 : vector<512x32xi1>, vector<512x32xi32>
    %reduce_min3A_115 = arith.constant dense<2147483647> : vector<512xi32>
    %reduce_min3A_116 = vector.multi_reduction <minsi>, %select_n3A_114, %reduce_min3A_115 [1] : vector<512x32xi32> to vector<512xi32>
    %eq3A_117 = vector.broadcast %broadcast_in_dim3A_109 : vector<512x1xf32> to vector<512x32xf32>
    %eq3A_118 = arith.cmpf oeq, %slice3A_103, %eq3A_117 : vector<512x32xf32>
    %jit3A_119 = arith.constant 64 : i32
    %broadcast_in_dim3A_120 = vector.broadcast %jit3A_119 : i32 to vector<512x32xi32>
    %select_n3A_121 = arith.select %eq3A_118, %iota3A, %broadcast_in_dim3A_120 : vector<512x32xi1>, vector<512x32xi32>
    %reduce_min3A_122 = arith.constant dense<2147483647> : vector<512xi32>
    %reduce_min3A_123 = vector.multi_reduction <minsi>, %select_n3A_121, %reduce_min3A_122 [1] : vector<512x32xi32> to vector<512xi32>
    %squeeze3A_124 = vector.shape_cast %broadcast_in_dim3A_106 : vector<512x1xf32> to vector<512xf32>
    %squeeze3A_125 = vector.shape_cast %broadcast_in_dim3A_109 : vector<512x1xf32> to vector<512xf32>
    %neg3A_126 = arith.constant 0.000000e+00 : f32
    %neg3A_127 = vector.broadcast %neg3A_126 : f32 to vector<512xf32>
    %neg3A_128 = arith.subf %neg3A_127, %squeeze3A_125 : vector<512xf32>
    %ge3A_129 = arith.cmpf oge, %squeeze3A_124, %neg3A_128 : vector<512xf32>
    %add3A_130 = arith.constant 32 : i32
    %add3A_131 = vector.broadcast %add3A_130 : i32 to vector<512xi32>
    %add3A_132 = arith.addi %add3A_131, %reduce_min3A_123 : vector<512xi32>
    %select_n3A_133 = arith.select %ge3A_129, %reduce_min3A_116, %add3A_132 : vector<512xi1>, vector<512xi32>
    %add3A_134 = arith.constant 128 : i32
    %add3A_135 = vector.broadcast %add3A_134 : i32 to vector<512xi32>
    %add3A_136 = arith.addi %select_n3A_133, %add3A_135 : vector<512xi32>
    %swap3A_137 = arith.constant 0 : index
    %swap3A_138 = arith.constant 2 : index
    %swap3A_139 = arith.constant 0 : index
    %swap3A_140 = vector.load %arg4[%swap3A_137, %swap3A_138, %swap3A_139] : memref<1x8x512xi32, #tpu.memory_space<vmem>>, vector<1x1x512xi32>
    %swap3A_141 = vector.shape_cast %swap3A_140 : vector<1x1x512xi32> to vector<512xi32>
    %swap3A_142 = vector.shape_cast %add3A_136 : vector<512xi32> to vector<1x1x512xi32>
    tpu.vector_store %arg4[%swap3A_137, %swap3A_138, %swap3A_139], %swap3A_142 {strides = array<i32>} : memref<1x8x512xi32, #tpu.memory_space<vmem>>, vector<1x1x512xi32>,
    %mul3A_143 = arith.constant 4096 : i32
    %mul3A_144 = vector.broadcast %mul3A_143 : i32 to vector<512xi32>
    %mul3A_145 = arith.muli %select_n3A_133, %mul3A_144 : vector<512xi32>
    %add3A_146 = arith.addi %mul3A_145, %add3A_13 : vector<512xi32>
    %swap3A_147 = arith.constant 0 : index
    %swap3A_148 = arith.constant 2 : index
    %swap3A_149 = arith.constant 0 : index
    %swap3A_150 = vector.load %arg5[%swap3A_147, %swap3A_148, %swap3A_149] : memref<1x8x512xi32, #tpu.memory_space<vmem>>, vector<1x1x512xi32>
    %swap3A_151 = vector.shape_cast %swap3A_150 : vector<1x1x512xi32> to vector<512xi32>
    %swap3A_152 = vector.shape_cast %add3A_146 : vector<512xi32> to vector<1x1x512xi32>
    tpu.vector_store %arg5[%swap3A_147, %swap3A_148, %swap3A_149], %swap3A_152 {strides = array<i32>} : memref<1x8x512xi32, #tpu.memory_space<vmem>>, vector<1x1x512xi32>,
    %slice3A_153 = vector.extract_strided_slice %dot_general3A_9 {offsets = [0, 96], sizes = [512, 32], strides = [1, 1]} : vector<512x256xf32> to vector<512x32xf32>
    %reduce_max3A_154 = arith.constant dense<0xFF800000> : vector<512xf32>
    %reduce_max3A_155 = vector.multi_reduction <maximumf>, %slice3A_153, %reduce_max3A_154 [1] : vector<512x32xf32> to vector<512xf32>
    %broadcast_in_dim3A_156 = vector.shape_cast %reduce_max3A_155 : vector<512xf32> to vector<512x1xf32>
    %reduce_min3A_157 = arith.constant dense<0x7F800000> : vector<512xf32>
    %reduce_min3A_158 = vector.multi_reduction <minimumf>, %slice3A_153, %reduce_min3A_157 [1] : vector<512x32xf32> to vector<512xf32>
    %broadcast_in_dim3A_159 = vector.shape_cast %reduce_min3A_158 : vector<512xf32> to vector<512x1xf32>
    %eq3A_160 = vector.broadcast %broadcast_in_dim3A_156 : vector<512x1xf32> to vector<512x32xf32>
    %eq3A_161 = arith.cmpf oeq, %slice3A_153, %eq3A_160 : vector<512x32xf32>
    %jit3A_162 = arith.constant 64 : i32
    %broadcast_in_dim3A_163 = vector.broadcast %jit3A_162 : i32 to vector<512x32xi32>
    %select_n3A_164 = arith.select %eq3A_161, %iota3A, %broadcast_in_dim3A_163 : vector<512x32xi1>, vector<512x32xi32>
    %reduce_min3A_165 = arith.constant dense<2147483647> : vector<512xi32>
    %reduce_min3A_166 = vector.multi_reduction <minsi>, %select_n3A_164, %reduce_min3A_165 [1] : vector<512x32xi32> to vector<512xi32>
    %eq3A_167 = vector.broadcast %broadcast_in_dim3A_159 : vector<512x1xf32> to vector<512x32xf32>
    %eq3A_168 = arith.cmpf oeq, %slice3A_153, %eq3A_167 : vector<512x32xf32>
    %jit3A_169 = arith.constant 64 : i32
    %broadcast_in_dim3A_170 = vector.broadcast %jit3A_169 : i32 to vector<512x32xi32>
    %select_n3A_171 = arith.select %eq3A_168, %iota3A, %broadcast_in_dim3A_170 : vector<512x32xi1>, vector<512x32xi32>
    %reduce_min3A_172 = arith.constant dense<2147483647> : vector<512xi32>
    %reduce_min3A_173 = vector.multi_reduction <minsi>, %select_n3A_171, %reduce_min3A_172 [1] : vector<512x32xi32> to vector<512xi32>
    %squeeze3A_174 = vector.shape_cast %broadcast_in_dim3A_156 : vector<512x1xf32> to vector<512xf32>
    %squeeze3A_175 = vector.shape_cast %broadcast_in_dim3A_159 : vector<512x1xf32> to vector<512xf32>
    %neg3A_176 = arith.constant 0.000000e+00 : f32
    %neg3A_177 = vector.broadcast %neg3A_176 : f32 to vector<512xf32>
    %neg3A_178 = arith.subf %neg3A_177, %squeeze3A_175 : vector<512xf32>
    %ge3A_179 = arith.cmpf oge, %squeeze3A_174, %neg3A_178 : vector<512xf32>
    %add3A_180 = arith.constant 32 : i32
    %add3A_181 = vector.broadcast %add3A_180 : i32 to vector<512xi32>
    %add3A_182 = arith.addi %add3A_181, %reduce_min3A_173 : vector<512xi32>
    %select_n3A_183 = arith.select %ge3A_179, %reduce_min3A_166, %add3A_182 : vector<512xi1>, vector<512xi32>
    %add3A_184 = arith.constant 192 : i32
    %add3A_185 = vector.broadcast %add3A_184 : i32 to vector<512xi32>
    %add3A_186 = arith.addi %select_n3A_183, %add3A_185 : vector<512xi32>
    %swap3A_187 = arith.constant 0 : index
    %swap3A_188 = arith.constant 3 : index
    %swap3A_189 = arith.constant 0 : index
    %swap3A_190 = vector.load %arg4[%swap3A_187, %swap3A_188, %swap3A_189] : memref<1x8x512xi32, #tpu.memory_space<vmem>>, vector<1x1x512xi32>
    %swap3A_191 = vector.shape_cast %swap3A_190 : vector<1x1x512xi32> to vector<512xi32>
    %swap3A_192 = vector.shape_cast %add3A_186 : vector<512xi32> to vector<1x1x512xi32>
    tpu.vector_store %arg4[%swap3A_187, %swap3A_188, %swap3A_189], %swap3A_192 {strides = array<i32>} : memref<1x8x512xi32, #tpu.memory_space<vmem>>, vector<1x1x512xi32>,
    %mul3A_193 = arith.constant 4096 : i32
    %mul3A_194 = vector.broadcast %mul3A_193 : i32 to vector<512xi32>
    %mul3A_195 = arith.muli %select_n3A_183, %mul3A_194 : vector<512xi32>
    %add3A_196 = arith.addi %mul3A_195, %add3A_13 : vector<512xi32>
    %swap3A_197 = arith.constant 0 : index
    %swap3A_198 = arith.constant 3 : index
    %swap3A_199 = arith.constant 0 : index
    %swap3A_200 = vector.load %arg5[%swap3A_197, %swap3A_198, %swap3A_199] : memref<1x8x512xi32, #tpu.memory_space<vmem>>, vector<1x1x512xi32>
    %swap3A_201 = vector.shape_cast %swap3A_200 : vector<1x1x512xi32> to vector<512xi32>
    %swap3A_202 = vector.shape_cast %add3A_196 : vector<512xi32> to vector<1x1x512xi32>
    tpu.vector_store %arg5[%swap3A_197, %swap3A_198, %swap3A_199], %swap3A_202 {strides = array<i32>} : memref<1x8x512xi32, #tpu.memory_space<vmem>>, vector<1x1x512xi32>,
    %slice3A_203 = vector.extract_strided_slice %dot_general3A_9 {offsets = [0, 128], sizes = [512, 32], strides = [1, 1]} : vector<512x256xf32> to vector<512x32xf32>
    %reduce_max3A_204 = arith.constant dense<0xFF800000> : vector<512xf32>
    %reduce_max3A_205 = vector.multi_reduction <maximumf>, %slice3A_203, %reduce_max3A_204 [1] : vector<512x32xf32> to vector<512xf32>
    %broadcast_in_dim3A_206 = vector.shape_cast %reduce_max3A_205 : vector<512xf32> to vector<512x1xf32>
    %reduce_min3A_207 = arith.constant dense<0x7F800000> : vector<512xf32>
    %reduce_min3A_208 = vector.multi_reduction <minimumf>, %slice3A_203, %reduce_min3A_207 [1] : vector<512x32xf32> to vector<512xf32>
    %broadcast_in_dim3A_209 = vector.shape_cast %reduce_min3A_208 : vector<512xf32> to vector<512x1xf32>
    %eq3A_210 = vector.broadcast %broadcast_in_dim3A_206 : vector<512x1xf32> to vector<512x32xf32>
    %eq3A_211 = arith.cmpf oeq, %slice3A_203, %eq3A_210 : vector<512x32xf32>
    %jit3A_212 = arith.constant 64 : i32
    %broadcast_in_dim3A_213 = vector.broadcast %jit3A_212 : i32 to vector<512x32xi32>
    %select_n3A_214 = arith.select %eq3A_211, %iota3A, %broadcast_in_dim3A_213 : vector<512x32xi1>, vector<512x32xi32>
    %reduce_min3A_215 = arith.constant dense<2147483647> : vector<512xi32>
    %reduce_min3A_216 = vector.multi_reduction <minsi>, %select_n3A_214, %reduce_min3A_215 [1] : vector<512x32xi32> to vector<512xi32>
    %eq3A_217 = vector.broadcast %broadcast_in_dim3A_209 : vector<512x1xf32> to vector<512x32xf32>
    %eq3A_218 = arith.cmpf oeq, %slice3A_203, %eq3A_217 : vector<512x32xf32>
    %jit3A_219 = arith.constant 64 : i32
    %broadcast_in_dim3A_220 = vector.broadcast %jit3A_219 : i32 to vector<512x32xi32>
    %select_n3A_221 = arith.select %eq3A_218, %iota3A, %broadcast_in_dim3A_220 : vector<512x32xi1>, vector<512x32xi32>
    %reduce_min3A_222 = arith.constant dense<2147483647> : vector<512xi32>
    %reduce_min3A_223 = vector.multi_reduction <minsi>, %select_n3A_221, %reduce_min3A_222 [1] : vector<512x32xi32> to vector<512xi32>
    %squeeze3A_224 = vector.shape_cast %broadcast_in_dim3A_206 : vector<512x1xf32> to vector<512xf32>
    %squeeze3A_225 = vector.shape_cast %broadcast_in_dim3A_209 : vector<512x1xf32> to vector<512xf32>
    %neg3A_226 = arith.constant 0.000000e+00 : f32
    %neg3A_227 = vector.broadcast %neg3A_226 : f32 to vector<512xf32>
    %neg3A_228 = arith.subf %neg3A_227, %squeeze3A_225 : vector<512xf32>
    %ge3A_229 = arith.cmpf oge, %squeeze3A_224, %neg3A_228 : vector<512xf32>
    %add3A_230 = arith.constant 32 : i32
    %add3A_231 = vector.broadcast %add3A_230 : i32 to vector<512xi32>
    %add3A_232 = arith.addi %add3A_231, %reduce_min3A_223 : vector<512xi32>
    %select_n3A_233 = arith.select %ge3A_229, %reduce_min3A_216, %add3A_232 : vector<512xi1>, vector<512xi32>
    %add3A_234 = arith.constant 256 : i32
    %add3A_235 = vector.broadcast %add3A_234 : i32 to vector<512xi32>
    %add3A_236 = arith.addi %select_n3A_233, %add3A_235 : vector<512xi32>
    %swap3A_237 = arith.constant 0 : index
    %swap3A_238 = arith.constant 4 : index
    %swap3A_239 = arith.constant 0 : index
    %swap3A_240 = vector.load %arg4[%swap3A_237, %swap3A_238, %swap3A_239] : memref<1x8x512xi32, #tpu.memory_space<vmem>>, vector<1x1x512xi32>
    %swap3A_241 = vector.shape_cast %swap3A_240 : vector<1x1x512xi32> to vector<512xi32>
    %swap3A_242 = vector.shape_cast %add3A_236 : vector<512xi32> to vector<1x1x512xi32>
    tpu.vector_store %arg4[%swap3A_237, %swap3A_238, %swap3A_239], %swap3A_242 {strides = array<i32>} : memref<1x8x512xi32, #tpu.memory_space<vmem>>, vector<1x1x512xi32>,
    %mul3A_243 = arith.constant 4096 : i32
    %mul3A_244 = vector.broadcast %mul3A_243 : i32 to vector<512xi32>
    %mul3A_245 = arith.muli %select_n3A_233, %mul3A_244 : vector<512xi32>
    %add3A_246 = arith.addi %mul3A_245, %add3A_13 : vector<512xi32>
    %swap3A_247 = arith.constant 0 : index
    %swap3A_248 = arith.constant 4 : index
    %swap3A_249 = arith.constant 0 : index
    %swap3A_250 = vector.load %arg5[%swap3A_247, %swap3A_248, %swap3A_249] : memref<1x8x512xi32, #tpu.memory_space<vmem>>, vector<1x1x512xi32>
    %swap3A_251 = vector.shape_cast %swap3A_250 : vector<1x1x512xi32> to vector<512xi32>
    %swap3A_252 = vector.shape_cast %add3A_246 : vector<512xi32> to vector<1x1x512xi32>
    tpu.vector_store %arg5[%swap3A_247, %swap3A_248, %swap3A_249], %swap3A_252 {strides = array<i32>} : memref<1x8x512xi32, #tpu.memory_space<vmem>>, vector<1x1x512xi32>,
    %slice3A_253 = vector.extract_strided_slice %dot_general3A_9 {offsets = [0, 160], sizes = [512, 32], strides = [1, 1]} : vector<512x256xf32> to vector<512x32xf32>
    %reduce_max3A_254 = arith.constant dense<0xFF800000> : vector<512xf32>
    %reduce_max3A_255 = vector.multi_reduction <maximumf>, %slice3A_253, %reduce_max3A_254 [1] : vector<512x32xf32> to vector<512xf32>
    %broadcast_in_dim3A_256 = vector.shape_cast %reduce_max3A_255 : vector<512xf32> to vector<512x1xf32>
    %reduce_min3A_257 = arith.constant dense<0x7F800000> : vector<512xf32>
    %reduce_min3A_258 = vector.multi_reduction <minimumf>, %slice3A_253, %reduce_min3A_257 [1] : vector<512x32xf32> to vector<512xf32>
    %broadcast_in_dim3A_259 = vector.shape_cast %reduce_min3A_258 : vector<512xf32> to vector<512x1xf32>
    %eq3A_260 = vector.broadcast %broadcast_in_dim3A_256 : vector<512x1xf32> to vector<512x32xf32>
    %eq3A_261 = arith.cmpf oeq, %slice3A_253, %eq3A_260 : vector<512x32xf32>
    %jit3A_262 = arith.constant 64 : i32
    %broadcast_in_dim3A_263 = vector.broadcast %jit3A_262 : i32 to vector<512x32xi32>
    %select_n3A_264 = arith.select %eq3A_261, %iota3A, %broadcast_in_dim3A_263 : vector<512x32xi1>, vector<512x32xi32>
    %reduce_min3A_265 = arith.constant dense<2147483647> : vector<512xi32>
    %reduce_min3A_266 = vector.multi_reduction <minsi>, %select_n3A_264, %reduce_min3A_265 [1] : vector<512x32xi32> to vector<512xi32>
    %eq3A_267 = vector.broadcast %broadcast_in_dim3A_259 : vector<512x1xf32> to vector<512x32xf32>
    %eq3A_268 = arith.cmpf oeq, %slice3A_253, %eq3A_267 : vector<512x32xf32>
    %jit3A_269 = arith.constant 64 : i32
    %broadcast_in_dim3A_270 = vector.broadcast %jit3A_269 : i32 to vector<512x32xi32>
    %select_n3A_271 = arith.select %eq3A_268, %iota3A, %broadcast_in_dim3A_270 : vector<512x32xi1>, vector<512x32xi32>
    %reduce_min3A_272 = arith.constant dense<2147483647> : vector<512xi32>
    %reduce_min3A_273 = vector.multi_reduction <minsi>, %select_n3A_271, %reduce_min3A_272 [1] : vector<512x32xi32> to vector<512xi32>
    %squeeze3A_274 = vector.shape_cast %broadcast_in_dim3A_256 : vector<512x1xf32> to vector<512xf32>
    %squeeze3A_275 = vector.shape_cast %broadcast_in_dim3A_259 : vector<512x1xf32> to vector<512xf32>
    %neg3A_276 = arith.constant 0.000000e+00 : f32
    %neg3A_277 = vector.broadcast %neg3A_276 : f32 to vector<512xf32>
    %neg3A_278 = arith.subf %neg3A_277, %squeeze3A_275 : vector<512xf32>
    %ge3A_279 = arith.cmpf oge, %squeeze3A_274, %neg3A_278 : vector<512xf32>
    %add3A_280 = arith.constant 32 : i32
    %add3A_281 = vector.broadcast %add3A_280 : i32 to vector<512xi32>
    %add3A_282 = arith.addi %add3A_281, %reduce_min3A_273 : vector<512xi32>
    %select_n3A_283 = arith.select %ge3A_279, %reduce_min3A_266, %add3A_282 : vector<512xi1>, vector<512xi32>
    %add3A_284 = arith.constant 320 : i32
    %add3A_285 = vector.broadcast %add3A_284 : i32 to vector<512xi32>
    %add3A_286 = arith.addi %select_n3A_283, %add3A_285 : vector<512xi32>
    %swap3A_287 = arith.constant 0 : index
    %swap3A_288 = arith.constant 5 : index
    %swap3A_289 = arith.constant 0 : index
    %swap3A_290 = vector.load %arg4[%swap3A_287, %swap3A_288, %swap3A_289] : memref<1x8x512xi32, #tpu.memory_space<vmem>>, vector<1x1x512xi32>
    %swap3A_291 = vector.shape_cast %swap3A_290 : vector<1x1x512xi32> to vector<512xi32>
    %swap3A_292 = vector.shape_cast %add3A_286 : vector<512xi32> to vector<1x1x512xi32>
    tpu.vector_store %arg4[%swap3A_287, %swap3A_288, %swap3A_289], %swap3A_292 {strides = array<i32>} : memref<1x8x512xi32, #tpu.memory_space<vmem>>, vector<1x1x512xi32>,
    %mul3A_293 = arith.constant 4096 : i32
    %mul3A_294 = vector.broadcast %mul3A_293 : i32 to vector<512xi32>
    %mul3A_295 = arith.muli %select_n3A_283, %mul3A_294 : vector<512xi32>
    %add3A_296 = arith.addi %mul3A_295, %add3A_13 : vector<512xi32>
    %swap3A_297 = arith.constant 0 : index
    %swap3A_298 = arith.constant 5 : index
    %swap3A_299 = arith.constant 0 : index
    %swap3A_300 = vector.load %arg5[%swap3A_297, %swap3A_298, %swap3A_299] : memref<1x8x512xi32, #tpu.memory_space<vmem>>, vector<1x1x512xi32>
    %swap3A_301 = vector.shape_cast %swap3A_300 : vector<1x1x512xi32> to vector<512xi32>
    %swap3A_302 = vector.shape_cast %add3A_296 : vector<512xi32> to vector<1x1x512xi32>
    tpu.vector_store %arg5[%swap3A_297, %swap3A_298, %swap3A_299], %swap3A_302 {strides = array<i32>} : memref<1x8x512xi32, #tpu.memory_space<vmem>>, vector<1x1x512xi32>,
    %slice3A_303 = vector.extract_strided_slice %dot_general3A_9 {offsets = [0, 192], sizes = [512, 32], strides = [1, 1]} : vector<512x256xf32> to vector<512x32xf32>
    %reduce_max3A_304 = arith.constant dense<0xFF800000> : vector<512xf32>
    %reduce_max3A_305 = vector.multi_reduction <maximumf>, %slice3A_303, %reduce_max3A_304 [1] : vector<512x32xf32> to vector<512xf32>
    %broadcast_in_dim3A_306 = vector.shape_cast %reduce_max3A_305 : vector<512xf32> to vector<512x1xf32>
    %reduce_min3A_307 = arith.constant dense<0x7F800000> : vector<512xf32>
    %reduce_min3A_308 = vector.multi_reduction <minimumf>, %slice3A_303, %reduce_min3A_307 [1] : vector<512x32xf32> to vector<512xf32>
    %broadcast_in_dim3A_309 = vector.shape_cast %reduce_min3A_308 : vector<512xf32> to vector<512x1xf32>
    %eq3A_310 = vector.broadcast %broadcast_in_dim3A_306 : vector<512x1xf32> to vector<512x32xf32>
    %eq3A_311 = arith.cmpf oeq, %slice3A_303, %eq3A_310 : vector<512x32xf32>
    %jit3A_312 = arith.constant 64 : i32
    %broadcast_in_dim3A_313 = vector.broadcast %jit3A_312 : i32 to vector<512x32xi32>
    %select_n3A_314 = arith.select %eq3A_311, %iota3A, %broadcast_in_dim3A_313 : vector<512x32xi1>, vector<512x32xi32>
    %reduce_min3A_315 = arith.constant dense<2147483647> : vector<512xi32>
    %reduce_min3A_316 = vector.multi_reduction <minsi>, %select_n3A_314, %reduce_min3A_315 [1] : vector<512x32xi32> to vector<512xi32>
    %eq3A_317 = vector.broadcast %broadcast_in_dim3A_309 : vector<512x1xf32> to vector<512x32xf32>
    %eq3A_318 = arith.cmpf oeq, %slice3A_303, %eq3A_317 : vector<512x32xf32>
    %jit3A_319 = arith.constant 64 : i32
    %broadcast_in_dim3A_320 = vector.broadcast %jit3A_319 : i32 to vector<512x32xi32>
    %select_n3A_321 = arith.select %eq3A_318, %iota3A, %broadcast_in_dim3A_320 : vector<512x32xi1>, vector<512x32xi32>
    %reduce_min3A_322 = arith.constant dense<2147483647> : vector<512xi32>
    %reduce_min3A_323 = vector.multi_reduction <minsi>, %select_n3A_321, %reduce_min3A_322 [1] : vector<512x32xi32> to vector<512xi32>
    %squeeze3A_324 = vector.shape_cast %broadcast_in_dim3A_306 : vector<512x1xf32> to vector<512xf32>
    %squeeze3A_325 = vector.shape_cast %broadcast_in_dim3A_309 : vector<512x1xf32> to vector<512xf32>
    %neg3A_326 = arith.constant 0.000000e+00 : f32
    %neg3A_327 = vector.broadcast %neg3A_326 : f32 to vector<512xf32>
    %neg3A_328 = arith.subf %neg3A_327, %squeeze3A_325 : vector<512xf32>
    %ge3A_329 = arith.cmpf oge, %squeeze3A_324, %neg3A_328 : vector<512xf32>
    %add3A_330 = arith.constant 32 : i32
    %add3A_331 = vector.broadcast %add3A_330 : i32 to vector<512xi32>
    %add3A_332 = arith.addi %add3A_331, %reduce_min3A_323 : vector<512xi32>
    %select_n3A_333 = arith.select %ge3A_329, %reduce_min3A_316, %add3A_332 : vector<512xi1>, vector<512xi32>
    %add3A_334 = arith.constant 384 : i32
    %add3A_335 = vector.broadcast %add3A_334 : i32 to vector<512xi32>
    %add3A_336 = arith.addi %select_n3A_333, %add3A_335 : vector<512xi32>
    %swap3A_337 = arith.constant 0 : index
    %swap3A_338 = arith.constant 6 : index
    %swap3A_339 = arith.constant 0 : index
    %swap3A_340 = vector.load %arg4[%swap3A_337, %swap3A_338, %swap3A_339] : memref<1x8x512xi32, #tpu.memory_space<vmem>>, vector<1x1x512xi32>
    %swap3A_341 = vector.shape_cast %swap3A_340 : vector<1x1x512xi32> to vector<512xi32>
    %swap3A_342 = vector.shape_cast %add3A_336 : vector<512xi32> to vector<1x1x512xi32>
    tpu.vector_store %arg4[%swap3A_337, %swap3A_338, %swap3A_339], %swap3A_342 {strides = array<i32>} : memref<1x8x512xi32, #tpu.memory_space<vmem>>, vector<1x1x512xi32>,
    %mul3A_343 = arith.constant 4096 : i32
    %mul3A_344 = vector.broadcast %mul3A_343 : i32 to vector<512xi32>
    %mul3A_345 = arith.muli %select_n3A_333, %mul3A_344 : vector<512xi32>
    %add3A_346 = arith.addi %mul3A_345, %add3A_13 : vector<512xi32>
    %swap3A_347 = arith.constant 0 : index
    %swap3A_348 = arith.constant 6 : index
    %swap3A_349 = arith.constant 0 : index
    %swap3A_350 = vector.load %arg5[%swap3A_347, %swap3A_348, %swap3A_349] : memref<1x8x512xi32, #tpu.memory_space<vmem>>, vector<1x1x512xi32>
    %swap3A_351 = vector.shape_cast %swap3A_350 : vector<1x1x512xi32> to vector<512xi32>
    %swap3A_352 = vector.shape_cast %add3A_346 : vector<512xi32> to vector<1x1x512xi32>
    tpu.vector_store %arg5[%swap3A_347, %swap3A_348, %swap3A_349], %swap3A_352 {strides = array<i32>} : memref<1x8x512xi32, #tpu.memory_space<vmem>>, vector<1x1x512xi32>,
    %slice3A_353 = vector.extract_strided_slice %dot_general3A_9 {offsets = [0, 224], sizes = [512, 32], strides = [1, 1]} : vector<512x256xf32> to vector<512x32xf32>
    %reduce_max3A_354 = arith.constant dense<0xFF800000> : vector<512xf32>
    %reduce_max3A_355 = vector.multi_reduction <maximumf>, %slice3A_353, %reduce_max3A_354 [1] : vector<512x32xf32> to vector<512xf32>
    %broadcast_in_dim3A_356 = vector.shape_cast %reduce_max3A_355 : vector<512xf32> to vector<512x1xf32>
    %reduce_min3A_357 = arith.constant dense<0x7F800000> : vector<512xf32>
    %reduce_min3A_358 = vector.multi_reduction <minimumf>, %slice3A_353, %reduce_min3A_357 [1] : vector<512x32xf32> to vector<512xf32>
    %broadcast_in_dim3A_359 = vector.shape_cast %reduce_min3A_358 : vector<512xf32> to vector<512x1xf32>
    %eq3A_360 = vector.broadcast %broadcast_in_dim3A_356 : vector<512x1xf32> to vector<512x32xf32>
    %eq3A_361 = arith.cmpf oeq, %slice3A_353, %eq3A_360 : vector<512x32xf32>
    %jit3A_362 = arith.constant 64 : i32
    %broadcast_in_dim3A_363 = vector.broadcast %jit3A_362 : i32 to vector<512x32xi32>
    %select_n3A_364 = arith.select %eq3A_361, %iota3A, %broadcast_in_dim3A_363 : vector<512x32xi1>, vector<512x32xi32>
    %reduce_min3A_365 = arith.constant dense<2147483647> : vector<512xi32>
    %reduce_min3A_366 = vector.multi_reduction <minsi>, %select_n3A_364, %reduce_min3A_365 [1] : vector<512x32xi32> to vector<512xi32>
    %eq3A_367 = vector.broadcast %broadcast_in_dim3A_359 : vector<512x1xf32> to vector<512x32xf32>
    %eq3A_368 = arith.cmpf oeq, %slice3A_353, %eq3A_367 : vector<512x32xf32>
    %jit3A_369 = arith.constant 64 : i32
    %broadcast_in_dim3A_370 = vector.broadcast %jit3A_369 : i32 to vector<512x32xi32>
    %select_n3A_371 = arith.select %eq3A_368, %iota3A, %broadcast_in_dim3A_370 : vector<512x32xi1>, vector<512x32xi32>
    %reduce_min3A_372 = arith.constant dense<2147483647> : vector<512xi32>
    %reduce_min3A_373 = vector.multi_reduction <minsi>, %select_n3A_371, %reduce_min3A_372 [1] : vector<512x32xi32> to vector<512xi32>
    %squeeze3A_374 = vector.shape_cast %broadcast_in_dim3A_356 : vector<512x1xf32> to vector<512xf32>
    %squeeze3A_375 = vector.shape_cast %broadcast_in_dim3A_359 : vector<512x1xf32> to vector<512xf32>
    %neg3A_376 = arith.constant 0.000000e+00 : f32
    %neg3A_377 = vector.broadcast %neg3A_376 : f32 to vector<512xf32>
    %neg3A_378 = arith.subf %neg3A_377, %squeeze3A_375 : vector<512xf32>
    %ge3A_379 = arith.cmpf oge, %squeeze3A_374, %neg3A_378 : vector<512xf32>
    %add3A_380 = arith.constant 32 : i32
    %add3A_381 = vector.broadcast %add3A_380 : i32 to vector<512xi32>
    %add3A_382 = arith.addi %add3A_381, %reduce_min3A_373 : vector<512xi32>
    %select_n3A_383 = arith.select %ge3A_379, %reduce_min3A_366, %add3A_382 : vector<512xi1>, vector<512xi32>
    %add3A_384 = arith.constant 448 : i32
    %add3A_385 = vector.broadcast %add3A_384 : i32 to vector<512xi32>
    %add3A_386 = arith.addi %select_n3A_383, %add3A_385 : vector<512xi32>
    %swap3A_387 = arith.constant 0 : index
    %swap3A_388 = arith.constant 7 : index
    %swap3A_389 = arith.constant 0 : index
    %swap3A_390 = vector.load %arg4[%swap3A_387, %swap3A_388, %swap3A_389] : memref<1x8x512xi32, #tpu.memory_space<vmem>>, vector<1x1x512xi32>
    %swap3A_391 = vector.shape_cast %swap3A_390 : vector<1x1x512xi32> to vector<512xi32>
    %swap3A_392 = vector.shape_cast %add3A_386 : vector<512xi32> to vector<1x1x512xi32>
    tpu.vector_store %arg4[%swap3A_387, %swap3A_388, %swap3A_389], %swap3A_392 {strides = array<i32>} : memref<1x8x512xi32, #tpu.memory_space<vmem>>, vector<1x1x512xi32>,
    %mul3A_393 = arith.constant 4096 : i32
    %mul3A_394 = vector.broadcast %mul3A_393 : i32 to vector<512xi32>
    %mul3A_395 = arith.muli %select_n3A_383, %mul3A_394 : vector<512xi32>
    %add3A_396 = arith.addi %mul3A_395, %add3A_13 : vector<512xi32>
    %swap3A_397 = arith.constant 0 : index
    %swap3A_398 = arith.constant 7 : index
    %swap3A_399 = arith.constant 0 : index
    %swap3A_400 = vector.load %arg5[%swap3A_397, %swap3A_398, %swap3A_399] : memref<1x8x512xi32, #tpu.memory_space<vmem>>, vector<1x1x512xi32>
    %swap3A_401 = vector.shape_cast %swap3A_400 : vector<1x1x512xi32> to vector<512xi32>
    %swap3A_402 = vector.shape_cast %add3A_396 : vector<512xi32> to vector<1x1x512xi32>
    tpu.vector_store %arg5[%swap3A_397, %swap3A_398, %swap3A_399], %swap3A_402 {strides = array<i32>} : memref<1x8x512xi32, #tpu.memory_space<vmem>>, vector<1x1x512xi32>,
    return
  }
  func.func @transform_0(%arg0: i32, %arg1: i32) -> (i32, i32, i32) {
    %c0_i32 = arith.constant 0 : i32
    %c0_i32_0 = arith.constant 0 : i32
    return %arg0, %arg1, %c0_i32 : i32, i32, i32
  }
  func.func @transform_1(%arg0: i32, %arg1: i32) -> (i32, i32, i32) {
    %c0_i32 = arith.constant 0 : i32
    %c0_i32_0 = arith.constant 0 : i32
    %c0_i32_1 = arith.constant 0 : i32
    return %arg0, %c0_i32, %c0_i32_0 : i32, i32, i32
  }
  func.func @transform_2(%arg0: i32, %arg1: i32) -> (i32, i32, i32) {
    %c0_i32 = arith.constant 0 : i32
    %c0_i32_0 = arith.constant 0 : i32
    return %arg0, %c0_i32, %arg1 : i32, i32, i32
  }
  func.func @transform_3(%arg0: i32, %arg1: i32) -> (i32, i32, i32) {
    %c0_i32 = arith.constant 0 : i32
    %c0_i32_0 = arith.constant 0 : i32
    return %arg0, %c0_i32, %arg1 : i32, i32, i32
  }
}

module attributes {stable_mosaic.version = 14 : i64} {
  func.func @_attn_kernel(%arg0: i32, %arg1: i32, %arg2: memref<1x16x64x1024xf32, #tpu.memory_space<vmem>>, %arg3: memref<1x1x64x1024xf32, #tpu.memory_space<vmem>>, %arg4: memref<1x16x64x1024xf32, #tpu.memory_space<vmem>>, %arg5: memref<1x1x64x1024xf32, #tpu.memory_space<vmem>>, %arg6: memref<1x16x1x64xi32, #tpu.memory_space<vmem>>, %arg7: memref<1x1x1x64xi32, #tpu.memory_space<vmem>>, %arg8: memref<1x16x64x1024xf32, #tpu.memory_space<vmem>>, %arg9: memref<1x16x64x128xf32, #tpu.memory_space<vmem>>) attributes {dimension_semantics = [#tpu.dimension_semantics<arbitrary>, #tpu.dimension_semantics<arbitrary>], iteration_bounds = array<i64: 2, 32>, scalar_prefetch = 0 : i64, scratch_operands = 0 : i64, tpu.core_type = #tpu.core_type<tc>, window_params = [{transform_indices = @transform_0, window_bounds = array<i64: 1, 16, 64, 1024>}, {transform_indices = @transform_1, window_bounds = array<i64: 1, 1, 64, 1024>}, {transform_indices = @transform_2, window_bounds = array<i64: 1, 16, 64, 1024>}, {transform_indices = @transform_3, window_bounds = array<i64: 1, 1, 64, 1024>}, {transform_indices = @transform_4, window_bounds = array<i64: 1, 16, 1, 64>}, {transform_indices = @transform_5, window_bounds = array<i64: 1, 1, 1, 64>}, {transform_indices = @transform_6, window_bounds = array<i64: 1, 16, 64, 1024>}, {transform_indices = @transform_7, window_bounds = array<i64: 1, 16, 64, 128>}]} {
    %get3A = arith.constant 0 : index
    %get3A_0 = arith.constant 0 : index
    %get3A_1 = arith.constant 0 : index
    %get3A_2 = arith.constant 0 : index
    %get3A_3 = vector.load %arg3[%get3A, %get3A_0, %get3A_1, %get3A_2] : memref<1x1x64x1024xf32, #tpu.memory_space<vmem>>, vector<1x1x64x1024xf32>
    %get3A_4 = vector.shape_cast %get3A_3 : vector<1x1x64x1024xf32> to vector<64x1024xf32>
    %mul3A = arith.mulf %get3A_4, %get3A_4 : vector<64x1024xf32>
    %reduce_sum3A = arith.constant dense<0.000000e+00> : vector<64xf32>
    %reduce_sum3A_5 = vector.multi_reduction <add>, %mul3A, %reduce_sum3A [1] : vector<64x1024xf32> to vector<64xf32>
    %broadcast_in_dim3A = vector.shape_cast %reduce_sum3A_5 : vector<64xf32> to vector<64x1xf32>
    %add3A = arith.constant 9.99999997E-7 : f32
    %add3A_6 = vector.broadcast %add3A : f32 to vector<64x1xf32>
    %add3A_7 = arith.addf %broadcast_in_dim3A, %add3A_6 : vector<64x1xf32>
    %rsqrt3A = math.rsqrt %add3A_7 : vector<64x1xf32>
    %mul3A_8 = vector.broadcast %rsqrt3A : vector<64x1xf32> to vector<64x1024xf32>
    %mul3A_9 = arith.mulf %get3A_4, %mul3A_8 : vector<64x1024xf32>
    %get3A_10 = arith.constant 0 : index
    %get3A_11 = arith.constant 0 : index
    %get3A_12 = arith.constant 0 : index
    %get3A_13 = arith.constant 0 : index
    %get3A_14 = vector.load %arg2[%get3A_10, %get3A_11, %get3A_12, %get3A_13] : memref<1x16x64x1024xf32, #tpu.memory_space<vmem>>, vector<1x1x64x1024xf32>
    %get3A_15 = vector.shape_cast %get3A_14 : vector<1x1x64x1024xf32> to vector<64x1024xf32>
    %mul3A_16 = arith.mulf %get3A_15, %get3A_15 : vector<64x1024xf32>
    %reduce_sum3A_17 = arith.constant dense<0.000000e+00> : vector<64xf32>
    %reduce_sum3A_18 = vector.multi_reduction <add>, %mul3A_16, %reduce_sum3A_17 [1] : vector<64x1024xf32> to vector<64xf32>
    %broadcast_in_dim3A_19 = vector.shape_cast %reduce_sum3A_18 : vector<64xf32> to vector<64x1xf32>
    %add3A_20 = arith.constant 9.99999997E-7 : f32
    %add3A_21 = vector.broadcast %add3A_20 : f32 to vector<64x1xf32>
    %add3A_22 = arith.addf %broadcast_in_dim3A_19, %add3A_21 : vector<64x1xf32>
    %rsqrt3A_23 = math.rsqrt %add3A_22 : vector<64x1xf32>
    %mul3A_24 = vector.broadcast %rsqrt3A_23 : vector<64x1xf32> to vector<64x1024xf32>
    %mul3A_25 = arith.mulf %get3A_15, %mul3A_24 : vector<64x1024xf32>
    %get3A_26 = arith.constant 0 : index
    %get3A_27 = arith.constant 1 : index
    %get3A_28 = arith.constant 0 : index
    %get3A_29 = arith.constant 0 : index
    %get3A_30 = vector.load %arg2[%get3A_26, %get3A_27, %get3A_28, %get3A_29] : memref<1x16x64x1024xf32, #tpu.memory_space<vmem>>, vector<1x1x64x1024xf32>
    %get3A_31 = vector.shape_cast %get3A_30 : vector<1x1x64x1024xf32> to vector<64x1024xf32>
    %mul3A_32 = arith.mulf %get3A_31, %get3A_31 : vector<64x1024xf32>
    %reduce_sum3A_33 = arith.constant dense<0.000000e+00> : vector<64xf32>
    %reduce_sum3A_34 = vector.multi_reduction <add>, %mul3A_32, %reduce_sum3A_33 [1] : vector<64x1024xf32> to vector<64xf32>
    %broadcast_in_dim3A_35 = vector.shape_cast %reduce_sum3A_34 : vector<64xf32> to vector<64x1xf32>
    %add3A_36 = arith.constant 9.99999997E-7 : f32
    %add3A_37 = vector.broadcast %add3A_36 : f32 to vector<64x1xf32>
    %add3A_38 = arith.addf %broadcast_in_dim3A_35, %add3A_37 : vector<64x1xf32>
    %rsqrt3A_39 = math.rsqrt %add3A_38 : vector<64x1xf32>
    %mul3A_40 = vector.broadcast %rsqrt3A_39 : vector<64x1xf32> to vector<64x1024xf32>
    %mul3A_41 = arith.mulf %get3A_31, %mul3A_40 : vector<64x1024xf32>
    %get3A_42 = arith.constant 0 : index
    %get3A_43 = arith.constant 2 : index
    %get3A_44 = arith.constant 0 : index
    %get3A_45 = arith.constant 0 : index
    %get3A_46 = vector.load %arg2[%get3A_42, %get3A_43, %get3A_44, %get3A_45] : memref<1x16x64x1024xf32, #tpu.memory_space<vmem>>, vector<1x1x64x1024xf32>
    %get3A_47 = vector.shape_cast %get3A_46 : vector<1x1x64x1024xf32> to vector<64x1024xf32>
    %mul3A_48 = arith.mulf %get3A_47, %get3A_47 : vector<64x1024xf32>
    %reduce_sum3A_49 = arith.constant dense<0.000000e+00> : vector<64xf32>
    %reduce_sum3A_50 = vector.multi_reduction <add>, %mul3A_48, %reduce_sum3A_49 [1] : vector<64x1024xf32> to vector<64xf32>
    %broadcast_in_dim3A_51 = vector.shape_cast %reduce_sum3A_50 : vector<64xf32> to vector<64x1xf32>
    %add3A_52 = arith.constant 9.99999997E-7 : f32
    %add3A_53 = vector.broadcast %add3A_52 : f32 to vector<64x1xf32>
    %add3A_54 = arith.addf %broadcast_in_dim3A_51, %add3A_53 : vector<64x1xf32>
    %rsqrt3A_55 = math.rsqrt %add3A_54 : vector<64x1xf32>
    %mul3A_56 = vector.broadcast %rsqrt3A_55 : vector<64x1xf32> to vector<64x1024xf32>
    %mul3A_57 = arith.mulf %get3A_47, %mul3A_56 : vector<64x1024xf32>
    %get3A_58 = arith.constant 0 : index
    %get3A_59 = arith.constant 3 : index
    %get3A_60 = arith.constant 0 : index
    %get3A_61 = arith.constant 0 : index
    %get3A_62 = vector.load %arg2[%get3A_58, %get3A_59, %get3A_60, %get3A_61] : memref<1x16x64x1024xf32, #tpu.memory_space<vmem>>, vector<1x1x64x1024xf32>
    %get3A_63 = vector.shape_cast %get3A_62 : vector<1x1x64x1024xf32> to vector<64x1024xf32>
    %mul3A_64 = arith.mulf %get3A_63, %get3A_63 : vector<64x1024xf32>
    %reduce_sum3A_65 = arith.constant dense<0.000000e+00> : vector<64xf32>
    %reduce_sum3A_66 = vector.multi_reduction <add>, %mul3A_64, %reduce_sum3A_65 [1] : vector<64x1024xf32> to vector<64xf32>
    %broadcast_in_dim3A_67 = vector.shape_cast %reduce_sum3A_66 : vector<64xf32> to vector<64x1xf32>
    %add3A_68 = arith.constant 9.99999997E-7 : f32
    %add3A_69 = vector.broadcast %add3A_68 : f32 to vector<64x1xf32>
    %add3A_70 = arith.addf %broadcast_in_dim3A_67, %add3A_69 : vector<64x1xf32>
    %rsqrt3A_71 = math.rsqrt %add3A_70 : vector<64x1xf32>
    %mul3A_72 = vector.broadcast %rsqrt3A_71 : vector<64x1xf32> to vector<64x1024xf32>
    %mul3A_73 = arith.mulf %get3A_63, %mul3A_72 : vector<64x1024xf32>
    %get3A_74 = arith.constant 0 : index
    %get3A_75 = arith.constant 4 : index
    %get3A_76 = arith.constant 0 : index
    %get3A_77 = arith.constant 0 : index
    %get3A_78 = vector.load %arg2[%get3A_74, %get3A_75, %get3A_76, %get3A_77] : memref<1x16x64x1024xf32, #tpu.memory_space<vmem>>, vector<1x1x64x1024xf32>
    %get3A_79 = vector.shape_cast %get3A_78 : vector<1x1x64x1024xf32> to vector<64x1024xf32>
    %mul3A_80 = arith.mulf %get3A_79, %get3A_79 : vector<64x1024xf32>
    %reduce_sum3A_81 = arith.constant dense<0.000000e+00> : vector<64xf32>
    %reduce_sum3A_82 = vector.multi_reduction <add>, %mul3A_80, %reduce_sum3A_81 [1] : vector<64x1024xf32> to vector<64xf32>
    %broadcast_in_dim3A_83 = vector.shape_cast %reduce_sum3A_82 : vector<64xf32> to vector<64x1xf32>
    %add3A_84 = arith.constant 9.99999997E-7 : f32
    %add3A_85 = vector.broadcast %add3A_84 : f32 to vector<64x1xf32>
    %add3A_86 = arith.addf %broadcast_in_dim3A_83, %add3A_85 : vector<64x1xf32>
    %rsqrt3A_87 = math.rsqrt %add3A_86 : vector<64x1xf32>
    %mul3A_88 = vector.broadcast %rsqrt3A_87 : vector<64x1xf32> to vector<64x1024xf32>
    %mul3A_89 = arith.mulf %get3A_79, %mul3A_88 : vector<64x1024xf32>
    %get3A_90 = arith.constant 0 : index
    %get3A_91 = arith.constant 5 : index
    %get3A_92 = arith.constant 0 : index
    %get3A_93 = arith.constant 0 : index
    %get3A_94 = vector.load %arg2[%get3A_90, %get3A_91, %get3A_92, %get3A_93] : memref<1x16x64x1024xf32, #tpu.memory_space<vmem>>, vector<1x1x64x1024xf32>
    %get3A_95 = vector.shape_cast %get3A_94 : vector<1x1x64x1024xf32> to vector<64x1024xf32>
    %mul3A_96 = arith.mulf %get3A_95, %get3A_95 : vector<64x1024xf32>
    %reduce_sum3A_97 = arith.constant dense<0.000000e+00> : vector<64xf32>
    %reduce_sum3A_98 = vector.multi_reduction <add>, %mul3A_96, %reduce_sum3A_97 [1] : vector<64x1024xf32> to vector<64xf32>
    %broadcast_in_dim3A_99 = vector.shape_cast %reduce_sum3A_98 : vector<64xf32> to vector<64x1xf32>
    %add3A_100 = arith.constant 9.99999997E-7 : f32
    %add3A_101 = vector.broadcast %add3A_100 : f32 to vector<64x1xf32>
    %add3A_102 = arith.addf %broadcast_in_dim3A_99, %add3A_101 : vector<64x1xf32>
    %rsqrt3A_103 = math.rsqrt %add3A_102 : vector<64x1xf32>
    %mul3A_104 = vector.broadcast %rsqrt3A_103 : vector<64x1xf32> to vector<64x1024xf32>
    %mul3A_105 = arith.mulf %get3A_95, %mul3A_104 : vector<64x1024xf32>
    %get3A_106 = arith.constant 0 : index
    %get3A_107 = arith.constant 6 : index
    %get3A_108 = arith.constant 0 : index
    %get3A_109 = arith.constant 0 : index
    %get3A_110 = vector.load %arg2[%get3A_106, %get3A_107, %get3A_108, %get3A_109] : memref<1x16x64x1024xf32, #tpu.memory_space<vmem>>, vector<1x1x64x1024xf32>
    %get3A_111 = vector.shape_cast %get3A_110 : vector<1x1x64x1024xf32> to vector<64x1024xf32>
    %mul3A_112 = arith.mulf %get3A_111, %get3A_111 : vector<64x1024xf32>
    %reduce_sum3A_113 = arith.constant dense<0.000000e+00> : vector<64xf32>
    %reduce_sum3A_114 = vector.multi_reduction <add>, %mul3A_112, %reduce_sum3A_113 [1] : vector<64x1024xf32> to vector<64xf32>
    %broadcast_in_dim3A_115 = vector.shape_cast %reduce_sum3A_114 : vector<64xf32> to vector<64x1xf32>
    %add3A_116 = arith.constant 9.99999997E-7 : f32
    %add3A_117 = vector.broadcast %add3A_116 : f32 to vector<64x1xf32>
    %add3A_118 = arith.addf %broadcast_in_dim3A_115, %add3A_117 : vector<64x1xf32>
    %rsqrt3A_119 = math.rsqrt %add3A_118 : vector<64x1xf32>
    %mul3A_120 = vector.broadcast %rsqrt3A_119 : vector<64x1xf32> to vector<64x1024xf32>
    %mul3A_121 = arith.mulf %get3A_111, %mul3A_120 : vector<64x1024xf32>
    %get3A_122 = arith.constant 0 : index
    %get3A_123 = arith.constant 7 : index
    %get3A_124 = arith.constant 0 : index
    %get3A_125 = arith.constant 0 : index
    %get3A_126 = vector.load %arg2[%get3A_122, %get3A_123, %get3A_124, %get3A_125] : memref<1x16x64x1024xf32, #tpu.memory_space<vmem>>, vector<1x1x64x1024xf32>
    %get3A_127 = vector.shape_cast %get3A_126 : vector<1x1x64x1024xf32> to vector<64x1024xf32>
    %mul3A_128 = arith.mulf %get3A_127, %get3A_127 : vector<64x1024xf32>
    %reduce_sum3A_129 = arith.constant dense<0.000000e+00> : vector<64xf32>
    %reduce_sum3A_130 = vector.multi_reduction <add>, %mul3A_128, %reduce_sum3A_129 [1] : vector<64x1024xf32> to vector<64xf32>
    %broadcast_in_dim3A_131 = vector.shape_cast %reduce_sum3A_130 : vector<64xf32> to vector<64x1xf32>
    %add3A_132 = arith.constant 9.99999997E-7 : f32
    %add3A_133 = vector.broadcast %add3A_132 : f32 to vector<64x1xf32>
    %add3A_134 = arith.addf %broadcast_in_dim3A_131, %add3A_133 : vector<64x1xf32>
    %rsqrt3A_135 = math.rsqrt %add3A_134 : vector<64x1xf32>
    %mul3A_136 = vector.broadcast %rsqrt3A_135 : vector<64x1xf32> to vector<64x1024xf32>
    %mul3A_137 = arith.mulf %get3A_127, %mul3A_136 : vector<64x1024xf32>
    %get3A_138 = arith.constant 0 : index
    %get3A_139 = arith.constant 8 : index
    %get3A_140 = arith.constant 0 : index
    %get3A_141 = arith.constant 0 : index
    %get3A_142 = vector.load %arg2[%get3A_138, %get3A_139, %get3A_140, %get3A_141] : memref<1x16x64x1024xf32, #tpu.memory_space<vmem>>, vector<1x1x64x1024xf32>
    %get3A_143 = vector.shape_cast %get3A_142 : vector<1x1x64x1024xf32> to vector<64x1024xf32>
    %mul3A_144 = arith.mulf %get3A_143, %get3A_143 : vector<64x1024xf32>
    %reduce_sum3A_145 = arith.constant dense<0.000000e+00> : vector<64xf32>
    %reduce_sum3A_146 = vector.multi_reduction <add>, %mul3A_144, %reduce_sum3A_145 [1] : vector<64x1024xf32> to vector<64xf32>
    %broadcast_in_dim3A_147 = vector.shape_cast %reduce_sum3A_146 : vector<64xf32> to vector<64x1xf32>
    %add3A_148 = arith.constant 9.99999997E-7 : f32
    %add3A_149 = vector.broadcast %add3A_148 : f32 to vector<64x1xf32>
    %add3A_150 = arith.addf %broadcast_in_dim3A_147, %add3A_149 : vector<64x1xf32>
    %rsqrt3A_151 = math.rsqrt %add3A_150 : vector<64x1xf32>
    %mul3A_152 = vector.broadcast %rsqrt3A_151 : vector<64x1xf32> to vector<64x1024xf32>
    %mul3A_153 = arith.mulf %get3A_143, %mul3A_152 : vector<64x1024xf32>
    %get3A_154 = arith.constant 0 : index
    %get3A_155 = arith.constant 9 : index
    %get3A_156 = arith.constant 0 : index
    %get3A_157 = arith.constant 0 : index
    %get3A_158 = vector.load %arg2[%get3A_154, %get3A_155, %get3A_156, %get3A_157] : memref<1x16x64x1024xf32, #tpu.memory_space<vmem>>, vector<1x1x64x1024xf32>
    %get3A_159 = vector.shape_cast %get3A_158 : vector<1x1x64x1024xf32> to vector<64x1024xf32>
    %mul3A_160 = arith.mulf %get3A_159, %get3A_159 : vector<64x1024xf32>
    %reduce_sum3A_161 = arith.constant dense<0.000000e+00> : vector<64xf32>
    %reduce_sum3A_162 = vector.multi_reduction <add>, %mul3A_160, %reduce_sum3A_161 [1] : vector<64x1024xf32> to vector<64xf32>
    %broadcast_in_dim3A_163 = vector.shape_cast %reduce_sum3A_162 : vector<64xf32> to vector<64x1xf32>
    %add3A_164 = arith.constant 9.99999997E-7 : f32
    %add3A_165 = vector.broadcast %add3A_164 : f32 to vector<64x1xf32>
    %add3A_166 = arith.addf %broadcast_in_dim3A_163, %add3A_165 : vector<64x1xf32>
    %rsqrt3A_167 = math.rsqrt %add3A_166 : vector<64x1xf32>
    %mul3A_168 = vector.broadcast %rsqrt3A_167 : vector<64x1xf32> to vector<64x1024xf32>
    %mul3A_169 = arith.mulf %get3A_159, %mul3A_168 : vector<64x1024xf32>
    %get3A_170 = arith.constant 0 : index
    %get3A_171 = arith.constant 10 : index
    %get3A_172 = arith.constant 0 : index
    %get3A_173 = arith.constant 0 : index
    %get3A_174 = vector.load %arg2[%get3A_170, %get3A_171, %get3A_172, %get3A_173] : memref<1x16x64x1024xf32, #tpu.memory_space<vmem>>, vector<1x1x64x1024xf32>
    %get3A_175 = vector.shape_cast %get3A_174 : vector<1x1x64x1024xf32> to vector<64x1024xf32>
    %mul3A_176 = arith.mulf %get3A_175, %get3A_175 : vector<64x1024xf32>
    %reduce_sum3A_177 = arith.constant dense<0.000000e+00> : vector<64xf32>
    %reduce_sum3A_178 = vector.multi_reduction <add>, %mul3A_176, %reduce_sum3A_177 [1] : vector<64x1024xf32> to vector<64xf32>
    %broadcast_in_dim3A_179 = vector.shape_cast %reduce_sum3A_178 : vector<64xf32> to vector<64x1xf32>
    %add3A_180 = arith.constant 9.99999997E-7 : f32
    %add3A_181 = vector.broadcast %add3A_180 : f32 to vector<64x1xf32>
    %add3A_182 = arith.addf %broadcast_in_dim3A_179, %add3A_181 : vector<64x1xf32>
    %rsqrt3A_183 = math.rsqrt %add3A_182 : vector<64x1xf32>
    %mul3A_184 = vector.broadcast %rsqrt3A_183 : vector<64x1xf32> to vector<64x1024xf32>
    %mul3A_185 = arith.mulf %get3A_175, %mul3A_184 : vector<64x1024xf32>
    %get3A_186 = arith.constant 0 : index
    %get3A_187 = arith.constant 11 : index
    %get3A_188 = arith.constant 0 : index
    %get3A_189 = arith.constant 0 : index
    %get3A_190 = vector.load %arg2[%get3A_186, %get3A_187, %get3A_188, %get3A_189] : memref<1x16x64x1024xf32, #tpu.memory_space<vmem>>, vector<1x1x64x1024xf32>
    %get3A_191 = vector.shape_cast %get3A_190 : vector<1x1x64x1024xf32> to vector<64x1024xf32>
    %mul3A_192 = arith.mulf %get3A_191, %get3A_191 : vector<64x1024xf32>
    %reduce_sum3A_193 = arith.constant dense<0.000000e+00> : vector<64xf32>
    %reduce_sum3A_194 = vector.multi_reduction <add>, %mul3A_192, %reduce_sum3A_193 [1] : vector<64x1024xf32> to vector<64xf32>
    %broadcast_in_dim3A_195 = vector.shape_cast %reduce_sum3A_194 : vector<64xf32> to vector<64x1xf32>
    %add3A_196 = arith.constant 9.99999997E-7 : f32
    %add3A_197 = vector.broadcast %add3A_196 : f32 to vector<64x1xf32>
    %add3A_198 = arith.addf %broadcast_in_dim3A_195, %add3A_197 : vector<64x1xf32>
    %rsqrt3A_199 = math.rsqrt %add3A_198 : vector<64x1xf32>
    %mul3A_200 = vector.broadcast %rsqrt3A_199 : vector<64x1xf32> to vector<64x1024xf32>
    %mul3A_201 = arith.mulf %get3A_191, %mul3A_200 : vector<64x1024xf32>
    %get3A_202 = arith.constant 0 : index
    %get3A_203 = arith.constant 12 : index
    %get3A_204 = arith.constant 0 : index
    %get3A_205 = arith.constant 0 : index
    %get3A_206 = vector.load %arg2[%get3A_202, %get3A_203, %get3A_204, %get3A_205] : memref<1x16x64x1024xf32, #tpu.memory_space<vmem>>, vector<1x1x64x1024xf32>
    %get3A_207 = vector.shape_cast %get3A_206 : vector<1x1x64x1024xf32> to vector<64x1024xf32>
    %mul3A_208 = arith.mulf %get3A_207, %get3A_207 : vector<64x1024xf32>
    %reduce_sum3A_209 = arith.constant dense<0.000000e+00> : vector<64xf32>
    %reduce_sum3A_210 = vector.multi_reduction <add>, %mul3A_208, %reduce_sum3A_209 [1] : vector<64x1024xf32> to vector<64xf32>
    %broadcast_in_dim3A_211 = vector.shape_cast %reduce_sum3A_210 : vector<64xf32> to vector<64x1xf32>
    %add3A_212 = arith.constant 9.99999997E-7 : f32
    %add3A_213 = vector.broadcast %add3A_212 : f32 to vector<64x1xf32>
    %add3A_214 = arith.addf %broadcast_in_dim3A_211, %add3A_213 : vector<64x1xf32>
    %rsqrt3A_215 = math.rsqrt %add3A_214 : vector<64x1xf32>
    %mul3A_216 = vector.broadcast %rsqrt3A_215 : vector<64x1xf32> to vector<64x1024xf32>
    %mul3A_217 = arith.mulf %get3A_207, %mul3A_216 : vector<64x1024xf32>
    %get3A_218 = arith.constant 0 : index
    %get3A_219 = arith.constant 13 : index
    %get3A_220 = arith.constant 0 : index
    %get3A_221 = arith.constant 0 : index
    %get3A_222 = vector.load %arg2[%get3A_218, %get3A_219, %get3A_220, %get3A_221] : memref<1x16x64x1024xf32, #tpu.memory_space<vmem>>, vector<1x1x64x1024xf32>
    %get3A_223 = vector.shape_cast %get3A_222 : vector<1x1x64x1024xf32> to vector<64x1024xf32>
    %mul3A_224 = arith.mulf %get3A_223, %get3A_223 : vector<64x1024xf32>
    %reduce_sum3A_225 = arith.constant dense<0.000000e+00> : vector<64xf32>
    %reduce_sum3A_226 = vector.multi_reduction <add>, %mul3A_224, %reduce_sum3A_225 [1] : vector<64x1024xf32> to vector<64xf32>
    %broadcast_in_dim3A_227 = vector.shape_cast %reduce_sum3A_226 : vector<64xf32> to vector<64x1xf32>
    %add3A_228 = arith.constant 9.99999997E-7 : f32
    %add3A_229 = vector.broadcast %add3A_228 : f32 to vector<64x1xf32>
    %add3A_230 = arith.addf %broadcast_in_dim3A_227, %add3A_229 : vector<64x1xf32>
    %rsqrt3A_231 = math.rsqrt %add3A_230 : vector<64x1xf32>
    %mul3A_232 = vector.broadcast %rsqrt3A_231 : vector<64x1xf32> to vector<64x1024xf32>
    %mul3A_233 = arith.mulf %get3A_223, %mul3A_232 : vector<64x1024xf32>
    %get3A_234 = arith.constant 0 : index
    %get3A_235 = arith.constant 14 : index
    %get3A_236 = arith.constant 0 : index
    %get3A_237 = arith.constant 0 : index
    %get3A_238 = vector.load %arg2[%get3A_234, %get3A_235, %get3A_236, %get3A_237] : memref<1x16x64x1024xf32, #tpu.memory_space<vmem>>, vector<1x1x64x1024xf32>
    %get3A_239 = vector.shape_cast %get3A_238 : vector<1x1x64x1024xf32> to vector<64x1024xf32>
    %mul3A_240 = arith.mulf %get3A_239, %get3A_239 : vector<64x1024xf32>
    %reduce_sum3A_241 = arith.constant dense<0.000000e+00> : vector<64xf32>
    %reduce_sum3A_242 = vector.multi_reduction <add>, %mul3A_240, %reduce_sum3A_241 [1] : vector<64x1024xf32> to vector<64xf32>
    %broadcast_in_dim3A_243 = vector.shape_cast %reduce_sum3A_242 : vector<64xf32> to vector<64x1xf32>
    %add3A_244 = arith.constant 9.99999997E-7 : f32
    %add3A_245 = vector.broadcast %add3A_244 : f32 to vector<64x1xf32>
    %add3A_246 = arith.addf %broadcast_in_dim3A_243, %add3A_245 : vector<64x1xf32>
    %rsqrt3A_247 = math.rsqrt %add3A_246 : vector<64x1xf32>
    %mul3A_248 = vector.broadcast %rsqrt3A_247 : vector<64x1xf32> to vector<64x1024xf32>
    %mul3A_249 = arith.mulf %get3A_239, %mul3A_248 : vector<64x1024xf32>
    %get3A_250 = arith.constant 0 : index
    %get3A_251 = arith.constant 15 : index
    %get3A_252 = arith.constant 0 : index
    %get3A_253 = arith.constant 0 : index
    %get3A_254 = vector.load %arg2[%get3A_250, %get3A_251, %get3A_252, %get3A_253] : memref<1x16x64x1024xf32, #tpu.memory_space<vmem>>, vector<1x1x64x1024xf32>
    %get3A_255 = vector.shape_cast %get3A_254 : vector<1x1x64x1024xf32> to vector<64x1024xf32>
    %mul3A_256 = arith.mulf %get3A_255, %get3A_255 : vector<64x1024xf32>
    %reduce_sum3A_257 = arith.constant dense<0.000000e+00> : vector<64xf32>
    %reduce_sum3A_258 = vector.multi_reduction <add>, %mul3A_256, %reduce_sum3A_257 [1] : vector<64x1024xf32> to vector<64xf32>
    %broadcast_in_dim3A_259 = vector.shape_cast %reduce_sum3A_258 : vector<64xf32> to vector<64x1xf32>
    %add3A_260 = arith.constant 9.99999997E-7 : f32
    %add3A_261 = vector.broadcast %add3A_260 : f32 to vector<64x1xf32>
    %add3A_262 = arith.addf %broadcast_in_dim3A_259, %add3A_261 : vector<64x1xf32>
    %rsqrt3A_263 = math.rsqrt %add3A_262 : vector<64x1xf32>
    %mul3A_264 = vector.broadcast %rsqrt3A_263 : vector<64x1xf32> to vector<64x1024xf32>
    %mul3A_265 = arith.mulf %get3A_255, %mul3A_264 : vector<64x1024xf32>
    %get3A_266 = arith.constant 0 : index
    %get3A_267 = arith.constant 0 : index
    %get3A_268 = arith.constant 0 : index
    %get3A_269 = arith.constant 0 : index
    %get3A_270 = vector.load %arg5[%get3A_266, %get3A_267, %get3A_268, %get3A_269] : memref<1x1x64x1024xf32, #tpu.memory_space<vmem>>, vector<1x1x64x1024xf32>
    %get3A_271 = vector.shape_cast %get3A_270 : vector<1x1x64x1024xf32> to vector<64x1024xf32>
    %get3A_272 = arith.constant 0 : index
    %get3A_273 = arith.constant 0 : index
    %get3A_274 = arith.constant 0 : index
    %get3A_275 = arith.constant 0 : index
    %get3A_276 = vector.load %arg4[%get3A_272, %get3A_273, %get3A_274, %get3A_275] : memref<1x16x64x1024xf32, #tpu.memory_space<vmem>>, vector<1x1x64x1024xf32>
    %get3A_277 = vector.shape_cast %get3A_276 : vector<1x1x64x1024xf32> to vector<64x1024xf32>
    %get3A_278 = arith.constant 0 : index
    %get3A_279 = arith.constant 1 : index
    %get3A_280 = arith.constant 0 : index
    %get3A_281 = arith.constant 0 : index
    %get3A_282 = vector.load %arg4[%get3A_278, %get3A_279, %get3A_280, %get3A_281] : memref<1x16x64x1024xf32, #tpu.memory_space<vmem>>, vector<1x1x64x1024xf32>
    %get3A_283 = vector.shape_cast %get3A_282 : vector<1x1x64x1024xf32> to vector<64x1024xf32>
    %get3A_284 = arith.constant 0 : index
    %get3A_285 = arith.constant 2 : index
    %get3A_286 = arith.constant 0 : index
    %get3A_287 = arith.constant 0 : index
    %get3A_288 = vector.load %arg4[%get3A_284, %get3A_285, %get3A_286, %get3A_287] : memref<1x16x64x1024xf32, #tpu.memory_space<vmem>>, vector<1x1x64x1024xf32>
    %get3A_289 = vector.shape_cast %get3A_288 : vector<1x1x64x1024xf32> to vector<64x1024xf32>
    %get3A_290 = arith.constant 0 : index
    %get3A_291 = arith.constant 3 : index
    %get3A_292 = arith.constant 0 : index
    %get3A_293 = arith.constant 0 : index
    %get3A_294 = vector.load %arg4[%get3A_290, %get3A_291, %get3A_292, %get3A_293] : memref<1x16x64x1024xf32, #tpu.memory_space<vmem>>, vector<1x1x64x1024xf32>
    %get3A_295 = vector.shape_cast %get3A_294 : vector<1x1x64x1024xf32> to vector<64x1024xf32>
    %get3A_296 = arith.constant 0 : index
    %get3A_297 = arith.constant 4 : index
    %get3A_298 = arith.constant 0 : index
    %get3A_299 = arith.constant 0 : index
    %get3A_300 = vector.load %arg4[%get3A_296, %get3A_297, %get3A_298, %get3A_299] : memref<1x16x64x1024xf32, #tpu.memory_space<vmem>>, vector<1x1x64x1024xf32>
    %get3A_301 = vector.shape_cast %get3A_300 : vector<1x1x64x1024xf32> to vector<64x1024xf32>
    %get3A_302 = arith.constant 0 : index
    %get3A_303 = arith.constant 5 : index
    %get3A_304 = arith.constant 0 : index
    %get3A_305 = arith.constant 0 : index
    %get3A_306 = vector.load %arg4[%get3A_302, %get3A_303, %get3A_304, %get3A_305] : memref<1x16x64x1024xf32, #tpu.memory_space<vmem>>, vector<1x1x64x1024xf32>
    %get3A_307 = vector.shape_cast %get3A_306 : vector<1x1x64x1024xf32> to vector<64x1024xf32>
    %get3A_308 = arith.constant 0 : index
    %get3A_309 = arith.constant 6 : index
    %get3A_310 = arith.constant 0 : index
    %get3A_311 = arith.constant 0 : index
    %get3A_312 = vector.load %arg4[%get3A_308, %get3A_309, %get3A_310, %get3A_311] : memref<1x16x64x1024xf32, #tpu.memory_space<vmem>>, vector<1x1x64x1024xf32>
    %get3A_313 = vector.shape_cast %get3A_312 : vector<1x1x64x1024xf32> to vector<64x1024xf32>
    %get3A_314 = arith.constant 0 : index
    %get3A_315 = arith.constant 7 : index
    %get3A_316 = arith.constant 0 : index
    %get3A_317 = arith.constant 0 : index
    %get3A_318 = vector.load %arg4[%get3A_314, %get3A_315, %get3A_316, %get3A_317] : memref<1x16x64x1024xf32, #tpu.memory_space<vmem>>, vector<1x1x64x1024xf32>
    %get3A_319 = vector.shape_cast %get3A_318 : vector<1x1x64x1024xf32> to vector<64x1024xf32>
    %get3A_320 = arith.constant 0 : index
    %get3A_321 = arith.constant 8 : index
    %get3A_322 = arith.constant 0 : index
    %get3A_323 = arith.constant 0 : index
    %get3A_324 = vector.load %arg4[%get3A_320, %get3A_321, %get3A_322, %get3A_323] : memref<1x16x64x1024xf32, #tpu.memory_space<vmem>>, vector<1x1x64x1024xf32>
    %get3A_325 = vector.shape_cast %get3A_324 : vector<1x1x64x1024xf32> to vector<64x1024xf32>
    %get3A_326 = arith.constant 0 : index
    %get3A_327 = arith.constant 9 : index
    %get3A_328 = arith.constant 0 : index
    %get3A_329 = arith.constant 0 : index
    %get3A_330 = vector.load %arg4[%get3A_326, %get3A_327, %get3A_328, %get3A_329] : memref<1x16x64x1024xf32, #tpu.memory_space<vmem>>, vector<1x1x64x1024xf32>
    %get3A_331 = vector.shape_cast %get3A_330 : vector<1x1x64x1024xf32> to vector<64x1024xf32>
    %get3A_332 = arith.constant 0 : index
    %get3A_333 = arith.constant 10 : index
    %get3A_334 = arith.constant 0 : index
    %get3A_335 = arith.constant 0 : index
    %get3A_336 = vector.load %arg4[%get3A_332, %get3A_333, %get3A_334, %get3A_335] : memref<1x16x64x1024xf32, #tpu.memory_space<vmem>>, vector<1x1x64x1024xf32>
    %get3A_337 = vector.shape_cast %get3A_336 : vector<1x1x64x1024xf32> to vector<64x1024xf32>
    %get3A_338 = arith.constant 0 : index
    %get3A_339 = arith.constant 11 : index
    %get3A_340 = arith.constant 0 : index
    %get3A_341 = arith.constant 0 : index
    %get3A_342 = vector.load %arg4[%get3A_338, %get3A_339, %get3A_340, %get3A_341] : memref<1x16x64x1024xf32, #tpu.memory_space<vmem>>, vector<1x1x64x1024xf32>
    %get3A_343 = vector.shape_cast %get3A_342 : vector<1x1x64x1024xf32> to vector<64x1024xf32>
    %get3A_344 = arith.constant 0 : index
    %get3A_345 = arith.constant 12 : index
    %get3A_346 = arith.constant 0 : index
    %get3A_347 = arith.constant 0 : index
    %get3A_348 = vector.load %arg4[%get3A_344, %get3A_345, %get3A_346, %get3A_347] : memref<1x16x64x1024xf32, #tpu.memory_space<vmem>>, vector<1x1x64x1024xf32>
    %get3A_349 = vector.shape_cast %get3A_348 : vector<1x1x64x1024xf32> to vector<64x1024xf32>
    %get3A_350 = arith.constant 0 : index
    %get3A_351 = arith.constant 13 : index
    %get3A_352 = arith.constant 0 : index
    %get3A_353 = arith.constant 0 : index
    %get3A_354 = vector.load %arg4[%get3A_350, %get3A_351, %get3A_352, %get3A_353] : memref<1x16x64x1024xf32, #tpu.memory_space<vmem>>, vector<1x1x64x1024xf32>
    %get3A_355 = vector.shape_cast %get3A_354 : vector<1x1x64x1024xf32> to vector<64x1024xf32>
    %get3A_356 = arith.constant 0 : index
    %get3A_357 = arith.constant 14 : index
    %get3A_358 = arith.constant 0 : index
    %get3A_359 = arith.constant 0 : index
    %get3A_360 = vector.load %arg4[%get3A_356, %get3A_357, %get3A_358, %get3A_359] : memref<1x16x64x1024xf32, #tpu.memory_space<vmem>>, vector<1x1x64x1024xf32>
    %get3A_361 = vector.shape_cast %get3A_360 : vector<1x1x64x1024xf32> to vector<64x1024xf32>
    %get3A_362 = arith.constant 0 : index
    %get3A_363 = arith.constant 15 : index
    %get3A_364 = arith.constant 0 : index
    %get3A_365 = arith.constant 0 : index
    %get3A_366 = vector.load %arg4[%get3A_362, %get3A_363, %get3A_364, %get3A_365] : memref<1x16x64x1024xf32, #tpu.memory_space<vmem>>, vector<1x1x64x1024xf32>
    %get3A_367 = vector.shape_cast %get3A_366 : vector<1x1x64x1024xf32> to vector<64x1024xf32>
    %get3A_368 = arith.constant 0 : index
    %get3A_369 = arith.constant 0 : index
    %get3A_370 = arith.constant 0 : index
    %get3A_371 = arith.constant 0 : index
    %get3A_372 = vector.load %arg7[%get3A_368, %get3A_369, %get3A_370, %get3A_371] : memref<1x1x1x64xi32, #tpu.memory_space<vmem>>, vector<1x1x1x64xi32>
    %get3A_373 = vector.shape_cast %get3A_372 : vector<1x1x1x64xi32> to vector<64xi32>
    %get3A_374 = arith.constant 0 : index
    %get3A_375 = arith.constant 0 : index
    %get3A_376 = arith.constant 0 : index
    %get3A_377 = arith.constant 0 : index
    %get3A_378 = vector.load %arg6[%get3A_374, %get3A_375, %get3A_376, %get3A_377] : memref<1x16x1x64xi32, #tpu.memory_space<vmem>>, vector<1x1x1x64xi32>
    %get3A_379 = vector.shape_cast %get3A_378 : vector<1x1x1x64xi32> to vector<64xi32>
    %get3A_380 = arith.constant 0 : index
    %get3A_381 = arith.constant 1 : index
    %get3A_382 = arith.constant 0 : index
    %get3A_383 = arith.constant 0 : index
    %get3A_384 = vector.load %arg6[%get3A_380, %get3A_381, %get3A_382, %get3A_383] : memref<1x16x1x64xi32, #tpu.memory_space<vmem>>, vector<1x1x1x64xi32>
    %get3A_385 = vector.shape_cast %get3A_384 : vector<1x1x1x64xi32> to vector<64xi32>
    %get3A_386 = arith.constant 0 : index
    %get3A_387 = arith.constant 2 : index
    %get3A_388 = arith.constant 0 : index
    %get3A_389 = arith.constant 0 : index
    %get3A_390 = vector.load %arg6[%get3A_386, %get3A_387, %get3A_388, %get3A_389] : memref<1x16x1x64xi32, #tpu.memory_space<vmem>>, vector<1x1x1x64xi32>
    %get3A_391 = vector.shape_cast %get3A_390 : vector<1x1x1x64xi32> to vector<64xi32>
    %get3A_392 = arith.constant 0 : index
    %get3A_393 = arith.constant 3 : index
    %get3A_394 = arith.constant 0 : index
    %get3A_395 = arith.constant 0 : index
    %get3A_396 = vector.load %arg6[%get3A_392, %get3A_393, %get3A_394, %get3A_395] : memref<1x16x1x64xi32, #tpu.memory_space<vmem>>, vector<1x1x1x64xi32>
    %get3A_397 = vector.shape_cast %get3A_396 : vector<1x1x1x64xi32> to vector<64xi32>
    %get3A_398 = arith.constant 0 : index
    %get3A_399 = arith.constant 4 : index
    %get3A_400 = arith.constant 0 : index
    %get3A_401 = arith.constant 0 : index
    %get3A_402 = vector.load %arg6[%get3A_398, %get3A_399, %get3A_400, %get3A_401] : memref<1x16x1x64xi32, #tpu.memory_space<vmem>>, vector<1x1x1x64xi32>
    %get3A_403 = vector.shape_cast %get3A_402 : vector<1x1x1x64xi32> to vector<64xi32>
    %get3A_404 = arith.constant 0 : index
    %get3A_405 = arith.constant 5 : index
    %get3A_406 = arith.constant 0 : index
    %get3A_407 = arith.constant 0 : index
    %get3A_408 = vector.load %arg6[%get3A_404, %get3A_405, %get3A_406, %get3A_407] : memref<1x16x1x64xi32, #tpu.memory_space<vmem>>, vector<1x1x1x64xi32>
    %get3A_409 = vector.shape_cast %get3A_408 : vector<1x1x1x64xi32> to vector<64xi32>
    %get3A_410 = arith.constant 0 : index
    %get3A_411 = arith.constant 6 : index
    %get3A_412 = arith.constant 0 : index
    %get3A_413 = arith.constant 0 : index
    %get3A_414 = vector.load %arg6[%get3A_410, %get3A_411, %get3A_412, %get3A_413] : memref<1x16x1x64xi32, #tpu.memory_space<vmem>>, vector<1x1x1x64xi32>
    %get3A_415 = vector.shape_cast %get3A_414 : vector<1x1x1x64xi32> to vector<64xi32>
    %get3A_416 = arith.constant 0 : index
    %get3A_417 = arith.constant 7 : index
    %get3A_418 = arith.constant 0 : index
    %get3A_419 = arith.constant 0 : index
    %get3A_420 = vector.load %arg6[%get3A_416, %get3A_417, %get3A_418, %get3A_419] : memref<1x16x1x64xi32, #tpu.memory_space<vmem>>, vector<1x1x1x64xi32>
    %get3A_421 = vector.shape_cast %get3A_420 : vector<1x1x1x64xi32> to vector<64xi32>
    %get3A_422 = arith.constant 0 : index
    %get3A_423 = arith.constant 8 : index
    %get3A_424 = arith.constant 0 : index
    %get3A_425 = arith.constant 0 : index
    %get3A_426 = vector.load %arg6[%get3A_422, %get3A_423, %get3A_424, %get3A_425] : memref<1x16x1x64xi32, #tpu.memory_space<vmem>>, vector<1x1x1x64xi32>
    %get3A_427 = vector.shape_cast %get3A_426 : vector<1x1x1x64xi32> to vector<64xi32>
    %get3A_428 = arith.constant 0 : index
    %get3A_429 = arith.constant 9 : index
    %get3A_430 = arith.constant 0 : index
    %get3A_431 = arith.constant 0 : index
    %get3A_432 = vector.load %arg6[%get3A_428, %get3A_429, %get3A_430, %get3A_431] : memref<1x16x1x64xi32, #tpu.memory_space<vmem>>, vector<1x1x1x64xi32>
    %get3A_433 = vector.shape_cast %get3A_432 : vector<1x1x1x64xi32> to vector<64xi32>
    %get3A_434 = arith.constant 0 : index
    %get3A_435 = arith.constant 10 : index
    %get3A_436 = arith.constant 0 : index
    %get3A_437 = arith.constant 0 : index
    %get3A_438 = vector.load %arg6[%get3A_434, %get3A_435, %get3A_436, %get3A_437] : memref<1x16x1x64xi32, #tpu.memory_space<vmem>>, vector<1x1x1x64xi32>
    %get3A_439 = vector.shape_cast %get3A_438 : vector<1x1x1x64xi32> to vector<64xi32>
    %get3A_440 = arith.constant 0 : index
    %get3A_441 = arith.constant 11 : index
    %get3A_442 = arith.constant 0 : index
    %get3A_443 = arith.constant 0 : index
    %get3A_444 = vector.load %arg6[%get3A_440, %get3A_441, %get3A_442, %get3A_443] : memref<1x16x1x64xi32, #tpu.memory_space<vmem>>, vector<1x1x1x64xi32>
    %get3A_445 = vector.shape_cast %get3A_444 : vector<1x1x1x64xi32> to vector<64xi32>
    %get3A_446 = arith.constant 0 : index
    %get3A_447 = arith.constant 12 : index
    %get3A_448 = arith.constant 0 : index
    %get3A_449 = arith.constant 0 : index
    %get3A_450 = vector.load %arg6[%get3A_446, %get3A_447, %get3A_448, %get3A_449] : memref<1x16x1x64xi32, #tpu.memory_space<vmem>>, vector<1x1x1x64xi32>
    %get3A_451 = vector.shape_cast %get3A_450 : vector<1x1x1x64xi32> to vector<64xi32>
    %get3A_452 = arith.constant 0 : index
    %get3A_453 = arith.constant 13 : index
    %get3A_454 = arith.constant 0 : index
    %get3A_455 = arith.constant 0 : index
    %get3A_456 = vector.load %arg6[%get3A_452, %get3A_453, %get3A_454, %get3A_455] : memref<1x16x1x64xi32, #tpu.memory_space<vmem>>, vector<1x1x1x64xi32>
    %get3A_457 = vector.shape_cast %get3A_456 : vector<1x1x1x64xi32> to vector<64xi32>
    %get3A_458 = arith.constant 0 : index
    %get3A_459 = arith.constant 14 : index
    %get3A_460 = arith.constant 0 : index
    %get3A_461 = arith.constant 0 : index
    %get3A_462 = vector.load %arg6[%get3A_458, %get3A_459, %get3A_460, %get3A_461] : memref<1x16x1x64xi32, #tpu.memory_space<vmem>>, vector<1x1x1x64xi32>
    %get3A_463 = vector.shape_cast %get3A_462 : vector<1x1x1x64xi32> to vector<64xi32>
    %get3A_464 = arith.constant 0 : index
    %get3A_465 = arith.constant 15 : index
    %get3A_466 = arith.constant 0 : index
    %get3A_467 = arith.constant 0 : index
    %get3A_468 = vector.load %arg6[%get3A_464, %get3A_465, %get3A_466, %get3A_467] : memref<1x16x1x64xi32, #tpu.memory_space<vmem>>, vector<1x1x1x64xi32>
    %get3A_469 = vector.shape_cast %get3A_468 : vector<1x1x1x64xi32> to vector<64xi32>
    %get3A_470 = arith.constant 0 : index
    %get3A_471 = arith.constant 0 : index
    %get3A_472 = arith.constant 0 : index
    %get3A_473 = arith.constant 0 : index
    %get3A_474 = vector.load %arg2[%get3A_470, %get3A_471, %get3A_472, %get3A_473] : memref<1x16x64x1024xf32, #tpu.memory_space<vmem>>, vector<1x1x64x1024xf32>
    %get3A_475 = vector.shape_cast %get3A_474 : vector<1x1x64x1024xf32> to vector<64x1024xf32>
    %concatenate3A = tpu.concatenate %mul3A_25, %mul3A_9 in 0 : vector<64x1024xf32>, vector<64x1024xf32> -> vector<128x1024xf32>
    %concatenate3A_476 = tpu.concatenate %get3A_277, %get3A_271 in 0 : vector<64x1024xf32>, vector<64x1024xf32> -> vector<128x1024xf32>
    %dot_general3A = arith.constant dense<0.000000e+00> : vector<64x128xf32>
    %dot_general3A_477 = tpu.matmul %get3A_475, %concatenate3A, %dot_general3A {dimension_numbers = #tpu.dot_dimension_numbers<[1], [1], [0], [0], [0, 0, 1, 0], [], []>, transpose_lhs_hint = false} : vector<64x1024xf32>, vector<128x1024xf32>, vector<64x128xf32> -> vector<64x128xf32>
    %mul3A_478 = arith.constant 3.125000e-02 : f32
    %mul3A_479 = vector.broadcast %mul3A_478 : f32 to vector<64x128xf32>
    %mul3A_480 = arith.mulf %dot_general3A_477, %mul3A_479 : vector<64x128xf32>
    %concatenate3A_481 = tpu.concatenate %get3A_379, %get3A_373 in 0 : vector<64xi32>, vector<64xi32> -> vector<128xi32>
    %broadcast_in_dim3A_482 = vector.shape_cast %get3A_379 : vector<64xi32> to vector<64x1xi32>
    %broadcast_in_dim3A_483 = vector.shape_cast %concatenate3A_481 : vector<128xi32> to vector<1x128xi32>
    %eq3A = vector.broadcast %broadcast_in_dim3A_482 : vector<64x1xi32> to vector<64x128xi32>
    %eq3A_484 = vector.broadcast %broadcast_in_dim3A_483 : vector<1x128xi32> to vector<64x128xi32>
    %eq3A_485 = arith.cmpi eq, %eq3A, %eq3A_484 : vector<64x128xi32>
    %jit3A = arith.constant -5.000000e+04 : f32
    %broadcast_in_dim3A_486 = vector.broadcast %jit3A : f32 to vector<64x128xf32>
    %select_n3A = arith.select %eq3A_485, %broadcast_in_dim3A_486, %mul3A_480 : vector<64x128xi1>, vector<64x128xf32>
    %reduce_max3A = arith.constant dense<0xFF800000> : vector<64xf32>
    %reduce_max3A_487 = vector.multi_reduction <maximumf>, %select_n3A, %reduce_max3A [1] : vector<64x128xf32> to vector<64xf32>
    %broadcast_in_dim3A_488 = vector.shape_cast %reduce_max3A_487 : vector<64xf32> to vector<64x1xf32>
    %sub3A = vector.broadcast %broadcast_in_dim3A_488 : vector<64x1xf32> to vector<64x128xf32>
    %sub3A_489 = arith.subf %select_n3A, %sub3A : vector<64x128xf32>
    %exp3A = math.exp %sub3A_489 : vector<64x128xf32>
    %reduce_sum3A_490 = arith.constant dense<0.000000e+00> : vector<64xf32>
    %reduce_sum3A_491 = vector.multi_reduction <add>, %exp3A, %reduce_sum3A_490 [1] : vector<64x128xf32> to vector<64xf32>
    %broadcast_in_dim3A_492 = vector.shape_cast %reduce_sum3A_491 : vector<64xf32> to vector<64x1xf32>
    %div3A = vector.broadcast %broadcast_in_dim3A_492 : vector<64x1xf32> to vector<64x128xf32>
    %div3A_493 = arith.divf %exp3A, %div3A : vector<64x128xf32>
    %dot_general3A_494 = arith.constant dense<0.000000e+00> : vector<64x1024xf32>
    %dot_general3A_495 = tpu.matmul %div3A_493, %concatenate3A_476, %dot_general3A_494 {dimension_numbers = #tpu.dot_dimension_numbers<[1], [0], [0], [1], [0, 0, 1, 1], [], []>, transpose_lhs_hint = false} : vector<64x128xf32>, vector<128x1024xf32>, vector<64x1024xf32> -> vector<64x1024xf32>
    %swap3A = arith.constant 0 : index
    %swap3A_496 = arith.constant 0 : index
    %swap3A_497 = arith.constant 0 : index
    %swap3A_498 = arith.constant 0 : index
    %swap3A_499 = vector.load %arg8[%swap3A, %swap3A_496, %swap3A_497, %swap3A_498] : memref<1x16x64x1024xf32, #tpu.memory_space<vmem>>, vector<1x1x64x1024xf32>
    %swap3A_500 = vector.shape_cast %swap3A_499 : vector<1x1x64x1024xf32> to vector<64x1024xf32>
    %swap3A_501 = vector.shape_cast %dot_general3A_495 : vector<64x1024xf32> to vector<1x1x64x1024xf32>
    tpu.vector_store %arg8[%swap3A, %swap3A_496, %swap3A_497, %swap3A_498], %swap3A_501 {strides = array<i32>} : memref<1x16x64x1024xf32, #tpu.memory_space<vmem>>, vector<1x1x64x1024xf32>,
    %log3A = math.log %broadcast_in_dim3A_492 : vector<64x1xf32>
    %add3A_502 = arith.addf %log3A, %broadcast_in_dim3A_488 : vector<64x1xf32>
    %broadcast_in_dim3A_503 = vector.shape_cast %add3A_502 : vector<64x1xf32> to vector<64x1xf32>
    %broadcast_in_dim3A_504 = vector.broadcast %broadcast_in_dim3A_503 : vector<64x1xf32> to vector<64x128xf32>
    %swap3A_505 = arith.constant 0 : index
    %swap3A_506 = arith.constant 0 : index
    %swap3A_507 = arith.constant 0 : index
    %swap3A_508 = arith.constant 0 : index
    %swap3A_509 = vector.load %arg9[%swap3A_505, %swap3A_506, %swap3A_507, %swap3A_508] : memref<1x16x64x128xf32, #tpu.memory_space<vmem>>, vector<1x1x64x128xf32>
    %swap3A_510 = vector.shape_cast %swap3A_509 : vector<1x1x64x128xf32> to vector<64x128xf32>
    %swap3A_511 = vector.shape_cast %broadcast_in_dim3A_504 : vector<64x128xf32> to vector<1x1x64x128xf32>
    tpu.vector_store %arg9[%swap3A_505, %swap3A_506, %swap3A_507, %swap3A_508], %swap3A_511 {strides = array<i32>} : memref<1x16x64x128xf32, #tpu.memory_space<vmem>>, vector<1x1x64x128xf32>,
    %get3A_512 = arith.constant 0 : index
    %get3A_513 = arith.constant 1 : index
    %get3A_514 = arith.constant 0 : index
    %get3A_515 = arith.constant 0 : index
    %get3A_516 = vector.load %arg2[%get3A_512, %get3A_513, %get3A_514, %get3A_515] : memref<1x16x64x1024xf32, #tpu.memory_space<vmem>>, vector<1x1x64x1024xf32>
    %get3A_517 = vector.shape_cast %get3A_516 : vector<1x1x64x1024xf32> to vector<64x1024xf32>
    %concatenate3A_518 = tpu.concatenate %mul3A_41, %mul3A_25 in 0 : vector<64x1024xf32>, vector<64x1024xf32> -> vector<128x1024xf32>
    %concatenate3A_519 = tpu.concatenate %get3A_283, %get3A_277 in 0 : vector<64x1024xf32>, vector<64x1024xf32> -> vector<128x1024xf32>
    %dot_general3A_520 = arith.constant dense<0.000000e+00> : vector<64x128xf32>
    %dot_general3A_521 = tpu.matmul %get3A_517, %concatenate3A_518, %dot_general3A_520 {dimension_numbers = #tpu.dot_dimension_numbers<[1], [1], [0], [0], [0, 0, 1, 0], [], []>, transpose_lhs_hint = false} : vector<64x1024xf32>, vector<128x1024xf32>, vector<64x128xf32> -> vector<64x128xf32>
    %mul3A_522 = arith.constant 3.125000e-02 : f32
    %mul3A_523 = vector.broadcast %mul3A_522 : f32 to vector<64x128xf32>
    %mul3A_524 = arith.mulf %dot_general3A_521, %mul3A_523 : vector<64x128xf32>
    %concatenate3A_525 = tpu.concatenate %get3A_385, %get3A_379 in 0 : vector<64xi32>, vector<64xi32> -> vector<128xi32>
    %broadcast_in_dim3A_526 = vector.shape_cast %get3A_385 : vector<64xi32> to vector<64x1xi32>
    %broadcast_in_dim3A_527 = vector.shape_cast %concatenate3A_525 : vector<128xi32> to vector<1x128xi32>
    %eq3A_528 = vector.broadcast %broadcast_in_dim3A_526 : vector<64x1xi32> to vector<64x128xi32>
    %eq3A_529 = vector.broadcast %broadcast_in_dim3A_527 : vector<1x128xi32> to vector<64x128xi32>
    %eq3A_530 = arith.cmpi eq, %eq3A_528, %eq3A_529 : vector<64x128xi32>
    %jit3A_531 = arith.constant -5.000000e+04 : f32
    %broadcast_in_dim3A_532 = vector.broadcast %jit3A_531 : f32 to vector<64x128xf32>
    %select_n3A_533 = arith.select %eq3A_530, %broadcast_in_dim3A_532, %mul3A_524 : vector<64x128xi1>, vector<64x128xf32>
    %reduce_max3A_534 = arith.constant dense<0xFF800000> : vector<64xf32>
    %reduce_max3A_535 = vector.multi_reduction <maximumf>, %select_n3A_533, %reduce_max3A_534 [1] : vector<64x128xf32> to vector<64xf32>
    %broadcast_in_dim3A_536 = vector.shape_cast %reduce_max3A_535 : vector<64xf32> to vector<64x1xf32>
    %sub3A_537 = vector.broadcast %broadcast_in_dim3A_536 : vector<64x1xf32> to vector<64x128xf32>
    %sub3A_538 = arith.subf %select_n3A_533, %sub3A_537 : vector<64x128xf32>
    %exp3A_539 = math.exp %sub3A_538 : vector<64x128xf32>
    %reduce_sum3A_540 = arith.constant dense<0.000000e+00> : vector<64xf32>
    %reduce_sum3A_541 = vector.multi_reduction <add>, %exp3A_539, %reduce_sum3A_540 [1] : vector<64x128xf32> to vector<64xf32>
    %broadcast_in_dim3A_542 = vector.shape_cast %reduce_sum3A_541 : vector<64xf32> to vector<64x1xf32>
    %div3A_543 = vector.broadcast %broadcast_in_dim3A_542 : vector<64x1xf32> to vector<64x128xf32>
    %div3A_544 = arith.divf %exp3A_539, %div3A_543 : vector<64x128xf32>
    %dot_general3A_545 = arith.constant dense<0.000000e+00> : vector<64x1024xf32>
    %dot_general3A_546 = tpu.matmul %div3A_544, %concatenate3A_519, %dot_general3A_545 {dimension_numbers = #tpu.dot_dimension_numbers<[1], [0], [0], [1], [0, 0, 1, 1], [], []>, transpose_lhs_hint = false} : vector<64x128xf32>, vector<128x1024xf32>, vector<64x1024xf32> -> vector<64x1024xf32>
    %swap3A_547 = arith.constant 0 : index
    %swap3A_548 = arith.constant 1 : index
    %swap3A_549 = arith.constant 0 : index
    %swap3A_550 = arith.constant 0 : index
    %swap3A_551 = vector.load %arg8[%swap3A_547, %swap3A_548, %swap3A_549, %swap3A_550] : memref<1x16x64x1024xf32, #tpu.memory_space<vmem>>, vector<1x1x64x1024xf32>
    %swap3A_552 = vector.shape_cast %swap3A_551 : vector<1x1x64x1024xf32> to vector<64x1024xf32>
    %swap3A_553 = vector.shape_cast %dot_general3A_546 : vector<64x1024xf32> to vector<1x1x64x1024xf32>
    tpu.vector_store %arg8[%swap3A_547, %swap3A_548, %swap3A_549, %swap3A_550], %swap3A_553 {strides = array<i32>} : memref<1x16x64x1024xf32, #tpu.memory_space<vmem>>, vector<1x1x64x1024xf32>,
    %log3A_554 = math.log %broadcast_in_dim3A_542 : vector<64x1xf32>
    %add3A_555 = arith.addf %log3A_554, %broadcast_in_dim3A_536 : vector<64x1xf32>
    %broadcast_in_dim3A_556 = vector.shape_cast %add3A_555 : vector<64x1xf32> to vector<64x1xf32>
    %broadcast_in_dim3A_557 = vector.broadcast %broadcast_in_dim3A_556 : vector<64x1xf32> to vector<64x128xf32>
    %swap3A_558 = arith.constant 0 : index
    %swap3A_559 = arith.constant 1 : index
    %swap3A_560 = arith.constant 0 : index
    %swap3A_561 = arith.constant 0 : index
    %swap3A_562 = vector.load %arg9[%swap3A_558, %swap3A_559, %swap3A_560, %swap3A_561] : memref<1x16x64x128xf32, #tpu.memory_space<vmem>>, vector<1x1x64x128xf32>
    %swap3A_563 = vector.shape_cast %swap3A_562 : vector<1x1x64x128xf32> to vector<64x128xf32>
    %swap3A_564 = vector.shape_cast %broadcast_in_dim3A_557 : vector<64x128xf32> to vector<1x1x64x128xf32>
    tpu.vector_store %arg9[%swap3A_558, %swap3A_559, %swap3A_560, %swap3A_561], %swap3A_564 {strides = array<i32>} : memref<1x16x64x128xf32, #tpu.memory_space<vmem>>, vector<1x1x64x128xf32>,
    %get3A_565 = arith.constant 0 : index
    %get3A_566 = arith.constant 2 : index
    %get3A_567 = arith.constant 0 : index
    %get3A_568 = arith.constant 0 : index
    %get3A_569 = vector.load %arg2[%get3A_565, %get3A_566, %get3A_567, %get3A_568] : memref<1x16x64x1024xf32, #tpu.memory_space<vmem>>, vector<1x1x64x1024xf32>
    %get3A_570 = vector.shape_cast %get3A_569 : vector<1x1x64x1024xf32> to vector<64x1024xf32>
    %concatenate3A_571 = tpu.concatenate %mul3A_57, %mul3A_41 in 0 : vector<64x1024xf32>, vector<64x1024xf32> -> vector<128x1024xf32>
    %concatenate3A_572 = tpu.concatenate %get3A_289, %get3A_283 in 0 : vector<64x1024xf32>, vector<64x1024xf32> -> vector<128x1024xf32>
    %dot_general3A_573 = arith.constant dense<0.000000e+00> : vector<64x128xf32>
    %dot_general3A_574 = tpu.matmul %get3A_570, %concatenate3A_571, %dot_general3A_573 {dimension_numbers = #tpu.dot_dimension_numbers<[1], [1], [0], [0], [0, 0, 1, 0], [], []>, transpose_lhs_hint = false} : vector<64x1024xf32>, vector<128x1024xf32>, vector<64x128xf32> -> vector<64x128xf32>
    %mul3A_575 = arith.constant 3.125000e-02 : f32
    %mul3A_576 = vector.broadcast %mul3A_575 : f32 to vector<64x128xf32>
    %mul3A_577 = arith.mulf %dot_general3A_574, %mul3A_576 : vector<64x128xf32>
    %concatenate3A_578 = tpu.concatenate %get3A_391, %get3A_385 in 0 : vector<64xi32>, vector<64xi32> -> vector<128xi32>
    %broadcast_in_dim3A_579 = vector.shape_cast %get3A_391 : vector<64xi32> to vector<64x1xi32>
    %broadcast_in_dim3A_580 = vector.shape_cast %concatenate3A_578 : vector<128xi32> to vector<1x128xi32>
    %eq3A_581 = vector.broadcast %broadcast_in_dim3A_579 : vector<64x1xi32> to vector<64x128xi32>
    %eq3A_582 = vector.broadcast %broadcast_in_dim3A_580 : vector<1x128xi32> to vector<64x128xi32>
    %eq3A_583 = arith.cmpi eq, %eq3A_581, %eq3A_582 : vector<64x128xi32>
    %jit3A_584 = arith.constant -5.000000e+04 : f32
    %broadcast_in_dim3A_585 = vector.broadcast %jit3A_584 : f32 to vector<64x128xf32>
    %select_n3A_586 = arith.select %eq3A_583, %broadcast_in_dim3A_585, %mul3A_577 : vector<64x128xi1>, vector<64x128xf32>
    %reduce_max3A_587 = arith.constant dense<0xFF800000> : vector<64xf32>
    %reduce_max3A_588 = vector.multi_reduction <maximumf>, %select_n3A_586, %reduce_max3A_587 [1] : vector<64x128xf32> to vector<64xf32>
    %broadcast_in_dim3A_589 = vector.shape_cast %reduce_max3A_588 : vector<64xf32> to vector<64x1xf32>
    %sub3A_590 = vector.broadcast %broadcast_in_dim3A_589 : vector<64x1xf32> to vector<64x128xf32>
    %sub3A_591 = arith.subf %select_n3A_586, %sub3A_590 : vector<64x128xf32>
    %exp3A_592 = math.exp %sub3A_591 : vector<64x128xf32>
    %reduce_sum3A_593 = arith.constant dense<0.000000e+00> : vector<64xf32>
    %reduce_sum3A_594 = vector.multi_reduction <add>, %exp3A_592, %reduce_sum3A_593 [1] : vector<64x128xf32> to vector<64xf32>
    %broadcast_in_dim3A_595 = vector.shape_cast %reduce_sum3A_594 : vector<64xf32> to vector<64x1xf32>
    %div3A_596 = vector.broadcast %broadcast_in_dim3A_595 : vector<64x1xf32> to vector<64x128xf32>
    %div3A_597 = arith.divf %exp3A_592, %div3A_596 : vector<64x128xf32>
    %dot_general3A_598 = arith.constant dense<0.000000e+00> : vector<64x1024xf32>
    %dot_general3A_599 = tpu.matmul %div3A_597, %concatenate3A_572, %dot_general3A_598 {dimension_numbers = #tpu.dot_dimension_numbers<[1], [0], [0], [1], [0, 0, 1, 1], [], []>, transpose_lhs_hint = false} : vector<64x128xf32>, vector<128x1024xf32>, vector<64x1024xf32> -> vector<64x1024xf32>
    %swap3A_600 = arith.constant 0 : index
    %swap3A_601 = arith.constant 2 : index
    %swap3A_602 = arith.constant 0 : index
    %swap3A_603 = arith.constant 0 : index
    %swap3A_604 = vector.load %arg8[%swap3A_600, %swap3A_601, %swap3A_602, %swap3A_603] : memref<1x16x64x1024xf32, #tpu.memory_space<vmem>>, vector<1x1x64x1024xf32>
    %swap3A_605 = vector.shape_cast %swap3A_604 : vector<1x1x64x1024xf32> to vector<64x1024xf32>
    %swap3A_606 = vector.shape_cast %dot_general3A_599 : vector<64x1024xf32> to vector<1x1x64x1024xf32>
    tpu.vector_store %arg8[%swap3A_600, %swap3A_601, %swap3A_602, %swap3A_603], %swap3A_606 {strides = array<i32>} : memref<1x16x64x1024xf32, #tpu.memory_space<vmem>>, vector<1x1x64x1024xf32>,
    %log3A_607 = math.log %broadcast_in_dim3A_595 : vector<64x1xf32>
    %add3A_608 = arith.addf %log3A_607, %broadcast_in_dim3A_589 : vector<64x1xf32>
    %broadcast_in_dim3A_609 = vector.shape_cast %add3A_608 : vector<64x1xf32> to vector<64x1xf32>
    %broadcast_in_dim3A_610 = vector.broadcast %broadcast_in_dim3A_609 : vector<64x1xf32> to vector<64x128xf32>
    %swap3A_611 = arith.constant 0 : index
    %swap3A_612 = arith.constant 2 : index
    %swap3A_613 = arith.constant 0 : index
    %swap3A_614 = arith.constant 0 : index
    %swap3A_615 = vector.load %arg9[%swap3A_611, %swap3A_612, %swap3A_613, %swap3A_614] : memref<1x16x64x128xf32, #tpu.memory_space<vmem>>, vector<1x1x64x128xf32>
    %swap3A_616 = vector.shape_cast %swap3A_615 : vector<1x1x64x128xf32> to vector<64x128xf32>
    %swap3A_617 = vector.shape_cast %broadcast_in_dim3A_610 : vector<64x128xf32> to vector<1x1x64x128xf32>
    tpu.vector_store %arg9[%swap3A_611, %swap3A_612, %swap3A_613, %swap3A_614], %swap3A_617 {strides = array<i32>} : memref<1x16x64x128xf32, #tpu.memory_space<vmem>>, vector<1x1x64x128xf32>,
    %get3A_618 = arith.constant 0 : index
    %get3A_619 = arith.constant 3 : index
    %get3A_620 = arith.constant 0 : index
    %get3A_621 = arith.constant 0 : index
    %get3A_622 = vector.load %arg2[%get3A_618, %get3A_619, %get3A_620, %get3A_621] : memref<1x16x64x1024xf32, #tpu.memory_space<vmem>>, vector<1x1x64x1024xf32>
    %get3A_623 = vector.shape_cast %get3A_622 : vector<1x1x64x1024xf32> to vector<64x1024xf32>
    %concatenate3A_624 = tpu.concatenate %mul3A_73, %mul3A_57 in 0 : vector<64x1024xf32>, vector<64x1024xf32> -> vector<128x1024xf32>
    %concatenate3A_625 = tpu.concatenate %get3A_295, %get3A_289 in 0 : vector<64x1024xf32>, vector<64x1024xf32> -> vector<128x1024xf32>
    %dot_general3A_626 = arith.constant dense<0.000000e+00> : vector<64x128xf32>
    %dot_general3A_627 = tpu.matmul %get3A_623, %concatenate3A_624, %dot_general3A_626 {dimension_numbers = #tpu.dot_dimension_numbers<[1], [1], [0], [0], [0, 0, 1, 0], [], []>, transpose_lhs_hint = false} : vector<64x1024xf32>, vector<128x1024xf32>, vector<64x128xf32> -> vector<64x128xf32>
    %mul3A_628 = arith.constant 3.125000e-02 : f32
    %mul3A_629 = vector.broadcast %mul3A_628 : f32 to vector<64x128xf32>
    %mul3A_630 = arith.mulf %dot_general3A_627, %mul3A_629 : vector<64x128xf32>
    %concatenate3A_631 = tpu.concatenate %get3A_397, %get3A_391 in 0 : vector<64xi32>, vector<64xi32> -> vector<128xi32>
    %broadcast_in_dim3A_632 = vector.shape_cast %get3A_397 : vector<64xi32> to vector<64x1xi32>
    %broadcast_in_dim3A_633 = vector.shape_cast %concatenate3A_631 : vector<128xi32> to vector<1x128xi32>
    %eq3A_634 = vector.broadcast %broadcast_in_dim3A_632 : vector<64x1xi32> to vector<64x128xi32>
    %eq3A_635 = vector.broadcast %broadcast_in_dim3A_633 : vector<1x128xi32> to vector<64x128xi32>
    %eq3A_636 = arith.cmpi eq, %eq3A_634, %eq3A_635 : vector<64x128xi32>
    %jit3A_637 = arith.constant -5.000000e+04 : f32
    %broadcast_in_dim3A_638 = vector.broadcast %jit3A_637 : f32 to vector<64x128xf32>
    %select_n3A_639 = arith.select %eq3A_636, %broadcast_in_dim3A_638, %mul3A_630 : vector<64x128xi1>, vector<64x128xf32>
    %reduce_max3A_640 = arith.constant dense<0xFF800000> : vector<64xf32>
    %reduce_max3A_641 = vector.multi_reduction <maximumf>, %select_n3A_639, %reduce_max3A_640 [1] : vector<64x128xf32> to vector<64xf32>
    %broadcast_in_dim3A_642 = vector.shape_cast %reduce_max3A_641 : vector<64xf32> to vector<64x1xf32>
    %sub3A_643 = vector.broadcast %broadcast_in_dim3A_642 : vector<64x1xf32> to vector<64x128xf32>
    %sub3A_644 = arith.subf %select_n3A_639, %sub3A_643 : vector<64x128xf32>
    %exp3A_645 = math.exp %sub3A_644 : vector<64x128xf32>
    %reduce_sum3A_646 = arith.constant dense<0.000000e+00> : vector<64xf32>
    %reduce_sum3A_647 = vector.multi_reduction <add>, %exp3A_645, %reduce_sum3A_646 [1] : vector<64x128xf32> to vector<64xf32>
    %broadcast_in_dim3A_648 = vector.shape_cast %reduce_sum3A_647 : vector<64xf32> to vector<64x1xf32>
    %div3A_649 = vector.broadcast %broadcast_in_dim3A_648 : vector<64x1xf32> to vector<64x128xf32>
    %div3A_650 = arith.divf %exp3A_645, %div3A_649 : vector<64x128xf32>
    %dot_general3A_651 = arith.constant dense<0.000000e+00> : vector<64x1024xf32>
    %dot_general3A_652 = tpu.matmul %div3A_650, %concatenate3A_625, %dot_general3A_651 {dimension_numbers = #tpu.dot_dimension_numbers<[1], [0], [0], [1], [0, 0, 1, 1], [], []>, transpose_lhs_hint = false} : vector<64x128xf32>, vector<128x1024xf32>, vector<64x1024xf32> -> vector<64x1024xf32>
    %swap3A_653 = arith.constant 0 : index
    %swap3A_654 = arith.constant 3 : index
    %swap3A_655 = arith.constant 0 : index
    %swap3A_656 = arith.constant 0 : index
    %swap3A_657 = vector.load %arg8[%swap3A_653, %swap3A_654, %swap3A_655, %swap3A_656] : memref<1x16x64x1024xf32, #tpu.memory_space<vmem>>, vector<1x1x64x1024xf32>
    %swap3A_658 = vector.shape_cast %swap3A_657 : vector<1x1x64x1024xf32> to vector<64x1024xf32>
    %swap3A_659 = vector.shape_cast %dot_general3A_652 : vector<64x1024xf32> to vector<1x1x64x1024xf32>
    tpu.vector_store %arg8[%swap3A_653, %swap3A_654, %swap3A_655, %swap3A_656], %swap3A_659 {strides = array<i32>} : memref<1x16x64x1024xf32, #tpu.memory_space<vmem>>, vector<1x1x64x1024xf32>,
    %log3A_660 = math.log %broadcast_in_dim3A_648 : vector<64x1xf32>
    %add3A_661 = arith.addf %log3A_660, %broadcast_in_dim3A_642 : vector<64x1xf32>
    %broadcast_in_dim3A_662 = vector.shape_cast %add3A_661 : vector<64x1xf32> to vector<64x1xf32>
    %broadcast_in_dim3A_663 = vector.broadcast %broadcast_in_dim3A_662 : vector<64x1xf32> to vector<64x128xf32>
    %swap3A_664 = arith.constant 0 : index
    %swap3A_665 = arith.constant 3 : index
    %swap3A_666 = arith.constant 0 : index
    %swap3A_667 = arith.constant 0 : index
    %swap3A_668 = vector.load %arg9[%swap3A_664, %swap3A_665, %swap3A_666, %swap3A_667] : memref<1x16x64x128xf32, #tpu.memory_space<vmem>>, vector<1x1x64x128xf32>
    %swap3A_669 = vector.shape_cast %swap3A_668 : vector<1x1x64x128xf32> to vector<64x128xf32>
    %swap3A_670 = vector.shape_cast %broadcast_in_dim3A_663 : vector<64x128xf32> to vector<1x1x64x128xf32>
    tpu.vector_store %arg9[%swap3A_664, %swap3A_665, %swap3A_666, %swap3A_667], %swap3A_670 {strides = array<i32>} : memref<1x16x64x128xf32, #tpu.memory_space<vmem>>, vector<1x1x64x128xf32>,
    %get3A_671 = arith.constant 0 : index
    %get3A_672 = arith.constant 4 : index
    %get3A_673 = arith.constant 0 : index
    %get3A_674 = arith.constant 0 : index
    %get3A_675 = vector.load %arg2[%get3A_671, %get3A_672, %get3A_673, %get3A_674] : memref<1x16x64x1024xf32, #tpu.memory_space<vmem>>, vector<1x1x64x1024xf32>
    %get3A_676 = vector.shape_cast %get3A_675 : vector<1x1x64x1024xf32> to vector<64x1024xf32>
    %concatenate3A_677 = tpu.concatenate %mul3A_89, %mul3A_73 in 0 : vector<64x1024xf32>, vector<64x1024xf32> -> vector<128x1024xf32>
    %concatenate3A_678 = tpu.concatenate %get3A_301, %get3A_295 in 0 : vector<64x1024xf32>, vector<64x1024xf32> -> vector<128x1024xf32>
    %dot_general3A_679 = arith.constant dense<0.000000e+00> : vector<64x128xf32>
    %dot_general3A_680 = tpu.matmul %get3A_676, %concatenate3A_677, %dot_general3A_679 {dimension_numbers = #tpu.dot_dimension_numbers<[1], [1], [0], [0], [0, 0, 1, 0], [], []>, transpose_lhs_hint = false} : vector<64x1024xf32>, vector<128x1024xf32>, vector<64x128xf32> -> vector<64x128xf32>
    %mul3A_681 = arith.constant 3.125000e-02 : f32
    %mul3A_682 = vector.broadcast %mul3A_681 : f32 to vector<64x128xf32>
    %mul3A_683 = arith.mulf %dot_general3A_680, %mul3A_682 : vector<64x128xf32>
    %concatenate3A_684 = tpu.concatenate %get3A_403, %get3A_397 in 0 : vector<64xi32>, vector<64xi32> -> vector<128xi32>
    %broadcast_in_dim3A_685 = vector.shape_cast %get3A_403 : vector<64xi32> to vector<64x1xi32>
    %broadcast_in_dim3A_686 = vector.shape_cast %concatenate3A_684 : vector<128xi32> to vector<1x128xi32>
    %eq3A_687 = vector.broadcast %broadcast_in_dim3A_685 : vector<64x1xi32> to vector<64x128xi32>
    %eq3A_688 = vector.broadcast %broadcast_in_dim3A_686 : vector<1x128xi32> to vector<64x128xi32>
    %eq3A_689 = arith.cmpi eq, %eq3A_687, %eq3A_688 : vector<64x128xi32>
    %jit3A_690 = arith.constant -5.000000e+04 : f32
    %broadcast_in_dim3A_691 = vector.broadcast %jit3A_690 : f32 to vector<64x128xf32>
    %select_n3A_692 = arith.select %eq3A_689, %broadcast_in_dim3A_691, %mul3A_683 : vector<64x128xi1>, vector<64x128xf32>
    %reduce_max3A_693 = arith.constant dense<0xFF800000> : vector<64xf32>
    %reduce_max3A_694 = vector.multi_reduction <maximumf>, %select_n3A_692, %reduce_max3A_693 [1] : vector<64x128xf32> to vector<64xf32>
    %broadcast_in_dim3A_695 = vector.shape_cast %reduce_max3A_694 : vector<64xf32> to vector<64x1xf32>
    %sub3A_696 = vector.broadcast %broadcast_in_dim3A_695 : vector<64x1xf32> to vector<64x128xf32>
    %sub3A_697 = arith.subf %select_n3A_692, %sub3A_696 : vector<64x128xf32>
    %exp3A_698 = math.exp %sub3A_697 : vector<64x128xf32>
    %reduce_sum3A_699 = arith.constant dense<0.000000e+00> : vector<64xf32>
    %reduce_sum3A_700 = vector.multi_reduction <add>, %exp3A_698, %reduce_sum3A_699 [1] : vector<64x128xf32> to vector<64xf32>
    %broadcast_in_dim3A_701 = vector.shape_cast %reduce_sum3A_700 : vector<64xf32> to vector<64x1xf32>
    %div3A_702 = vector.broadcast %broadcast_in_dim3A_701 : vector<64x1xf32> to vector<64x128xf32>
    %div3A_703 = arith.divf %exp3A_698, %div3A_702 : vector<64x128xf32>
    %dot_general3A_704 = arith.constant dense<0.000000e+00> : vector<64x1024xf32>
    %dot_general3A_705 = tpu.matmul %div3A_703, %concatenate3A_678, %dot_general3A_704 {dimension_numbers = #tpu.dot_dimension_numbers<[1], [0], [0], [1], [0, 0, 1, 1], [], []>, transpose_lhs_hint = false} : vector<64x128xf32>, vector<128x1024xf32>, vector<64x1024xf32> -> vector<64x1024xf32>
    %swap3A_706 = arith.constant 0 : index
    %swap3A_707 = arith.constant 4 : index
    %swap3A_708 = arith.constant 0 : index
    %swap3A_709 = arith.constant 0 : index
    %swap3A_710 = vector.load %arg8[%swap3A_706, %swap3A_707, %swap3A_708, %swap3A_709] : memref<1x16x64x1024xf32, #tpu.memory_space<vmem>>, vector<1x1x64x1024xf32>
    %swap3A_711 = vector.shape_cast %swap3A_710 : vector<1x1x64x1024xf32> to vector<64x1024xf32>
    %swap3A_712 = vector.shape_cast %dot_general3A_705 : vector<64x1024xf32> to vector<1x1x64x1024xf32>
    tpu.vector_store %arg8[%swap3A_706, %swap3A_707, %swap3A_708, %swap3A_709], %swap3A_712 {strides = array<i32>} : memref<1x16x64x1024xf32, #tpu.memory_space<vmem>>, vector<1x1x64x1024xf32>,
    %log3A_713 = math.log %broadcast_in_dim3A_701 : vector<64x1xf32>
    %add3A_714 = arith.addf %log3A_713, %broadcast_in_dim3A_695 : vector<64x1xf32>
    %broadcast_in_dim3A_715 = vector.shape_cast %add3A_714 : vector<64x1xf32> to vector<64x1xf32>
    %broadcast_in_dim3A_716 = vector.broadcast %broadcast_in_dim3A_715 : vector<64x1xf32> to vector<64x128xf32>
    %swap3A_717 = arith.constant 0 : index
    %swap3A_718 = arith.constant 4 : index
    %swap3A_719 = arith.constant 0 : index
    %swap3A_720 = arith.constant 0 : index
    %swap3A_721 = vector.load %arg9[%swap3A_717, %swap3A_718, %swap3A_719, %swap3A_720] : memref<1x16x64x128xf32, #tpu.memory_space<vmem>>, vector<1x1x64x128xf32>
    %swap3A_722 = vector.shape_cast %swap3A_721 : vector<1x1x64x128xf32> to vector<64x128xf32>
    %swap3A_723 = vector.shape_cast %broadcast_in_dim3A_716 : vector<64x128xf32> to vector<1x1x64x128xf32>
    tpu.vector_store %arg9[%swap3A_717, %swap3A_718, %swap3A_719, %swap3A_720], %swap3A_723 {strides = array<i32>} : memref<1x16x64x128xf32, #tpu.memory_space<vmem>>, vector<1x1x64x128xf32>,
    %get3A_724 = arith.constant 0 : index
    %get3A_725 = arith.constant 5 : index
    %get3A_726 = arith.constant 0 : index
    %get3A_727 = arith.constant 0 : index
    %get3A_728 = vector.load %arg2[%get3A_724, %get3A_725, %get3A_726, %get3A_727] : memref<1x16x64x1024xf32, #tpu.memory_space<vmem>>, vector<1x1x64x1024xf32>
    %get3A_729 = vector.shape_cast %get3A_728 : vector<1x1x64x1024xf32> to vector<64x1024xf32>
    %concatenate3A_730 = tpu.concatenate %mul3A_105, %mul3A_89 in 0 : vector<64x1024xf32>, vector<64x1024xf32> -> vector<128x1024xf32>
    %concatenate3A_731 = tpu.concatenate %get3A_307, %get3A_301 in 0 : vector<64x1024xf32>, vector<64x1024xf32> -> vector<128x1024xf32>
    %dot_general3A_732 = arith.constant dense<0.000000e+00> : vector<64x128xf32>
    %dot_general3A_733 = tpu.matmul %get3A_729, %concatenate3A_730, %dot_general3A_732 {dimension_numbers = #tpu.dot_dimension_numbers<[1], [1], [0], [0], [0, 0, 1, 0], [], []>, transpose_lhs_hint = false} : vector<64x1024xf32>, vector<128x1024xf32>, vector<64x128xf32> -> vector<64x128xf32>
    %mul3A_734 = arith.constant 3.125000e-02 : f32
    %mul3A_735 = vector.broadcast %mul3A_734 : f32 to vector<64x128xf32>
    %mul3A_736 = arith.mulf %dot_general3A_733, %mul3A_735 : vector<64x128xf32>
    %concatenate3A_737 = tpu.concatenate %get3A_409, %get3A_403 in 0 : vector<64xi32>, vector<64xi32> -> vector<128xi32>
    %broadcast_in_dim3A_738 = vector.shape_cast %get3A_409 : vector<64xi32> to vector<64x1xi32>
    %broadcast_in_dim3A_739 = vector.shape_cast %concatenate3A_737 : vector<128xi32> to vector<1x128xi32>
    %eq3A_740 = vector.broadcast %broadcast_in_dim3A_738 : vector<64x1xi32> to vector<64x128xi32>
    %eq3A_741 = vector.broadcast %broadcast_in_dim3A_739 : vector<1x128xi32> to vector<64x128xi32>
    %eq3A_742 = arith.cmpi eq, %eq3A_740, %eq3A_741 : vector<64x128xi32>
    %jit3A_743 = arith.constant -5.000000e+04 : f32
    %broadcast_in_dim3A_744 = vector.broadcast %jit3A_743 : f32 to vector<64x128xf32>
    %select_n3A_745 = arith.select %eq3A_742, %broadcast_in_dim3A_744, %mul3A_736 : vector<64x128xi1>, vector<64x128xf32>
    %reduce_max3A_746 = arith.constant dense<0xFF800000> : vector<64xf32>
    %reduce_max3A_747 = vector.multi_reduction <maximumf>, %select_n3A_745, %reduce_max3A_746 [1] : vector<64x128xf32> to vector<64xf32>
    %broadcast_in_dim3A_748 = vector.shape_cast %reduce_max3A_747 : vector<64xf32> to vector<64x1xf32>
    %sub3A_749 = vector.broadcast %broadcast_in_dim3A_748 : vector<64x1xf32> to vector<64x128xf32>
    %sub3A_750 = arith.subf %select_n3A_745, %sub3A_749 : vector<64x128xf32>
    %exp3A_751 = math.exp %sub3A_750 : vector<64x128xf32>
    %reduce_sum3A_752 = arith.constant dense<0.000000e+00> : vector<64xf32>
    %reduce_sum3A_753 = vector.multi_reduction <add>, %exp3A_751, %reduce_sum3A_752 [1] : vector<64x128xf32> to vector<64xf32>
    %broadcast_in_dim3A_754 = vector.shape_cast %reduce_sum3A_753 : vector<64xf32> to vector<64x1xf32>
    %div3A_755 = vector.broadcast %broadcast_in_dim3A_754 : vector<64x1xf32> to vector<64x128xf32>
    %div3A_756 = arith.divf %exp3A_751, %div3A_755 : vector<64x128xf32>
    %dot_general3A_757 = arith.constant dense<0.000000e+00> : vector<64x1024xf32>
    %dot_general3A_758 = tpu.matmul %div3A_756, %concatenate3A_731, %dot_general3A_757 {dimension_numbers = #tpu.dot_dimension_numbers<[1], [0], [0], [1], [0, 0, 1, 1], [], []>, transpose_lhs_hint = false} : vector<64x128xf32>, vector<128x1024xf32>, vector<64x1024xf32> -> vector<64x1024xf32>
    %swap3A_759 = arith.constant 0 : index
    %swap3A_760 = arith.constant 5 : index
    %swap3A_761 = arith.constant 0 : index
    %swap3A_762 = arith.constant 0 : index
    %swap3A_763 = vector.load %arg8[%swap3A_759, %swap3A_760, %swap3A_761, %swap3A_762] : memref<1x16x64x1024xf32, #tpu.memory_space<vmem>>, vector<1x1x64x1024xf32>
    %swap3A_764 = vector.shape_cast %swap3A_763 : vector<1x1x64x1024xf32> to vector<64x1024xf32>
    %swap3A_765 = vector.shape_cast %dot_general3A_758 : vector<64x1024xf32> to vector<1x1x64x1024xf32>
    tpu.vector_store %arg8[%swap3A_759, %swap3A_760, %swap3A_761, %swap3A_762], %swap3A_765 {strides = array<i32>} : memref<1x16x64x1024xf32, #tpu.memory_space<vmem>>, vector<1x1x64x1024xf32>,
    %log3A_766 = math.log %broadcast_in_dim3A_754 : vector<64x1xf32>
    %add3A_767 = arith.addf %log3A_766, %broadcast_in_dim3A_748 : vector<64x1xf32>
    %broadcast_in_dim3A_768 = vector.shape_cast %add3A_767 : vector<64x1xf32> to vector<64x1xf32>
    %broadcast_in_dim3A_769 = vector.broadcast %broadcast_in_dim3A_768 : vector<64x1xf32> to vector<64x128xf32>
    %swap3A_770 = arith.constant 0 : index
    %swap3A_771 = arith.constant 5 : index
    %swap3A_772 = arith.constant 0 : index
    %swap3A_773 = arith.constant 0 : index
    %swap3A_774 = vector.load %arg9[%swap3A_770, %swap3A_771, %swap3A_772, %swap3A_773] : memref<1x16x64x128xf32, #tpu.memory_space<vmem>>, vector<1x1x64x128xf32>
    %swap3A_775 = vector.shape_cast %swap3A_774 : vector<1x1x64x128xf32> to vector<64x128xf32>
    %swap3A_776 = vector.shape_cast %broadcast_in_dim3A_769 : vector<64x128xf32> to vector<1x1x64x128xf32>
    tpu.vector_store %arg9[%swap3A_770, %swap3A_771, %swap3A_772, %swap3A_773], %swap3A_776 {strides = array<i32>} : memref<1x16x64x128xf32, #tpu.memory_space<vmem>>, vector<1x1x64x128xf32>,
    %get3A_777 = arith.constant 0 : index
    %get3A_778 = arith.constant 6 : index
    %get3A_779 = arith.constant 0 : index
    %get3A_780 = arith.constant 0 : index
    %get3A_781 = vector.load %arg2[%get3A_777, %get3A_778, %get3A_779, %get3A_780] : memref<1x16x64x1024xf32, #tpu.memory_space<vmem>>, vector<1x1x64x1024xf32>
    %get3A_782 = vector.shape_cast %get3A_781 : vector<1x1x64x1024xf32> to vector<64x1024xf32>
    %concatenate3A_783 = tpu.concatenate %mul3A_121, %mul3A_105 in 0 : vector<64x1024xf32>, vector<64x1024xf32> -> vector<128x1024xf32>
    %concatenate3A_784 = tpu.concatenate %get3A_313, %get3A_307 in 0 : vector<64x1024xf32>, vector<64x1024xf32> -> vector<128x1024xf32>
    %dot_general3A_785 = arith.constant dense<0.000000e+00> : vector<64x128xf32>
    %dot_general3A_786 = tpu.matmul %get3A_782, %concatenate3A_783, %dot_general3A_785 {dimension_numbers = #tpu.dot_dimension_numbers<[1], [1], [0], [0], [0, 0, 1, 0], [], []>, transpose_lhs_hint = false} : vector<64x1024xf32>, vector<128x1024xf32>, vector<64x128xf32> -> vector<64x128xf32>
    %mul3A_787 = arith.constant 3.125000e-02 : f32
    %mul3A_788 = vector.broadcast %mul3A_787 : f32 to vector<64x128xf32>
    %mul3A_789 = arith.mulf %dot_general3A_786, %mul3A_788 : vector<64x128xf32>
    %concatenate3A_790 = tpu.concatenate %get3A_415, %get3A_409 in 0 : vector<64xi32>, vector<64xi32> -> vector<128xi32>
    %broadcast_in_dim3A_791 = vector.shape_cast %get3A_415 : vector<64xi32> to vector<64x1xi32>
    %broadcast_in_dim3A_792 = vector.shape_cast %concatenate3A_790 : vector<128xi32> to vector<1x128xi32>
    %eq3A_793 = vector.broadcast %broadcast_in_dim3A_791 : vector<64x1xi32> to vector<64x128xi32>
    %eq3A_794 = vector.broadcast %broadcast_in_dim3A_792 : vector<1x128xi32> to vector<64x128xi32>
    %eq3A_795 = arith.cmpi eq, %eq3A_793, %eq3A_794 : vector<64x128xi32>
    %jit3A_796 = arith.constant -5.000000e+04 : f32
    %broadcast_in_dim3A_797 = vector.broadcast %jit3A_796 : f32 to vector<64x128xf32>
    %select_n3A_798 = arith.select %eq3A_795, %broadcast_in_dim3A_797, %mul3A_789 : vector<64x128xi1>, vector<64x128xf32>
    %reduce_max3A_799 = arith.constant dense<0xFF800000> : vector<64xf32>
    %reduce_max3A_800 = vector.multi_reduction <maximumf>, %select_n3A_798, %reduce_max3A_799 [1] : vector<64x128xf32> to vector<64xf32>
    %broadcast_in_dim3A_801 = vector.shape_cast %reduce_max3A_800 : vector<64xf32> to vector<64x1xf32>
    %sub3A_802 = vector.broadcast %broadcast_in_dim3A_801 : vector<64x1xf32> to vector<64x128xf32>
    %sub3A_803 = arith.subf %select_n3A_798, %sub3A_802 : vector<64x128xf32>
    %exp3A_804 = math.exp %sub3A_803 : vector<64x128xf32>
    %reduce_sum3A_805 = arith.constant dense<0.000000e+00> : vector<64xf32>
    %reduce_sum3A_806 = vector.multi_reduction <add>, %exp3A_804, %reduce_sum3A_805 [1] : vector<64x128xf32> to vector<64xf32>
    %broadcast_in_dim3A_807 = vector.shape_cast %reduce_sum3A_806 : vector<64xf32> to vector<64x1xf32>
    %div3A_808 = vector.broadcast %broadcast_in_dim3A_807 : vector<64x1xf32> to vector<64x128xf32>
    %div3A_809 = arith.divf %exp3A_804, %div3A_808 : vector<64x128xf32>
    %dot_general3A_810 = arith.constant dense<0.000000e+00> : vector<64x1024xf32>
    %dot_general3A_811 = tpu.matmul %div3A_809, %concatenate3A_784, %dot_general3A_810 {dimension_numbers = #tpu.dot_dimension_numbers<[1], [0], [0], [1], [0, 0, 1, 1], [], []>, transpose_lhs_hint = false} : vector<64x128xf32>, vector<128x1024xf32>, vector<64x1024xf32> -> vector<64x1024xf32>
    %swap3A_812 = arith.constant 0 : index
    %swap3A_813 = arith.constant 6 : index
    %swap3A_814 = arith.constant 0 : index
    %swap3A_815 = arith.constant 0 : index
    %swap3A_816 = vector.load %arg8[%swap3A_812, %swap3A_813, %swap3A_814, %swap3A_815] : memref<1x16x64x1024xf32, #tpu.memory_space<vmem>>, vector<1x1x64x1024xf32>
    %swap3A_817 = vector.shape_cast %swap3A_816 : vector<1x1x64x1024xf32> to vector<64x1024xf32>
    %swap3A_818 = vector.shape_cast %dot_general3A_811 : vector<64x1024xf32> to vector<1x1x64x1024xf32>
    tpu.vector_store %arg8[%swap3A_812, %swap3A_813, %swap3A_814, %swap3A_815], %swap3A_818 {strides = array<i32>} : memref<1x16x64x1024xf32, #tpu.memory_space<vmem>>, vector<1x1x64x1024xf32>,
    %log3A_819 = math.log %broadcast_in_dim3A_807 : vector<64x1xf32>
    %add3A_820 = arith.addf %log3A_819, %broadcast_in_dim3A_801 : vector<64x1xf32>
    %broadcast_in_dim3A_821 = vector.shape_cast %add3A_820 : vector<64x1xf32> to vector<64x1xf32>
    %broadcast_in_dim3A_822 = vector.broadcast %broadcast_in_dim3A_821 : vector<64x1xf32> to vector<64x128xf32>
    %swap3A_823 = arith.constant 0 : index
    %swap3A_824 = arith.constant 6 : index
    %swap3A_825 = arith.constant 0 : index
    %swap3A_826 = arith.constant 0 : index
    %swap3A_827 = vector.load %arg9[%swap3A_823, %swap3A_824, %swap3A_825, %swap3A_826] : memref<1x16x64x128xf32, #tpu.memory_space<vmem>>, vector<1x1x64x128xf32>
    %swap3A_828 = vector.shape_cast %swap3A_827 : vector<1x1x64x128xf32> to vector<64x128xf32>
    %swap3A_829 = vector.shape_cast %broadcast_in_dim3A_822 : vector<64x128xf32> to vector<1x1x64x128xf32>
    tpu.vector_store %arg9[%swap3A_823, %swap3A_824, %swap3A_825, %swap3A_826], %swap3A_829 {strides = array<i32>} : memref<1x16x64x128xf32, #tpu.memory_space<vmem>>, vector<1x1x64x128xf32>,
    %get3A_830 = arith.constant 0 : index
    %get3A_831 = arith.constant 7 : index
    %get3A_832 = arith.constant 0 : index
    %get3A_833 = arith.constant 0 : index
    %get3A_834 = vector.load %arg2[%get3A_830, %get3A_831, %get3A_832, %get3A_833] : memref<1x16x64x1024xf32, #tpu.memory_space<vmem>>, vector<1x1x64x1024xf32>
    %get3A_835 = vector.shape_cast %get3A_834 : vector<1x1x64x1024xf32> to vector<64x1024xf32>
    %concatenate3A_836 = tpu.concatenate %mul3A_137, %mul3A_121 in 0 : vector<64x1024xf32>, vector<64x1024xf32> -> vector<128x1024xf32>
    %concatenate3A_837 = tpu.concatenate %get3A_319, %get3A_313 in 0 : vector<64x1024xf32>, vector<64x1024xf32> -> vector<128x1024xf32>
    %dot_general3A_838 = arith.constant dense<0.000000e+00> : vector<64x128xf32>
    %dot_general3A_839 = tpu.matmul %get3A_835, %concatenate3A_836, %dot_general3A_838 {dimension_numbers = #tpu.dot_dimension_numbers<[1], [1], [0], [0], [0, 0, 1, 0], [], []>, transpose_lhs_hint = false} : vector<64x1024xf32>, vector<128x1024xf32>, vector<64x128xf32> -> vector<64x128xf32>
    %mul3A_840 = arith.constant 3.125000e-02 : f32
    %mul3A_841 = vector.broadcast %mul3A_840 : f32 to vector<64x128xf32>
    %mul3A_842 = arith.mulf %dot_general3A_839, %mul3A_841 : vector<64x128xf32>
    %concatenate3A_843 = tpu.concatenate %get3A_421, %get3A_415 in 0 : vector<64xi32>, vector<64xi32> -> vector<128xi32>
    %broadcast_in_dim3A_844 = vector.shape_cast %get3A_421 : vector<64xi32> to vector<64x1xi32>
    %broadcast_in_dim3A_845 = vector.shape_cast %concatenate3A_843 : vector<128xi32> to vector<1x128xi32>
    %eq3A_846 = vector.broadcast %broadcast_in_dim3A_844 : vector<64x1xi32> to vector<64x128xi32>
    %eq3A_847 = vector.broadcast %broadcast_in_dim3A_845 : vector<1x128xi32> to vector<64x128xi32>
    %eq3A_848 = arith.cmpi eq, %eq3A_846, %eq3A_847 : vector<64x128xi32>
    %jit3A_849 = arith.constant -5.000000e+04 : f32
    %broadcast_in_dim3A_850 = vector.broadcast %jit3A_849 : f32 to vector<64x128xf32>
    %select_n3A_851 = arith.select %eq3A_848, %broadcast_in_dim3A_850, %mul3A_842 : vector<64x128xi1>, vector<64x128xf32>
    %reduce_max3A_852 = arith.constant dense<0xFF800000> : vector<64xf32>
    %reduce_max3A_853 = vector.multi_reduction <maximumf>, %select_n3A_851, %reduce_max3A_852 [1] : vector<64x128xf32> to vector<64xf32>
    %broadcast_in_dim3A_854 = vector.shape_cast %reduce_max3A_853 : vector<64xf32> to vector<64x1xf32>
    %sub3A_855 = vector.broadcast %broadcast_in_dim3A_854 : vector<64x1xf32> to vector<64x128xf32>
    %sub3A_856 = arith.subf %select_n3A_851, %sub3A_855 : vector<64x128xf32>
    %exp3A_857 = math.exp %sub3A_856 : vector<64x128xf32>
    %reduce_sum3A_858 = arith.constant dense<0.000000e+00> : vector<64xf32>
    %reduce_sum3A_859 = vector.multi_reduction <add>, %exp3A_857, %reduce_sum3A_858 [1] : vector<64x128xf32> to vector<64xf32>
    %broadcast_in_dim3A_860 = vector.shape_cast %reduce_sum3A_859 : vector<64xf32> to vector<64x1xf32>
    %div3A_861 = vector.broadcast %broadcast_in_dim3A_860 : vector<64x1xf32> to vector<64x128xf32>
    %div3A_862 = arith.divf %exp3A_857, %div3A_861 : vector<64x128xf32>
    %dot_general3A_863 = arith.constant dense<0.000000e+00> : vector<64x1024xf32>
    %dot_general3A_864 = tpu.matmul %div3A_862, %concatenate3A_837, %dot_general3A_863 {dimension_numbers = #tpu.dot_dimension_numbers<[1], [0], [0], [1], [0, 0, 1, 1], [], []>, transpose_lhs_hint = false} : vector<64x128xf32>, vector<128x1024xf32>, vector<64x1024xf32> -> vector<64x1024xf32>
    %swap3A_865 = arith.constant 0 : index
    %swap3A_866 = arith.constant 7 : index
    %swap3A_867 = arith.constant 0 : index
    %swap3A_868 = arith.constant 0 : index
    %swap3A_869 = vector.load %arg8[%swap3A_865, %swap3A_866, %swap3A_867, %swap3A_868] : memref<1x16x64x1024xf32, #tpu.memory_space<vmem>>, vector<1x1x64x1024xf32>
    %swap3A_870 = vector.shape_cast %swap3A_869 : vector<1x1x64x1024xf32> to vector<64x1024xf32>
    %swap3A_871 = vector.shape_cast %dot_general3A_864 : vector<64x1024xf32> to vector<1x1x64x1024xf32>
    tpu.vector_store %arg8[%swap3A_865, %swap3A_866, %swap3A_867, %swap3A_868], %swap3A_871 {strides = array<i32>} : memref<1x16x64x1024xf32, #tpu.memory_space<vmem>>, vector<1x1x64x1024xf32>,
    %log3A_872 = math.log %broadcast_in_dim3A_860 : vector<64x1xf32>
    %add3A_873 = arith.addf %log3A_872, %broadcast_in_dim3A_854 : vector<64x1xf32>
    %broadcast_in_dim3A_874 = vector.shape_cast %add3A_873 : vector<64x1xf32> to vector<64x1xf32>
    %broadcast_in_dim3A_875 = vector.broadcast %broadcast_in_dim3A_874 : vector<64x1xf32> to vector<64x128xf32>
    %swap3A_876 = arith.constant 0 : index
    %swap3A_877 = arith.constant 7 : index
    %swap3A_878 = arith.constant 0 : index
    %swap3A_879 = arith.constant 0 : index
    %swap3A_880 = vector.load %arg9[%swap3A_876, %swap3A_877, %swap3A_878, %swap3A_879] : memref<1x16x64x128xf32, #tpu.memory_space<vmem>>, vector<1x1x64x128xf32>
    %swap3A_881 = vector.shape_cast %swap3A_880 : vector<1x1x64x128xf32> to vector<64x128xf32>
    %swap3A_882 = vector.shape_cast %broadcast_in_dim3A_875 : vector<64x128xf32> to vector<1x1x64x128xf32>
    tpu.vector_store %arg9[%swap3A_876, %swap3A_877, %swap3A_878, %swap3A_879], %swap3A_882 {strides = array<i32>} : memref<1x16x64x128xf32, #tpu.memory_space<vmem>>, vector<1x1x64x128xf32>,
    %get3A_883 = arith.constant 0 : index
    %get3A_884 = arith.constant 8 : index
    %get3A_885 = arith.constant 0 : index
    %get3A_886 = arith.constant 0 : index
    %get3A_887 = vector.load %arg2[%get3A_883, %get3A_884, %get3A_885, %get3A_886] : memref<1x16x64x1024xf32, #tpu.memory_space<vmem>>, vector<1x1x64x1024xf32>
    %get3A_888 = vector.shape_cast %get3A_887 : vector<1x1x64x1024xf32> to vector<64x1024xf32>
    %concatenate3A_889 = tpu.concatenate %mul3A_153, %mul3A_137 in 0 : vector<64x1024xf32>, vector<64x1024xf32> -> vector<128x1024xf32>
    %concatenate3A_890 = tpu.concatenate %get3A_325, %get3A_319 in 0 : vector<64x1024xf32>, vector<64x1024xf32> -> vector<128x1024xf32>
    %dot_general3A_891 = arith.constant dense<0.000000e+00> : vector<64x128xf32>
    %dot_general3A_892 = tpu.matmul %get3A_888, %concatenate3A_889, %dot_general3A_891 {dimension_numbers = #tpu.dot_dimension_numbers<[1], [1], [0], [0], [0, 0, 1, 0], [], []>, transpose_lhs_hint = false} : vector<64x1024xf32>, vector<128x1024xf32>, vector<64x128xf32> -> vector<64x128xf32>
    %mul3A_893 = arith.constant 3.125000e-02 : f32
    %mul3A_894 = vector.broadcast %mul3A_893 : f32 to vector<64x128xf32>
    %mul3A_895 = arith.mulf %dot_general3A_892, %mul3A_894 : vector<64x128xf32>
    %concatenate3A_896 = tpu.concatenate %get3A_427, %get3A_421 in 0 : vector<64xi32>, vector<64xi32> -> vector<128xi32>
    %broadcast_in_dim3A_897 = vector.shape_cast %get3A_427 : vector<64xi32> to vector<64x1xi32>
    %broadcast_in_dim3A_898 = vector.shape_cast %concatenate3A_896 : vector<128xi32> to vector<1x128xi32>
    %eq3A_899 = vector.broadcast %broadcast_in_dim3A_897 : vector<64x1xi32> to vector<64x128xi32>
    %eq3A_900 = vector.broadcast %broadcast_in_dim3A_898 : vector<1x128xi32> to vector<64x128xi32>
    %eq3A_901 = arith.cmpi eq, %eq3A_899, %eq3A_900 : vector<64x128xi32>
    %jit3A_902 = arith.constant -5.000000e+04 : f32
    %broadcast_in_dim3A_903 = vector.broadcast %jit3A_902 : f32 to vector<64x128xf32>
    %select_n3A_904 = arith.select %eq3A_901, %broadcast_in_dim3A_903, %mul3A_895 : vector<64x128xi1>, vector<64x128xf32>
    %reduce_max3A_905 = arith.constant dense<0xFF800000> : vector<64xf32>
    %reduce_max3A_906 = vector.multi_reduction <maximumf>, %select_n3A_904, %reduce_max3A_905 [1] : vector<64x128xf32> to vector<64xf32>
    %broadcast_in_dim3A_907 = vector.shape_cast %reduce_max3A_906 : vector<64xf32> to vector<64x1xf32>
    %sub3A_908 = vector.broadcast %broadcast_in_dim3A_907 : vector<64x1xf32> to vector<64x128xf32>
    %sub3A_909 = arith.subf %select_n3A_904, %sub3A_908 : vector<64x128xf32>
    %exp3A_910 = math.exp %sub3A_909 : vector<64x128xf32>
    %reduce_sum3A_911 = arith.constant dense<0.000000e+00> : vector<64xf32>
    %reduce_sum3A_912 = vector.multi_reduction <add>, %exp3A_910, %reduce_sum3A_911 [1] : vector<64x128xf32> to vector<64xf32>
    %broadcast_in_dim3A_913 = vector.shape_cast %reduce_sum3A_912 : vector<64xf32> to vector<64x1xf32>
    %div3A_914 = vector.broadcast %broadcast_in_dim3A_913 : vector<64x1xf32> to vector<64x128xf32>
    %div3A_915 = arith.divf %exp3A_910, %div3A_914 : vector<64x128xf32>
    %dot_general3A_916 = arith.constant dense<0.000000e+00> : vector<64x1024xf32>
    %dot_general3A_917 = tpu.matmul %div3A_915, %concatenate3A_890, %dot_general3A_916 {dimension_numbers = #tpu.dot_dimension_numbers<[1], [0], [0], [1], [0, 0, 1, 1], [], []>, transpose_lhs_hint = false} : vector<64x128xf32>, vector<128x1024xf32>, vector<64x1024xf32> -> vector<64x1024xf32>
    %swap3A_918 = arith.constant 0 : index
    %swap3A_919 = arith.constant 8 : index
    %swap3A_920 = arith.constant 0 : index
    %swap3A_921 = arith.constant 0 : index
    %swap3A_922 = vector.load %arg8[%swap3A_918, %swap3A_919, %swap3A_920, %swap3A_921] : memref<1x16x64x1024xf32, #tpu.memory_space<vmem>>, vector<1x1x64x1024xf32>
    %swap3A_923 = vector.shape_cast %swap3A_922 : vector<1x1x64x1024xf32> to vector<64x1024xf32>
    %swap3A_924 = vector.shape_cast %dot_general3A_917 : vector<64x1024xf32> to vector<1x1x64x1024xf32>
    tpu.vector_store %arg8[%swap3A_918, %swap3A_919, %swap3A_920, %swap3A_921], %swap3A_924 {strides = array<i32>} : memref<1x16x64x1024xf32, #tpu.memory_space<vmem>>, vector<1x1x64x1024xf32>,
    %log3A_925 = math.log %broadcast_in_dim3A_913 : vector<64x1xf32>
    %add3A_926 = arith.addf %log3A_925, %broadcast_in_dim3A_907 : vector<64x1xf32>
    %broadcast_in_dim3A_927 = vector.shape_cast %add3A_926 : vector<64x1xf32> to vector<64x1xf32>
    %broadcast_in_dim3A_928 = vector.broadcast %broadcast_in_dim3A_927 : vector<64x1xf32> to vector<64x128xf32>
    %swap3A_929 = arith.constant 0 : index
    %swap3A_930 = arith.constant 8 : index
    %swap3A_931 = arith.constant 0 : index
    %swap3A_932 = arith.constant 0 : index
    %swap3A_933 = vector.load %arg9[%swap3A_929, %swap3A_930, %swap3A_931, %swap3A_932] : memref<1x16x64x128xf32, #tpu.memory_space<vmem>>, vector<1x1x64x128xf32>
    %swap3A_934 = vector.shape_cast %swap3A_933 : vector<1x1x64x128xf32> to vector<64x128xf32>
    %swap3A_935 = vector.shape_cast %broadcast_in_dim3A_928 : vector<64x128xf32> to vector<1x1x64x128xf32>
    tpu.vector_store %arg9[%swap3A_929, %swap3A_930, %swap3A_931, %swap3A_932], %swap3A_935 {strides = array<i32>} : memref<1x16x64x128xf32, #tpu.memory_space<vmem>>, vector<1x1x64x128xf32>,
    %get3A_936 = arith.constant 0 : index
    %get3A_937 = arith.constant 9 : index
    %get3A_938 = arith.constant 0 : index
    %get3A_939 = arith.constant 0 : index
    %get3A_940 = vector.load %arg2[%get3A_936, %get3A_937, %get3A_938, %get3A_939] : memref<1x16x64x1024xf32, #tpu.memory_space<vmem>>, vector<1x1x64x1024xf32>
    %get3A_941 = vector.shape_cast %get3A_940 : vector<1x1x64x1024xf32> to vector<64x1024xf32>
    %concatenate3A_942 = tpu.concatenate %mul3A_169, %mul3A_153 in 0 : vector<64x1024xf32>, vector<64x1024xf32> -> vector<128x1024xf32>
    %concatenate3A_943 = tpu.concatenate %get3A_331, %get3A_325 in 0 : vector<64x1024xf32>, vector<64x1024xf32> -> vector<128x1024xf32>
    %dot_general3A_944 = arith.constant dense<0.000000e+00> : vector<64x128xf32>
    %dot_general3A_945 = tpu.matmul %get3A_941, %concatenate3A_942, %dot_general3A_944 {dimension_numbers = #tpu.dot_dimension_numbers<[1], [1], [0], [0], [0, 0, 1, 0], [], []>, transpose_lhs_hint = false} : vector<64x1024xf32>, vector<128x1024xf32>, vector<64x128xf32> -> vector<64x128xf32>
    %mul3A_946 = arith.constant 3.125000e-02 : f32
    %mul3A_947 = vector.broadcast %mul3A_946 : f32 to vector<64x128xf32>
    %mul3A_948 = arith.mulf %dot_general3A_945, %mul3A_947 : vector<64x128xf32>
    %concatenate3A_949 = tpu.concatenate %get3A_433, %get3A_427 in 0 : vector<64xi32>, vector<64xi32> -> vector<128xi32>
    %broadcast_in_dim3A_950 = vector.shape_cast %get3A_433 : vector<64xi32> to vector<64x1xi32>
    %broadcast_in_dim3A_951 = vector.shape_cast %concatenate3A_949 : vector<128xi32> to vector<1x128xi32>
    %eq3A_952 = vector.broadcast %broadcast_in_dim3A_950 : vector<64x1xi32> to vector<64x128xi32>
    %eq3A_953 = vector.broadcast %broadcast_in_dim3A_951 : vector<1x128xi32> to vector<64x128xi32>
    %eq3A_954 = arith.cmpi eq, %eq3A_952, %eq3A_953 : vector<64x128xi32>
    %jit3A_955 = arith.constant -5.000000e+04 : f32
    %broadcast_in_dim3A_956 = vector.broadcast %jit3A_955 : f32 to vector<64x128xf32>
    %select_n3A_957 = arith.select %eq3A_954, %broadcast_in_dim3A_956, %mul3A_948 : vector<64x128xi1>, vector<64x128xf32>
    %reduce_max3A_958 = arith.constant dense<0xFF800000> : vector<64xf32>
    %reduce_max3A_959 = vector.multi_reduction <maximumf>, %select_n3A_957, %reduce_max3A_958 [1] : vector<64x128xf32> to vector<64xf32>
    %broadcast_in_dim3A_960 = vector.shape_cast %reduce_max3A_959 : vector<64xf32> to vector<64x1xf32>
    %sub3A_961 = vector.broadcast %broadcast_in_dim3A_960 : vector<64x1xf32> to vector<64x128xf32>
    %sub3A_962 = arith.subf %select_n3A_957, %sub3A_961 : vector<64x128xf32>
    %exp3A_963 = math.exp %sub3A_962 : vector<64x128xf32>
    %reduce_sum3A_964 = arith.constant dense<0.000000e+00> : vector<64xf32>
    %reduce_sum3A_965 = vector.multi_reduction <add>, %exp3A_963, %reduce_sum3A_964 [1] : vector<64x128xf32> to vector<64xf32>
    %broadcast_in_dim3A_966 = vector.shape_cast %reduce_sum3A_965 : vector<64xf32> to vector<64x1xf32>
    %div3A_967 = vector.broadcast %broadcast_in_dim3A_966 : vector<64x1xf32> to vector<64x128xf32>
    %div3A_968 = arith.divf %exp3A_963, %div3A_967 : vector<64x128xf32>
    %dot_general3A_969 = arith.constant dense<0.000000e+00> : vector<64x1024xf32>
    %dot_general3A_970 = tpu.matmul %div3A_968, %concatenate3A_943, %dot_general3A_969 {dimension_numbers = #tpu.dot_dimension_numbers<[1], [0], [0], [1], [0, 0, 1, 1], [], []>, transpose_lhs_hint = false} : vector<64x128xf32>, vector<128x1024xf32>, vector<64x1024xf32> -> vector<64x1024xf32>
    %swap3A_971 = arith.constant 0 : index
    %swap3A_972 = arith.constant 9 : index
    %swap3A_973 = arith.constant 0 : index
    %swap3A_974 = arith.constant 0 : index
    %swap3A_975 = vector.load %arg8[%swap3A_971, %swap3A_972, %swap3A_973, %swap3A_974] : memref<1x16x64x1024xf32, #tpu.memory_space<vmem>>, vector<1x1x64x1024xf32>
    %swap3A_976 = vector.shape_cast %swap3A_975 : vector<1x1x64x1024xf32> to vector<64x1024xf32>
    %swap3A_977 = vector.shape_cast %dot_general3A_970 : vector<64x1024xf32> to vector<1x1x64x1024xf32>
    tpu.vector_store %arg8[%swap3A_971, %swap3A_972, %swap3A_973, %swap3A_974], %swap3A_977 {strides = array<i32>} : memref<1x16x64x1024xf32, #tpu.memory_space<vmem>>, vector<1x1x64x1024xf32>,
    %log3A_978 = math.log %broadcast_in_dim3A_966 : vector<64x1xf32>
    %add3A_979 = arith.addf %log3A_978, %broadcast_in_dim3A_960 : vector<64x1xf32>
    %broadcast_in_dim3A_980 = vector.shape_cast %add3A_979 : vector<64x1xf32> to vector<64x1xf32>
    %broadcast_in_dim3A_981 = vector.broadcast %broadcast_in_dim3A_980 : vector<64x1xf32> to vector<64x128xf32>
    %swap3A_982 = arith.constant 0 : index
    %swap3A_983 = arith.constant 9 : index
    %swap3A_984 = arith.constant 0 : index
    %swap3A_985 = arith.constant 0 : index
    %swap3A_986 = vector.load %arg9[%swap3A_982, %swap3A_983, %swap3A_984, %swap3A_985] : memref<1x16x64x128xf32, #tpu.memory_space<vmem>>, vector<1x1x64x128xf32>
    %swap3A_987 = vector.shape_cast %swap3A_986 : vector<1x1x64x128xf32> to vector<64x128xf32>
    %swap3A_988 = vector.shape_cast %broadcast_in_dim3A_981 : vector<64x128xf32> to vector<1x1x64x128xf32>
    tpu.vector_store %arg9[%swap3A_982, %swap3A_983, %swap3A_984, %swap3A_985], %swap3A_988 {strides = array<i32>} : memref<1x16x64x128xf32, #tpu.memory_space<vmem>>, vector<1x1x64x128xf32>,
    %get3A_989 = arith.constant 0 : index
    %get3A_990 = arith.constant 10 : index
    %get3A_991 = arith.constant 0 : index
    %get3A_992 = arith.constant 0 : index
    %get3A_993 = vector.load %arg2[%get3A_989, %get3A_990, %get3A_991, %get3A_992] : memref<1x16x64x1024xf32, #tpu.memory_space<vmem>>, vector<1x1x64x1024xf32>
    %get3A_994 = vector.shape_cast %get3A_993 : vector<1x1x64x1024xf32> to vector<64x1024xf32>
    %concatenate3A_995 = tpu.concatenate %mul3A_185, %mul3A_169 in 0 : vector<64x1024xf32>, vector<64x1024xf32> -> vector<128x1024xf32>
    %concatenate3A_996 = tpu.concatenate %get3A_337, %get3A_331 in 0 : vector<64x1024xf32>, vector<64x1024xf32> -> vector<128x1024xf32>
    %dot_general3A_997 = arith.constant dense<0.000000e+00> : vector<64x128xf32>
    %dot_general3A_998 = tpu.matmul %get3A_994, %concatenate3A_995, %dot_general3A_997 {dimension_numbers = #tpu.dot_dimension_numbers<[1], [1], [0], [0], [0, 0, 1, 0], [], []>, transpose_lhs_hint = false} : vector<64x1024xf32>, vector<128x1024xf32>, vector<64x128xf32> -> vector<64x128xf32>
    %mul3A_999 = arith.constant 3.125000e-02 : f32
    %mul3A_1000 = vector.broadcast %mul3A_999 : f32 to vector<64x128xf32>
    %mul3A_1001 = arith.mulf %dot_general3A_998, %mul3A_1000 : vector<64x128xf32>
    %concatenate3A_1002 = tpu.concatenate %get3A_439, %get3A_433 in 0 : vector<64xi32>, vector<64xi32> -> vector<128xi32>
    %broadcast_in_dim3A_1003 = vector.shape_cast %get3A_439 : vector<64xi32> to vector<64x1xi32>
    %broadcast_in_dim3A_1004 = vector.shape_cast %concatenate3A_1002 : vector<128xi32> to vector<1x128xi32>
    %eq3A_1005 = vector.broadcast %broadcast_in_dim3A_1003 : vector<64x1xi32> to vector<64x128xi32>
    %eq3A_1006 = vector.broadcast %broadcast_in_dim3A_1004 : vector<1x128xi32> to vector<64x128xi32>
    %eq3A_1007 = arith.cmpi eq, %eq3A_1005, %eq3A_1006 : vector<64x128xi32>
    %jit3A_1008 = arith.constant -5.000000e+04 : f32
    %broadcast_in_dim3A_1009 = vector.broadcast %jit3A_1008 : f32 to vector<64x128xf32>
    %select_n3A_1010 = arith.select %eq3A_1007, %broadcast_in_dim3A_1009, %mul3A_1001 : vector<64x128xi1>, vector<64x128xf32>
    %reduce_max3A_1011 = arith.constant dense<0xFF800000> : vector<64xf32>
    %reduce_max3A_1012 = vector.multi_reduction <maximumf>, %select_n3A_1010, %reduce_max3A_1011 [1] : vector<64x128xf32> to vector<64xf32>
    %broadcast_in_dim3A_1013 = vector.shape_cast %reduce_max3A_1012 : vector<64xf32> to vector<64x1xf32>
    %sub3A_1014 = vector.broadcast %broadcast_in_dim3A_1013 : vector<64x1xf32> to vector<64x128xf32>
    %sub3A_1015 = arith.subf %select_n3A_1010, %sub3A_1014 : vector<64x128xf32>
    %exp3A_1016 = math.exp %sub3A_1015 : vector<64x128xf32>
    %reduce_sum3A_1017 = arith.constant dense<0.000000e+00> : vector<64xf32>
    %reduce_sum3A_1018 = vector.multi_reduction <add>, %exp3A_1016, %reduce_sum3A_1017 [1] : vector<64x128xf32> to vector<64xf32>
    %broadcast_in_dim3A_1019 = vector.shape_cast %reduce_sum3A_1018 : vector<64xf32> to vector<64x1xf32>
    %div3A_1020 = vector.broadcast %broadcast_in_dim3A_1019 : vector<64x1xf32> to vector<64x128xf32>
    %div3A_1021 = arith.divf %exp3A_1016, %div3A_1020 : vector<64x128xf32>
    %dot_general3A_1022 = arith.constant dense<0.000000e+00> : vector<64x1024xf32>
    %dot_general3A_1023 = tpu.matmul %div3A_1021, %concatenate3A_996, %dot_general3A_1022 {dimension_numbers = #tpu.dot_dimension_numbers<[1], [0], [0], [1], [0, 0, 1, 1], [], []>, transpose_lhs_hint = false} : vector<64x128xf32>, vector<128x1024xf32>, vector<64x1024xf32> -> vector<64x1024xf32>
    %swap3A_1024 = arith.constant 0 : index
    %swap3A_1025 = arith.constant 10 : index
    %swap3A_1026 = arith.constant 0 : index
    %swap3A_1027 = arith.constant 0 : index
    %swap3A_1028 = vector.load %arg8[%swap3A_1024, %swap3A_1025, %swap3A_1026, %swap3A_1027] : memref<1x16x64x1024xf32, #tpu.memory_space<vmem>>, vector<1x1x64x1024xf32>
    %swap3A_1029 = vector.shape_cast %swap3A_1028 : vector<1x1x64x1024xf32> to vector<64x1024xf32>
    %swap3A_1030 = vector.shape_cast %dot_general3A_1023 : vector<64x1024xf32> to vector<1x1x64x1024xf32>
    tpu.vector_store %arg8[%swap3A_1024, %swap3A_1025, %swap3A_1026, %swap3A_1027], %swap3A_1030 {strides = array<i32>} : memref<1x16x64x1024xf32, #tpu.memory_space<vmem>>, vector<1x1x64x1024xf32>,
    %log3A_1031 = math.log %broadcast_in_dim3A_1019 : vector<64x1xf32>
    %add3A_1032 = arith.addf %log3A_1031, %broadcast_in_dim3A_1013 : vector<64x1xf32>
    %broadcast_in_dim3A_1033 = vector.shape_cast %add3A_1032 : vector<64x1xf32> to vector<64x1xf32>
    %broadcast_in_dim3A_1034 = vector.broadcast %broadcast_in_dim3A_1033 : vector<64x1xf32> to vector<64x128xf32>
    %swap3A_1035 = arith.constant 0 : index
    %swap3A_1036 = arith.constant 10 : index
    %swap3A_1037 = arith.constant 0 : index
    %swap3A_1038 = arith.constant 0 : index
    %swap3A_1039 = vector.load %arg9[%swap3A_1035, %swap3A_1036, %swap3A_1037, %swap3A_1038] : memref<1x16x64x128xf32, #tpu.memory_space<vmem>>, vector<1x1x64x128xf32>
    %swap3A_1040 = vector.shape_cast %swap3A_1039 : vector<1x1x64x128xf32> to vector<64x128xf32>
    %swap3A_1041 = vector.shape_cast %broadcast_in_dim3A_1034 : vector<64x128xf32> to vector<1x1x64x128xf32>
    tpu.vector_store %arg9[%swap3A_1035, %swap3A_1036, %swap3A_1037, %swap3A_1038], %swap3A_1041 {strides = array<i32>} : memref<1x16x64x128xf32, #tpu.memory_space<vmem>>, vector<1x1x64x128xf32>,
    %get3A_1042 = arith.constant 0 : index
    %get3A_1043 = arith.constant 11 : index
    %get3A_1044 = arith.constant 0 : index
    %get3A_1045 = arith.constant 0 : index
    %get3A_1046 = vector.load %arg2[%get3A_1042, %get3A_1043, %get3A_1044, %get3A_1045] : memref<1x16x64x1024xf32, #tpu.memory_space<vmem>>, vector<1x1x64x1024xf32>
    %get3A_1047 = vector.shape_cast %get3A_1046 : vector<1x1x64x1024xf32> to vector<64x1024xf32>
    %concatenate3A_1048 = tpu.concatenate %mul3A_201, %mul3A_185 in 0 : vector<64x1024xf32>, vector<64x1024xf32> -> vector<128x1024xf32>
    %concatenate3A_1049 = tpu.concatenate %get3A_343, %get3A_337 in 0 : vector<64x1024xf32>, vector<64x1024xf32> -> vector<128x1024xf32>
    %dot_general3A_1050 = arith.constant dense<0.000000e+00> : vector<64x128xf32>
    %dot_general3A_1051 = tpu.matmul %get3A_1047, %concatenate3A_1048, %dot_general3A_1050 {dimension_numbers = #tpu.dot_dimension_numbers<[1], [1], [0], [0], [0, 0, 1, 0], [], []>, transpose_lhs_hint = false} : vector<64x1024xf32>, vector<128x1024xf32>, vector<64x128xf32> -> vector<64x128xf32>
    %mul3A_1052 = arith.constant 3.125000e-02 : f32
    %mul3A_1053 = vector.broadcast %mul3A_1052 : f32 to vector<64x128xf32>
    %mul3A_1054 = arith.mulf %dot_general3A_1051, %mul3A_1053 : vector<64x128xf32>
    %concatenate3A_1055 = tpu.concatenate %get3A_445, %get3A_439 in 0 : vector<64xi32>, vector<64xi32> -> vector<128xi32>
    %broadcast_in_dim3A_1056 = vector.shape_cast %get3A_445 : vector<64xi32> to vector<64x1xi32>
    %broadcast_in_dim3A_1057 = vector.shape_cast %concatenate3A_1055 : vector<128xi32> to vector<1x128xi32>
    %eq3A_1058 = vector.broadcast %broadcast_in_dim3A_1056 : vector<64x1xi32> to vector<64x128xi32>
    %eq3A_1059 = vector.broadcast %broadcast_in_dim3A_1057 : vector<1x128xi32> to vector<64x128xi32>
    %eq3A_1060 = arith.cmpi eq, %eq3A_1058, %eq3A_1059 : vector<64x128xi32>
    %jit3A_1061 = arith.constant -5.000000e+04 : f32
    %broadcast_in_dim3A_1062 = vector.broadcast %jit3A_1061 : f32 to vector<64x128xf32>
    %select_n3A_1063 = arith.select %eq3A_1060, %broadcast_in_dim3A_1062, %mul3A_1054 : vector<64x128xi1>, vector<64x128xf32>
    %reduce_max3A_1064 = arith.constant dense<0xFF800000> : vector<64xf32>
    %reduce_max3A_1065 = vector.multi_reduction <maximumf>, %select_n3A_1063, %reduce_max3A_1064 [1] : vector<64x128xf32> to vector<64xf32>
    %broadcast_in_dim3A_1066 = vector.shape_cast %reduce_max3A_1065 : vector<64xf32> to vector<64x1xf32>
    %sub3A_1067 = vector.broadcast %broadcast_in_dim3A_1066 : vector<64x1xf32> to vector<64x128xf32>
    %sub3A_1068 = arith.subf %select_n3A_1063, %sub3A_1067 : vector<64x128xf32>
    %exp3A_1069 = math.exp %sub3A_1068 : vector<64x128xf32>
    %reduce_sum3A_1070 = arith.constant dense<0.000000e+00> : vector<64xf32>
    %reduce_sum3A_1071 = vector.multi_reduction <add>, %exp3A_1069, %reduce_sum3A_1070 [1] : vector<64x128xf32> to vector<64xf32>
    %broadcast_in_dim3A_1072 = vector.shape_cast %reduce_sum3A_1071 : vector<64xf32> to vector<64x1xf32>
    %div3A_1073 = vector.broadcast %broadcast_in_dim3A_1072 : vector<64x1xf32> to vector<64x128xf32>
    %div3A_1074 = arith.divf %exp3A_1069, %div3A_1073 : vector<64x128xf32>
    %dot_general3A_1075 = arith.constant dense<0.000000e+00> : vector<64x1024xf32>
    %dot_general3A_1076 = tpu.matmul %div3A_1074, %concatenate3A_1049, %dot_general3A_1075 {dimension_numbers = #tpu.dot_dimension_numbers<[1], [0], [0], [1], [0, 0, 1, 1], [], []>, transpose_lhs_hint = false} : vector<64x128xf32>, vector<128x1024xf32>, vector<64x1024xf32> -> vector<64x1024xf32>
    %swap3A_1077 = arith.constant 0 : index
    %swap3A_1078 = arith.constant 11 : index
    %swap3A_1079 = arith.constant 0 : index
    %swap3A_1080 = arith.constant 0 : index
    %swap3A_1081 = vector.load %arg8[%swap3A_1077, %swap3A_1078, %swap3A_1079, %swap3A_1080] : memref<1x16x64x1024xf32, #tpu.memory_space<vmem>>, vector<1x1x64x1024xf32>
    %swap3A_1082 = vector.shape_cast %swap3A_1081 : vector<1x1x64x1024xf32> to vector<64x1024xf32>
    %swap3A_1083 = vector.shape_cast %dot_general3A_1076 : vector<64x1024xf32> to vector<1x1x64x1024xf32>
    tpu.vector_store %arg8[%swap3A_1077, %swap3A_1078, %swap3A_1079, %swap3A_1080], %swap3A_1083 {strides = array<i32>} : memref<1x16x64x1024xf32, #tpu.memory_space<vmem>>, vector<1x1x64x1024xf32>,
    %log3A_1084 = math.log %broadcast_in_dim3A_1072 : vector<64x1xf32>
    %add3A_1085 = arith.addf %log3A_1084, %broadcast_in_dim3A_1066 : vector<64x1xf32>
    %broadcast_in_dim3A_1086 = vector.shape_cast %add3A_1085 : vector<64x1xf32> to vector<64x1xf32>
    %broadcast_in_dim3A_1087 = vector.broadcast %broadcast_in_dim3A_1086 : vector<64x1xf32> to vector<64x128xf32>
    %swap3A_1088 = arith.constant 0 : index
    %swap3A_1089 = arith.constant 11 : index
    %swap3A_1090 = arith.constant 0 : index
    %swap3A_1091 = arith.constant 0 : index
    %swap3A_1092 = vector.load %arg9[%swap3A_1088, %swap3A_1089, %swap3A_1090, %swap3A_1091] : memref<1x16x64x128xf32, #tpu.memory_space<vmem>>, vector<1x1x64x128xf32>
    %swap3A_1093 = vector.shape_cast %swap3A_1092 : vector<1x1x64x128xf32> to vector<64x128xf32>
    %swap3A_1094 = vector.shape_cast %broadcast_in_dim3A_1087 : vector<64x128xf32> to vector<1x1x64x128xf32>
    tpu.vector_store %arg9[%swap3A_1088, %swap3A_1089, %swap3A_1090, %swap3A_1091], %swap3A_1094 {strides = array<i32>} : memref<1x16x64x128xf32, #tpu.memory_space<vmem>>, vector<1x1x64x128xf32>,
    %get3A_1095 = arith.constant 0 : index
    %get3A_1096 = arith.constant 12 : index
    %get3A_1097 = arith.constant 0 : index
    %get3A_1098 = arith.constant 0 : index
    %get3A_1099 = vector.load %arg2[%get3A_1095, %get3A_1096, %get3A_1097, %get3A_1098] : memref<1x16x64x1024xf32, #tpu.memory_space<vmem>>, vector<1x1x64x1024xf32>
    %get3A_1100 = vector.shape_cast %get3A_1099 : vector<1x1x64x1024xf32> to vector<64x1024xf32>
    %concatenate3A_1101 = tpu.concatenate %mul3A_217, %mul3A_201 in 0 : vector<64x1024xf32>, vector<64x1024xf32> -> vector<128x1024xf32>
    %concatenate3A_1102 = tpu.concatenate %get3A_349, %get3A_343 in 0 : vector<64x1024xf32>, vector<64x1024xf32> -> vector<128x1024xf32>
    %dot_general3A_1103 = arith.constant dense<0.000000e+00> : vector<64x128xf32>
    %dot_general3A_1104 = tpu.matmul %get3A_1100, %concatenate3A_1101, %dot_general3A_1103 {dimension_numbers = #tpu.dot_dimension_numbers<[1], [1], [0], [0], [0, 0, 1, 0], [], []>, transpose_lhs_hint = false} : vector<64x1024xf32>, vector<128x1024xf32>, vector<64x128xf32> -> vector<64x128xf32>
    %mul3A_1105 = arith.constant 3.125000e-02 : f32
    %mul3A_1106 = vector.broadcast %mul3A_1105 : f32 to vector<64x128xf32>
    %mul3A_1107 = arith.mulf %dot_general3A_1104, %mul3A_1106 : vector<64x128xf32>
    %concatenate3A_1108 = tpu.concatenate %get3A_451, %get3A_445 in 0 : vector<64xi32>, vector<64xi32> -> vector<128xi32>
    %broadcast_in_dim3A_1109 = vector.shape_cast %get3A_451 : vector<64xi32> to vector<64x1xi32>
    %broadcast_in_dim3A_1110 = vector.shape_cast %concatenate3A_1108 : vector<128xi32> to vector<1x128xi32>
    %eq3A_1111 = vector.broadcast %broadcast_in_dim3A_1109 : vector<64x1xi32> to vector<64x128xi32>
    %eq3A_1112 = vector.broadcast %broadcast_in_dim3A_1110 : vector<1x128xi32> to vector<64x128xi32>
    %eq3A_1113 = arith.cmpi eq, %eq3A_1111, %eq3A_1112 : vector<64x128xi32>
    %jit3A_1114 = arith.constant -5.000000e+04 : f32
    %broadcast_in_dim3A_1115 = vector.broadcast %jit3A_1114 : f32 to vector<64x128xf32>
    %select_n3A_1116 = arith.select %eq3A_1113, %broadcast_in_dim3A_1115, %mul3A_1107 : vector<64x128xi1>, vector<64x128xf32>
    %reduce_max3A_1117 = arith.constant dense<0xFF800000> : vector<64xf32>
    %reduce_max3A_1118 = vector.multi_reduction <maximumf>, %select_n3A_1116, %reduce_max3A_1117 [1] : vector<64x128xf32> to vector<64xf32>
    %broadcast_in_dim3A_1119 = vector.shape_cast %reduce_max3A_1118 : vector<64xf32> to vector<64x1xf32>
    %sub3A_1120 = vector.broadcast %broadcast_in_dim3A_1119 : vector<64x1xf32> to vector<64x128xf32>
    %sub3A_1121 = arith.subf %select_n3A_1116, %sub3A_1120 : vector<64x128xf32>
    %exp3A_1122 = math.exp %sub3A_1121 : vector<64x128xf32>
    %reduce_sum3A_1123 = arith.constant dense<0.000000e+00> : vector<64xf32>
    %reduce_sum3A_1124 = vector.multi_reduction <add>, %exp3A_1122, %reduce_sum3A_1123 [1] : vector<64x128xf32> to vector<64xf32>
    %broadcast_in_dim3A_1125 = vector.shape_cast %reduce_sum3A_1124 : vector<64xf32> to vector<64x1xf32>
    %div3A_1126 = vector.broadcast %broadcast_in_dim3A_1125 : vector<64x1xf32> to vector<64x128xf32>
    %div3A_1127 = arith.divf %exp3A_1122, %div3A_1126 : vector<64x128xf32>
    %dot_general3A_1128 = arith.constant dense<0.000000e+00> : vector<64x1024xf32>
    %dot_general3A_1129 = tpu.matmul %div3A_1127, %concatenate3A_1102, %dot_general3A_1128 {dimension_numbers = #tpu.dot_dimension_numbers<[1], [0], [0], [1], [0, 0, 1, 1], [], []>, transpose_lhs_hint = false} : vector<64x128xf32>, vector<128x1024xf32>, vector<64x1024xf32> -> vector<64x1024xf32>
    %swap3A_1130 = arith.constant 0 : index
    %swap3A_1131 = arith.constant 12 : index
    %swap3A_1132 = arith.constant 0 : index
    %swap3A_1133 = arith.constant 0 : index
    %swap3A_1134 = vector.load %arg8[%swap3A_1130, %swap3A_1131, %swap3A_1132, %swap3A_1133] : memref<1x16x64x1024xf32, #tpu.memory_space<vmem>>, vector<1x1x64x1024xf32>
    %swap3A_1135 = vector.shape_cast %swap3A_1134 : vector<1x1x64x1024xf32> to vector<64x1024xf32>
    %swap3A_1136 = vector.shape_cast %dot_general3A_1129 : vector<64x1024xf32> to vector<1x1x64x1024xf32>
    tpu.vector_store %arg8[%swap3A_1130, %swap3A_1131, %swap3A_1132, %swap3A_1133], %swap3A_1136 {strides = array<i32>} : memref<1x16x64x1024xf32, #tpu.memory_space<vmem>>, vector<1x1x64x1024xf32>,
    %log3A_1137 = math.log %broadcast_in_dim3A_1125 : vector<64x1xf32>
    %add3A_1138 = arith.addf %log3A_1137, %broadcast_in_dim3A_1119 : vector<64x1xf32>
    %broadcast_in_dim3A_1139 = vector.shape_cast %add3A_1138 : vector<64x1xf32> to vector<64x1xf32>
    %broadcast_in_dim3A_1140 = vector.broadcast %broadcast_in_dim3A_1139 : vector<64x1xf32> to vector<64x128xf32>
    %swap3A_1141 = arith.constant 0 : index
    %swap3A_1142 = arith.constant 12 : index
    %swap3A_1143 = arith.constant 0 : index
    %swap3A_1144 = arith.constant 0 : index
    %swap3A_1145 = vector.load %arg9[%swap3A_1141, %swap3A_1142, %swap3A_1143, %swap3A_1144] : memref<1x16x64x128xf32, #tpu.memory_space<vmem>>, vector<1x1x64x128xf32>
    %swap3A_1146 = vector.shape_cast %swap3A_1145 : vector<1x1x64x128xf32> to vector<64x128xf32>
    %swap3A_1147 = vector.shape_cast %broadcast_in_dim3A_1140 : vector<64x128xf32> to vector<1x1x64x128xf32>
    tpu.vector_store %arg9[%swap3A_1141, %swap3A_1142, %swap3A_1143, %swap3A_1144], %swap3A_1147 {strides = array<i32>} : memref<1x16x64x128xf32, #tpu.memory_space<vmem>>, vector<1x1x64x128xf32>,
    %get3A_1148 = arith.constant 0 : index
    %get3A_1149 = arith.constant 13 : index
    %get3A_1150 = arith.constant 0 : index
    %get3A_1151 = arith.constant 0 : index
    %get3A_1152 = vector.load %arg2[%get3A_1148, %get3A_1149, %get3A_1150, %get3A_1151] : memref<1x16x64x1024xf32, #tpu.memory_space<vmem>>, vector<1x1x64x1024xf32>
    %get3A_1153 = vector.shape_cast %get3A_1152 : vector<1x1x64x1024xf32> to vector<64x1024xf32>
    %concatenate3A_1154 = tpu.concatenate %mul3A_233, %mul3A_217 in 0 : vector<64x1024xf32>, vector<64x1024xf32> -> vector<128x1024xf32>
    %concatenate3A_1155 = tpu.concatenate %get3A_355, %get3A_349 in 0 : vector<64x1024xf32>, vector<64x1024xf32> -> vector<128x1024xf32>
    %dot_general3A_1156 = arith.constant dense<0.000000e+00> : vector<64x128xf32>
    %dot_general3A_1157 = tpu.matmul %get3A_1153, %concatenate3A_1154, %dot_general3A_1156 {dimension_numbers = #tpu.dot_dimension_numbers<[1], [1], [0], [0], [0, 0, 1, 0], [], []>, transpose_lhs_hint = false} : vector<64x1024xf32>, vector<128x1024xf32>, vector<64x128xf32> -> vector<64x128xf32>
    %mul3A_1158 = arith.constant 3.125000e-02 : f32
    %mul3A_1159 = vector.broadcast %mul3A_1158 : f32 to vector<64x128xf32>
    %mul3A_1160 = arith.mulf %dot_general3A_1157, %mul3A_1159 : vector<64x128xf32>
    %concatenate3A_1161 = tpu.concatenate %get3A_457, %get3A_451 in 0 : vector<64xi32>, vector<64xi32> -> vector<128xi32>
    %broadcast_in_dim3A_1162 = vector.shape_cast %get3A_457 : vector<64xi32> to vector<64x1xi32>
    %broadcast_in_dim3A_1163 = vector.shape_cast %concatenate3A_1161 : vector<128xi32> to vector<1x128xi32>
    %eq3A_1164 = vector.broadcast %broadcast_in_dim3A_1162 : vector<64x1xi32> to vector<64x128xi32>
    %eq3A_1165 = vector.broadcast %broadcast_in_dim3A_1163 : vector<1x128xi32> to vector<64x128xi32>
    %eq3A_1166 = arith.cmpi eq, %eq3A_1164, %eq3A_1165 : vector<64x128xi32>
    %jit3A_1167 = arith.constant -5.000000e+04 : f32
    %broadcast_in_dim3A_1168 = vector.broadcast %jit3A_1167 : f32 to vector<64x128xf32>
    %select_n3A_1169 = arith.select %eq3A_1166, %broadcast_in_dim3A_1168, %mul3A_1160 : vector<64x128xi1>, vector<64x128xf32>
    %reduce_max3A_1170 = arith.constant dense<0xFF800000> : vector<64xf32>
    %reduce_max3A_1171 = vector.multi_reduction <maximumf>, %select_n3A_1169, %reduce_max3A_1170 [1] : vector<64x128xf32> to vector<64xf32>
    %broadcast_in_dim3A_1172 = vector.shape_cast %reduce_max3A_1171 : vector<64xf32> to vector<64x1xf32>
    %sub3A_1173 = vector.broadcast %broadcast_in_dim3A_1172 : vector<64x1xf32> to vector<64x128xf32>
    %sub3A_1174 = arith.subf %select_n3A_1169, %sub3A_1173 : vector<64x128xf32>
    %exp3A_1175 = math.exp %sub3A_1174 : vector<64x128xf32>
    %reduce_sum3A_1176 = arith.constant dense<0.000000e+00> : vector<64xf32>
    %reduce_sum3A_1177 = vector.multi_reduction <add>, %exp3A_1175, %reduce_sum3A_1176 [1] : vector<64x128xf32> to vector<64xf32>
    %broadcast_in_dim3A_1178 = vector.shape_cast %reduce_sum3A_1177 : vector<64xf32> to vector<64x1xf32>
    %div3A_1179 = vector.broadcast %broadcast_in_dim3A_1178 : vector<64x1xf32> to vector<64x128xf32>
    %div3A_1180 = arith.divf %exp3A_1175, %div3A_1179 : vector<64x128xf32>
    %dot_general3A_1181 = arith.constant dense<0.000000e+00> : vector<64x1024xf32>
    %dot_general3A_1182 = tpu.matmul %div3A_1180, %concatenate3A_1155, %dot_general3A_1181 {dimension_numbers = #tpu.dot_dimension_numbers<[1], [0], [0], [1], [0, 0, 1, 1], [], []>, transpose_lhs_hint = false} : vector<64x128xf32>, vector<128x1024xf32>, vector<64x1024xf32> -> vector<64x1024xf32>
    %swap3A_1183 = arith.constant 0 : index
    %swap3A_1184 = arith.constant 13 : index
    %swap3A_1185 = arith.constant 0 : index
    %swap3A_1186 = arith.constant 0 : index
    %swap3A_1187 = vector.load %arg8[%swap3A_1183, %swap3A_1184, %swap3A_1185, %swap3A_1186] : memref<1x16x64x1024xf32, #tpu.memory_space<vmem>>, vector<1x1x64x1024xf32>
    %swap3A_1188 = vector.shape_cast %swap3A_1187 : vector<1x1x64x1024xf32> to vector<64x1024xf32>
    %swap3A_1189 = vector.shape_cast %dot_general3A_1182 : vector<64x1024xf32> to vector<1x1x64x1024xf32>
    tpu.vector_store %arg8[%swap3A_1183, %swap3A_1184, %swap3A_1185, %swap3A_1186], %swap3A_1189 {strides = array<i32>} : memref<1x16x64x1024xf32, #tpu.memory_space<vmem>>, vector<1x1x64x1024xf32>,
    %log3A_1190 = math.log %broadcast_in_dim3A_1178 : vector<64x1xf32>
    %add3A_1191 = arith.addf %log3A_1190, %broadcast_in_dim3A_1172 : vector<64x1xf32>
    %broadcast_in_dim3A_1192 = vector.shape_cast %add3A_1191 : vector<64x1xf32> to vector<64x1xf32>
    %broadcast_in_dim3A_1193 = vector.broadcast %broadcast_in_dim3A_1192 : vector<64x1xf32> to vector<64x128xf32>
    %swap3A_1194 = arith.constant 0 : index
    %swap3A_1195 = arith.constant 13 : index
    %swap3A_1196 = arith.constant 0 : index
    %swap3A_1197 = arith.constant 0 : index
    %swap3A_1198 = vector.load %arg9[%swap3A_1194, %swap3A_1195, %swap3A_1196, %swap3A_1197] : memref<1x16x64x128xf32, #tpu.memory_space<vmem>>, vector<1x1x64x128xf32>
    %swap3A_1199 = vector.shape_cast %swap3A_1198 : vector<1x1x64x128xf32> to vector<64x128xf32>
    %swap3A_1200 = vector.shape_cast %broadcast_in_dim3A_1193 : vector<64x128xf32> to vector<1x1x64x128xf32>
    tpu.vector_store %arg9[%swap3A_1194, %swap3A_1195, %swap3A_1196, %swap3A_1197], %swap3A_1200 {strides = array<i32>} : memref<1x16x64x128xf32, #tpu.memory_space<vmem>>, vector<1x1x64x128xf32>,
    %get3A_1201 = arith.constant 0 : index
    %get3A_1202 = arith.constant 14 : index
    %get3A_1203 = arith.constant 0 : index
    %get3A_1204 = arith.constant 0 : index
    %get3A_1205 = vector.load %arg2[%get3A_1201, %get3A_1202, %get3A_1203, %get3A_1204] : memref<1x16x64x1024xf32, #tpu.memory_space<vmem>>, vector<1x1x64x1024xf32>
    %get3A_1206 = vector.shape_cast %get3A_1205 : vector<1x1x64x1024xf32> to vector<64x1024xf32>
    %concatenate3A_1207 = tpu.concatenate %mul3A_249, %mul3A_233 in 0 : vector<64x1024xf32>, vector<64x1024xf32> -> vector<128x1024xf32>
    %concatenate3A_1208 = tpu.concatenate %get3A_361, %get3A_355 in 0 : vector<64x1024xf32>, vector<64x1024xf32> -> vector<128x1024xf32>
    %dot_general3A_1209 = arith.constant dense<0.000000e+00> : vector<64x128xf32>
    %dot_general3A_1210 = tpu.matmul %get3A_1206, %concatenate3A_1207, %dot_general3A_1209 {dimension_numbers = #tpu.dot_dimension_numbers<[1], [1], [0], [0], [0, 0, 1, 0], [], []>, transpose_lhs_hint = false} : vector<64x1024xf32>, vector<128x1024xf32>, vector<64x128xf32> -> vector<64x128xf32>
    %mul3A_1211 = arith.constant 3.125000e-02 : f32
    %mul3A_1212 = vector.broadcast %mul3A_1211 : f32 to vector<64x128xf32>
    %mul3A_1213 = arith.mulf %dot_general3A_1210, %mul3A_1212 : vector<64x128xf32>
    %concatenate3A_1214 = tpu.concatenate %get3A_463, %get3A_457 in 0 : vector<64xi32>, vector<64xi32> -> vector<128xi32>
    %broadcast_in_dim3A_1215 = vector.shape_cast %get3A_463 : vector<64xi32> to vector<64x1xi32>
    %broadcast_in_dim3A_1216 = vector.shape_cast %concatenate3A_1214 : vector<128xi32> to vector<1x128xi32>
    %eq3A_1217 = vector.broadcast %broadcast_in_dim3A_1215 : vector<64x1xi32> to vector<64x128xi32>
    %eq3A_1218 = vector.broadcast %broadcast_in_dim3A_1216 : vector<1x128xi32> to vector<64x128xi32>
    %eq3A_1219 = arith.cmpi eq, %eq3A_1217, %eq3A_1218 : vector<64x128xi32>
    %jit3A_1220 = arith.constant -5.000000e+04 : f32
    %broadcast_in_dim3A_1221 = vector.broadcast %jit3A_1220 : f32 to vector<64x128xf32>
    %select_n3A_1222 = arith.select %eq3A_1219, %broadcast_in_dim3A_1221, %mul3A_1213 : vector<64x128xi1>, vector<64x128xf32>
    %reduce_max3A_1223 = arith.constant dense<0xFF800000> : vector<64xf32>
    %reduce_max3A_1224 = vector.multi_reduction <maximumf>, %select_n3A_1222, %reduce_max3A_1223 [1] : vector<64x128xf32> to vector<64xf32>
    %broadcast_in_dim3A_1225 = vector.shape_cast %reduce_max3A_1224 : vector<64xf32> to vector<64x1xf32>
    %sub3A_1226 = vector.broadcast %broadcast_in_dim3A_1225 : vector<64x1xf32> to vector<64x128xf32>
    %sub3A_1227 = arith.subf %select_n3A_1222, %sub3A_1226 : vector<64x128xf32>
    %exp3A_1228 = math.exp %sub3A_1227 : vector<64x128xf32>
    %reduce_sum3A_1229 = arith.constant dense<0.000000e+00> : vector<64xf32>
    %reduce_sum3A_1230 = vector.multi_reduction <add>, %exp3A_1228, %reduce_sum3A_1229 [1] : vector<64x128xf32> to vector<64xf32>
    %broadcast_in_dim3A_1231 = vector.shape_cast %reduce_sum3A_1230 : vector<64xf32> to vector<64x1xf32>
    %div3A_1232 = vector.broadcast %broadcast_in_dim3A_1231 : vector<64x1xf32> to vector<64x128xf32>
    %div3A_1233 = arith.divf %exp3A_1228, %div3A_1232 : vector<64x128xf32>
    %dot_general3A_1234 = arith.constant dense<0.000000e+00> : vector<64x1024xf32>
    %dot_general3A_1235 = tpu.matmul %div3A_1233, %concatenate3A_1208, %dot_general3A_1234 {dimension_numbers = #tpu.dot_dimension_numbers<[1], [0], [0], [1], [0, 0, 1, 1], [], []>, transpose_lhs_hint = false} : vector<64x128xf32>, vector<128x1024xf32>, vector<64x1024xf32> -> vector<64x1024xf32>
    %swap3A_1236 = arith.constant 0 : index
    %swap3A_1237 = arith.constant 14 : index
    %swap3A_1238 = arith.constant 0 : index
    %swap3A_1239 = arith.constant 0 : index
    %swap3A_1240 = vector.load %arg8[%swap3A_1236, %swap3A_1237, %swap3A_1238, %swap3A_1239] : memref<1x16x64x1024xf32, #tpu.memory_space<vmem>>, vector<1x1x64x1024xf32>
    %swap3A_1241 = vector.shape_cast %swap3A_1240 : vector<1x1x64x1024xf32> to vector<64x1024xf32>
    %swap3A_1242 = vector.shape_cast %dot_general3A_1235 : vector<64x1024xf32> to vector<1x1x64x1024xf32>
    tpu.vector_store %arg8[%swap3A_1236, %swap3A_1237, %swap3A_1238, %swap3A_1239], %swap3A_1242 {strides = array<i32>} : memref<1x16x64x1024xf32, #tpu.memory_space<vmem>>, vector<1x1x64x1024xf32>,
    %log3A_1243 = math.log %broadcast_in_dim3A_1231 : vector<64x1xf32>
    %add3A_1244 = arith.addf %log3A_1243, %broadcast_in_dim3A_1225 : vector<64x1xf32>
    %broadcast_in_dim3A_1245 = vector.shape_cast %add3A_1244 : vector<64x1xf32> to vector<64x1xf32>
    %broadcast_in_dim3A_1246 = vector.broadcast %broadcast_in_dim3A_1245 : vector<64x1xf32> to vector<64x128xf32>
    %swap3A_1247 = arith.constant 0 : index
    %swap3A_1248 = arith.constant 14 : index
    %swap3A_1249 = arith.constant 0 : index
    %swap3A_1250 = arith.constant 0 : index
    %swap3A_1251 = vector.load %arg9[%swap3A_1247, %swap3A_1248, %swap3A_1249, %swap3A_1250] : memref<1x16x64x128xf32, #tpu.memory_space<vmem>>, vector<1x1x64x128xf32>
    %swap3A_1252 = vector.shape_cast %swap3A_1251 : vector<1x1x64x128xf32> to vector<64x128xf32>
    %swap3A_1253 = vector.shape_cast %broadcast_in_dim3A_1246 : vector<64x128xf32> to vector<1x1x64x128xf32>
    tpu.vector_store %arg9[%swap3A_1247, %swap3A_1248, %swap3A_1249, %swap3A_1250], %swap3A_1253 {strides = array<i32>} : memref<1x16x64x128xf32, #tpu.memory_space<vmem>>, vector<1x1x64x128xf32>,
    %get3A_1254 = arith.constant 0 : index
    %get3A_1255 = arith.constant 15 : index
    %get3A_1256 = arith.constant 0 : index
    %get3A_1257 = arith.constant 0 : index
    %get3A_1258 = vector.load %arg2[%get3A_1254, %get3A_1255, %get3A_1256, %get3A_1257] : memref<1x16x64x1024xf32, #tpu.memory_space<vmem>>, vector<1x1x64x1024xf32>
    %get3A_1259 = vector.shape_cast %get3A_1258 : vector<1x1x64x1024xf32> to vector<64x1024xf32>
    %concatenate3A_1260 = tpu.concatenate %mul3A_265, %mul3A_249 in 0 : vector<64x1024xf32>, vector<64x1024xf32> -> vector<128x1024xf32>
    %concatenate3A_1261 = tpu.concatenate %get3A_367, %get3A_361 in 0 : vector<64x1024xf32>, vector<64x1024xf32> -> vector<128x1024xf32>
    %dot_general3A_1262 = arith.constant dense<0.000000e+00> : vector<64x128xf32>
    %dot_general3A_1263 = tpu.matmul %get3A_1259, %concatenate3A_1260, %dot_general3A_1262 {dimension_numbers = #tpu.dot_dimension_numbers<[1], [1], [0], [0], [0, 0, 1, 0], [], []>, transpose_lhs_hint = false} : vector<64x1024xf32>, vector<128x1024xf32>, vector<64x128xf32> -> vector<64x128xf32>
    %mul3A_1264 = arith.constant 3.125000e-02 : f32
    %mul3A_1265 = vector.broadcast %mul3A_1264 : f32 to vector<64x128xf32>
    %mul3A_1266 = arith.mulf %dot_general3A_1263, %mul3A_1265 : vector<64x128xf32>
    %concatenate3A_1267 = tpu.concatenate %get3A_469, %get3A_463 in 0 : vector<64xi32>, vector<64xi32> -> vector<128xi32>
    %broadcast_in_dim3A_1268 = vector.shape_cast %get3A_469 : vector<64xi32> to vector<64x1xi32>
    %broadcast_in_dim3A_1269 = vector.shape_cast %concatenate3A_1267 : vector<128xi32> to vector<1x128xi32>
    %eq3A_1270 = vector.broadcast %broadcast_in_dim3A_1268 : vector<64x1xi32> to vector<64x128xi32>
    %eq3A_1271 = vector.broadcast %broadcast_in_dim3A_1269 : vector<1x128xi32> to vector<64x128xi32>
    %eq3A_1272 = arith.cmpi eq, %eq3A_1270, %eq3A_1271 : vector<64x128xi32>
    %jit3A_1273 = arith.constant -5.000000e+04 : f32
    %broadcast_in_dim3A_1274 = vector.broadcast %jit3A_1273 : f32 to vector<64x128xf32>
    %select_n3A_1275 = arith.select %eq3A_1272, %broadcast_in_dim3A_1274, %mul3A_1266 : vector<64x128xi1>, vector<64x128xf32>
    %reduce_max3A_1276 = arith.constant dense<0xFF800000> : vector<64xf32>
    %reduce_max3A_1277 = vector.multi_reduction <maximumf>, %select_n3A_1275, %reduce_max3A_1276 [1] : vector<64x128xf32> to vector<64xf32>
    %broadcast_in_dim3A_1278 = vector.shape_cast %reduce_max3A_1277 : vector<64xf32> to vector<64x1xf32>
    %sub3A_1279 = vector.broadcast %broadcast_in_dim3A_1278 : vector<64x1xf32> to vector<64x128xf32>
    %sub3A_1280 = arith.subf %select_n3A_1275, %sub3A_1279 : vector<64x128xf32>
    %exp3A_1281 = math.exp %sub3A_1280 : vector<64x128xf32>
    %reduce_sum3A_1282 = arith.constant dense<0.000000e+00> : vector<64xf32>
    %reduce_sum3A_1283 = vector.multi_reduction <add>, %exp3A_1281, %reduce_sum3A_1282 [1] : vector<64x128xf32> to vector<64xf32>
    %broadcast_in_dim3A_1284 = vector.shape_cast %reduce_sum3A_1283 : vector<64xf32> to vector<64x1xf32>
    %div3A_1285 = vector.broadcast %broadcast_in_dim3A_1284 : vector<64x1xf32> to vector<64x128xf32>
    %div3A_1286 = arith.divf %exp3A_1281, %div3A_1285 : vector<64x128xf32>
    %dot_general3A_1287 = arith.constant dense<0.000000e+00> : vector<64x1024xf32>
    %dot_general3A_1288 = tpu.matmul %div3A_1286, %concatenate3A_1261, %dot_general3A_1287 {dimension_numbers = #tpu.dot_dimension_numbers<[1], [0], [0], [1], [0, 0, 1, 1], [], []>, transpose_lhs_hint = false} : vector<64x128xf32>, vector<128x1024xf32>, vector<64x1024xf32> -> vector<64x1024xf32>
    %swap3A_1289 = arith.constant 0 : index
    %swap3A_1290 = arith.constant 15 : index
    %swap3A_1291 = arith.constant 0 : index
    %swap3A_1292 = arith.constant 0 : index
    %swap3A_1293 = vector.load %arg8[%swap3A_1289, %swap3A_1290, %swap3A_1291, %swap3A_1292] : memref<1x16x64x1024xf32, #tpu.memory_space<vmem>>, vector<1x1x64x1024xf32>
    %swap3A_1294 = vector.shape_cast %swap3A_1293 : vector<1x1x64x1024xf32> to vector<64x1024xf32>
    %swap3A_1295 = vector.shape_cast %dot_general3A_1288 : vector<64x1024xf32> to vector<1x1x64x1024xf32>
    tpu.vector_store %arg8[%swap3A_1289, %swap3A_1290, %swap3A_1291, %swap3A_1292], %swap3A_1295 {strides = array<i32>} : memref<1x16x64x1024xf32, #tpu.memory_space<vmem>>, vector<1x1x64x1024xf32>,
    %log3A_1296 = math.log %broadcast_in_dim3A_1284 : vector<64x1xf32>
    %add3A_1297 = arith.addf %log3A_1296, %broadcast_in_dim3A_1278 : vector<64x1xf32>
    %broadcast_in_dim3A_1298 = vector.shape_cast %add3A_1297 : vector<64x1xf32> to vector<64x1xf32>
    %broadcast_in_dim3A_1299 = vector.broadcast %broadcast_in_dim3A_1298 : vector<64x1xf32> to vector<64x128xf32>
    %swap3A_1300 = arith.constant 0 : index
    %swap3A_1301 = arith.constant 15 : index
    %swap3A_1302 = arith.constant 0 : index
    %swap3A_1303 = arith.constant 0 : index
    %swap3A_1304 = vector.load %arg9[%swap3A_1300, %swap3A_1301, %swap3A_1302, %swap3A_1303] : memref<1x16x64x128xf32, #tpu.memory_space<vmem>>, vector<1x1x64x128xf32>
    %swap3A_1305 = vector.shape_cast %swap3A_1304 : vector<1x1x64x128xf32> to vector<64x128xf32>
    %swap3A_1306 = vector.shape_cast %broadcast_in_dim3A_1299 : vector<64x128xf32> to vector<1x1x64x128xf32>
    tpu.vector_store %arg9[%swap3A_1300, %swap3A_1301, %swap3A_1302, %swap3A_1303], %swap3A_1306 {strides = array<i32>} : memref<1x16x64x128xf32, #tpu.memory_space<vmem>>, vector<1x1x64x128xf32>,
    return
  }
  func.func @transform_0(%arg0: i32, %arg1: i32) -> (i32, i32, i32, i32) {
    %c0_i32 = arith.constant 0 : i32
    %c0_i32_0 = arith.constant 0 : i32
    %c0_i32_1 = arith.constant 0 : i32
    return %arg0, %arg1, %c0_i32, %c0_i32_0 : i32, i32, i32, i32
  }
  func.func @transform_1(%arg0: i32, %arg1: i32) -> (i32, i32, i32, i32) {
    %mul3A = arith.constant 16 : i32
    %mul3A_0 = arith.muli %arg1, %mul3A : i32
    %sub3A = arith.constant 1 : i32
    %sub3A_1 = arith.subi %mul3A_0, %sub3A : i32
    %jit3A = arith.constant 512 : i32
    %eq3A = arith.constant 0 : i32
    %eq3A_2 = arith.cmpi eq, %jit3A, %eq3A : i32
    %jit3A_3 = arith.constant 1 : i32
    %select_n3A = arith.select %eq3A_2, %jit3A_3, %jit3A : i32
    %rem3A = arith.remsi %sub3A_1, %select_n3A : i32
    %ne3A = arith.constant 0 : i32
    %ne3A_4 = arith.cmpi ne, %rem3A, %ne3A : i32
    %lt3A = arith.constant 0 : i32
    %lt3A_5 = arith.cmpi slt, %rem3A, %lt3A : i32
    %lt3A_6 = arith.constant 0 : i32
    %lt3A_7 = arith.cmpi slt, %select_n3A, %lt3A_6 : i32
    %ne3A_8 = arith.xori %lt3A_5, %lt3A_7 : i1
    %and3A = arith.andi %ne3A_8, %ne3A_4 : i1
    %add3A = arith.addi %rem3A, %select_n3A : i32
    %select_n3A_9 = arith.select %and3A, %add3A, %rem3A : i32
    %c0_i32 = arith.constant 0 : i32
    %c0_i32_10 = arith.constant 0 : i32
    %c0_i32_11 = arith.constant 0 : i32
    return %arg0, %select_n3A_9, %c0_i32, %c0_i32_10 : i32, i32, i32, i32
  }
  func.func @transform_2(%arg0: i32, %arg1: i32) -> (i32, i32, i32, i32) {
    %c0_i32 = arith.constant 0 : i32
    %c0_i32_0 = arith.constant 0 : i32
    %c0_i32_1 = arith.constant 0 : i32
    return %arg0, %arg1, %c0_i32, %c0_i32_0 : i32, i32, i32, i32
  }
  func.func @transform_3(%arg0: i32, %arg1: i32) -> (i32, i32, i32, i32) {
    %mul3A = arith.constant 16 : i32
    %mul3A_0 = arith.muli %arg1, %mul3A : i32
    %sub3A = arith.constant 1 : i32
    %sub3A_1 = arith.subi %mul3A_0, %sub3A : i32
    %jit3A = arith.constant 512 : i32
    %eq3A = arith.constant 0 : i32
    %eq3A_2 = arith.cmpi eq, %jit3A, %eq3A : i32
    %jit3A_3 = arith.constant 1 : i32
    %select_n3A = arith.select %eq3A_2, %jit3A_3, %jit3A : i32
    %rem3A = arith.remsi %sub3A_1, %select_n3A : i32
    %ne3A = arith.constant 0 : i32
    %ne3A_4 = arith.cmpi ne, %rem3A, %ne3A : i32
    %lt3A = arith.constant 0 : i32
    %lt3A_5 = arith.cmpi slt, %rem3A, %lt3A : i32
    %lt3A_6 = arith.constant 0 : i32
    %lt3A_7 = arith.cmpi slt, %select_n3A, %lt3A_6 : i32
    %ne3A_8 = arith.xori %lt3A_5, %lt3A_7 : i1
    %and3A = arith.andi %ne3A_8, %ne3A_4 : i1
    %add3A = arith.addi %rem3A, %select_n3A : i32
    %select_n3A_9 = arith.select %and3A, %add3A, %rem3A : i32
    %c0_i32 = arith.constant 0 : i32
    %c0_i32_10 = arith.constant 0 : i32
    %c0_i32_11 = arith.constant 0 : i32
    return %arg0, %select_n3A_9, %c0_i32, %c0_i32_10 : i32, i32, i32, i32
  }
  func.func @transform_4(%arg0: i32, %arg1: i32) -> (i32, i32, i32, i32) {
    %c0_i32 = arith.constant 0 : i32
    %c0_i32_0 = arith.constant 0 : i32
    %c0_i32_1 = arith.constant 0 : i32
    return %arg0, %arg1, %c0_i32, %c0_i32_0 : i32, i32, i32, i32
  }
  func.func @transform_5(%arg0: i32, %arg1: i32) -> (i32, i32, i32, i32) {
    %mul3A = arith.constant 16 : i32
    %mul3A_0 = arith.muli %arg1, %mul3A : i32
    %sub3A = arith.constant 1 : i32
    %sub3A_1 = arith.subi %mul3A_0, %sub3A : i32
    %jit3A = arith.constant 512 : i32
    %eq3A = arith.constant 0 : i32
    %eq3A_2 = arith.cmpi eq, %jit3A, %eq3A : i32
    %jit3A_3 = arith.constant 1 : i32
    %select_n3A = arith.select %eq3A_2, %jit3A_3, %jit3A : i32
    %rem3A = arith.remsi %sub3A_1, %select_n3A : i32
    %ne3A = arith.constant 0 : i32
    %ne3A_4 = arith.cmpi ne, %rem3A, %ne3A : i32
    %lt3A = arith.constant 0 : i32
    %lt3A_5 = arith.cmpi slt, %rem3A, %lt3A : i32
    %lt3A_6 = arith.constant 0 : i32
    %lt3A_7 = arith.cmpi slt, %select_n3A, %lt3A_6 : i32
    %ne3A_8 = arith.xori %lt3A_5, %lt3A_7 : i1
    %and3A = arith.andi %ne3A_8, %ne3A_4 : i1
    %add3A = arith.addi %rem3A, %select_n3A : i32
    %select_n3A_9 = arith.select %and3A, %add3A, %rem3A : i32
    %c0_i32 = arith.constant 0 : i32
    %c0_i32_10 = arith.constant 0 : i32
    %c0_i32_11 = arith.constant 0 : i32
    return %arg0, %select_n3A_9, %c0_i32, %c0_i32_10 : i32, i32, i32, i32
  }
  func.func @transform_6(%arg0: i32, %arg1: i32) -> (i32, i32, i32, i32) {
    %c0_i32 = arith.constant 0 : i32
    %c0_i32_0 = arith.constant 0 : i32
    %c0_i32_1 = arith.constant 0 : i32
    return %arg0, %arg1, %c0_i32, %c0_i32_0 : i32, i32, i32, i32
  }
  func.func @transform_7(%arg0: i32, %arg1: i32) -> (i32, i32, i32, i32) {
    %c0_i32 = arith.constant 0 : i32
    %c0_i32_0 = arith.constant 0 : i32
    %c0_i32_1 = arith.constant 0 : i32
    return %arg0, %arg1, %c0_i32, %c0_i32_0 : i32, i32, i32, i32
  }
}

</mosaic_0001>

<sc_bundles>
// kernel: kernel.6.cloned.1.call-start
scs
__scs_entry_jumppad:
0x0: {  	(pc) =	sbr.rel $0x88, $3  }
0x1: {  	(tag) =	ssettag $0x0;
	lr =	simm.s32 $0x1  }
0x2: {  	[smem:$0x3F9E] =	sst lr;
	_ =	strace $0xD0000000  }
0x3: {  	_ = 	snop  }
0x4: {  	_ = 	snop  }
0x5: {  	_ = 	snop  }
0x6: {  	_ = 	snop  }
0x7: {  	_ = 	snop  }
__scs_overlays_trampoline_lowered:
0x8: {  	[smem:$0x3FAD] =	sst s0  }
0x9: {  	[smem:$0x3FAE] =	sst s1  }
0xa: {  	[smem:$0x3FAF] =	sst s2  }
0xb: {  	[smem:$0x3FB0] =	sst s3  }
0xc: {  	[smem:$0x3FB1] =	sst s4  }
0xd: {  	[smem:$0x3FB2] =	sst s5  }
0xe: {  	[smem:$0x3FB3] =	sst s6  }
0xf: {  	[smem:$0x3FB4] =	sst s7  }
0x10: {  	[smem:$0x3FB5] =	sst s8  }
0x11: {  	[smem:$0x3FB6] =	sst s9;
	s0 =	simm.s32 @!p0 $0x0  }
0x12: {  	s1 =	sld [smem:$0x3F9C];
	s0 =	simm.s32 @p0 $0x1  }
0x13: {  	[smem:$0x3FB7] =	sst s0;
	s0 =	simm.s32 @!p1 $0x0  }
0x14: {  	s2 =	sld [smem:$0x3F9B];
	s0 =	simm.s32 @p1 $0x1  }
0x15: {  	[smem:$0x3FB8] =	sst s0;
	s0 =	simm.s32 @!p2 $0x0  }
0x16: {  	s3 =	sld [smem:$0x3FDB];
	s0 =	simm.s32 @p2 $0x1  }
0x17: {  	s4 =	simm.s32 $0x1BF5;
	[smem:$0x3FBA] =	sst s0  }
0x18: {  	s0 =	sld [smem:$0x3F9D];
	_ =	swait.ge [sflag:s4], $0x0  }
0x19: {  	s7 =	sld [smem:$0x3F9E]  }
0x1a: {  	s8 =	sadd.s32 $0xFFFFE003, lr  }
0x1b: {  	s9 =	sadd.s32 $0xFFFFFEF7, lr;
	s5 =	simm.s32 $0xFFFFFFFF;
	p2 =	slt.u32 s8, $0xFFFFF086  }
0x1c: {  	p1 =	slt.u32 s9, $0xF7A;
	s5 =	simm.s32 @!p2 $0x0  }
0x1d: {  	s5 =	simm.s32 @p1 $0x1;
	p0 =	seq.s32 s7, s2  }
0x1e: {  	s7 =	smul.u32 @!p0 $0xF7A, s2;
	p2 =	seq.s32 @!p0 s5, $0x0  }
0x1f: {  	s9 =	smul.u32 $0xF7A, s1;
	s8 =	simm.s32 @!p0 $0x1BF5;
	p2 =	por !p2, p0  }
0x20: {  	[sflag:s8] =	ssyncset.s32 @!p0 $0xFFFFF086;
	s6 =	sadd.s32 @!p0 s3, s7;
	s7 =	simm.s32 @!p0 $0x108  }
0x21: {  	s3 =	sadd.s32 s3, s9;
	s6 =	sadd.s32 @!p0 $0x88, s6;
	s7 =	simm.s32 @p2 $0x1082  }
0x22: {  	[simem:s7], [sflag:s8] =	dma.local @!p0 [hbm:s6], $0xF7A  }
0x23: {  	s9 =	sor.u32 $0xD0000000, s2;
	s6 =	simm.s32 $0x108;
	_ =	swait.ge @!p0 [sflag:s8], $0x0  }
0x24: {  	s3 =	sadd.s32 $0x88, s3;
	s6 =	simm.s32 @!p1 $0x1082;
	[sflag:s4] =	ssyncset.s32 $0xFFFFF086  }
0x25: {  	[simem:s6], [sflag:s4] =	dma.local [hbm:s3], $0xF7A  }
0x26: {  	[smem:$0x3F9E] =	sst s1;
	(tag) =	ssettag s2;
	_ =	strace s9  }
0x27: {  	s1 =	sld [smem:$0x3FAE]  }
0x28: {  	s2 =	sld [smem:$0x3FAF]  }
0x29: {  	s4 =	sld [smem:$0x3FB1]  }
0x2a: {  	p0 =	seq.s32 s5, $0x0;
	s5 =	sld [smem:$0x3FB2]  }
0x2b: {  	s6 =	sld [smem:$0x3FB3]  }
0x2c: {  	s7 =	sld [smem:$0x3FB4]  }
0x2d: {  	s3 =	simm.s32 $0x108;
	s8 =	sld [smem:$0x3FB5]  }
0x2e: {  	s3 =	simm.s32 @!p0 $0x1082;
	s9 =	sld [smem:$0x3FB6]  }
0x2f: {  	lr =	sadd.s32 s0, s3;
	s0 =	sld [smem:$0x3FAD]  }
0x30: {  	s3 =	sld [smem:$0x3FB0]  }
0x31: {  	[smem:$0x3FB9] =	sst s10  }
0x32: {  	s10 =	sld [smem:$0x3FB7];
	_ =	sdelay $0x3  }
0x33: {  	p0 =	seq.s32 s10, $0x1;
	s10 =	sld [smem:$0x3FB9];
	_ =	sdelay $0x3  }
0x34: {  	[smem:$0x3FB9] =	sst s10  }
0x35: {  	s10 =	sld [smem:$0x3FB8];
	_ =	sdelay $0x3  }
0x36: {  	p1 =	seq.s32 s10, $0x1;
	s10 =	sld [smem:$0x3FB9];
	_ =	sdelay $0x3  }
0x37: {  	[smem:$0x3FB9] =	sst s10  }
0x38: {  	s10 =	sld [smem:$0x3FBA]  }
0x39: {  	_ = 	snop;
	(pc) =	sbr.ind lr, $3  }
0x3a: {  	_ = 	snop  }
0x3b: {  	_ = 	snop  }
0x3c: {  	p2 =	seq.s32 s10, $0x1;
	s10 =	sld [smem:$0x3FB9]  }
0x3d: {  	_ =	shalt  }
0x3e: {  	_ =	shalt  }
0x3f: {  	_ =	shalt  }
0x40: {  	_ =	shalt  }
0x41: {  	_ =	shalt  }
0x42: {  	_ =	shalt  }
0x43: {  	_ =	shalt  }
0x44: {  	_ =	shalt  }
0x45: {  	_ =	shalt  }
0x46: {  	_ =	shalt  }
0x47: {  	_ =	shalt  }
0x48: {  	_ =	shalt  }
0x49: {  	_ =	shalt  }
0x4a: {  	_ =	shalt  }
0x4b: {  	_ =	shalt  }
0x4c: {  	_ =	shalt  }
0x4d: {  	_ =	shalt  }
0x4e: {  	_ =	shalt  }
0x4f: {  	_ =	shalt  }
0x50: {  	_ =	shalt  }
0x51: {  	_ =	shalt  }
0x52: {  	_ =	shalt  }
0x53: {  	_ =	shalt  }
0x54: {  	_ =	shalt  }
0x55: {  	_ =	shalt  }
0x56: {  	_ =	shalt  }
0x57: {  	_ =	shalt  }
0x58: {  	_ =	shalt  }
0x59: {  	_ =	shalt  }
0x5a: {  	_ =	shalt  }
0x5b: {  	_ =	shalt  }
0x5c: {  	_ =	shalt  }
0x5d: {  	_ =	shalt  }
0x5e: {  	_ =	shalt  }
0x5f: {  	_ =	shalt  }
0x60: {  	_ =	shalt  }
0x61: {  	_ =	shalt  }
0x62: {  	_ =	shalt  }
0x63: {  	_ =	shalt  }
0x64: {  	_ =	shalt  }
0x65: {  	_ =	shalt  }
0x66: {  	_ =	shalt  }
0x67: {  	_ =	shalt  }
0x68: {  	_ =	shalt  }
0x69: {  	_ =	shalt  }
0x6a: {  	_ =	shalt  }
0x6b: {  	_ =	shalt  }
0x6c: {  	_ =	shalt  }
0x6d: {  	_ =	shalt  }
0x6e: {  	_ =	shalt  }
0x6f: {  	_ =	shalt  }
0x70: {  	_ =	shalt  }
0x71: {  	_ =	shalt  }
0x72: {  	_ =	shalt  }
0x73: {  	_ =	shalt  }
0x74: {  	_ =	shalt  }
0x75: {  	_ =	shalt  }
0x76: {  	_ =	shalt  }
0x77: {  	_ =	shalt  }
0x78: {  	_ =	shalt  }
0x79: {  	_ =	shalt  }
0x7a: {  	_ =	shalt  }
0x7b: {  	_ =	shalt  }
0x7c: {  	_ =	shalt  }
0x7d: {  	_ =	shalt  }
0x7e: {  	_ =	shalt  }
0x7f: {  	_ =	shalt  }
0x80: {  	_ =	shalt  }
0x81: {  	_ =	shalt  }
0x82: {  	_ =	shalt  }
0x83: {  	_ =	shalt  }
0x84: {  	_ =	shalt  }
0x85: {  	_ =	shalt  }
0x86: {  	_ =	shalt  }
0x87: {  	_ =	shalt  }
.Lfunc_end0:
.L_simem_size_0:
called_computation_lowered:
.L_overlay_start_0:
0x88: {  	s2 =	sld [smem:$0x3FD9]  }
0x89: {  	s3 =	sld [smem:$0x3FFE];
	_ =	sdelay $0x1  }
0x8a: {  	s1 =	srdreg.scid  }
0x8b: {  	s0 =	sand.u32 $0x1, s1  }
0x8c: {  	s14 =	sshll.u32 s0, $0xA;
	s2 =	sadd.s32 s3, s2  }
0x8d: {  	s2 =	sadd.s32 s2, s14  }
0x8e: {  	[smem:$0x3FC5] =	sst s2  }
0x8f: {  	_ = 	snop  }
0x90: {  	s2 =	sld [smem:$0x3FD0];
	_ =	sdelay $0x1  }
0x91: {  	s15 =	sld [smem:$0x3FC9]  }
0x92: {  	s5 =	simm.s32 $0xA;
	s6 =	simm.s32 $0x10;
	s4 =	sld [smem:$0x3FC8]  }
0x93: {  	[smem:s6], [sflag:s5] =	dma.local [hbm:s2], $0x1  }
0x94: {  	_ =	swait.eq [sflag:s5], $0x1  }
0x95: {  	[sflag:s5] =	ssyncset.done $0x0  }
0x96: {  	[sflag:s5] =	ssyncadd.s32 $0xFFFFFFFF  }
0x97: {  	s16 =	sld [smem:$0x11];
	(tm) =	ssettm $0x1  }
0x98: {  	s17 =	sld [smem:$0x3FFB];
	_ =	sdelay $0x3  }
0x99: {  	_ =	strace s17  }
0x9a: {  	s5 =	sld [smem:$0x3FFC];
	_ =	sdelay $0x3  }
0x9b: {  	_ =	strace s5  }
0x9c: {  	s5 =	sld [smem:$0x3FFD];
	_ =	sdelay $0x3  }
0x9d: {  	_ =	strace s5  }
0x9e: {  	_ =	strace $0x8FFFFFFF  }
0x9f: {  	s18 =	sld [smem:$0x3FDB];
	_ =	sdelay $0x1  }
0xa0: {  	s19 =	simm.s32 $_scs_section_size  }
0xa1: {  	s7 =	simm.s32 $_size__tile_overlayer_lowered;
	s8 =	simm.s32 $_tile_overlayer_lowered  }
0xa2: {  	s22 =	simm.s32 $0x1BFF;
	s21 =	sshll.u32 s8, $0x1;
	s5 =	sadd.s32 s19, s18  }
0xa3: {  	s9 =	simm.s32 $0x0;
	s20 =	sshll.u32 s7, $0x1;
	s7 =	sadd.s32 s21, s5  }
0xa4: {  	[timem:s9], [sflag:s22] =	dma.local [hbm:s7], s20  }
0xa5: {  	_ =	swait.ge [sflag:s22], s20  }
0xa6: {  	s6 =	ssub.s32 $0x0, s20;
	[sflag:s22] =	ssyncset.done $0x0  }
0xa7: {  	[sflag:s22] =	ssyncadd.s32 s6;
	_ =	sdelay $0x1  }
0xa8: {  	s23 =	simm.s32 $0x1B8B  }
0xa9: {  	_ =	swait.ge [sflag:s23], $0x1  }
0xaa: {  	[sflag:s23] =	ssyncset.done $0x0  }
0xab: {  	s25 =	simm.s32 $0x1B8E;
	s24 =	sld [smem:$0x3FFE];
	[sflag:s23] =	ssyncadd.s32 $0xFFFFFFFF  }
0xac: {  	s26 =	simm.s32 $execute0_lowered;
	[smem:$0x3FD2] =	sst s25  }
0xad: {  	s7 =	sshll.u32 s26, $0x1;
	_ =	strace $0x80000046;
	[dreg:$0x1] =	wrdreg $0xFFFFFFFF  }
0xae: {  	s28 =	simm.s32 $_size_execute0_lowered;
	s5 =	sadd.s32 s5, s7;
	[dreg:$0x0] =	wrdreg $0x0  }
0xaf: {  	s7 =	sshll.u32 s28, $0x1;
	[dreg:$0x2] =	wrdreg s5  }
0xb0: {  	[dreg:$0x3] =	wrdreg s7  }
0xb1: {  	[dreg:$0x4] =	wrdreg $0xC0  }
0xb2: {  	_ =	task [dreg:s9], $0x5FFFF  }
0xb3: {  	[dreg:$0x1] =	wrdreg $0xFFFFFFFF  }
0xb4: {  	[dreg:$0x0] =	wrdreg $0x60  }
0xb5: {  	[dreg:$0x2] =	wrdreg s15  }
0xb6: {  	[dreg:$0x3] =	wrdreg s4  }
0xb7: {  	[dreg:$0x4] =	wrdreg s16  }
0xb8: {  	[dreg:$0x5] =	wrdreg s24  }
0xb9: {  	[dreg:$0x6] =	wrdreg $0x9  }
0xba: {  	_ =	task.clear_ibuf [dreg:s9], $0x7FFFF;
	_ =	strace $0x90000046  }
0xbb: {  	s29 =	simm.s32 $0x9;
	_ =	strace $0x80000048  }
0xbc: {  	_ =	swait.ge [sflag:s29], $0x1  }
0xbd: {  	[sflag:s29] =	ssyncadd.s32 $0xFFFFFFFF  }
0xbe: {  	_ =	strace $0x90000048  }
0xbf: {  	_ =	sfence  }
0xc0: {  	s30 =	sld [smem:$0x0];
	_ =	sdelay $0x2  }
0xc1: {  	s31 =	sshll.u32 s1, $0xD;
	s1 =	sshrl.u32 s1, $0x2  }
0xc2: {  	s3 =	sand.u32 $0x4000, s31;
	s1 =	sadd.s32 s1, s30  }
0xc3: {  	s0 =	sor.u32 s3, s0;
	s1 =	sshll.u32 s1, $0x11  }
0xc4: {  	s0 =	sor.u32 s1, s0  }
0xc5: {  	s0 =	sadd.s32 $0x8F2B, s0  }
0xc6: {  	[sflag:s0] =	ssyncadd.remote.s32 $0x1  }
0xc7: {  	_ =	sfence.sel $0xFFFF  }
0xc8: {  	[dreg:$0x0] =	wrdreg $0xFFFFFFFF;
	(pc) =	sbr.abs _section_cstart, $3  }
0xc9: {  	[dreg:$0x1] =	wrdreg $0xFFFFFFFF  }
0xca: {  	_ =	task.clear_ibuf [dreg:s9], $0x2FFFF;
	_ =	strace $0x9FFFFFFF  }
0xcb: {  	(tm) =	ssettm $0x7FFFFFFF  }
tec
execute0_lowered:
.L_overlay_start_1:
0x0: {  	(tag) =	ssettag $0x1  }
0x1: {  	s1 =	rddreg [dreg:$0x0]  }
0x2: {  	s2 =	rddreg [dreg:$0x1]  }
0x3: {  	s0 =	rddreg [dreg:$0x2]  }
0x4: {  	s3 =	rddreg [dreg:$0x3];
	s4 =	simm.s32 $0x0;
	s5 =	srdreg.scid  }
0x5: {  	s9 =	stileid.u32;
	s16 =	simm.s32 $0x800;
	s23 =	simm.s32 $0xC800  }
0x6: {  	s28 =	simm.s32 $0xE000;
	s29 =	simm.s32 $0xE800;
	s30 =	simm.s32 $0xF000  }
0x7: {  	s31 =	simm.s32 $0xF800;
	s15 =	simm.s32 $0x2;
	s17 =	simm.s32 $0x4  }
0x8: {  	s18 =	simm.s32 $0x5;
	s19 =	simm.s32 $0x7;
	s22 =	simm.s32 $0x0  }
0x9: {  	[smem:$0x7FF] =	sst s4;
	s5 =	sand.u32 $0x1, s5;
	s7 =	sshll.u32 s9, $0xC  }
0xa: {  	s9 =	sshll.u32 s9, $0x13;
	s11 =	sadd.s32 $0x300, s2;
	_ =	strace $0x80000047  }
0xb: {  	s6 =	ssub.s32 $0x2, s5;
	s8 =	sshll.u32 s5, $0xB;
	s3 =	sadd.s32 s9, s3  }
0xc: {  	s9 =	sadd.s32 $0x100, s2;
	s25 =	sshll.u32 s5, $0x12;
	s5 =	simm.s32 $0x3  }
0xd: {  	s10 =	sshrl.u32 s6, $0x1;
	s7 =	sor.u32 s8, s7;
	s8 =	sadd.s32 $0x300, s1  }
0xe: {  	s12 =	ssub.s32 s6, s10;
	s24 =	sshrl.u32 s7, $0x3;
	s6 =	sadd.s32 $0x100, s1  }
.Ltmp0:
0xf: {  	s7 =	sadd.s32 $0x200, s1;
	s10 =	sadd.s32 $0x200, s2;
	(pc) =	sbr.rel .LBB2_1-.Ltmp0, $4  }
0x10: {  	s0 =	sadd.s32 s0, s24;
	s26 =	smax.u32 s12, $0x1;
	s24 =	simm.s32 $0x8800  }
0x11: {  	v2 =	vlaneseq.u32;
	s12 =	simm.s32 $0x4800;
	[dreg:$0x5] =	wrdreg s0;
	s0 =	sadd.s32 s25, s3  }
0x12: {  	vm0 =	vmmov $0xffff;
	v1 =	vshrl.u32 v2, $0x3;
	[dreg:$0x6] =	wrdreg s26;
	s3 =	simm.s32 $0x1;
	s26 =	simm.s32 $0x5000  }
0x13: {  	v0 =	vand.u32 $0x7, v2;
	v2 =	vor.u32 $0x8, v2;
	v1 =	vmul.u32 $0x8, v1;
	s13 =	sadd.s32 $0x802000, s0;
	s14 =	sadd.s32 $0x2000, s0;
	s0 =	simm.s32 $0x10000  }
.LBB2_5:
0x14: {  	_ =	swait.ge [sflag:s18], $0x4000  }
0x15: {  	[sflag:s18] =	ssyncset.done $0x0  }
0x16: {  	[sflag:s18] =	ssyncadd.s32 $0xFFFFC000  }
0x17: {  	_ =	swait.ge [sflag:s19], $0x4000  }
0x18: {  	[sflag:s19] =	ssyncset.done $0x0  }
0x19: {  	s20 =	simm.s32 $0x6;
	[sflag:s19] =	ssyncadd.s32 $0xFFFFC000  }
0x1a: {  	_ =	swait.ge [sflag:s20], $0x4000  }
0x1b: {  	[sflag:s20] =	ssyncset.done $0x0  }
0x1c: {  	s21 =	simm.s32 $0x8;
	[sflag:s20] =	ssyncadd.s32 $0xFFFFC000  }
0x1d: {  	_ =	swait.ge [sflag:s21], $0x4000  }
0x1e: {  	s22 =	rddreg [dreg:$0x7]  }
0x1f: {  	s25 =	rddreg [dreg:$0x6];
	s22 =	sadd.s32 $0x1, s22  }
0x20: {  	p0 =	sne.s32 s22, s25  }
.Ltmp1:
0x21: {  	_ = 	snop;
	(pc) =	sbr.rel @!p0 .LBB2_6-.Ltmp1, $3  }
0x22: {  	_ =	sdelay $0x1  }
0x23: {  	[sflag:s21] =	ssyncset.done $0x0  }
0x24: {  	[sflag:s21] =	ssyncadd.s32 $0xFFFFC000  }
.LBB2_1:
0x25: {  	[dreg:$0x7] =	wrdreg s22  }
0x26: {  	s20 =	rddreg [dreg:$0x5];
	s21 =	simm.s32 $0x9  }
0x27: {  	[tilespmem:s4], [sflag:$0x9] =	stream.linear.gather [hbm4b:s20+s4], $0x800, $0x38;
	[tilespmem:$0x10800] =	vst v63  }
0x28: {  	_ =	swait.ge [sflag:s21], $0x800  }
0x29: {  	[sflag:s21] =	ssyncset.done $0x0  }
0x2a: {  	[sflag:s21] =	ssyncadd.s32 $0xFFFFF800  }
0x2b: {  	v3 =	vld [tilespmem:$0x0];
	_ =	sdelay $0x4  }
0x2c: {  	v4 =	vshll.u32 v3, $0x3  }
0x2d: {  	v3 =	vand.u32 $0x7, v3;
	v4 =	vand.u32 $0xFFFFFFC0, v4  }
0x2e: {  	v3 =	vor.u32 v3, v4  }
0x2f: {  	v4 =	vperm.xlane v3, v0;
	_ =	sdelay $0x1  }
0x30: {  	v4 =	vadd.s32 v1, v4;
	_ =	sdelay $0x4  }
0x31: {  	[tilespmem:s16], [sflag:$0x1] =	stream.indirect_vreg.gather [hbm4b:s1+s4], $0x80, v4, vm0, $0xb8;
	[tilespmem:$0x10800] =	vst v63  }
0x32: {  	s22 =	simm.s32 $0x1000;
	v3 =	vperm.xlane v3, v2  }
0x33: {  	[tilespmem:s22], [sflag:$0x1] =	stream.indirect_vreg.gather [hbm4b:s6+s4], $0x80, v4, vm0, $0xb8;
	[tilespmem:$0x10800] =	vst v63  }
0x34: {  	s25 =	simm.s32 $0x1800;
	v3 =	vadd.s32 v1, v3  }
0x35: {  	[tilespmem:s25], [sflag:$0x1] =	stream.indirect_vreg.gather [hbm4b:s7+s4], $0x80, v4, vm0, $0xb8;
	[tilespmem:$0x10800] =	vst v63  }
0x36: {  	s21 =	simm.s32 $0x2000  }
0x37: {  	[tilespmem:s21], [sflag:$0x1] =	stream.indirect_vreg.gather [hbm4b:s8+s4], $0x80, v4, vm0, $0xb8;
	[tilespmem:$0x10800] =	vst v63  }
0x38: {  	s22 =	simm.s32 $0x2800  }
0x39: {  	[tilespmem:s22], [sflag:$0x1] =	stream.indirect_vreg.gather [hbm4b:s1+s4], $0x80, v3, vm0, $0xb8;
	[tilespmem:$0x10800] =	vst v63  }
0x3a: {  	s25 =	simm.s32 $0x3000  }
0x3b: {  	[tilespmem:s25], [sflag:$0x1] =	stream.indirect_vreg.gather [hbm4b:s6+s4], $0x80, v3, vm0, $0xb8;
	[tilespmem:$0x10800] =	vst v63  }
0x3c: {  	s21 =	simm.s32 $0x3800  }
0x3d: {  	[tilespmem:s21], [sflag:$0x1] =	stream.indirect_vreg.gather [hbm4b:s7+s4], $0x80, v3, vm0, $0xb8;
	[tilespmem:$0x10800] =	vst v63  }
0x3e: {  	s22 =	simm.s32 $0x4000  }
0x3f: {  	[tilespmem:s22], [sflag:$0x1] =	stream.indirect_vreg.gather [hbm4b:s8+s4], $0x80, v3, vm0, $0xb8;
	[tilespmem:$0x10800] =	vst v63  }
0x40: {  	v3 =	vld [tilespmem:$0x0];
	_ =	sdelay $0x4  }
0x41: {  	v63 =	vshll.u32 v3, $0x3  }
0x42: {  	v3 =	vand.u32 $0x7, v3;
	v4 =	vand.u32 $0xFFFFFFC0, v63  }
0x43: {  	v3 =	vor.u32 v3, v4  }
0x44: {  	v4 =	vperm.xlane v3, v0;
	_ =	sdelay $0x1  }
0x45: {  	v4 =	vadd.s32 v1, v4;
	_ =	sdelay $0x4  }
0x46: {  	[tilespmem:s24], [sflag:$0x3] =	stream.indirect_vreg.gather [hbm4b:s2+s4], $0x80, v4, vm0, $0xb8;
	[tilespmem:$0x10800] =	vst v63  }
0x47: {  	s25 =	simm.s32 $0x9000;
	v3 =	vperm.xlane v3, v2  }
0x48: {  	[tilespmem:s25], [sflag:$0x3] =	stream.indirect_vreg.gather [hbm4b:s9+s4], $0x80, v4, vm0, $0xb8;
	[tilespmem:$0x10800] =	vst v63  }
0x49: {  	s21 =	simm.s32 $0x9800;
	v3 =	vadd.s32 v1, v3  }
0x4a: {  	[tilespmem:s21], [sflag:$0x3] =	stream.indirect_vreg.gather [hbm4b:s10+s4], $0x80, v4, vm0, $0xb8;
	[tilespmem:$0x10800] =	vst v63  }
0x4b: {  	s22 =	simm.s32 $0xA000  }
0x4c: {  	[tilespmem:s22], [sflag:$0x3] =	stream.indirect_vreg.gather [hbm4b:s11+s4], $0x80, v4, vm0, $0xb8;
	[tilespmem:$0x10800] =	vst v63  }
0x4d: {  	s25 =	simm.s32 $0xA800  }
0x4e: {  	[tilespmem:s25], [sflag:$0x3] =	stream.indirect_vreg.gather [hbm4b:s2+s4], $0x80, v3, vm0, $0xb8;
	[tilespmem:$0x10800] =	vst v63  }
0x4f: {  	s21 =	simm.s32 $0xB000  }
0x50: {  	[tilespmem:s21], [sflag:$0x3] =	stream.indirect_vreg.gather [hbm4b:s9+s4], $0x80, v3, vm0, $0xb8;
	[tilespmem:$0x10800] =	vst v63  }
.Ltmp2:
0x51: {  	_ = 	snop;
	(pc) =	sbr.rel .LBB2_2-.Ltmp2, $4  }
0x52: {  	s22 =	simm.s32 $0xB800  }
0x53: {  	[tilespmem:s22], [sflag:$0x3] =	stream.indirect_vreg.gather [hbm4b:s10+s4], $0x80, v3, vm0, $0xb8;
	[tilespmem:$0x10800] =	vst v63  }
0x54: {  	s20 =	simm.s32 $0x20;
	s25 =	simm.s32 $0xC000;
	s21 =	simm.s32 $0x0  }
0x55: {  	[tilespmem:s25], [sflag:$0x3] =	stream.indirect_vreg.gather [hbm4b:s11+s4], $0x80, v3, vm0, $0xb8;
	[tilespmem:$0x10800] =	vst v63  }
.LBB2_4:
0x56: {  	s21 =	sadd.s32 $0x1000, s21  }
0x57: {  	p0 =	sne.s32 s21, $0x40000  }
.Ltmp3:
0x58: {  	_ = 	snop;
	(pc) =	sbr.rel @!p0 .LBB2_5-.Ltmp3, $4  }
0x59: {  	s22 =	sadd.s32 $0x800, s22  }
0x5a: {  	[hbm4b:s22+s4] =	stream.linear.scatter [tilespmem:s12], [sflag:$0x6], $0x4000, $0x38;
	[tilespmem:$0x10800] =	vst v63  }
0x5b: {  	s25 =	sadd.s32 $0x800, s25;
	s20 =	sadd.s32 $0x20, s20  }
0x5c: {  	[hbm4b:s25+s4] =	stream.linear.scatter [tilespmem:s23], [sflag:$0x8], $0x4000, $0x38;
	[tilespmem:$0x10800] =	vst v63  }
.LBB2_2:
0x5d: {  	_ =	swait.ge [sflag:s3], $0x4000  }
0x5e: {  	[sflag:s3] =	ssyncset.done $0x0  }
0x5f: {  	[sflag:s3] =	ssyncadd.s32 $0xFFFFC000  }
0x60: {  	_ =	swait.ge [sflag:s5], $0x4000  }
0x61: {  	p0 =	seq.s32 s21, $0x0;
	[sflag:s5] =	ssyncset.done $0x0  }
0x62: {  	s22 =	simm.s32 @!p0 $0x6;
	[sflag:s5] =	ssyncadd.s32 $0xFFFFC000  }
0x63: {  	_ =	swait.ge @!p0 [sflag:s22], $0x4000  }
0x64: {  	[sflag:s22] =	ssyncset.done @!p0 $0x0  }
0x65: {  	[sflag:s22] =	ssyncadd.s32 @!p0 $0xFFFFC000;
	s22 =	simm.s32 @!p0 $0x8  }
0x66: {  	_ =	swait.ge @!p0 [sflag:s22], $0x4000  }
0x67: {  	[sflag:s22] =	ssyncset.done @!p0 $0x0  }
0x68: {  	[sflag:s22] =	ssyncadd.s32 @!p0 $0xFFFFC000  }
0x69: {  	v3 =	vld [tilespmem:s20+$0xFFFFFFF0];
	_ =	sdelay $0x4  }
0x6a: {  	v4 =	vshll.u32 v3, $0x3  }
0x6b: {  	v3 =	vand.u32 $0x7, v3;
	v4 =	vand.u32 $0xFFFFFFC0, v4  }
0x6c: {  	v3 =	vor.u32 v3, v4  }
0x6d: {  	v4 =	vperm.xlane v3, v0;
	_ =	sdelay $0x1  }
0x6e: {  	v4 =	vadd.s32 v1, v4;
	_ =	sdelay $0x4  }
0x6f: {  	[tilespmem:s12], [sflag:$0x2] =	stream.indirect_vreg.gather [hbm4b:s1+s4], $0x80, v4, vm0, $0xb8;
	[tilespmem:$0x10800] =	vst v63  }
0x70: {  	v3 =	vperm.xlane v3, v2  }
0x71: {  	[tilespmem:s26], [sflag:$0x2] =	stream.indirect_vreg.gather [hbm4b:s6+s4], $0x80, v4, vm0, $0xb8;
	[tilespmem:$0x10800] =	vst v63  }
0x72: {  	s25 =	simm.s32 $0x5800;
	v3 =	vadd.s32 v1, v3  }
0x73: {  	[tilespmem:s25], [sflag:$0x2] =	stream.indirect_vreg.gather [hbm4b:s7+s4], $0x80, v4, vm0, $0xb8;
	[tilespmem:$0x10800] =	vst v63  }
0x74: {  	s25 =	simm.s32 $0x6000  }
0x75: {  	[tilespmem:s25], [sflag:$0x2] =	stream.indirect_vreg.gather [hbm4b:s8+s4], $0x80, v4, vm0, $0xb8;
	[tilespmem:$0x10800] =	vst v63  }
0x76: {  	s25 =	simm.s32 $0x6800  }
0x77: {  	[tilespmem:s25], [sflag:$0x2] =	stream.indirect_vreg.gather [hbm4b:s1+s4], $0x80, v3, vm0, $0xb8;
	[tilespmem:$0x10800] =	vst v63  }
0x78: {  	s25 =	simm.s32 $0x7000  }
0x79: {  	[tilespmem:s25], [sflag:$0x2] =	stream.indirect_vreg.gather [hbm4b:s6+s4], $0x80, v3, vm0, $0xb8;
	[tilespmem:$0x10800] =	vst v63  }
0x7a: {  	s25 =	simm.s32 $0x7800  }
0x7b: {  	[tilespmem:s25], [sflag:$0x2] =	stream.indirect_vreg.gather [hbm4b:s7+s4], $0x80, v3, vm0, $0xb8;
	[tilespmem:$0x10800] =	vst v63  }
0x7c: {  	s25 =	simm.s32 $0x8000  }
0x7d: {  	[tilespmem:s25], [sflag:$0x2] =	stream.indirect_vreg.gather [hbm4b:s8+s4], $0x80, v3, vm0, $0xb8;
	[tilespmem:$0x10800] =	vst v63  }
0x7e: {  	v3 =	vld [tilespmem:s20+$0xFFFFFFF0];
	_ =	sdelay $0x4  }
0x7f: {  	v63 =	vshll.u32 v3, $0x3  }
0x80: {  	v3 =	vand.u32 $0x7, v3;
	v4 =	vand.u32 $0xFFFFFFC0, v63  }
0x81: {  	v3 =	vor.u32 v3, v4  }
0x82: {  	v4 =	vperm.xlane v3, v0;
	_ =	sdelay $0x1  }
0x83: {  	v4 =	vadd.s32 v1, v4;
	_ =	sdelay $0x4  }
0x84: {  	[tilespmem:s23], [sflag:$0x4] =	stream.indirect_vreg.gather [hbm4b:s2+s4], $0x80, v4, vm0, $0xb8;
	[tilespmem:$0x10800] =	vst v63  }
0x85: {  	s25 =	simm.s32 $0xD000;
	v3 =	vperm.xlane v3, v2  }
0x86: {  	[tilespmem:s25], [sflag:$0x4] =	stream.indirect_vreg.gather [hbm4b:s9+s4], $0x80, v4, vm0, $0xb8;
	[tilespmem:$0x10800] =	vst v63  }
0x87: {  	v3 =	vadd.s32 v1, v3;
	s25 =	simm.s32 $0xD800  }
0x88: {  	[tilespmem:s25], [sflag:$0x4] =	stream.indirect_vreg.gather [hbm4b:s10+s4], $0x80, v4, vm0, $0xb8;
	[tilespmem:$0x10800] =	vst v63  }
0x89: {  	_ = 	snop  }
0x8a: {  	[tilespmem:s28], [sflag:$0x4] =	stream.indirect_vreg.gather [hbm4b:s11+s4], $0x80, v4, vm0, $0xb8;
	[tilespmem:$0x10800] =	vst v63  }
0x8b: {  	_ = 	snop  }
0x8c: {  	[tilespmem:s29], [sflag:$0x4] =	stream.indirect_vreg.gather [hbm4b:s2+s4], $0x80, v3, vm0, $0xb8;
	[tilespmem:$0x10800] =	vst v63  }
0x8d: {  	_ = 	snop  }
0x8e: {  	[tilespmem:s30], [sflag:$0x4] =	stream.indirect_vreg.gather [hbm4b:s9+s4], $0x80, v3, vm0, $0xb8;
	[tilespmem:$0x10800] =	vst v63  }
0x8f: {  	_ = 	snop  }
0x90: {  	[tilespmem:s31], [sflag:$0x4] =	stream.indirect_vreg.gather [hbm4b:s10+s4], $0x80, v3, vm0, $0xb8;
	[tilespmem:$0x10800] =	vst v63  }
0x91: {  	_ = 	snop  }
0x92: {  	[tilespmem:s0], [sflag:$0x4] =	stream.indirect_vreg.gather [hbm4b:s11+s4], $0x80, v3, vm0, $0xb8;
	[tilespmem:$0x10800] =	vst v63  }
0x93: {  	s22 =	sadd.s32 s21, s14  }
0x94: {  	[hbm4b:s22+s4] =	stream.linear.scatter [tilespmem:s16], [sflag:$0x5], $0x4000, $0x38;
	[tilespmem:$0x10800] =	vst v63  }
0x95: {  	s25 =	sadd.s32 s21, s13  }
0x96: {  	[hbm4b:s25+s4] =	stream.linear.scatter [tilespmem:s24], [sflag:$0x7], $0x4000, $0x38;
	[tilespmem:$0x10800] =	vst v63  }
0x97: {  	p0 =	seq.s32 s21, $0x3F000;
	_ =	swait.ge [sflag:s15], $0x4000  }
.Ltmp4:
0x98: {  	[sflag:s15] =	ssyncset.done $0x0;
	(pc) =	sbr.rel @p0 .LBB2_4-.Ltmp4, $4  }
0x99: {  	[sflag:s15] =	ssyncadd.s32 $0xFFFFC000  }
0x9a: {  	_ =	swait.ge [sflag:s17], $0x4000  }
0x9b: {  	[sflag:s17] =	ssyncset.done $0x0  }
0x9c: {  	[sflag:s17] =	ssyncadd.s32 $0xFFFFC000  }
0x9d: {  	_ =	swait.ge [sflag:s18], $0x4000  }
0x9e: {  	[sflag:s18] =	ssyncset.done $0x0  }
0x9f: {  	[sflag:s18] =	ssyncadd.s32 $0xFFFFC000  }
0xa0: {  	_ =	swait.ge [sflag:s19], $0x4000  }
0xa1: {  	[sflag:s19] =	ssyncset.done $0x0  }
0xa2: {  	[sflag:s19] =	ssyncadd.s32 $0xFFFFC000  }
0xa3: {  	v3 =	vld [tilespmem:s20+$0x0];
	_ =	sdelay $0x4  }
0xa4: {  	v4 =	vshll.u32 v3, $0x3  }
0xa5: {  	v3 =	vand.u32 $0x7, v3;
	v4 =	vand.u32 $0xFFFFFFC0, v4  }
0xa6: {  	v3 =	vor.u32 v3, v4  }
0xa7: {  	v4 =	vperm.xlane v3, v0;
	_ =	sdelay $0x1  }
0xa8: {  	v4 =	vadd.s32 v1, v4;
	_ =	sdelay $0x4  }
0xa9: {  	[tilespmem:s16], [sflag:$0x1] =	stream.indirect_vreg.gather [hbm4b:s1+s4], $0x80, v4, vm0, $0xb8;
	[tilespmem:$0x10800] =	vst v63  }
0xaa: {  	s26 =	simm.s32 $0x1000;
	v3 =	vperm.xlane v3, v2  }
0xab: {  	[tilespmem:s26], [sflag:$0x1] =	stream.indirect_vreg.gather [hbm4b:s6+s4], $0x80, v4, vm0, $0xb8;
	[tilespmem:$0x10800] =	vst v63  }
0xac: {  	v3 =	vadd.s32 v1, v3;
	s26 =	simm.s32 $0x1800  }
0xad: {  	[tilespmem:s26], [sflag:$0x1] =	stream.indirect_vreg.gather [hbm4b:s7+s4], $0x80, v4, vm0, $0xb8;
	[tilespmem:$0x10800] =	vst v63  }
0xae: {  	s26 =	simm.s32 $0x2000  }
0xaf: {  	[tilespmem:s26], [sflag:$0x1] =	stream.indirect_vreg.gather [hbm4b:s8+s4], $0x80, v4, vm0, $0xb8;
	[tilespmem:$0x10800] =	vst v63  }
0xb0: {  	s26 =	simm.s32 $0x2800  }
0xb1: {  	[tilespmem:s26], [sflag:$0x1] =	stream.indirect_vreg.gather [hbm4b:s1+s4], $0x80, v3, vm0, $0xb8;
	[tilespmem:$0x10800] =	vst v63  }
0xb2: {  	s26 =	simm.s32 $0x3000  }
0xb3: {  	[tilespmem:s26], [sflag:$0x1] =	stream.indirect_vreg.gather [hbm4b:s6+s4], $0x80, v3, vm0, $0xb8;
	[tilespmem:$0x10800] =	vst v63  }
0xb4: {  	s26 =	simm.s32 $0x3800  }
0xb5: {  	[tilespmem:s26], [sflag:$0x1] =	stream.indirect_vreg.gather [hbm4b:s7+s4], $0x80, v3, vm0, $0xb8;
	[tilespmem:$0x10800] =	vst v63  }
0xb6: {  	s26 =	simm.s32 $0x4000  }
0xb7: {  	[tilespmem:s26], [sflag:$0x1] =	stream.indirect_vreg.gather [hbm4b:s8+s4], $0x80, v3, vm0, $0xb8;
	[tilespmem:$0x10800] =	vst v63  }
0xb8: {  	v3 =	vld [tilespmem:s20+$0x0];
	_ =	sdelay $0x4  }
0xb9: {  	v63 =	vshll.u32 v3, $0x3  }
0xba: {  	v3 =	vand.u32 $0x7, v3;
	v4 =	vand.u32 $0xFFFFFFC0, v63  }
0xbb: {  	v3 =	vor.u32 v3, v4  }
0xbc: {  	v4 =	vperm.xlane v3, v0;
	_ =	sdelay $0x1  }
0xbd: {  	v4 =	vadd.s32 v1, v4;
	_ =	sdelay $0x4  }
0xbe: {  	[tilespmem:s24], [sflag:$0x3] =	stream.indirect_vreg.gather [hbm4b:s2+s4], $0x80, v4, vm0, $0xb8;
	[tilespmem:$0x10800] =	vst v63  }
0xbf: {  	s26 =	simm.s32 $0x9000;
	v3 =	vperm.xlane v3, v2  }
0xc0: {  	[tilespmem:s26], [sflag:$0x3] =	stream.indirect_vreg.gather [hbm4b:s9+s4], $0x80, v4, vm0, $0xb8;
	[tilespmem:$0x10800] =	vst v63  }
0xc1: {  	v3 =	vadd.s32 v1, v3;
	s26 =	simm.s32 $0x9800  }
0xc2: {  	[tilespmem:s26], [sflag:$0x3] =	stream.indirect_vreg.gather [hbm4b:s10+s4], $0x80, v4, vm0, $0xb8;
	[tilespmem:$0x10800] =	vst v63  }
0xc3: {  	s26 =	simm.s32 $0xA000  }
0xc4: {  	[tilespmem:s26], [sflag:$0x3] =	stream.indirect_vreg.gather [hbm4b:s11+s4], $0x80, v4, vm0, $0xb8;
	[tilespmem:$0x10800] =	vst v63  }
0xc5: {  	s26 =	simm.s32 $0xA800  }
0xc6: {  	[tilespmem:s26], [sflag:$0x3] =	stream.indirect_vreg.gather [hbm4b:s2+s4], $0x80, v3, vm0, $0xb8;
	[tilespmem:$0x10800] =	vst v63  }
0xc7: {  	s26 =	simm.s32 $0xB000  }
0xc8: {  	[tilespmem:s26], [sflag:$0x3] =	stream.indirect_vreg.gather [hbm4b:s9+s4], $0x80, v3, vm0, $0xb8;
	[tilespmem:$0x10800] =	vst v63  }
.Ltmp5:
0xc9: {  	s26 =	simm.s32 $0xB800;
	(pc) =	sbr.rel .LBB2_4-.Ltmp5, $4  }
0xca: {  	[tilespmem:s26], [sflag:$0x3] =	stream.indirect_vreg.gather [hbm4b:s10+s4], $0x80, v3, vm0, $0xb8;
	[tilespmem:$0x10800] =	vst v63  }
0xcb: {  	s26 =	simm.s32 $0xC000  }
0xcc: {  	[tilespmem:s26], [sflag:$0x3] =	stream.indirect_vreg.gather [hbm4b:s11+s4], $0x80, v3, vm0, $0xb8;
	[tilespmem:$0x10800] =	vst v63  }
0xcd: {  	s26 =	simm.s32 $0x5000  }
.LBB2_6:
0xce: {  	_ =	sfence.sel $0x180000  }
0xcf: {  	[bflag:$0x0] =	sbarrier.arrive $0xFFFF  }
0xd0: {  	_ =	strace $0x90000047  }
0xd1: {  	s0 =	stileid.u32;
	[bflag:$0x2] =	sbarrier.arrive $0xFFFF  }
0xd2: {  	p0 =	sne.s32 s0, $0x0;
	s0 =	rddreg [dreg:$0x4]  }
0xd3: {  	s0 =	sadd.s32 @!p0 $0x100000, s0  }
0xd4: {  	[sflag:s0] =	ssyncadd.tile.s32 @!p0 $0x1;
	_ =	shalt  }
.Lfunc_end2:
_tile_overlayer_lowered:
.L_overlay_start_2:
0xd5: {  	(tag) =	ssettag $0x2  }
0xd6: {  	s0 =	rddreg [dreg:$0x0];
	s2 =	stileid.u32  }
0xd7: {  	s1 =	rddreg [dreg:$0x1];
	p0 =	sne.s32 s2, $0x0  }
0xd8: {  	s3 =	rddreg [dreg:$0x2];
	[bflag:$0x3] =	sbarrier.arrive $0xFFFF;
	s2 =	simm.s32 @!p0 $0x1C09  }
0xd9: {  	[timem:s3], [sflag:s2] =	dma.local @!p0 [hbm:s0], s1  }
0xda: {  	s0 =	simm.s32 @!p0 $0x9  }
0xdb: {  	_ =	swait.ge @!p0 [sflag:s0], s1  }
0xdc: {  	s1 =	ssub.s32 @!p0 $0x0, s1;
	[sflag:s0] =	ssyncset.done @!p0 $0x0  }
0xdd: {  	[sflag:s0] =	ssyncadd.s32 @!p0 s1  }
0xde: {  	[bflag:$0x3] =	sbarrier.arrive $0xFFFF  }
0xdf: {  	_ =	shalt  }

// kernel: kernel.9.cloned.1.call-start
scs
__scs_entry_jumppad:
0x0: {  	(pc) =	sbr.rel $0x88, $3  }
0x1: {  	(tag) =	ssettag $0x0;
	lr =	simm.s32 $0x1  }
0x2: {  	[smem:$0x3F9E] =	sst lr;
	_ =	strace $0xD0000000  }
0x3: {  	_ = 	snop  }
0x4: {  	_ = 	snop  }
0x5: {  	_ = 	snop  }
0x6: {  	_ = 	snop  }
0x7: {  	_ = 	snop  }
__scs_overlays_trampoline_lowered:
0x8: {  	[smem:$0x3FAD] =	sst s0  }
0x9: {  	[smem:$0x3FAE] =	sst s1  }
0xa: {  	[smem:$0x3FAF] =	sst s2  }
0xb: {  	[smem:$0x3FB0] =	sst s3  }
0xc: {  	[smem:$0x3FB1] =	sst s4  }
0xd: {  	[smem:$0x3FB2] =	sst s5  }
0xe: {  	[smem:$0x3FB3] =	sst s6  }
0xf: {  	[smem:$0x3FB4] =	sst s7  }
0x10: {  	[smem:$0x3FB5] =	sst s8  }
0x11: {  	[smem:$0x3FB6] =	sst s9;
	s0 =	simm.s32 @!p0 $0x0  }
0x12: {  	s1 =	sld [smem:$0x3F9C];
	s0 =	simm.s32 @p0 $0x1  }
0x13: {  	[smem:$0x3FB7] =	sst s0;
	s0 =	simm.s32 @!p1 $0x0  }
0x14: {  	s2 =	sld [smem:$0x3F9B];
	s0 =	simm.s32 @p1 $0x1  }
0x15: {  	[smem:$0x3FB8] =	sst s0;
	s0 =	simm.s32 @!p2 $0x0  }
0x16: {  	s3 =	sld [smem:$0x3FDB];
	s0 =	simm.s32 @p2 $0x1  }
0x17: {  	s4 =	simm.s32 $0x1BF5;
	[smem:$0x3FBA] =	sst s0  }
0x18: {  	s0 =	sld [smem:$0x3F9D];
	_ =	swait.ge [sflag:s4], $0x0  }
0x19: {  	s7 =	sld [smem:$0x3F9E]  }
0x1a: {  	s8 =	sadd.s32 $0xFFFFE003, lr  }
0x1b: {  	s9 =	sadd.s32 $0xFFFFFEF7, lr;
	s5 =	simm.s32 $0xFFFFFFFF;
	p2 =	slt.u32 s8, $0xFFFFF086  }
0x1c: {  	p1 =	slt.u32 s9, $0xF7A;
	s5 =	simm.s32 @!p2 $0x0  }
0x1d: {  	s5 =	simm.s32 @p1 $0x1;
	p0 =	seq.s32 s7, s2  }
0x1e: {  	s7 =	smul.u32 @!p0 $0xF7A, s2;
	p2 =	seq.s32 @!p0 s5, $0x0  }
0x1f: {  	s9 =	smul.u32 $0xF7A, s1;
	s8 =	simm.s32 @!p0 $0x1BF5;
	p2 =	por !p2, p0  }
0x20: {  	[sflag:s8] =	ssyncset.s32 @!p0 $0xFFFFF086;
	s6 =	sadd.s32 @!p0 s3, s7;
	s7 =	simm.s32 @!p0 $0x108  }
0x21: {  	s3 =	sadd.s32 s3, s9;
	s6 =	sadd.s32 @!p0 $0x88, s6;
	s7 =	simm.s32 @p2 $0x1082  }
0x22: {  	[simem:s7], [sflag:s8] =	dma.local @!p0 [hbm:s6], $0xF7A  }
0x23: {  	s9 =	sor.u32 $0xD0000000, s2;
	s6 =	simm.s32 $0x108;
	_ =	swait.ge @!p0 [sflag:s8], $0x0  }
0x24: {  	s3 =	sadd.s32 $0x88, s3;
	s6 =	simm.s32 @!p1 $0x1082;
	[sflag:s4] =	ssyncset.s32 $0xFFFFF086  }
0x25: {  	[simem:s6], [sflag:s4] =	dma.local [hbm:s3], $0xF7A  }
0x26: {  	[smem:$0x3F9E] =	sst s1;
	(tag) =	ssettag s2;
	_ =	strace s9  }
0x27: {  	s1 =	sld [smem:$0x3FAE]  }
0x28: {  	s2 =	sld [smem:$0x3FAF]  }
0x29: {  	s4 =	sld [smem:$0x3FB1]  }
0x2a: {  	p0 =	seq.s32 s5, $0x0;
	s5 =	sld [smem:$0x3FB2]  }
0x2b: {  	s6 =	sld [smem:$0x3FB3]  }
0x2c: {  	s7 =	sld [smem:$0x3FB4]  }
0x2d: {  	s3 =	simm.s32 $0x108;
	s8 =	sld [smem:$0x3FB5]  }
0x2e: {  	s3 =	simm.s32 @!p0 $0x1082;
	s9 =	sld [smem:$0x3FB6]  }
0x2f: {  	lr =	sadd.s32 s0, s3;
	s0 =	sld [smem:$0x3FAD]  }
0x30: {  	s3 =	sld [smem:$0x3FB0]  }
0x31: {  	[smem:$0x3FB9] =	sst s10  }
0x32: {  	s10 =	sld [smem:$0x3FB7];
	_ =	sdelay $0x3  }
0x33: {  	p0 =	seq.s32 s10, $0x1;
	s10 =	sld [smem:$0x3FB9];
	_ =	sdelay $0x3  }
0x34: {  	[smem:$0x3FB9] =	sst s10  }
0x35: {  	s10 =	sld [smem:$0x3FB8];
	_ =	sdelay $0x3  }
0x36: {  	p1 =	seq.s32 s10, $0x1;
	s10 =	sld [smem:$0x3FB9];
	_ =	sdelay $0x3  }
0x37: {  	[smem:$0x3FB9] =	sst s10  }
0x38: {  	s10 =	sld [smem:$0x3FBA]  }
0x39: {  	_ = 	snop;
	(pc) =	sbr.ind lr, $3  }
0x3a: {  	_ = 	snop  }
0x3b: {  	_ = 	snop  }
0x3c: {  	p2 =	seq.s32 s10, $0x1;
	s10 =	sld [smem:$0x3FB9]  }
0x3d: {  	_ =	shalt  }
0x3e: {  	_ =	shalt  }
0x3f: {  	_ =	shalt  }
0x40: {  	_ =	shalt  }
0x41: {  	_ =	shalt  }
0x42: {  	_ =	shalt  }
0x43: {  	_ =	shalt  }
0x44: {  	_ =	shalt  }
0x45: {  	_ =	shalt  }
0x46: {  	_ =	shalt  }
0x47: {  	_ =	shalt  }
0x48: {  	_ =	shalt  }
0x49: {  	_ =	shalt  }
0x4a: {  	_ =	shalt  }
0x4b: {  	_ =	shalt  }
0x4c: {  	_ =	shalt  }
0x4d: {  	_ =	shalt  }
0x4e: {  	_ =	shalt  }
0x4f: {  	_ =	shalt  }
0x50: {  	_ =	shalt  }
0x51: {  	_ =	shalt  }
0x52: {  	_ =	shalt  }
0x53: {  	_ =	shalt  }
0x54: {  	_ =	shalt  }
0x55: {  	_ =	shalt  }
0x56: {  	_ =	shalt  }
0x57: {  	_ =	shalt  }
0x58: {  	_ =	shalt  }
0x59: {  	_ =	shalt  }
0x5a: {  	_ =	shalt  }
0x5b: {  	_ =	shalt  }
0x5c: {  	_ =	shalt  }
0x5d: {  	_ =	shalt  }
0x5e: {  	_ =	shalt  }
0x5f: {  	_ =	shalt  }
0x60: {  	_ =	shalt  }
0x61: {  	_ =	shalt  }
0x62: {  	_ =	shalt  }
0x63: {  	_ =	shalt  }
0x64: {  	_ =	shalt  }
0x65: {  	_ =	shalt  }
0x66: {  	_ =	shalt  }
0x67: {  	_ =	shalt  }
0x68: {  	_ =	shalt  }
0x69: {  	_ =	shalt  }
0x6a: {  	_ =	shalt  }
0x6b: {  	_ =	shalt  }
0x6c: {  	_ =	shalt  }
0x6d: {  	_ =	shalt  }
0x6e: {  	_ =	shalt  }
0x6f: {  	_ =	shalt  }
0x70: {  	_ =	shalt  }
0x71: {  	_ =	shalt  }
0x72: {  	_ =	shalt  }
0x73: {  	_ =	shalt  }
0x74: {  	_ =	shalt  }
0x75: {  	_ =	shalt  }
0x76: {  	_ =	shalt  }
0x77: {  	_ =	shalt  }
0x78: {  	_ =	shalt  }
0x79: {  	_ =	shalt  }
0x7a: {  	_ =	shalt  }
0x7b: {  	_ =	shalt  }
0x7c: {  	_ =	shalt  }
0x7d: {  	_ =	shalt  }
0x7e: {  	_ =	shalt  }
0x7f: {  	_ =	shalt  }
0x80: {  	_ =	shalt  }
0x81: {  	_ =	shalt  }
0x82: {  	_ =	shalt  }
0x83: {  	_ =	shalt  }
0x84: {  	_ =	shalt  }
0x85: {  	_ =	shalt  }
0x86: {  	_ =	shalt  }
0x87: {  	_ =	shalt  }
.Lfunc_end0:
.L_simem_size_0:
called_computation.1_lowered:
.L_overlay_start_0:
0x88: {  	s2 =	sld [smem:$0x3FD9]  }
0x89: {  	s3 =	sld [smem:$0x3FFE];
	_ =	sdelay $0x1  }
0x8a: {  	s1 =	srdreg.scid  }
0x8b: {  	s0 =	sand.u32 $0x1, s1  }
0x8c: {  	s14 =	sshll.u32 s0, $0xA;
	s2 =	sadd.s32 s3, s2  }
0x8d: {  	s2 =	sadd.s32 s2, s14  }
0x8e: {  	[smem:$0x3FC5] =	sst s2  }
0x8f: {  	_ = 	snop  }
0x90: {  	s2 =	sld [smem:$0x3FD0];
	_ =	sdelay $0x2  }
0x91: {  	s15 =	simm.s32 $0xA;
	s4 =	simm.s32 $0x10  }
0x92: {  	[smem:s4], [sflag:s15] =	dma.local [hbm:s2], $0x1  }
0x93: {  	_ =	swait.eq [sflag:s15], $0x1  }
0x94: {  	[sflag:s15] =	ssyncset.done $0x0  }
0x95: {  	[sflag:s15] =	ssyncadd.s32 $0xFFFFFFFF  }
0x96: {  	s16 =	sld [smem:$0x10];
	(tm) =	ssettm $0x1  }
0x97: {  	s17 =	sld [smem:$0x3FFB];
	_ =	sdelay $0x3  }
0x98: {  	_ =	strace s17  }
0x99: {  	s3 =	sld [smem:$0x3FFC];
	_ =	sdelay $0x3  }
0x9a: {  	_ =	strace s3  }
0x9b: {  	s3 =	sld [smem:$0x3FFD];
	_ =	sdelay $0x3  }
0x9c: {  	_ =	strace s3  }
0x9d: {  	_ =	strace $0x8FFFFFFF  }
0x9e: {  	s18 =	sld [smem:$0x3FDB];
	_ =	sdelay $0x1  }
0x9f: {  	s19 =	simm.s32 $_scs_section_size  }
0xa0: {  	s5 =	simm.s32 $_size__tile_overlayer_lowered;
	s6 =	simm.s32 $_tile_overlayer_lowered  }
0xa1: {  	s22 =	simm.s32 $0x1BFF;
	s21 =	sshll.u32 s6, $0x1;
	s3 =	sadd.s32 s19, s18  }
0xa2: {  	s7 =	simm.s32 $0x0;
	s20 =	sshll.u32 s5, $0x1;
	s5 =	sadd.s32 s21, s3  }
0xa3: {  	[timem:s7], [sflag:s22] =	dma.local [hbm:s5], s20  }
0xa4: {  	_ =	swait.ge [sflag:s22], s20  }
0xa5: {  	s4 =	ssub.s32 $0x0, s20;
	[sflag:s22] =	ssyncset.done $0x0  }
0xa6: {  	[sflag:s22] =	ssyncadd.s32 s4;
	_ =	sdelay $0x1  }
0xa7: {  	s23 =	simm.s32 $0x1B8B  }
0xa8: {  	_ =	swait.ge [sflag:s23], $0x1  }
0xa9: {  	[sflag:s23] =	ssyncset.done $0x0  }
0xaa: {  	s25 =	simm.s32 $0x1B8E;
	s24 =	sld [smem:$0x3FFE];
	[sflag:s23] =	ssyncadd.s32 $0xFFFFFFFF  }
0xab: {  	s26 =	simm.s32 $execute0_lowered;
	[smem:$0x3FD2] =	sst s25  }
0xac: {  	s5 =	sshll.u32 s26, $0x1;
	_ =	strace $0x80000049;
	[dreg:$0x1] =	wrdreg $0xFFFFFFFF  }
0xad: {  	s28 =	simm.s32 $_size_execute0_lowered;
	s3 =	sadd.s32 s3, s5;
	[dreg:$0x0] =	wrdreg $0x0  }
0xae: {  	s5 =	sshll.u32 s28, $0x1;
	[dreg:$0x2] =	wrdreg s3  }
0xaf: {  	[dreg:$0x3] =	wrdreg s5  }
0xb0: {  	[dreg:$0x4] =	wrdreg $0xC0  }
0xb1: {  	_ =	task [dreg:s7], $0x5FFFF  }
0xb2: {  	[dreg:$0x1] =	wrdreg $0xFFFFFFFF  }
0xb3: {  	[dreg:$0x0] =	wrdreg $0x60  }
0xb4: {  	[dreg:$0x2] =	wrdreg s24  }
0xb5: {  	[dreg:$0x3] =	wrdreg s16  }
0xb6: {  	[dreg:$0x4] =	wrdreg $0x9  }
0xb7: {  	_ =	task.clear_ibuf [dreg:s7], $0x5FFFF;
	_ =	strace $0x90000049  }
0xb8: {  	s29 =	simm.s32 $0x9;
	_ =	strace $0x8000004B  }
0xb9: {  	_ =	swait.ge [sflag:s29], $0x1  }
0xba: {  	[sflag:s29] =	ssyncadd.s32 $0xFFFFFFFF  }
0xbb: {  	_ =	strace $0x9000004B  }
0xbc: {  	_ =	sfence  }
0xbd: {  	s30 =	sld [smem:$0x0];
	_ =	sdelay $0x2  }
0xbe: {  	s31 =	sshll.u32 s1, $0xD;
	s1 =	sshrl.u32 s1, $0x2  }
0xbf: {  	s3 =	sand.u32 $0x4000, s31;
	s1 =	sadd.s32 s1, s30  }
0xc0: {  	s0 =	sor.u32 s3, s0;
	s1 =	sshll.u32 s1, $0x11  }
0xc1: {  	s0 =	sor.u32 s1, s0  }
0xc2: {  	s0 =	sadd.s32 $0x8F2B, s0  }
0xc3: {  	[sflag:s0] =	ssyncadd.remote.s32 $0x1  }
0xc4: {  	_ =	sfence.sel $0xFFFF  }
0xc5: {  	[dreg:$0x0] =	wrdreg $0xFFFFFFFF;
	(pc) =	sbr.abs _section_cstart, $3  }
0xc6: {  	[dreg:$0x1] =	wrdreg $0xFFFFFFFF  }
0xc7: {  	_ =	task.clear_ibuf [dreg:s7], $0x2FFFF;
	_ =	strace $0x9FFFFFFF  }
0xc8: {  	(tm) =	ssettm $0x7FFFFFFF  }
0xc9: {  	_ =	shalt  }
tec
execute0_lowered:
.L_overlay_start_1:
0x0: {  	(tag) =	ssettag $0x1  }
0x1: {  	s0 =	rddreg [dreg:$0x0];
	s1 =	simm.s32 $0x0  }
0x2: {  	s30 =	srdreg.scid;
	s7 =	stileid.u32;
	s12 =	simm.s32 $0x3  }
0x3: {  	s15 =	simm.s32 $0xC880;
	s16 =	simm.s32 $0xD080;
	s17 =	simm.s32 $0xD880  }
0x4: {  	s18 =	simm.s32 $0xE080;
	s19 =	simm.s32 $0xE880;
	s20 =	simm.s32 $0xF080  }
0x5: {  	s21 =	simm.s32 $0xF880;
	s22 =	simm.s32 $0x40;
	s23 =	simm.s32 $0x10080  }
0x6: {  	s24 =	simm.s32 $0x1;
	s25 =	simm.s32 $0x2;
	s26 =	simm.s32 $0x12080  }
0x7: {  	[smem:$0x7FF] =	sst s1;
	s4 =	sadd.s32 $0x1002000, s0;
	s1 =	sand.u32 $0x1, s30  }
0x8: {  	s5 =	sadd.s32 $0x1004000, s0;
	s6 =	sadd.s32 $0x1804000, s0;
	s2 =	ssub.s32 $0x2, s1  }
0x9: {  	s7 =	sshll.u32 s7, $0x9;
	s8 =	sadd.s32 $0x1004100, s0;
	s3 =	sshrl.u32 s2, $0x1  }
0xa: {  	v2 =	vlaneseq.u32;
	s9 =	sadd.s32 $0x1004200, s0;
	s10 =	sadd.s32 $0x1004300, s0;
	s2 =	ssub.s32 s2, s3  }
0xb: {  	vm0 =	vmmov $0xffff;
	v1 =	vshrl.u32 v2, $0x3;
	_ =	strace $0x8000004A;
	s1 =	sshll.u32 s1, $0x8;
	s31 =	smax.u32 s2, $0x1  }
0xc: {  	v0 =	vand.u32 $0x7, v2;
	v2 =	vor.u32 $0x8, v2;
	v1 =	vmul.u32 $0x8, v1;
	s7 =	sor.u32 s1, s7;
	s1 =	simm.s32 $0x0;
	[dreg:$0x3] =	wrdreg s31  }
.LBB2_1:
0xd: {  	[dreg:$0x4] =	wrdreg s1;
	s28 =	simm.s32 $0x0  }
.LBB2_2:
0xe: {  	s0 =	sshll.u32 s28, $0x3  }
0xf: {  	s29 =	sadd.s32 s7, s0  }
0x10: {  	s30 =	simm.s32 $0x0;
	s0 =	sadd.s32 s4, s29  }
0x11: {  	[tilespmem:s30], [sflag:$0x3] =	stream.linear.gather [hbm4b:s0+s30], $0x40, $0x38;
	[tilespmem:$0x14080] =	vst v63  }
0x12: {  	_ =	swait.ge [sflag:s12], $0x40  }
0x13: {  	[sflag:s12] =	ssyncset.done $0x0  }
0x14: {  	[sflag:s12] =	ssyncadd.s32 $0xFFFFFFC0  }
0x15: {  	v3 =	vld [tilespmem:$0x0];
	_ =	sdelay $0x4  }
0x16: {  	v4 =	vshll.u32 v3, $0x3  }
0x17: {  	v3 =	vand.u32 $0x7, v3;
	v4 =	vand.u32 $0xFFFFFFC0, v4  }
0x18: {  	v3 =	vor.u32 v3, v4  }
0x19: {  	v4 =	vperm.xlane v3, v0;
	_ =	sdelay $0x1  }
0x1a: {  	v4 =	vadd.s32 v1, v4;
	_ =	sdelay $0x3  }
0x1b: {  	s11 =	simm.s32 $0x80  }
0x1c: {  	[tilespmem:s11], [sflag:$0x1] =	stream.indirect_vreg.gather [hbm4b:s5+s30], $0x80, v4, vm0, $0xb8;
	[tilespmem:$0x14080] =	vst v63  }
0x1d: {  	s13 =	simm.s32 $0x880;
	v3 =	vperm.xlane v3, v2  }
0x1e: {  	[tilespmem:s13], [sflag:$0x1] =	stream.indirect_vreg.gather [hbm4b:s8+s30], $0x80, v4, vm0, $0xb8;
	[tilespmem:$0x14080] =	vst v63  }
0x1f: {  	s14 =	simm.s32 $0x1080;
	v3 =	vadd.s32 v1, v3  }
0x20: {  	[tilespmem:s14], [sflag:$0x1] =	stream.indirect_vreg.gather [hbm4b:s9+s30], $0x80, v4, vm0, $0xb8;
	[tilespmem:$0x14080] =	vst v63  }
0x21: {  	s1 =	simm.s32 $0x1880  }
0x22: {  	[tilespmem:s1], [sflag:$0x1] =	stream.indirect_vreg.gather [hbm4b:s10+s30], $0x80, v4, vm0, $0xb8;
	[tilespmem:$0x14080] =	vst v63  }
0x23: {  	s2 =	simm.s32 $0x2080  }
0x24: {  	[tilespmem:s2], [sflag:$0x1] =	stream.indirect_vreg.gather [hbm4b:s5+s30], $0x80, v3, vm0, $0xb8;
	[tilespmem:$0x14080] =	vst v63  }
0x25: {  	s3 =	simm.s32 $0x2880  }
0x26: {  	[tilespmem:s3], [sflag:$0x1] =	stream.indirect_vreg.gather [hbm4b:s8+s30], $0x80, v3, vm0, $0xb8;
	[tilespmem:$0x14080] =	vst v63  }
0x27: {  	s11 =	simm.s32 $0x3080  }
0x28: {  	[tilespmem:s11], [sflag:$0x1] =	stream.indirect_vreg.gather [hbm4b:s9+s30], $0x80, v3, vm0, $0xb8;
	[tilespmem:$0x14080] =	vst v63  }
0x29: {  	s13 =	simm.s32 $0x3880  }
0x2a: {  	[tilespmem:s13], [sflag:$0x1] =	stream.indirect_vreg.gather [hbm4b:s10+s30], $0x80, v3, vm0, $0xb8;
	[tilespmem:$0x14080] =	vst v63  }
0x2b: {  	v3 =	vld [tilespmem:$0x10];
	_ =	sdelay $0x4  }
0x2c: {  	v4 =	vshll.u32 v3, $0x3  }
0x2d: {  	v3 =	vand.u32 $0x7, v3;
	v4 =	vand.u32 $0xFFFFFFC0, v4  }
0x2e: {  	v3 =	vor.u32 v3, v4  }
0x2f: {  	v4 =	vperm.xlane v3, v0;
	_ =	sdelay $0x1  }
0x30: {  	v4 =	vadd.s32 v1, v4;
	_ =	sdelay $0x3  }
0x31: {  	s14 =	simm.s32 $0x4080  }
0x32: {  	[tilespmem:s14], [sflag:$0x1] =	stream.indirect_vreg.gather [hbm4b:s5+s30], $0x80, v4, vm0, $0xb8;
	[tilespmem:$0x14080] =	vst v63  }
0x33: {  	s1 =	simm.s32 $0x4880;
	v3 =	vperm.xlane v3, v2  }
0x34: {  	[tilespmem:s1], [sflag:$0x1] =	stream.indirect_vreg.gather [hbm4b:s8+s30], $0x80, v4, vm0, $0xb8;
	[tilespmem:$0x14080] =	vst v63  }
0x35: {  	s2 =	simm.s32 $0x5080;
	v3 =	vadd.s32 v1, v3  }
0x36: {  	[tilespmem:s2], [sflag:$0x1] =	stream.indirect_vreg.gather [hbm4b:s9+s30], $0x80, v4, vm0, $0xb8;
	[tilespmem:$0x14080] =	vst v63  }
0x37: {  	s3 =	simm.s32 $0x5880  }
0x38: {  	[tilespmem:s3], [sflag:$0x1] =	stream.indirect_vreg.gather [hbm4b:s10+s30], $0x80, v4, vm0, $0xb8;
	[tilespmem:$0x14080] =	vst v63  }
0x39: {  	s11 =	simm.s32 $0x6080  }
0x3a: {  	[tilespmem:s11], [sflag:$0x1] =	stream.indirect_vreg.gather [hbm4b:s5+s30], $0x80, v3, vm0, $0xb8;
	[tilespmem:$0x14080] =	vst v63  }
0x3b: {  	s13 =	simm.s32 $0x6880  }
0x3c: {  	[tilespmem:s13], [sflag:$0x1] =	stream.indirect_vreg.gather [hbm4b:s8+s30], $0x80, v3, vm0, $0xb8;
	[tilespmem:$0x14080] =	vst v63  }
0x3d: {  	s14 =	simm.s32 $0x7080  }
0x3e: {  	[tilespmem:s14], [sflag:$0x1] =	stream.indirect_vreg.gather [hbm4b:s9+s30], $0x80, v3, vm0, $0xb8;
	[tilespmem:$0x14080] =	vst v63  }
0x3f: {  	s1 =	simm.s32 $0x7880  }
0x40: {  	[tilespmem:s1], [sflag:$0x1] =	stream.indirect_vreg.gather [hbm4b:s10+s30], $0x80, v3, vm0, $0xb8;
	[tilespmem:$0x14080] =	vst v63  }
0x41: {  	v3 =	vld [tilespmem:$0x20];
	_ =	sdelay $0x4  }
0x42: {  	v4 =	vshll.u32 v3, $0x3  }
0x43: {  	v3 =	vand.u32 $0x7, v3;
	v4 =	vand.u32 $0xFFFFFFC0, v4  }
0x44: {  	v3 =	vor.u32 v3, v4  }
0x45: {  	v4 =	vperm.xlane v3, v0;
	_ =	sdelay $0x1  }
0x46: {  	v4 =	vadd.s32 v1, v4;
	_ =	sdelay $0x3  }
0x47: {  	s2 =	simm.s32 $0x8080  }
0x48: {  	[tilespmem:s2], [sflag:$0x1] =	stream.indirect_vreg.gather [hbm4b:s5+s30], $0x80, v4, vm0, $0xb8;
	[tilespmem:$0x14080] =	vst v63  }
0x49: {  	s3 =	simm.s32 $0x8880;
	v3 =	vperm.xlane v3, v2  }
0x4a: {  	[tilespmem:s3], [sflag:$0x1] =	stream.indirect_vreg.gather [hbm4b:s8+s30], $0x80, v4, vm0, $0xb8;
	[tilespmem:$0x14080] =	vst v63  }
0x4b: {  	s11 =	simm.s32 $0x9080;
	v3 =	vadd.s32 v1, v3  }
0x4c: {  	[tilespmem:s11], [sflag:$0x1] =	stream.indirect_vreg.gather [hbm4b:s9+s30], $0x80, v4, vm0, $0xb8;
	[tilespmem:$0x14080] =	vst v63  }
0x4d: {  	s13 =	simm.s32 $0x9880  }
0x4e: {  	[tilespmem:s13], [sflag:$0x1] =	stream.indirect_vreg.gather [hbm4b:s10+s30], $0x80, v4, vm0, $0xb8;
	[tilespmem:$0x14080] =	vst v63  }
0x4f: {  	s14 =	simm.s32 $0xA080  }
0x50: {  	[tilespmem:s14], [sflag:$0x1] =	stream.indirect_vreg.gather [hbm4b:s5+s30], $0x80, v3, vm0, $0xb8;
	[tilespmem:$0x14080] =	vst v63  }
0x51: {  	s1 =	simm.s32 $0xA880  }
0x52: {  	[tilespmem:s1], [sflag:$0x1] =	stream.indirect_vreg.gather [hbm4b:s8+s30], $0x80, v3, vm0, $0xb8;
	[tilespmem:$0x14080] =	vst v63  }
0x53: {  	s2 =	simm.s32 $0xB080  }
0x54: {  	[tilespmem:s2], [sflag:$0x1] =	stream.indirect_vreg.gather [hbm4b:s9+s30], $0x80, v3, vm0, $0xb8;
	[tilespmem:$0x14080] =	vst v63  }
0x55: {  	s3 =	simm.s32 $0xB880  }
0x56: {  	[tilespmem:s3], [sflag:$0x1] =	stream.indirect_vreg.gather [hbm4b:s10+s30], $0x80, v3, vm0, $0xb8;
	[tilespmem:$0x14080] =	vst v63  }
0x57: {  	v3 =	vld [tilespmem:$0x30];
	_ =	sdelay $0x4  }
0x58: {  	v4 =	vshll.u32 v3, $0x3  }
0x59: {  	v3 =	vand.u32 $0x7, v3;
	v4 =	vand.u32 $0xFFFFFFC0, v4  }
0x5a: {  	v3 =	vor.u32 v3, v4  }
0x5b: {  	v4 =	vperm.xlane v3, v0;
	_ =	sdelay $0x1  }
0x5c: {  	v4 =	vadd.s32 v1, v4;
	_ =	sdelay $0x3  }
0x5d: {  	s11 =	simm.s32 $0xC080  }
0x5e: {  	[tilespmem:s11], [sflag:$0x1] =	stream.indirect_vreg.gather [hbm4b:s5+s30], $0x80, v4, vm0, $0xb8;
	[tilespmem:$0x14080] =	vst v63  }
0x5f: {  	v3 =	vperm.xlane v3, v2  }
0x60: {  	[tilespmem:s15], [sflag:$0x1] =	stream.indirect_vreg.gather [hbm4b:s8+s30], $0x80, v4, vm0, $0xb8;
	[tilespmem:$0x14080] =	vst v63  }
0x61: {  	v3 =	vadd.s32 v1, v3  }
0x62: {  	[tilespmem:s16], [sflag:$0x1] =	stream.indirect_vreg.gather [hbm4b:s9+s30], $0x80, v4, vm0, $0xb8;
	[tilespmem:$0x14080] =	vst v63  }
0x63: {  	_ = 	snop  }
0x64: {  	[tilespmem:s17], [sflag:$0x1] =	stream.indirect_vreg.gather [hbm4b:s10+s30], $0x80, v4, vm0, $0xb8;
	[tilespmem:$0x14080] =	vst v63  }
0x65: {  	_ = 	snop  }
0x66: {  	[tilespmem:s18], [sflag:$0x1] =	stream.indirect_vreg.gather [hbm4b:s5+s30], $0x80, v3, vm0, $0xb8;
	[tilespmem:$0x14080] =	vst v63  }
0x67: {  	_ = 	snop  }
0x68: {  	[tilespmem:s19], [sflag:$0x1] =	stream.indirect_vreg.gather [hbm4b:s8+s30], $0x80, v3, vm0, $0xb8;
	[tilespmem:$0x14080] =	vst v63  }
0x69: {  	_ = 	snop  }
0x6a: {  	[tilespmem:s20], [sflag:$0x1] =	stream.indirect_vreg.gather [hbm4b:s9+s30], $0x80, v3, vm0, $0xb8;
	[tilespmem:$0x14080] =	vst v63  }
0x6b: {  	_ = 	snop  }
0x6c: {  	[tilespmem:s21], [sflag:$0x1] =	stream.indirect_vreg.gather [hbm4b:s10+s30], $0x80, v3, vm0, $0xb8;
	[tilespmem:$0x14080] =	vst v63  }
0x6d: {  	_ = 	snop  }
0x6e: {  	[tilespmem:s23], [sflag:$0x2] =	stream.indirect.gather [hbm4b:s6+s22], $0x80, s30, s22, $0xb8;
	[tilespmem:$0x14080] =	vst v63  }
0x6f: {  	_ =	swait.ge [sflag:s24], $0x10000  }
0x70: {  	[sflag:s24] =	ssyncset.done $0x0  }
0x71: {  	[sflag:s24] =	ssyncadd.s32 $0xFFFF0000  }
0x72: {  	_ =	swait.ge [sflag:s25], $0x2000  }
0x73: {  	[sflag:s25] =	ssyncset.done $0x0  }
0x74: {  	[sflag:s25] =	ssyncadd.s32 $0xFFFFE000  }
0x75: {  	v3 =	vld [tilespmem:$0x10080]  }
0x76: {  	v4 =	vld [tilespmem:$0x10100]  }
0x77: {  	v5 =	vld [tilespmem:$0x10180]  }
0x78: {  	v6 =	vld [tilespmem:$0x10200]  }
0x79: {  	v7 =	vld [tilespmem:$0x10280]  }
0x7a: {  	v8 =	vld [tilespmem:$0x10300]  }
0x7b: {  	v9 =	vld [tilespmem:$0x10380];
	v10 =	vmax.f32 v3, v4  }
0x7c: {  	v11 =	vld [tilespmem:$0x10400];
	v10 =	vmax.f32 v10, v5  }
0x7d: {  	v10 =	vmax.f32 v10, v6  }
0x7e: {  	v10 =	vmax.f32 v10, v7  }
0x7f: {  	v10 =	vmax.f32 v10, v8  }
0x80: {  	v10 =	vmax.f32 v10, v9  }
0x81: {  	v10 =	vmax.f32 v10, v11  }
0x82: {  	v3 =	vsub.f32 v3, v10  }
0x83: {  	v4 =	vsub.f32 v4, v10  }
0x84: {  	v3 =	vmul.f32 $1.442695020e+00, v3  }
0x85: {  	v5 =	vsub.f32 v5, v10;
	v4 =	vmul.f32 $1.442695020e+00, v4  }
0x86: {  	(erf) = vpow2.f32 v3  }
0x87: {  	v3 =	vmul.f32 $1.442695020e+00, v5;
	(erf) = vpow2.f32 v4;
	v4 =	vsub.f32 v6, v10;
	_ =	sdelay $0x1  }
0x88: {  	(erf) = vpow2.f32 v3;
	v3 =	vmul.f32 $1.442695020e+00, v4;
	v4 =	vsub.f32 v7, v10;
	_ =	sdelay $0x1  }
0x89: {  	(erf) = vpow2.f32 v3;
	v3 =	vmul.f32 $1.442695020e+00, v4;
	v4 =	vsub.f32 v8, v10;
	_ =	sdelay $0x1  }
0x8a: {  	(erf) = vpow2.f32 v3;
	v3 =	vmul.f32 $1.442695020e+00, v4;
	v4 =	vsub.f32 v9, v10;
	_ =	sdelay $0x1  }
0x8b: {  	v5 =	vpop (erf);
	(erf) = vpow2.f32 v3;
	v3 =	vmul.f32 $1.442695020e+00, v4;
	v4 =	vsub.f32 v11, v10  }
0x8c: {  	v6 =	vpop (erf)  }
0x8d: {  	(erf) = vpow2.f32 v3;
	v3 =	vmul.f32 $1.442695020e+00, v4;
	v4 =	vadd.f32 v6, v5  }
0x8e: {  	v7 =	vpop (erf)  }
0x8f: {  	(erf) = vpow2.f32 v3;
	v3 =	vadd.f32 v4, v7  }
0x90: {  	v8 =	vpop (erf)  }
0x91: {  	v3 =	vadd.f32 v3, v8  }
0x92: {  	v9 =	vpop (erf)  }
0x93: {  	v3 =	vadd.f32 v3, v9  }
0x94: {  	v10 =	vpop (erf)  }
0x95: {  	v3 =	vadd.f32 v3, v10  }
0x96: {  	v11 =	vpop (erf)  }
0x97: {  	v3 =	vadd.f32 v3, v11  }
0x98: {  	v12 =	vpop (erf)  }
0x99: {  	v3 =	vadd.f32 v3, v12;
	_ =	sdelay $0x1  }
0x9a: {  	(erf) = vrcp.f32 v3;
	_ =	sdelay $0x3  }
0x9b: {  	s13 =	sand.u32 $0x70, s30;
	s1 =	sand.u32 $0x1C00, s30  }
0x9c: {  	s0 =	sor.u32 s13, s1  }
0x9d: {  	v13 =	vld [tilespmem:s0+$0x80]  }
0x9e: {  	v14 =	vld [tilespmem:s0+$0x100];
	_ =	sdelay $0x1  }
0x9f: {  	v16 =	vld [tilespmem:s0+$0x180];
	v15 =	vpop (erf)  }
0xa0: {  	v4 =	vmul.f32 v15, v5;
	v5 =	vmul.f32 v15, v6  }
0xa1: {  	s3 =	simm.s32 $0x10;
	s11 =	simm.s32 $0x80;
	v17 =	vld [tilespmem:s0+$0x200];
	v3 =	vmul.f32 v15, v7  }
0xa2: {  	s14 =	sand.u32 $0x70, s3;
	s2 =	sand.u32 $0x1C00, s11;
	v7 =	vmul.f32 v13, v4;
	v13 =	vmul.f32 v14, v5  }
0xa3: {  	s31 =	sor.u32 s14, s2;
	v14 =	vld [tilespmem:s0+$0x280]  }
0xa4: {  	v18 =	vld [tilespmem:s31+$0x80];
	v6 =	vmul.f32 v15, v8;
	v8 =	vmul.f32 v16, v3;
	v13 =	vadd.f32 v13, v7  }
0xa5: {  	v16 =	vld [tilespmem:s0+$0x300]  }
0xa6: {  	v19 =	vld [tilespmem:s0+$0x380];
	v7 =	vmul.f32 v15, v9;
	v9 =	vadd.f32 v8, v13;
	v13 =	vmul.f32 v17, v6  }
0xa7: {  	s13 =	sor.u32 s30, s30;
	v17 =	vld [tilespmem:s31+$0x100]  }
0xa8: {  	s1 =	sor.u32 $0x380, s13;
	v20 =	vld [tilespmem:s31+$0x180];
	v8 =	vmul.f32 v15, v10;
	v10 =	vadd.f32 v13, v9;
	v13 =	vmul.f32 v14, v7  }
0xa9: {  	v14 =	vld [tilespmem:s1+$0x80]  }
0xaa: {  	v9 =	vmul.f32 v15, v11;
	v16 =	vmul.f32 v16, v8;
	v11 =	vadd.f32 v13, v10  }
0xab: {  	v18 =	vmul.f32 v18, v4;
	v13 =	vld [tilespmem:s31+$0x200];
	v10 =	vmul.f32 v15, v12  }
0xac: {  	v19 =	vmul.f32 v19, v9;
	v17 =	vmul.f32 v17, v5;
	v21 =	vadd.f32 v16, v11  }
0xad: {  	s30 =	simm.s32 $0x100;
	s1 =	simm.s32 $0x20;
	v12 =	vld [tilespmem:s31+$0x280];
	v15 =	vmul.f32 v20, v3  }
0xae: {  	s13 =	sand.u32 $0x1C00, s30;
	s14 =	sand.u32 $0x70, s1;
	v11 =	vld [tilespmem:s31+$0x380];
	v16 =	vadd.f32 v17, v18;
	v18 =	vmul.f32 v14, v10;
	v17 =	vadd.f32 v19, v21  }
0xaf: {  	s2 =	sor.u32 s14, s13;
	s13 =	simm.s32 $0x30;
	v14 =	vld [tilespmem:s31+$0x300]  }
.LBB2_3:
0xb0: {  	p0 =	sne.s32 s13, $0x3F0;
	v19 =	vld [tilespmem:s2+$0x80];
	v15 =	vadd.f32 v15, v16;
	v13 =	vmul.f32 v13, v6;
	v16 =	vadd.f32 v18, v17  }
0xb1: {  	s14 =	sor.u32 s11, s3;
	s11 =	smov.u32 s30;
	s3 =	smov.u32 s1;
	v17 =	vld [tilespmem:s2+$0x100]  }
0xb2: {  	s1 =	sor.u32 $0x380, s14;
	v18 =	vld [tilespmem:s2+$0x180];
	v13 =	vadd.f32 v13, v15;
	v12 =	vmul.f32 v12, v7;
	[tilespmem:s0+$0x12080] =	vst v16;
	s0 =	smov.u32 s31;
	s31 =	smov.u32 s2  }
0xb3: {  	v20 =	vld [tilespmem:s1+$0x80];
	s1 =	smov.u32 s13  }
0xb4: {  	v12 =	vadd.f32 v12, v13;
	v14 =	vmul.f32 v14, v8  }
.Ltmp0:
0xb5: {  	v21 =	vmul.f32 v11, v9;
	v13 =	vld [tilespmem:s31+$0x200];
	(pc) =	sbr.rel @p0 .LBB2_3-.Ltmp0, $4  }
0xb6: {  	v11 =	vmul.f32 v19, v4;
	v16 =	vmul.f32 v17, v5;
	v14 =	vadd.f32 v14, v12  }
0xb7: {  	s30 =	sadd.s32 $0x80, s30;
	v15 =	vmul.f32 v18, v3;
	v12 =	vld [tilespmem:s31+$0x280]  }
0xb8: {  	s14 =	sand.u32 $0x1C00, s30;
	s2 =	sand.u32 $0x70, s13;
	v16 =	vadd.f32 v16, v11;
	v11 =	vld [tilespmem:s31+$0x380];
	v17 =	vadd.f32 v21, v14;
	v18 =	vmul.f32 v20, v10  }
0xb9: {  	s2 =	sor.u32 s2, s14;
	s13 =	sadd.s32 $0x10, s13;
	v14 =	vld [tilespmem:s31+$0x300]  }
0xba: {  	v19 =	vld [tilespmem:s2+$0x80];
	v15 =	vadd.f32 v15, v16;
	v13 =	vmul.f32 v13, v6;
	v16 =	vadd.f32 v18, v17  }
0xbb: {  	v17 =	vld [tilespmem:s2+$0x100];
	s3 =	sor.u32 s11, s3  }
0xbc: {  	v18 =	vld [tilespmem:s2+$0x180];
	s3 =	sor.u32 $0x380, s3;
	v13 =	vadd.f32 v13, v15;
	v12 =	vmul.f32 v12, v7;
	[tilespmem:s0+$0x12080] =	vst v16  }
0xbd: {  	v15 =	vld [tilespmem:s3+$0x80]  }
0xbe: {  	v12 =	vadd.f32 v12, v13;
	v13 =	vmul.f32 v14, v8  }
0xbf: {  	v11 =	vmul.f32 v11, v9;
	v14 =	vld [tilespmem:s2+$0x200]  }
0xc0: {  	v4 =	vmul.f32 v19, v4;
	v5 =	vmul.f32 v17, v5;
	v12 =	vadd.f32 v13, v12  }
0xc1: {  	v3 =	vmul.f32 v18, v3;
	v13 =	vld [tilespmem:s2+$0x280]  }
0xc2: {  	v4 =	vadd.f32 v5, v4;
	v5 =	vadd.f32 v11, v12;
	v11 =	vmul.f32 v15, v10  }
0xc3: {  	v12 =	vld [tilespmem:s2+$0x300]  }
0xc4: {  	v3 =	vadd.f32 v3, v4;
	v4 =	vmul.f32 v14, v6;
	v5 =	vadd.f32 v11, v5  }
0xc5: {  	s1 =	sor.u32 s30, s1;
	v6 =	vld [tilespmem:s2+$0x380]  }
0xc6: {  	s0 =	sor.u32 $0x380, s1;
	v3 =	vadd.f32 v4, v3;
	v4 =	vmul.f32 v13, v7;
	[tilespmem:s31+$0x12080] =	vst v5  }
0xc7: {  	v5 =	vld [tilespmem:s0+$0x80]  }
0xc8: {  	v3 =	vadd.f32 v4, v3;
	v4 =	vmul.f32 v12, v8;
	_ =	sdelay $0x1  }
0xc9: {  	v6 =	vmul.f32 v6, v9;
	v3 =	vadd.f32 v4, v3;
	_ =	sdelay $0x1  }
0xca: {  	v3 =	vadd.f32 v6, v3;
	v4 =	vmul.f32 v5, v10;
	_ =	sdelay $0x1  }
0xcb: {  	v3 =	vadd.f32 v4, v3;
	_ =	sdelay $0x1  }
0xcc: {  	[tilespmem:s2+$0x12080] =	vst v3  }
0xcd: {  	v3 =	vld [tilespmem:$0x10480]  }
0xce: {  	v4 =	vld [tilespmem:$0x10500]  }
0xcf: {  	v5 =	vld [tilespmem:$0x10580]  }
0xd0: {  	v6 =	vld [tilespmem:$0x10600]  }
0xd1: {  	v7 =	vld [tilespmem:$0x10680]  }
0xd2: {  	v8 =	vld [tilespmem:$0x10700]  }
0xd3: {  	v9 =	vld [tilespmem:$0x10780];
	v10 =	vmax.f32 v3, v4  }
0xd4: {  	v11 =	vld [tilespmem:$0x10800];
	v10 =	vmax.f32 v10, v5  }
0xd5: {  	v10 =	vmax.f32 v10, v6  }
0xd6: {  	v10 =	vmax.f32 v10, v7  }
0xd7: {  	v10 =	vmax.f32 v10, v8  }
0xd8: {  	v10 =	vmax.f32 v10, v9  }
0xd9: {  	v10 =	vmax.f32 v10, v11  }
0xda: {  	v3 =	vsub.f32 v3, v10  }
0xdb: {  	v4 =	vsub.f32 v4, v10  }
0xdc: {  	v3 =	vmul.f32 $1.442695020e+00, v3  }
0xdd: {  	v5 =	vsub.f32 v5, v10;
	v4 =	vmul.f32 $1.442695020e+00, v4  }
0xde: {  	(erf) = vpow2.f32 v3  }
0xdf: {  	v3 =	vmul.f32 $1.442695020e+00, v5;
	(erf) = vpow2.f32 v4;
	v4 =	vsub.f32 v6, v10;
	_ =	sdelay $0x1  }
0xe0: {  	(erf) = vpow2.f32 v3;
	v3 =	vmul.f32 $1.442695020e+00, v4;
	v4 =	vsub.f32 v7, v10;
	_ =	sdelay $0x1  }
0xe1: {  	(erf) = vpow2.f32 v3;
	v3 =	vmul.f32 $1.442695020e+00, v4;
	v4 =	vsub.f32 v8, v10;
	_ =	sdelay $0x1  }
0xe2: {  	(erf) = vpow2.f32 v3;
	v3 =	vmul.f32 $1.442695020e+00, v4;
	v4 =	vsub.f32 v9, v10;
	_ =	sdelay $0x1  }
0xe3: {  	v5 =	vpop (erf);
	(erf) = vpow2.f32 v3;
	v3 =	vmul.f32 $1.442695020e+00, v4;
	v4 =	vsub.f32 v11, v10  }
0xe4: {  	v6 =	vpop (erf)  }
0xe5: {  	(erf) = vpow2.f32 v3;
	v3 =	vmul.f32 $1.442695020e+00, v4;
	v4 =	vadd.f32 v6, v5;
	_ =	sdelay $0x1  }
0xe6: {  	v7 =	vpop (erf)  }
0xe7: {  	(erf) = vpow2.f32 v3;
	v3 =	vadd.f32 v4, v7  }
0xe8: {  	v4 =	vpop (erf)  }
0xe9: {  	v3 =	vadd.f32 v3, v4  }
0xea: {  	v9 =	vpop (erf)  }
0xeb: {  	v3 =	vadd.f32 v3, v9  }
0xec: {  	v10 =	vpop (erf)  }
0xed: {  	v3 =	vadd.f32 v3, v10  }
0xee: {  	v11 =	vpop (erf)  }
0xef: {  	v3 =	vadd.f32 v3, v11  }
0xf0: {  	v13 =	vpop (erf)  }
0xf1: {  	v3 =	vadd.f32 v3, v13;
	_ =	sdelay $0x1  }
0xf2: {  	(erf) = vrcp.f32 v3;
	_ =	sdelay $0x2  }
0xf3: {  	s2 =	simm.s32 $0x0  }
0xf4: {  	s3 =	sand.u32 $0x70, s2;
	s0 =	sand.u32 $0x1C00, s2  }
0xf5: {  	s30 =	sor.u32 s3, s0  }
0xf6: {  	v12 =	vld [tilespmem:s30+$0x2100]  }
0xf7: {  	v8 =	vld [tilespmem:s30+$0x2080];
	_ =	sdelay $0x1  }
0xf8: {  	v14 =	vld [tilespmem:s30+$0x2180];
	v15 =	vpop (erf)  }
0xf9: {  	v5 =	vmul.f32 v15, v5;
	v6 =	vmul.f32 v15, v6  }
0xfa: {  	s11 =	simm.s32 $0x10;
	s13 =	simm.s32 $0x80;
	v16 =	vld [tilespmem:s30+$0x2200];
	v3 =	vmul.f32 v15, v7  }
0xfb: {  	s1 =	sand.u32 $0x1C00, s13;
	s0 =	sand.u32 $0x70, s11;
	v17 =	vld [tilespmem:s30+$0x2300];
	v7 =	vmul.f32 v8, v5;
	v12 =	vmul.f32 v12, v6  }
0xfc: {  	s0 =	sor.u32 s0, s1;
	v18 =	vld [tilespmem:s30+$0x2280]  }
0xfd: {  	v19 =	vld [tilespmem:s0+$0x2080];
	v8 =	vmul.f32 v15, v4;
	v4 =	vadd.f32 v12, v7;
	v7 =	vmul.f32 v14, v3  }
0xfe: {  	v20 =	vld [tilespmem:s0+$0x2100]  }
0xff: {  	v21 =	vld [tilespmem:s30+$0x2380];
	v9 =	vmul.f32 v15, v9;
	v16 =	vmul.f32 v16, v8;
	v22 =	vadd.f32 v7, v4  }
0x100: {  	v10 =	vmul.f32 v15, v10;
	v12 =	vld [tilespmem:s0+$0x2180];
	v7 =	vmul.f32 v15, v11  }
0x101: {  	v14 =	vld [tilespmem:s30+$0x2400];
	v4 =	vmul.f32 v15, v13;
	v15 =	vadd.f32 v16, v22;
	v22 =	vmul.f32 v18, v9  }
0x102: {  	s14 =	simm.s32 $0x20;
	s1 =	simm.s32 $0x100;
	v13 =	vld [tilespmem:s0+$0x2200];
	v18 =	vmul.f32 v17, v10  }
0x103: {  	s2 =	sand.u32 $0x70, s14;
	s31 =	sand.u32 $0x1C00, s1;
	v11 =	vld [tilespmem:s0+$0x2300];
	v16 =	vmul.f32 v19, v5;
	v17 =	vmul.f32 v20, v6;
	v20 =	vadd.f32 v22, v15  }
0x104: {  	s3 =	sor.u32 s2, s31;
	s2 =	simm.s32 $0x30;
	v19 =	vmul.f32 v21, v7;
	v15 =	vld [tilespmem:s0+$0x2280]  }
.LBB2_5:
0x105: {  	p0 =	sne.s32 s2, $0x3F0;
	v21 =	vld [tilespmem:s3+$0x2080];
	v16 =	vadd.f32 v17, v16;
	v12 =	vmul.f32 v12, v3;
	v17 =	vadd.f32 v18, v20  }
0x106: {  	v20 =	vld [tilespmem:s3+$0x2100];
	v18 =	vmul.f32 v14, v4  }
0x107: {  	v14 =	vadd.f32 v12, v16;
	v13 =	vmul.f32 v13, v8;
	v22 =	vld [tilespmem:s0+$0x2380];
	v16 =	vadd.f32 v19, v17  }
.Ltmp1:
0x108: {  	v12 =	vld [tilespmem:s3+$0x2180];
	(pc) =	sbr.rel @p0 .LBB2_5-.Ltmp1, $4  }
0x109: {  	v19 =	vadd.f32 v13, v14;
	v15 =	vmul.f32 v15, v9;
	v14 =	vld [tilespmem:s0+$0x2400];
	v23 =	vadd.f32 v18, v16  }
0x10a: {  	s1 =	sadd.s32 $0x80, s1;
	v18 =	vmul.f32 v11, v10;
	v13 =	vld [tilespmem:s3+$0x2200]  }
0x10b: {  	s11 =	sand.u32 $0x70, s2;
	s13 =	sand.u32 $0x1C00, s1;
	v16 =	vmul.f32 v21, v5;
	v17 =	vmul.f32 v20, v6;
	v11 =	vld [tilespmem:s3+$0x2300];
	v20 =	vadd.f32 v15, v19;
	[tilespmem:s30+$0x12100] =	vst v23;
	s30 =	smov.u32 s0  }
0x10c: {  	s2 =	sadd.s32 $0x10, s2;
	s0 =	smov.u32 s3;
	v15 =	vld [tilespmem:s3+$0x2280];
	v19 =	vmul.f32 v22, v7;
	s3 =	sor.u32 s11, s13  }
0x10d: {  	v21 =	vld [tilespmem:s3+$0x2080];
	v18 =	vadd.f32 v18, v20  }
0x10e: {  	v20 =	vld [tilespmem:s3+$0x2100]  }
0x10f: {  	v22 =	vld [tilespmem:s0+$0x2380];
	v14 =	vmul.f32 v14, v4;
	v18 =	vadd.f32 v19, v18  }
0x110: {  	v19 =	vld [tilespmem:s3+$0x2180]  }
0x111: {  	v23 =	vld [tilespmem:s0+$0x2400];
	v14 =	vadd.f32 v14, v18  }
0x112: {  	v18 =	vld [tilespmem:s3+$0x2200]  }
0x113: {  	v24 =	vld [tilespmem:s3+$0x2300];
	v5 =	vmul.f32 v21, v5;
	v6 =	vmul.f32 v20, v6;
	[tilespmem:s30+$0x12100] =	vst v14  }
0x114: {  	v12 =	vmul.f32 v12, v3;
	v14 =	vadd.f32 v17, v16;
	v16 =	vld [tilespmem:s3+$0x2280]  }
0x115: {  	v5 =	vadd.f32 v6, v5;
	v3 =	vmul.f32 v19, v3  }
0x116: {  	v6 =	vadd.f32 v12, v14;
	v12 =	vmul.f32 v13, v8  }
0x117: {  	v3 =	vadd.f32 v3, v5;
	v5 =	vmul.f32 v18, v8  }
0x118: {  	v8 =	vmul.f32 v15, v9;
	v6 =	vadd.f32 v12, v6;
	v12 =	vld [tilespmem:s3+$0x2380]  }
0x119: {  	v3 =	vadd.f32 v5, v3;
	v5 =	vmul.f32 v16, v9  }
0x11a: {  	v9 =	vmul.f32 v11, v10;
	v6 =	vadd.f32 v8, v6;
	v8 =	vld [tilespmem:s3+$0x2400]  }
0x11b: {  	v10 =	vmul.f32 v24, v10;
	v3 =	vadd.f32 v5, v3  }
0x11c: {  	v5 =	vmul.f32 v22, v7;
	v6 =	vadd.f32 v9, v6  }
0x11d: {  	v7 =	vmul.f32 v12, v7;
	v3 =	vadd.f32 v10, v3  }
0x11e: {  	v9 =	vmul.f32 v23, v4;
	v5 =	vadd.f32 v5, v6  }
0x11f: {  	v4 =	vmul.f32 v8, v4;
	v3 =	vadd.f32 v7, v3  }
0x120: {  	v5 =	vadd.f32 v9, v5  }
0x121: {  	v3 =	vadd.f32 v4, v3  }
0x122: {  	[tilespmem:s0+$0x12100] =	vst v5  }
0x123: {  	[tilespmem:s3+$0x12100] =	vst v3  }
0x124: {  	v3 =	vld [tilespmem:$0x10880]  }
0x125: {  	v4 =	vld [tilespmem:$0x10900]  }
0x126: {  	v5 =	vld [tilespmem:$0x10980]  }
0x127: {  	v6 =	vld [tilespmem:$0x10A00]  }
0x128: {  	v7 =	vld [tilespmem:$0x10A80]  }
0x129: {  	v8 =	vld [tilespmem:$0x10B00]  }
0x12a: {  	v9 =	vld [tilespmem:$0x10B80];
	v10 =	vmax.f32 v3, v4  }
0x12b: {  	v11 =	vld [tilespmem:$0x10C00];
	v10 =	vmax.f32 v10, v5  }
0x12c: {  	v10 =	vmax.f32 v10, v6  }
0x12d: {  	v10 =	vmax.f32 v10, v7  }
0x12e: {  	v10 =	vmax.f32 v10, v8  }
0x12f: {  	v10 =	vmax.f32 v10, v9  }
0x130: {  	v10 =	vmax.f32 v10, v11  }
0x131: {  	v3 =	vsub.f32 v3, v10  }
0x132: {  	v4 =	vsub.f32 v4, v10  }
0x133: {  	v3 =	vmul.f32 $1.442695020e+00, v3  }
0x134: {  	v5 =	vsub.f32 v5, v10;
	v4 =	vmul.f32 $1.442695020e+00, v4  }
0x135: {  	(erf) = vpow2.f32 v3  }
0x136: {  	v3 =	vmul.f32 $1.442695020e+00, v5;
	(erf) = vpow2.f32 v4;
	v4 =	vsub.f32 v6, v10;
	_ =	sdelay $0x1  }
0x137: {  	(erf) = vpow2.f32 v3;
	v3 =	vmul.f32 $1.442695020e+00, v4;
	v4 =	vsub.f32 v7, v10;
	_ =	sdelay $0x1  }
0x138: {  	(erf) = vpow2.f32 v3;
	v3 =	vmul.f32 $1.442695020e+00, v4;
	v4 =	vsub.f32 v8, v10;
	_ =	sdelay $0x1  }
0x139: {  	(erf) = vpow2.f32 v3;
	v3 =	vmul.f32 $1.442695020e+00, v4;
	v4 =	vsub.f32 v9, v10;
	_ =	sdelay $0x1  }
0x13a: {  	v5 =	vpop (erf);
	(erf) = vpow2.f32 v3;
	v3 =	vmul.f32 $1.442695020e+00, v4;
	v4 =	vsub.f32 v11, v10  }
0x13b: {  	v6 =	vpop (erf)  }
0x13c: {  	(erf) = vpow2.f32 v3;
	v3 =	vmul.f32 $1.442695020e+00, v4;
	v4 =	vadd.f32 v6, v5;
	_ =	sdelay $0x1  }
0x13d: {  	v7 =	vpop (erf)  }
0x13e: {  	(erf) = vpow2.f32 v3;
	v3 =	vadd.f32 v4, v7  }
0x13f: {  	v4 =	vpop (erf)  }
0x140: {  	v3 =	vadd.f32 v3, v4  }
0x141: {  	v9 =	vpop (erf)  }
0x142: {  	v3 =	vadd.f32 v3, v9  }
0x143: {  	v10 =	vpop (erf)  }
0x144: {  	v3 =	vadd.f32 v3, v10  }
0x145: {  	v11 =	vpop (erf)  }
0x146: {  	v3 =	vadd.f32 v3, v11  }
0x147: {  	v13 =	vpop (erf)  }
0x148: {  	v3 =	vadd.f32 v3, v13;
	_ =	sdelay $0x1  }
0x149: {  	(erf) = vrcp.f32 v3;
	_ =	sdelay $0x2  }
0x14a: {  	s11 =	simm.s32 $0x0  }
0x14b: {  	s1 =	sand.u32 $0x70, s11;
	s0 =	sand.u32 $0x1C00, s11  }
0x14c: {  	s30 =	sor.u32 s1, s0  }
0x14d: {  	v12 =	vld [tilespmem:s30+$0x4100]  }
0x14e: {  	v8 =	vld [tilespmem:s30+$0x4080];
	_ =	sdelay $0x1  }
0x14f: {  	v14 =	vld [tilespmem:s30+$0x4180];
	v15 =	vpop (erf)  }
0x150: {  	v5 =	vmul.f32 v15, v5;
	v6 =	vmul.f32 v15, v6  }
0x151: {  	s13 =	simm.s32 $0x10;
	s14 =	simm.s32 $0x80;
	v16 =	vld [tilespmem:s30+$0x4200];
	v3 =	vmul.f32 v15, v7  }
0x152: {  	s0 =	sand.u32 $0x70, s13;
	s1 =	sand.u32 $0x1C00, s14;
	v17 =	vld [tilespmem:s30+$0x4300];
	v7 =	vmul.f32 v8, v5;
	v12 =	vmul.f32 v12, v6  }
0x153: {  	s0 =	sor.u32 s0, s1;
	v18 =	vld [tilespmem:s30+$0x4280]  }
0x154: {  	v19 =	vld [tilespmem:s0+$0x4080];
	v8 =	vmul.f32 v15, v4;
	v4 =	vadd.f32 v12, v7;
	v7 =	vmul.f32 v14, v3  }
0x155: {  	v20 =	vld [tilespmem:s0+$0x4100]  }
0x156: {  	v21 =	vld [tilespmem:s30+$0x4380];
	v9 =	vmul.f32 v15, v9;
	v16 =	vmul.f32 v16, v8;
	v22 =	vadd.f32 v7, v4  }
0x157: {  	v10 =	vmul.f32 v15, v10;
	v12 =	vld [tilespmem:s0+$0x4180];
	v7 =	vmul.f32 v15, v11  }
0x158: {  	v14 =	vld [tilespmem:s30+$0x4400];
	v4 =	vmul.f32 v15, v13;
	v15 =	vadd.f32 v16, v22;
	v22 =	vmul.f32 v18, v9  }
0x159: {  	s2 =	simm.s32 $0x20;
	s1 =	simm.s32 $0x100;
	v13 =	vld [tilespmem:s0+$0x4200];
	v18 =	vmul.f32 v17, v10  }
0x15a: {  	s2 =	sand.u32 $0x70, s2;
	s31 =	sand.u32 $0x1C00, s1;
	v11 =	vld [tilespmem:s0+$0x4300];
	v16 =	vmul.f32 v19, v5;
	v17 =	vmul.f32 v20, v6;
	v20 =	vadd.f32 v22, v15  }
0x15b: {  	s3 =	sor.u32 s2, s31;
	s2 =	simm.s32 $0x30;
	v19 =	vmul.f32 v21, v7;
	v15 =	vld [tilespmem:s0+$0x4280]  }
.LBB2_7:
0x15c: {  	p0 =	sne.s32 s2, $0x3F0;
	v21 =	vld [tilespmem:s3+$0x4080];
	v16 =	vadd.f32 v17, v16;
	v12 =	vmul.f32 v12, v3;
	v17 =	vadd.f32 v18, v20  }
0x15d: {  	v20 =	vld [tilespmem:s3+$0x4100];
	v18 =	vmul.f32 v14, v4  }
0x15e: {  	v14 =	vadd.f32 v12, v16;
	v13 =	vmul.f32 v13, v8;
	v22 =	vld [tilespmem:s0+$0x4380];
	v16 =	vadd.f32 v19, v17  }
.Ltmp2:
0x15f: {  	v12 =	vld [tilespmem:s3+$0x4180];
	(pc) =	sbr.rel @p0 .LBB2_7-.Ltmp2, $4  }
0x160: {  	v19 =	vadd.f32 v13, v14;
	v15 =	vmul.f32 v15, v9;
	v14 =	vld [tilespmem:s0+$0x4400];
	v23 =	vadd.f32 v18, v16  }
0x161: {  	s1 =	sadd.s32 $0x80, s1;
	v18 =	vmul.f32 v11, v10;
	v13 =	vld [tilespmem:s3+$0x4200]  }
0x162: {  	s11 =	sand.u32 $0x70, s2;
	s13 =	sand.u32 $0x1C00, s1;
	v16 =	vmul.f32 v21, v5;
	v17 =	vmul.f32 v20, v6;
	v11 =	vld [tilespmem:s3+$0x4300];
	v20 =	vadd.f32 v15, v19;
	[tilespmem:s30+$0x12180] =	vst v23;
	s30 =	smov.u32 s0  }
0x163: {  	s2 =	sadd.s32 $0x10, s2;
	s0 =	smov.u32 s3;
	v15 =	vld [tilespmem:s3+$0x4280];
	v19 =	vmul.f32 v22, v7;
	s3 =	sor.u32 s11, s13  }
0x164: {  	v21 =	vld [tilespmem:s3+$0x4080];
	v18 =	vadd.f32 v18, v20  }
0x165: {  	v20 =	vld [tilespmem:s3+$0x4100]  }
0x166: {  	v22 =	vld [tilespmem:s0+$0x4380];
	v14 =	vmul.f32 v14, v4;
	v18 =	vadd.f32 v19, v18  }
0x167: {  	v19 =	vld [tilespmem:s3+$0x4180]  }
0x168: {  	v23 =	vld [tilespmem:s0+$0x4400];
	v14 =	vadd.f32 v14, v18  }
0x169: {  	v18 =	vld [tilespmem:s3+$0x4200]  }
0x16a: {  	v24 =	vld [tilespmem:s3+$0x4300];
	v5 =	vmul.f32 v21, v5;
	v6 =	vmul.f32 v20, v6;
	[tilespmem:s30+$0x12180] =	vst v14  }
0x16b: {  	v12 =	vmul.f32 v12, v3;
	v14 =	vadd.f32 v17, v16;
	v16 =	vld [tilespmem:s3+$0x4280]  }
0x16c: {  	v5 =	vadd.f32 v6, v5;
	v3 =	vmul.f32 v19, v3  }
0x16d: {  	v6 =	vadd.f32 v12, v14;
	v12 =	vmul.f32 v13, v8  }
0x16e: {  	v3 =	vadd.f32 v3, v5;
	v5 =	vmul.f32 v18, v8  }
0x16f: {  	v8 =	vmul.f32 v15, v9;
	v6 =	vadd.f32 v12, v6;
	v12 =	vld [tilespmem:s3+$0x4380]  }
0x170: {  	v3 =	vadd.f32 v5, v3;
	v5 =	vmul.f32 v16, v9  }
0x171: {  	v9 =	vmul.f32 v11, v10;
	v6 =	vadd.f32 v8, v6;
	v8 =	vld [tilespmem:s3+$0x4400]  }
0x172: {  	v10 =	vmul.f32 v24, v10;
	v3 =	vadd.f32 v5, v3  }
0x173: {  	v5 =	vmul.f32 v22, v7;
	v6 =	vadd.f32 v9, v6  }
0x174: {  	v7 =	vmul.f32 v12, v7;
	v3 =	vadd.f32 v10, v3  }
0x175: {  	v9 =	vmul.f32 v23, v4;
	v5 =	vadd.f32 v5, v6  }
0x176: {  	v4 =	vmul.f32 v8, v4;
	v3 =	vadd.f32 v7, v3  }
0x177: {  	v5 =	vadd.f32 v9, v5  }
0x178: {  	v3 =	vadd.f32 v4, v3  }
0x179: {  	[tilespmem:s0+$0x12180] =	vst v5  }
0x17a: {  	[tilespmem:s3+$0x12180] =	vst v3  }
0x17b: {  	v3 =	vld [tilespmem:$0x10C80]  }
0x17c: {  	v4 =	vld [tilespmem:$0x10D00]  }
0x17d: {  	v5 =	vld [tilespmem:$0x10D80]  }
0x17e: {  	v6 =	vld [tilespmem:$0x10E00]  }
0x17f: {  	v7 =	vld [tilespmem:$0x10E80]  }
0x180: {  	v8 =	vld [tilespmem:$0x10F00]  }
0x181: {  	v9 =	vld [tilespmem:$0x10F80];
	v10 =	vmax.f32 v3, v4  }
0x182: {  	v11 =	vld [tilespmem:$0x11000];
	v10 =	vmax.f32 v10, v5  }
0x183: {  	v10 =	vmax.f32 v10, v6  }
0x184: {  	v10 =	vmax.f32 v10, v7  }
0x185: {  	v10 =	vmax.f32 v10, v8  }
0x186: {  	v10 =	vmax.f32 v10, v9  }
0x187: {  	v10 =	vmax.f32 v10, v11  }
0x188: {  	v3 =	vsub.f32 v3, v10  }
0x189: {  	v4 =	vsub.f32 v4, v10  }
0x18a: {  	v3 =	vmul.f32 $1.442695020e+00, v3  }
0x18b: {  	v5 =	vsub.f32 v5, v10;
	v4 =	vmul.f32 $1.442695020e+00, v4  }
0x18c: {  	(erf) = vpow2.f32 v3  }
0x18d: {  	v3 =	vmul.f32 $1.442695020e+00, v5;
	(erf) = vpow2.f32 v4;
	v4 =	vsub.f32 v6, v10;
	_ =	sdelay $0x1  }
0x18e: {  	(erf) = vpow2.f32 v3;
	v3 =	vmul.f32 $1.442695020e+00, v4;
	v4 =	vsub.f32 v7, v10;
	_ =	sdelay $0x1  }
0x18f: {  	(erf) = vpow2.f32 v3;
	v3 =	vmul.f32 $1.442695020e+00, v4;
	v4 =	vsub.f32 v8, v10;
	_ =	sdelay $0x1  }
0x190: {  	(erf) = vpow2.f32 v3;
	v3 =	vmul.f32 $1.442695020e+00, v4;
	v4 =	vsub.f32 v9, v10;
	_ =	sdelay $0x1  }
0x191: {  	v5 =	vpop (erf);
	(erf) = vpow2.f32 v3;
	v3 =	vmul.f32 $1.442695020e+00, v4;
	v4 =	vsub.f32 v11, v10  }
0x192: {  	v6 =	vpop (erf)  }
0x193: {  	(erf) = vpow2.f32 v3;
	v3 =	vmul.f32 $1.442695020e+00, v4;
	v4 =	vadd.f32 v6, v5;
	_ =	sdelay $0x1  }
0x194: {  	v7 =	vpop (erf)  }
0x195: {  	(erf) = vpow2.f32 v3;
	v3 =	vadd.f32 v4, v7  }
0x196: {  	v4 =	vpop (erf)  }
0x197: {  	v3 =	vadd.f32 v3, v4  }
0x198: {  	v9 =	vpop (erf)  }
0x199: {  	v3 =	vadd.f32 v3, v9  }
0x19a: {  	v10 =	vpop (erf)  }
0x19b: {  	v3 =	vadd.f32 v3, v10  }
0x19c: {  	v11 =	vpop (erf)  }
0x19d: {  	v3 =	vadd.f32 v3, v11  }
0x19e: {  	v13 =	vpop (erf)  }
0x19f: {  	v3 =	vadd.f32 v3, v13;
	_ =	sdelay $0x1  }
0x1a0: {  	(erf) = vrcp.f32 v3;
	_ =	sdelay $0x2  }
0x1a1: {  	s11 =	simm.s32 $0x0  }
0x1a2: {  	s1 =	sand.u32 $0x70, s11;
	s0 =	sand.u32 $0x1C00, s11  }
0x1a3: {  	s30 =	sor.u32 s1, s0  }
0x1a4: {  	v12 =	vld [tilespmem:s30+$0x6100]  }
0x1a5: {  	v8 =	vld [tilespmem:s30+$0x6080];
	_ =	sdelay $0x1  }
0x1a6: {  	v14 =	vld [tilespmem:s30+$0x6180];
	v15 =	vpop (erf)  }
0x1a7: {  	v5 =	vmul.f32 v15, v5;
	v6 =	vmul.f32 v15, v6  }
0x1a8: {  	s13 =	simm.s32 $0x10;
	s14 =	simm.s32 $0x80;
	v16 =	vld [tilespmem:s30+$0x6200];
	v3 =	vmul.f32 v15, v7  }
0x1a9: {  	s0 =	sand.u32 $0x70, s13;
	s1 =	sand.u32 $0x1C00, s14;
	v17 =	vld [tilespmem:s30+$0x6300];
	v7 =	vmul.f32 v8, v5;
	v12 =	vmul.f32 v12, v6  }
0x1aa: {  	s0 =	sor.u32 s0, s1;
	v18 =	vld [tilespmem:s30+$0x6280]  }
0x1ab: {  	v19 =	vld [tilespmem:s0+$0x6080];
	v8 =	vmul.f32 v15, v4;
	v4 =	vadd.f32 v12, v7;
	v7 =	vmul.f32 v14, v3  }
0x1ac: {  	v20 =	vld [tilespmem:s0+$0x6100]  }
0x1ad: {  	v21 =	vld [tilespmem:s30+$0x6380];
	v9 =	vmul.f32 v15, v9;
	v16 =	vmul.f32 v16, v8;
	v22 =	vadd.f32 v7, v4  }
0x1ae: {  	v10 =	vmul.f32 v15, v10;
	v12 =	vld [tilespmem:s0+$0x6180];
	v7 =	vmul.f32 v15, v11  }
0x1af: {  	v14 =	vld [tilespmem:s30+$0x6400];
	v4 =	vmul.f32 v15, v13;
	v15 =	vadd.f32 v16, v22;
	v22 =	vmul.f32 v18, v9  }
0x1b0: {  	s2 =	simm.s32 $0x20;
	s1 =	simm.s32 $0x100;
	v13 =	vld [tilespmem:s0+$0x6200];
	v18 =	vmul.f32 v17, v10  }
0x1b1: {  	s2 =	sand.u32 $0x70, s2;
	s31 =	sand.u32 $0x1C00, s1;
	v11 =	vld [tilespmem:s0+$0x6300];
	v16 =	vmul.f32 v19, v5;
	v17 =	vmul.f32 v20, v6;
	v20 =	vadd.f32 v22, v15  }
0x1b2: {  	s3 =	sor.u32 s2, s31;
	s2 =	simm.s32 $0x30;
	v19 =	vmul.f32 v21, v7;
	v15 =	vld [tilespmem:s0+$0x6280]  }
.LBB2_9:
0x1b3: {  	p0 =	sne.s32 s2, $0x3F0;
	v21 =	vld [tilespmem:s3+$0x6080];
	v16 =	vadd.f32 v17, v16;
	v12 =	vmul.f32 v12, v3;
	v17 =	vadd.f32 v18, v20  }
0x1b4: {  	v20 =	vld [tilespmem:s3+$0x6100];
	v18 =	vmul.f32 v14, v4  }
0x1b5: {  	v14 =	vadd.f32 v12, v16;
	v13 =	vmul.f32 v13, v8;
	v22 =	vld [tilespmem:s0+$0x6380];
	v16 =	vadd.f32 v19, v17  }
.Ltmp3:
0x1b6: {  	v12 =	vld [tilespmem:s3+$0x6180];
	(pc) =	sbr.rel @p0 .LBB2_9-.Ltmp3, $4  }
0x1b7: {  	v19 =	vadd.f32 v13, v14;
	v15 =	vmul.f32 v15, v9;
	v14 =	vld [tilespmem:s0+$0x6400];
	v23 =	vadd.f32 v18, v16  }
0x1b8: {  	s1 =	sadd.s32 $0x80, s1;
	v18 =	vmul.f32 v11, v10;
	v13 =	vld [tilespmem:s3+$0x6200]  }
0x1b9: {  	s11 =	sand.u32 $0x70, s2;
	s13 =	sand.u32 $0x1C00, s1;
	v16 =	vmul.f32 v21, v5;
	v17 =	vmul.f32 v20, v6;
	v11 =	vld [tilespmem:s3+$0x6300];
	v20 =	vadd.f32 v15, v19;
	[tilespmem:s30+$0x12200] =	vst v23;
	s30 =	smov.u32 s0  }
0x1ba: {  	s2 =	sadd.s32 $0x10, s2;
	s0 =	smov.u32 s3;
	v15 =	vld [tilespmem:s3+$0x6280];
	v19 =	vmul.f32 v22, v7;
	s3 =	sor.u32 s11, s13  }
0x1bb: {  	v21 =	vld [tilespmem:s3+$0x6080];
	v18 =	vadd.f32 v18, v20  }
0x1bc: {  	v20 =	vld [tilespmem:s3+$0x6100]  }
0x1bd: {  	v22 =	vld [tilespmem:s0+$0x6380];
	v14 =	vmul.f32 v14, v4;
	v18 =	vadd.f32 v19, v18  }
0x1be: {  	v19 =	vld [tilespmem:s3+$0x6180]  }
0x1bf: {  	v23 =	vld [tilespmem:s0+$0x6400];
	v14 =	vadd.f32 v14, v18  }
0x1c0: {  	v18 =	vld [tilespmem:s3+$0x6200]  }
0x1c1: {  	v24 =	vld [tilespmem:s3+$0x6300];
	v5 =	vmul.f32 v21, v5;
	v6 =	vmul.f32 v20, v6;
	[tilespmem:s30+$0x12200] =	vst v14  }
0x1c2: {  	v12 =	vmul.f32 v12, v3;
	v14 =	vadd.f32 v17, v16;
	v16 =	vld [tilespmem:s3+$0x6280]  }
0x1c3: {  	v5 =	vadd.f32 v6, v5;
	v3 =	vmul.f32 v19, v3  }
0x1c4: {  	v6 =	vadd.f32 v12, v14;
	v12 =	vmul.f32 v13, v8  }
0x1c5: {  	v3 =	vadd.f32 v3, v5;
	v5 =	vmul.f32 v18, v8  }
0x1c6: {  	v8 =	vmul.f32 v15, v9;
	v6 =	vadd.f32 v12, v6;
	v12 =	vld [tilespmem:s3+$0x6380]  }
0x1c7: {  	v3 =	vadd.f32 v5, v3;
	v5 =	vmul.f32 v16, v9  }
0x1c8: {  	v9 =	vmul.f32 v11, v10;
	v6 =	vadd.f32 v8, v6;
	v8 =	vld [tilespmem:s3+$0x6400]  }
0x1c9: {  	v10 =	vmul.f32 v24, v10;
	v3 =	vadd.f32 v5, v3  }
0x1ca: {  	v5 =	vmul.f32 v22, v7;
	v6 =	vadd.f32 v9, v6  }
0x1cb: {  	v7 =	vmul.f32 v12, v7;
	v3 =	vadd.f32 v10, v3  }
0x1cc: {  	v9 =	vmul.f32 v23, v4;
	v5 =	vadd.f32 v5, v6  }
0x1cd: {  	v4 =	vmul.f32 v8, v4;
	v3 =	vadd.f32 v7, v3  }
0x1ce: {  	v5 =	vadd.f32 v9, v5  }
0x1cf: {  	v3 =	vadd.f32 v4, v3  }
0x1d0: {  	[tilespmem:s0+$0x12200] =	vst v5  }
0x1d1: {  	[tilespmem:s3+$0x12200] =	vst v3  }
0x1d2: {  	v3 =	vld [tilespmem:$0x11080]  }
0x1d3: {  	v4 =	vld [tilespmem:$0x11100]  }
0x1d4: {  	v5 =	vld [tilespmem:$0x11180]  }
0x1d5: {  	v6 =	vld [tilespmem:$0x11200]  }
0x1d6: {  	v7 =	vld [tilespmem:$0x11280]  }
0x1d7: {  	v8 =	vld [tilespmem:$0x11300]  }
0x1d8: {  	v9 =	vld [tilespmem:$0x11380];
	v10 =	vmax.f32 v3, v4  }
0x1d9: {  	v11 =	vld [tilespmem:$0x11400];
	v10 =	vmax.f32 v10, v5  }
0x1da: {  	v10 =	vmax.f32 v10, v6  }
0x1db: {  	v10 =	vmax.f32 v10, v7  }
0x1dc: {  	v10 =	vmax.f32 v10, v8  }
0x1dd: {  	v10 =	vmax.f32 v10, v9  }
0x1de: {  	v10 =	vmax.f32 v10, v11  }
0x1df: {  	v3 =	vsub.f32 v3, v10  }
0x1e0: {  	v4 =	vsub.f32 v4, v10  }
0x1e1: {  	v3 =	vmul.f32 $1.442695020e+00, v3  }
0x1e2: {  	v5 =	vsub.f32 v5, v10;
	v4 =	vmul.f32 $1.442695020e+00, v4  }
0x1e3: {  	(erf) = vpow2.f32 v3  }
0x1e4: {  	v3 =	vmul.f32 $1.442695020e+00, v5;
	(erf) = vpow2.f32 v4;
	v4 =	vsub.f32 v6, v10;
	_ =	sdelay $0x1  }
0x1e5: {  	(erf) = vpow2.f32 v3;
	v3 =	vmul.f32 $1.442695020e+00, v4;
	v4 =	vsub.f32 v7, v10;
	_ =	sdelay $0x1  }
0x1e6: {  	(erf) = vpow2.f32 v3;
	v3 =	vmul.f32 $1.442695020e+00, v4;
	v4 =	vsub.f32 v8, v10;
	_ =	sdelay $0x1  }
0x1e7: {  	(erf) = vpow2.f32 v3;
	v3 =	vmul.f32 $1.442695020e+00, v4;
	v4 =	vsub.f32 v9, v10;
	_ =	sdelay $0x1  }
0x1e8: {  	v5 =	vpop (erf);
	(erf) = vpow2.f32 v3;
	v3 =	vmul.f32 $1.442695020e+00, v4;
	v4 =	vsub.f32 v11, v10  }
0x1e9: {  	v6 =	vpop (erf)  }
0x1ea: {  	(erf) = vpow2.f32 v3;
	v3 =	vmul.f32 $1.442695020e+00, v4;
	v4 =	vadd.f32 v6, v5;
	_ =	sdelay $0x1  }
0x1eb: {  	v7 =	vpop (erf)  }
0x1ec: {  	(erf) = vpow2.f32 v3;
	v3 =	vadd.f32 v4, v7  }
0x1ed: {  	v4 =	vpop (erf)  }
0x1ee: {  	v3 =	vadd.f32 v3, v4  }
0x1ef: {  	v9 =	vpop (erf)  }
0x1f0: {  	v3 =	vadd.f32 v3, v9  }
0x1f1: {  	v10 =	vpop (erf)  }
0x1f2: {  	v3 =	vadd.f32 v3, v10  }
0x1f3: {  	v11 =	vpop (erf)  }
0x1f4: {  	v3 =	vadd.f32 v3, v11  }
0x1f5: {  	v13 =	vpop (erf)  }
0x1f6: {  	v3 =	vadd.f32 v3, v13;
	_ =	sdelay $0x1  }
0x1f7: {  	(erf) = vrcp.f32 v3;
	_ =	sdelay $0x2  }
0x1f8: {  	s11 =	simm.s32 $0x0  }
0x1f9: {  	s1 =	sand.u32 $0x70, s11;
	s0 =	sand.u32 $0x1C00, s11  }
0x1fa: {  	s30 =	sor.u32 s1, s0  }
0x1fb: {  	v12 =	vld [tilespmem:s30+$0x8100]  }
0x1fc: {  	v8 =	vld [tilespmem:s30+$0x8080];
	_ =	sdelay $0x1  }
0x1fd: {  	v14 =	vld [tilespmem:s30+$0x8180];
	v15 =	vpop (erf)  }
0x1fe: {  	v5 =	vmul.f32 v15, v5;
	v6 =	vmul.f32 v15, v6  }
0x1ff: {  	s13 =	simm.s32 $0x10;
	s14 =	simm.s32 $0x80;
	v16 =	vld [tilespmem:s30+$0x8200];
	v3 =	vmul.f32 v15, v7  }
0x200: {  	s0 =	sand.u32 $0x70, s13;
	s1 =	sand.u32 $0x1C00, s14;
	v17 =	vld [tilespmem:s30+$0x8300];
	v7 =	vmul.f32 v8, v5;
	v12 =	vmul.f32 v12, v6  }
0x201: {  	s0 =	sor.u32 s0, s1;
	v18 =	vld [tilespmem:s30+$0x8280]  }
0x202: {  	v19 =	vld [tilespmem:s0+$0x8080];
	v8 =	vmul.f32 v15, v4;
	v4 =	vadd.f32 v12, v7;
	v7 =	vmul.f32 v14, v3  }
0x203: {  	v20 =	vld [tilespmem:s0+$0x8100]  }
0x204: {  	v21 =	vld [tilespmem:s30+$0x8380];
	v9 =	vmul.f32 v15, v9;
	v16 =	vmul.f32 v16, v8;
	v22 =	vadd.f32 v7, v4  }
0x205: {  	v10 =	vmul.f32 v15, v10;
	v12 =	vld [tilespmem:s0+$0x8180];
	v7 =	vmul.f32 v15, v11  }
0x206: {  	v14 =	vld [tilespmem:s30+$0x8400];
	v4 =	vmul.f32 v15, v13;
	v15 =	vadd.f32 v16, v22;
	v22 =	vmul.f32 v18, v9  }
0x207: {  	s2 =	simm.s32 $0x20;
	s1 =	simm.s32 $0x100;
	v13 =	vld [tilespmem:s0+$0x8200];
	v18 =	vmul.f32 v17, v10  }
0x208: {  	s2 =	sand.u32 $0x70, s2;
	s31 =	sand.u32 $0x1C00, s1;
	v11 =	vld [tilespmem:s0+$0x8300];
	v16 =	vmul.f32 v19, v5;
	v17 =	vmul.f32 v20, v6;
	v20 =	vadd.f32 v22, v15  }
0x209: {  	s3 =	sor.u32 s2, s31;
	s2 =	simm.s32 $0x30;
	v19 =	vmul.f32 v21, v7;
	v15 =	vld [tilespmem:s0+$0x8280]  }
.LBB2_11:
0x20a: {  	p0 =	sne.s32 s2, $0x3F0;
	v21 =	vld [tilespmem:s3+$0x8080];
	v16 =	vadd.f32 v17, v16;
	v12 =	vmul.f32 v12, v3;
	v17 =	vadd.f32 v18, v20  }
0x20b: {  	v20 =	vld [tilespmem:s3+$0x8100];
	v18 =	vmul.f32 v14, v4  }
0x20c: {  	v14 =	vadd.f32 v12, v16;
	v13 =	vmul.f32 v13, v8;
	v22 =	vld [tilespmem:s0+$0x8380];
	v16 =	vadd.f32 v19, v17  }
.Ltmp4:
0x20d: {  	v12 =	vld [tilespmem:s3+$0x8180];
	(pc) =	sbr.rel @p0 .LBB2_11-.Ltmp4, $4  }
0x20e: {  	v19 =	vadd.f32 v13, v14;
	v15 =	vmul.f32 v15, v9;
	v14 =	vld [tilespmem:s0+$0x8400];
	v23 =	vadd.f32 v18, v16  }
0x20f: {  	s1 =	sadd.s32 $0x80, s1;
	v18 =	vmul.f32 v11, v10;
	v13 =	vld [tilespmem:s3+$0x8200]  }
0x210: {  	s11 =	sand.u32 $0x70, s2;
	s13 =	sand.u32 $0x1C00, s1;
	v16 =	vmul.f32 v21, v5;
	v17 =	vmul.f32 v20, v6;
	v11 =	vld [tilespmem:s3+$0x8300];
	v20 =	vadd.f32 v15, v19;
	[tilespmem:s30+$0x12280] =	vst v23;
	s30 =	smov.u32 s0  }
0x211: {  	s2 =	sadd.s32 $0x10, s2;
	s0 =	smov.u32 s3;
	v15 =	vld [tilespmem:s3+$0x8280];
	v19 =	vmul.f32 v22, v7;
	s3 =	sor.u32 s11, s13  }
0x212: {  	v21 =	vld [tilespmem:s3+$0x8080];
	v18 =	vadd.f32 v18, v20  }
0x213: {  	v20 =	vld [tilespmem:s3+$0x8100]  }
0x214: {  	v22 =	vld [tilespmem:s0+$0x8380];
	v14 =	vmul.f32 v14, v4;
	v18 =	vadd.f32 v19, v18  }
0x215: {  	v19 =	vld [tilespmem:s3+$0x8180]  }
0x216: {  	v23 =	vld [tilespmem:s0+$0x8400];
	v14 =	vadd.f32 v14, v18  }
0x217: {  	v18 =	vld [tilespmem:s3+$0x8200]  }
0x218: {  	v24 =	vld [tilespmem:s3+$0x8300];
	v5 =	vmul.f32 v21, v5;
	v6 =	vmul.f32 v20, v6;
	[tilespmem:s30+$0x12280] =	vst v14  }
0x219: {  	v12 =	vmul.f32 v12, v3;
	v14 =	vadd.f32 v17, v16;
	v16 =	vld [tilespmem:s3+$0x8280]  }
0x21a: {  	v5 =	vadd.f32 v6, v5;
	v3 =	vmul.f32 v19, v3  }
0x21b: {  	v6 =	vadd.f32 v12, v14;
	v12 =	vmul.f32 v13, v8  }
0x21c: {  	v3 =	vadd.f32 v3, v5;
	v5 =	vmul.f32 v18, v8  }
0x21d: {  	v8 =	vmul.f32 v15, v9;
	v6 =	vadd.f32 v12, v6;
	v12 =	vld [tilespmem:s3+$0x8380]  }
0x21e: {  	v3 =	vadd.f32 v5, v3;
	v5 =	vmul.f32 v16, v9  }
0x21f: {  	v9 =	vmul.f32 v11, v10;
	v6 =	vadd.f32 v8, v6;
	v8 =	vld [tilespmem:s3+$0x8400]  }
0x220: {  	v10 =	vmul.f32 v24, v10;
	v3 =	vadd.f32 v5, v3  }
0x221: {  	v5 =	vmul.f32 v22, v7;
	v6 =	vadd.f32 v9, v6  }
0x222: {  	v7 =	vmul.f32 v12, v7;
	v3 =	vadd.f32 v10, v3  }
0x223: {  	v9 =	vmul.f32 v23, v4;
	v5 =	vadd.f32 v5, v6  }
0x224: {  	v4 =	vmul.f32 v8, v4;
	v3 =	vadd.f32 v7, v3  }
0x225: {  	v5 =	vadd.f32 v9, v5  }
0x226: {  	v3 =	vadd.f32 v4, v3  }
0x227: {  	[tilespmem:s0+$0x12280] =	vst v5  }
0x228: {  	[tilespmem:s3+$0x12280] =	vst v3  }
0x229: {  	v3 =	vld [tilespmem:$0x11480]  }
0x22a: {  	v4 =	vld [tilespmem:$0x11500]  }
0x22b: {  	v5 =	vld [tilespmem:$0x11580]  }
0x22c: {  	v6 =	vld [tilespmem:$0x11600]  }
0x22d: {  	v7 =	vld [tilespmem:$0x11680]  }
0x22e: {  	v8 =	vld [tilespmem:$0x11700]  }
0x22f: {  	v9 =	vld [tilespmem:$0x11780];
	v10 =	vmax.f32 v3, v4  }
0x230: {  	v11 =	vld [tilespmem:$0x11800];
	v10 =	vmax.f32 v10, v5  }
0x231: {  	v10 =	vmax.f32 v10, v6  }
0x232: {  	v10 =	vmax.f32 v10, v7  }
0x233: {  	v10 =	vmax.f32 v10, v8  }
0x234: {  	v10 =	vmax.f32 v10, v9  }
0x235: {  	v10 =	vmax.f32 v10, v11  }
0x236: {  	v3 =	vsub.f32 v3, v10  }
0x237: {  	v4 =	vsub.f32 v4, v10  }
0x238: {  	v3 =	vmul.f32 $1.442695020e+00, v3  }
0x239: {  	v5 =	vsub.f32 v5, v10;
	v4 =	vmul.f32 $1.442695020e+00, v4  }
0x23a: {  	(erf) = vpow2.f32 v3  }
0x23b: {  	v3 =	vmul.f32 $1.442695020e+00, v5;
	(erf) = vpow2.f32 v4;
	v4 =	vsub.f32 v6, v10;
	_ =	sdelay $0x1  }
0x23c: {  	(erf) = vpow2.f32 v3;
	v3 =	vmul.f32 $1.442695020e+00, v4;
	v4 =	vsub.f32 v7, v10;
	_ =	sdelay $0x1  }
0x23d: {  	(erf) = vpow2.f32 v3;
	v3 =	vmul.f32 $1.442695020e+00, v4;
	v4 =	vsub.f32 v8, v10;
	_ =	sdelay $0x1  }
0x23e: {  	(erf) = vpow2.f32 v3;
	v3 =	vmul.f32 $1.442695020e+00, v4;
	v4 =	vsub.f32 v9, v10;
	_ =	sdelay $0x1  }
0x23f: {  	v5 =	vpop (erf);
	(erf) = vpow2.f32 v3;
	v3 =	vmul.f32 $1.442695020e+00, v4;
	v4 =	vsub.f32 v11, v10  }
0x240: {  	v6 =	vpop (erf)  }
0x241: {  	(erf) = vpow2.f32 v3;
	v3 =	vmul.f32 $1.442695020e+00, v4;
	v4 =	vadd.f32 v6, v5;
	_ =	sdelay $0x1  }
0x242: {  	v7 =	vpop (erf)  }
0x243: {  	(erf) = vpow2.f32 v3;
	v3 =	vadd.f32 v4, v7  }
0x244: {  	v4 =	vpop (erf)  }
0x245: {  	v3 =	vadd.f32 v3, v4  }
0x246: {  	v9 =	vpop (erf)  }
0x247: {  	v3 =	vadd.f32 v3, v9  }
0x248: {  	v10 =	vpop (erf)  }
0x249: {  	v3 =	vadd.f32 v3, v10  }
0x24a: {  	v11 =	vpop (erf)  }
0x24b: {  	v3 =	vadd.f32 v3, v11  }
0x24c: {  	v13 =	vpop (erf)  }
0x24d: {  	v3 =	vadd.f32 v3, v13;
	_ =	sdelay $0x1  }
0x24e: {  	(erf) = vrcp.f32 v3;
	_ =	sdelay $0x2  }
0x24f: {  	s11 =	simm.s32 $0x0  }
0x250: {  	s1 =	sand.u32 $0x70, s11;
	s0 =	sand.u32 $0x1C00, s11  }
0x251: {  	s30 =	sor.u32 s1, s0  }
0x252: {  	v12 =	vld [tilespmem:s30+$0xA100]  }
0x253: {  	v8 =	vld [tilespmem:s30+$0xA080];
	_ =	sdelay $0x1  }
0x254: {  	v14 =	vld [tilespmem:s30+$0xA180];
	v15 =	vpop (erf)  }
0x255: {  	v5 =	vmul.f32 v15, v5;
	v6 =	vmul.f32 v15, v6  }
0x256: {  	s13 =	simm.s32 $0x10;
	s14 =	simm.s32 $0x80;
	v16 =	vld [tilespmem:s30+$0xA200];
	v3 =	vmul.f32 v15, v7  }
0x257: {  	s0 =	sand.u32 $0x70, s13;
	s1 =	sand.u32 $0x1C00, s14;
	v17 =	vld [tilespmem:s30+$0xA300];
	v7 =	vmul.f32 v8, v5;
	v12 =	vmul.f32 v12, v6  }
0x258: {  	s0 =	sor.u32 s0, s1;
	v18 =	vld [tilespmem:s30+$0xA280]  }
0x259: {  	v19 =	vld [tilespmem:s0+$0xA080];
	v8 =	vmul.f32 v15, v4;
	v4 =	vadd.f32 v12, v7;
	v7 =	vmul.f32 v14, v3  }
0x25a: {  	v20 =	vld [tilespmem:s0+$0xA100]  }
0x25b: {  	v21 =	vld [tilespmem:s30+$0xA380];
	v9 =	vmul.f32 v15, v9;
	v16 =	vmul.f32 v16, v8;
	v22 =	vadd.f32 v7, v4  }
0x25c: {  	v10 =	vmul.f32 v15, v10;
	v12 =	vld [tilespmem:s0+$0xA180];
	v7 =	vmul.f32 v15, v11  }
0x25d: {  	v14 =	vld [tilespmem:s30+$0xA400];
	v4 =	vmul.f32 v15, v13;
	v15 =	vadd.f32 v16, v22;
	v22 =	vmul.f32 v18, v9  }
0x25e: {  	s2 =	simm.s32 $0x20;
	s1 =	simm.s32 $0x100;
	v13 =	vld [tilespmem:s0+$0xA200];
	v18 =	vmul.f32 v17, v10  }
0x25f: {  	s2 =	sand.u32 $0x70, s2;
	s31 =	sand.u32 $0x1C00, s1;
	v11 =	vld [tilespmem:s0+$0xA300];
	v16 =	vmul.f32 v19, v5;
	v17 =	vmul.f32 v20, v6;
	v20 =	vadd.f32 v22, v15  }
0x260: {  	s3 =	sor.u32 s2, s31;
	s2 =	simm.s32 $0x30;
	v19 =	vmul.f32 v21, v7;
	v15 =	vld [tilespmem:s0+$0xA280]  }
.LBB2_13:
0x261: {  	p0 =	sne.s32 s2, $0x3F0;
	v21 =	vld [tilespmem:s3+$0xA080];
	v16 =	vadd.f32 v17, v16;
	v12 =	vmul.f32 v12, v3;
	v17 =	vadd.f32 v18, v20  }
0x262: {  	v20 =	vld [tilespmem:s3+$0xA100];
	v18 =	vmul.f32 v14, v4  }
0x263: {  	v14 =	vadd.f32 v12, v16;
	v13 =	vmul.f32 v13, v8;
	v22 =	vld [tilespmem:s0+$0xA380];
	v16 =	vadd.f32 v19, v17  }
.Ltmp5:
0x264: {  	v12 =	vld [tilespmem:s3+$0xA180];
	(pc) =	sbr.rel @p0 .LBB2_13-.Ltmp5, $4  }
0x265: {  	v19 =	vadd.f32 v13, v14;
	v15 =	vmul.f32 v15, v9;
	v14 =	vld [tilespmem:s0+$0xA400];
	v23 =	vadd.f32 v18, v16  }
0x266: {  	s1 =	sadd.s32 $0x80, s1;
	v18 =	vmul.f32 v11, v10;
	v13 =	vld [tilespmem:s3+$0xA200]  }
0x267: {  	s11 =	sand.u32 $0x70, s2;
	s13 =	sand.u32 $0x1C00, s1;
	v16 =	vmul.f32 v21, v5;
	v17 =	vmul.f32 v20, v6;
	v11 =	vld [tilespmem:s3+$0xA300];
	v20 =	vadd.f32 v15, v19;
	[tilespmem:s30+$0x12300] =	vst v23;
	s30 =	smov.u32 s0  }
0x268: {  	s2 =	sadd.s32 $0x10, s2;
	s0 =	smov.u32 s3;
	v15 =	vld [tilespmem:s3+$0xA280];
	v19 =	vmul.f32 v22, v7;
	s3 =	sor.u32 s11, s13  }
0x269: {  	v21 =	vld [tilespmem:s3+$0xA080];
	v18 =	vadd.f32 v18, v20  }
0x26a: {  	v20 =	vld [tilespmem:s3+$0xA100]  }
0x26b: {  	v22 =	vld [tilespmem:s0+$0xA380];
	v14 =	vmul.f32 v14, v4;
	v18 =	vadd.f32 v19, v18  }
0x26c: {  	v19 =	vld [tilespmem:s3+$0xA180]  }
0x26d: {  	v23 =	vld [tilespmem:s0+$0xA400];
	v14 =	vadd.f32 v14, v18  }
0x26e: {  	v18 =	vld [tilespmem:s3+$0xA200]  }
0x26f: {  	v24 =	vld [tilespmem:s3+$0xA300];
	v5 =	vmul.f32 v21, v5;
	v6 =	vmul.f32 v20, v6;
	[tilespmem:s30+$0x12300] =	vst v14  }
0x270: {  	v12 =	vmul.f32 v12, v3;
	v14 =	vadd.f32 v17, v16;
	v16 =	vld [tilespmem:s3+$0xA280]  }
0x271: {  	v5 =	vadd.f32 v6, v5;
	v3 =	vmul.f32 v19, v3  }
0x272: {  	v6 =	vadd.f32 v12, v14;
	v12 =	vmul.f32 v13, v8  }
0x273: {  	v3 =	vadd.f32 v3, v5;
	v5 =	vmul.f32 v18, v8  }
0x274: {  	v8 =	vmul.f32 v15, v9;
	v6 =	vadd.f32 v12, v6;
	v12 =	vld [tilespmem:s3+$0xA380]  }
0x275: {  	v3 =	vadd.f32 v5, v3;
	v5 =	vmul.f32 v16, v9  }
0x276: {  	v9 =	vmul.f32 v11, v10;
	v6 =	vadd.f32 v8, v6;
	v8 =	vld [tilespmem:s3+$0xA400]  }
0x277: {  	v10 =	vmul.f32 v24, v10;
	v3 =	vadd.f32 v5, v3  }
0x278: {  	v5 =	vmul.f32 v22, v7;
	v6 =	vadd.f32 v9, v6  }
0x279: {  	v7 =	vmul.f32 v12, v7;
	v3 =	vadd.f32 v10, v3  }
0x27a: {  	v9 =	vmul.f32 v23, v4;
	v5 =	vadd.f32 v5, v6  }
0x27b: {  	v4 =	vmul.f32 v8, v4;
	v3 =	vadd.f32 v7, v3  }
0x27c: {  	v5 =	vadd.f32 v9, v5  }
0x27d: {  	v3 =	vadd.f32 v4, v3  }
0x27e: {  	[tilespmem:s0+$0x12300] =	vst v5  }
0x27f: {  	[tilespmem:s3+$0x12300] =	vst v3  }
0x280: {  	v3 =	vld [tilespmem:$0x11880]  }
0x281: {  	v4 =	vld [tilespmem:$0x11900]  }
0x282: {  	v5 =	vld [tilespmem:$0x11980]  }
0x283: {  	v6 =	vld [tilespmem:$0x11A00]  }
0x284: {  	v7 =	vld [tilespmem:$0x11A80]  }
0x285: {  	v8 =	vld [tilespmem:$0x11B00]  }
0x286: {  	v9 =	vld [tilespmem:$0x11B80];
	v10 =	vmax.f32 v3, v4  }
0x287: {  	v11 =	vld [tilespmem:$0x11C00];
	v10 =	vmax.f32 v10, v5  }
0x288: {  	v10 =	vmax.f32 v10, v6  }
0x289: {  	v10 =	vmax.f32 v10, v7  }
0x28a: {  	v10 =	vmax.f32 v10, v8  }
0x28b: {  	v10 =	vmax.f32 v10, v9  }
0x28c: {  	v10 =	vmax.f32 v10, v11  }
0x28d: {  	v3 =	vsub.f32 v3, v10  }
0x28e: {  	v4 =	vsub.f32 v4, v10  }
0x28f: {  	v3 =	vmul.f32 $1.442695020e+00, v3  }
0x290: {  	v5 =	vsub.f32 v5, v10;
	v4 =	vmul.f32 $1.442695020e+00, v4  }
0x291: {  	(erf) = vpow2.f32 v3  }
0x292: {  	v3 =	vmul.f32 $1.442695020e+00, v5;
	(erf) = vpow2.f32 v4;
	v4 =	vsub.f32 v6, v10;
	_ =	sdelay $0x1  }
0x293: {  	(erf) = vpow2.f32 v3;
	v3 =	vmul.f32 $1.442695020e+00, v4;
	v4 =	vsub.f32 v7, v10;
	_ =	sdelay $0x1  }
0x294: {  	(erf) = vpow2.f32 v3;
	v3 =	vmul.f32 $1.442695020e+00, v4;
	v4 =	vsub.f32 v8, v10;
	_ =	sdelay $0x1  }
0x295: {  	(erf) = vpow2.f32 v3;
	v3 =	vmul.f32 $1.442695020e+00, v4;
	v4 =	vsub.f32 v9, v10;
	_ =	sdelay $0x1  }
0x296: {  	v5 =	vpop (erf);
	(erf) = vpow2.f32 v3;
	v3 =	vmul.f32 $1.442695020e+00, v4;
	v4 =	vsub.f32 v11, v10  }
0x297: {  	v6 =	vpop (erf)  }
0x298: {  	(erf) = vpow2.f32 v3;
	v3 =	vmul.f32 $1.442695020e+00, v4;
	v4 =	vadd.f32 v6, v5;
	_ =	sdelay $0x1  }
0x299: {  	v7 =	vpop (erf)  }
0x29a: {  	(erf) = vpow2.f32 v3;
	v3 =	vadd.f32 v4, v7  }
0x29b: {  	v4 =	vpop (erf)  }
0x29c: {  	v3 =	vadd.f32 v3, v4  }
0x29d: {  	v9 =	vpop (erf)  }
0x29e: {  	v3 =	vadd.f32 v3, v9  }
0x29f: {  	v10 =	vpop (erf)  }
0x2a0: {  	v3 =	vadd.f32 v3, v10  }
0x2a1: {  	v11 =	vpop (erf)  }
0x2a2: {  	v3 =	vadd.f32 v3, v11  }
0x2a3: {  	v13 =	vpop (erf)  }
0x2a4: {  	v3 =	vadd.f32 v3, v13;
	_ =	sdelay $0x1  }
0x2a5: {  	(erf) = vrcp.f32 v3;
	_ =	sdelay $0x2  }
0x2a6: {  	s11 =	simm.s32 $0x0  }
0x2a7: {  	s1 =	sand.u32 $0x70, s11;
	s0 =	sand.u32 $0x1C00, s11  }
0x2a8: {  	s30 =	sor.u32 s1, s0  }
0x2a9: {  	v12 =	vld [tilespmem:s30+$0xC100]  }
0x2aa: {  	v8 =	vld [tilespmem:s30+$0xC080];
	_ =	sdelay $0x1  }
0x2ab: {  	v14 =	vld [tilespmem:s30+$0xC180];
	v15 =	vpop (erf)  }
0x2ac: {  	v5 =	vmul.f32 v15, v5;
	v6 =	vmul.f32 v15, v6  }
0x2ad: {  	s13 =	simm.s32 $0x10;
	s14 =	simm.s32 $0x80;
	v16 =	vld [tilespmem:s30+$0xC200];
	v3 =	vmul.f32 v15, v7  }
0x2ae: {  	s0 =	sand.u32 $0x70, s13;
	s1 =	sand.u32 $0x1C00, s14;
	v17 =	vld [tilespmem:s30+$0xC300];
	v7 =	vmul.f32 v8, v5;
	v12 =	vmul.f32 v12, v6  }
0x2af: {  	s0 =	sor.u32 s0, s1;
	v18 =	vld [tilespmem:s30+$0xC280]  }
0x2b0: {  	v19 =	vld [tilespmem:s0+$0xC080];
	v8 =	vmul.f32 v15, v4;
	v4 =	vadd.f32 v12, v7;
	v7 =	vmul.f32 v14, v3  }
0x2b1: {  	v20 =	vld [tilespmem:s0+$0xC100]  }
0x2b2: {  	v21 =	vld [tilespmem:s30+$0xC380];
	v9 =	vmul.f32 v15, v9;
	v16 =	vmul.f32 v16, v8;
	v22 =	vadd.f32 v7, v4  }
0x2b3: {  	v10 =	vmul.f32 v15, v10;
	v12 =	vld [tilespmem:s0+$0xC180];
	v7 =	vmul.f32 v15, v11  }
0x2b4: {  	v14 =	vld [tilespmem:s30+$0xC400];
	v4 =	vmul.f32 v15, v13;
	v15 =	vadd.f32 v16, v22;
	v22 =	vmul.f32 v18, v9  }
0x2b5: {  	s2 =	simm.s32 $0x20;
	s1 =	simm.s32 $0x100;
	v13 =	vld [tilespmem:s0+$0xC200];
	v18 =	vmul.f32 v17, v10  }
0x2b6: {  	s2 =	sand.u32 $0x70, s2;
	s31 =	sand.u32 $0x1C00, s1;
	v11 =	vld [tilespmem:s0+$0xC300];
	v16 =	vmul.f32 v19, v5;
	v17 =	vmul.f32 v20, v6;
	v20 =	vadd.f32 v22, v15  }
0x2b7: {  	s3 =	sor.u32 s2, s31;
	s2 =	simm.s32 $0x30;
	v19 =	vmul.f32 v21, v7;
	v15 =	vld [tilespmem:s0+$0xC280]  }
.LBB2_15:
0x2b8: {  	p0 =	sne.s32 s2, $0x3F0;
	v21 =	vld [tilespmem:s3+$0xC080];
	v16 =	vadd.f32 v17, v16;
	v12 =	vmul.f32 v12, v3;
	v17 =	vadd.f32 v18, v20  }
0x2b9: {  	v20 =	vld [tilespmem:s3+$0xC100];
	v18 =	vmul.f32 v14, v4  }
0x2ba: {  	v14 =	vadd.f32 v12, v16;
	v13 =	vmul.f32 v13, v8;
	v22 =	vld [tilespmem:s0+$0xC380];
	v16 =	vadd.f32 v19, v17  }
.Ltmp6:
0x2bb: {  	v12 =	vld [tilespmem:s3+$0xC180];
	(pc) =	sbr.rel @p0 .LBB2_15-.Ltmp6, $4  }
0x2bc: {  	v19 =	vadd.f32 v13, v14;
	v15 =	vmul.f32 v15, v9;
	v14 =	vld [tilespmem:s0+$0xC400];
	v23 =	vadd.f32 v18, v16  }
0x2bd: {  	s1 =	sadd.s32 $0x80, s1;
	v18 =	vmul.f32 v11, v10;
	v13 =	vld [tilespmem:s3+$0xC200]  }
0x2be: {  	s11 =	sand.u32 $0x70, s2;
	s13 =	sand.u32 $0x1C00, s1;
	v16 =	vmul.f32 v21, v5;
	v17 =	vmul.f32 v20, v6;
	v11 =	vld [tilespmem:s3+$0xC300];
	v20 =	vadd.f32 v15, v19;
	[tilespmem:s30+$0x12380] =	vst v23;
	s30 =	smov.u32 s0  }
0x2bf: {  	s2 =	sadd.s32 $0x10, s2;
	s0 =	smov.u32 s3;
	v15 =	vld [tilespmem:s3+$0xC280];
	v19 =	vmul.f32 v22, v7;
	s3 =	sor.u32 s11, s13  }
0x2c0: {  	v21 =	vld [tilespmem:s3+$0xC080];
	v18 =	vadd.f32 v18, v20  }
0x2c1: {  	v53 =	vld [tilespmem:s3+$0xC100]  }
0x2c2: {  	v22 =	vld [tilespmem:s0+$0xC380];
	v14 =	vmul.f32 v14, v4;
	v18 =	vadd.f32 v19, v18  }
0x2c3: {  	v54 =	vld [tilespmem:s3+$0xC180]  }
0x2c4: {  	v23 =	vld [tilespmem:s0+$0xC400];
	v14 =	vadd.f32 v14, v18  }
0x2c5: {  	v55 =	vld [tilespmem:s3+$0xC200]  }
0x2c6: {  	v24 =	vld [tilespmem:s3+$0xC300];
	v5 =	vmul.f32 v21, v5;
	v6 =	vmul.f32 v53, v6;
	[tilespmem:s30+$0x12380] =	vst v14  }
0x2c7: {  	v56 =	vadd.f32 v17, v16;
	v12 =	vmul.f32 v12, v3;
	v57 =	vld [tilespmem:s3+$0xC280]  }
0x2c8: {  	v3 =	vmul.f32 v54, v3;
	v5 =	vadd.f32 v6, v5  }
0x2c9: {  	v58 =	vmul.f32 v13, v8;
	v6 =	vadd.f32 v12, v56  }
0x2ca: {  	v3 =	vadd.f32 v3, v5;
	v5 =	vmul.f32 v55, v8  }
0x2cb: {  	v59 =	vld [tilespmem:s3+$0xC380];
	v6 =	vadd.f32 v58, v6;
	v8 =	vmul.f32 v15, v9  }
0x2cc: {  	v3 =	vadd.f32 v5, v3;
	v5 =	vmul.f32 v57, v9  }
0x2cd: {  	v6 =	vadd.f32 v8, v6;
	v8 =	vld [tilespmem:s3+$0xC400];
	v9 =	vmul.f32 v11, v10  }
0x2ce: {  	v10 =	vmul.f32 v24, v10;
	v3 =	vadd.f32 v5, v3  }
0x2cf: {  	v5 =	vmul.f32 v22, v7;
	v6 =	vadd.f32 v9, v6  }
0x2d0: {  	v7 =	vmul.f32 v59, v7;
	v3 =	vadd.f32 v10, v3  }
0x2d1: {  	v9 =	vmul.f32 v23, v4;
	v5 =	vadd.f32 v5, v6  }
0x2d2: {  	v4 =	vmul.f32 v8, v4;
	v3 =	vadd.f32 v7, v3  }
0x2d3: {  	v5 =	vadd.f32 v9, v5  }
0x2d4: {  	v3 =	vadd.f32 v4, v3  }
0x2d5: {  	[tilespmem:s0+$0x12380] =	vst v5  }
0x2d6: {  	[tilespmem:s3+$0x12380] =	vst v3  }
0x2d7: {  	v3 =	vld [tilespmem:$0x11C80]  }
0x2d8: {  	v4 =	vld [tilespmem:$0x11D00]  }
0x2d9: {  	v5 =	vld [tilespmem:$0x11D80]  }
0x2da: {  	v6 =	vld [tilespmem:$0x11E00]  }
0x2db: {  	v7 =	vld [tilespmem:$0x11E80]  }
0x2dc: {  	v8 =	vld [tilespmem:$0x11F00]  }
0x2dd: {  	v9 =	vld [tilespmem:$0x11F80];
	v10 =	vmax.f32 v3, v4  }
0x2de: {  	v11 =	vld [tilespmem:$0x12000];
	v10 =	vmax.f32 v10, v5  }
0x2df: {  	v10 =	vmax.f32 v10, v6  }
0x2e0: {  	v10 =	vmax.f32 v10, v7  }
0x2e1: {  	v10 =	vmax.f32 v10, v8  }
0x2e2: {  	v10 =	vmax.f32 v10, v9  }
0x2e3: {  	v10 =	vmax.f32 v10, v11  }
0x2e4: {  	v3 =	vsub.f32 v3, v10  }
0x2e5: {  	v4 =	vsub.f32 v4, v10  }
0x2e6: {  	v3 =	vmul.f32 $1.442695020e+00, v3  }
0x2e7: {  	v5 =	vsub.f32 v5, v10;
	v4 =	vmul.f32 $1.442695020e+00, v4  }
0x2e8: {  	(erf) = vpow2.f32 v3  }
0x2e9: {  	v3 =	vmul.f32 $1.442695020e+00, v5;
	(erf) = vpow2.f32 v4;
	v4 =	vsub.f32 v6, v10;
	_ =	sdelay $0x1  }
0x2ea: {  	(erf) = vpow2.f32 v3;
	v3 =	vmul.f32 $1.442695020e+00, v4;
	v4 =	vsub.f32 v7, v10;
	_ =	sdelay $0x1  }
0x2eb: {  	(erf) = vpow2.f32 v3;
	v3 =	vmul.f32 $1.442695020e+00, v4;
	v4 =	vsub.f32 v8, v10;
	_ =	sdelay $0x1  }
0x2ec: {  	(erf) = vpow2.f32 v3;
	v3 =	vmul.f32 $1.442695020e+00, v4;
	v4 =	vsub.f32 v9, v10;
	_ =	sdelay $0x1  }
0x2ed: {  	v5 =	vpop (erf);
	(erf) = vpow2.f32 v3;
	v3 =	vmul.f32 $1.442695020e+00, v4;
	v4 =	vsub.f32 v11, v10  }
0x2ee: {  	v6 =	vpop (erf)  }
0x2ef: {  	(erf) = vpow2.f32 v3;
	v3 =	vmul.f32 $1.442695020e+00, v4;
	v4 =	vadd.f32 v6, v5;
	_ =	sdelay $0x1  }
0x2f0: {  	v7 =	vpop (erf)  }
0x2f1: {  	(erf) = vpow2.f32 v3;
	v3 =	vadd.f32 v4, v7  }
0x2f2: {  	v4 =	vpop (erf)  }
0x2f3: {  	v3 =	vadd.f32 v3, v4  }
0x2f4: {  	v11 =	vpop (erf)  }
0x2f5: {  	v3 =	vadd.f32 v3, v11  }
0x2f6: {  	v60 =	vpop (erf)  }
0x2f7: {  	v3 =	vadd.f32 v3, v60  }
0x2f8: {  	v61 =	vpop (erf)  }
0x2f9: {  	v3 =	vadd.f32 v3, v61  }
0x2fa: {  	v62 =	vpop (erf)  }
0x2fb: {  	v3 =	vadd.f32 v3, v62;
	_ =	sdelay $0x1  }
0x2fc: {  	(erf) = vrcp.f32 v3;
	_ =	sdelay $0x8  }
0x2fd: {  	v63 =	vpop (erf)  }
0x2fe: {  	v9 =	vmul.f32 v63, v5;
	v10 =	vmul.f32 v63, v6  }
0x2ff: {  	s0 =	simm.s32 $0x0;
	v8 =	vmul.f32 v63, v7;
	v7 =	vmul.f32 v63, v4  }
0x300: {  	s1 =	sand.u32 $0x70, s0;
	s2 =	sand.u32 $0x1C00, s0;
	v6 =	vmul.f32 v63, v11;
	v3 =	vmul.f32 v63, v60  }
0x301: {  	s3 =	sor.u32 s1, s2;
	s2 =	simm.s32 $0x10;
	s1 =	simm.s32 $0x0;
	v5 =	vmul.f32 v63, v61;
	v4 =	vmul.f32 v63, v62  }
.LBB2_17:
0x302: {  	p0 =	sne.s32 s2, $0x3F0;
	v11 =	vld [tilespmem:s3+$0xE080]  }
0x303: {  	v12 =	vld [tilespmem:s3+$0xE100];
	_ =	sdelay $0x1  }
0x304: {  	v13 =	vld [tilespmem:s3+$0xE180];
	_ =	sdelay $0x1  }
0x305: {  	v14 =	vld [tilespmem:s3+$0xE200]  }
0x306: {  	v11 =	vmul.f32 v11, v9;
	v12 =	vmul.f32 v12, v10  }
0x307: {  	v15 =	vld [tilespmem:s3+$0xE280]  }
0x308: {  	v11 =	vadd.f32 v12, v11;
	v12 =	vmul.f32 v13, v8  }
0x309: {  	v13 =	vld [tilespmem:s3+$0xE300]  }
0x30a: {  	v11 =	vadd.f32 v12, v11;
	v12 =	vmul.f32 v14, v7  }
0x30b: {  	v14 =	vld [tilespmem:s3+$0xE380]  }
0x30c: {  	v11 =	vadd.f32 v12, v11;
	v12 =	vmul.f32 v15, v6  }
0x30d: {  	v15 =	vld [tilespmem:s3+$0xE400]  }
0x30e: {  	v11 =	vadd.f32 v12, v11;
	v12 =	vmul.f32 v13, v3;
	_ =	sdelay $0x1  }
0x30f: {  	v11 =	vadd.f32 v12, v11;
	v12 =	vmul.f32 v14, v5;
	_ =	sdelay $0x1  }
.Ltmp7:
0x310: {  	v11 =	vadd.f32 v12, v11;
	v12 =	vmul.f32 v15, v4;
	(pc) =	sbr.rel @p0 .LBB2_17-.Ltmp7, $4  }
0x311: {  	_ = 	snop  }
0x312: {  	s3 =	sor.u32 s1, s0;
	s1 =	sadd.s32 $0x80, s1;
	s0 =	smov.u32 s2;
	v11 =	vadd.f32 v12, v11  }
0x313: {  	s11 =	sand.u32 $0x70, s2;
	s13 =	sand.u32 $0x1C00, s1;
	s14 =	sor.u32 $0x380, s3  }
0x314: {  	s2 =	sadd.s32 $0x10, s2;
	s3 =	sor.u32 s11, s13;
	[tilespmem:s14+$0x12080] =	vst v11  }
0x315: {  	v11 =	vld [tilespmem:s3+$0xE080]  }
0x316: {  	v12 =	vld [tilespmem:s3+$0xE100];
	_ =	sdelay $0x1  }
0x317: {  	v13 =	vld [tilespmem:s3+$0xE180];
	_ =	sdelay $0x1  }
0x318: {  	v14 =	vld [tilespmem:s3+$0xE200]  }
0x319: {  	v9 =	vmul.f32 v11, v9;
	v10 =	vmul.f32 v12, v10  }
0x31a: {  	v60 =	vld [tilespmem:s3+$0xE280]  }
0x31b: {  	v8 =	vmul.f32 v13, v8;
	v9 =	vadd.f32 v10, v9  }
0x31c: {  	v61 =	vld [tilespmem:s3+$0xE300]  }
0x31d: {  	v7 =	vmul.f32 v14, v7;
	v8 =	vadd.f32 v8, v9  }
0x31e: {  	v62 =	vld [tilespmem:s3+$0xE380]  }
0x31f: {  	v6 =	vmul.f32 v60, v6;
	v7 =	vadd.f32 v7, v8  }
0x320: {  	v63 =	vld [tilespmem:s3+$0xE400]  }
0x321: {  	v3 =	vmul.f32 v61, v3;
	v6 =	vadd.f32 v6, v7;
	_ =	sdelay $0x1  }
0x322: {  	v5 =	vmul.f32 v62, v5;
	v3 =	vadd.f32 v3, v6;
	_ =	sdelay $0x1  }
0x323: {  	v4 =	vmul.f32 v63, v4;
	v3 =	vadd.f32 v5, v3;
	_ =	sdelay $0x1  }
0x324: {  	s0 =	sor.u32 s1, s0;
	s29 =	sshll.u32 s29, $0x7;
	s28 =	sadd.s32 $0x1, s28;
	v3 =	vadd.f32 v4, v3  }
0x325: {  	s30 =	rddreg [dreg:$0x1];
	s0 =	sor.u32 $0x380, s0;
	p0 =	sne.s32 s28, $0x20  }
.Ltmp8:
0x326: {  	s31 =	simm.s32 $0x0;
	[tilespmem:s0+$0x12080] =	vst v3;
	s0 =	sadd.s32 s30, s29;
	(pc) =	sbr.rel @p0 .LBB2_2-.Ltmp8, $4  }
0x327: {  	[hbm4b:s0+s31] =	stream.linear.scatter [tilespmem:s26], [sflag:$0x3], $0x2000, $0x38;
	[tilespmem:$0x14080] =	vst v63  }
0x328: {  	_ =	swait.ge [sflag:s12], $0x2000  }
0x329: {  	[sflag:s12] =	ssyncset.done $0x0  }
0x32a: {  	[sflag:s12] =	ssyncadd.s32 $0xFFFFE000  }
0x32b: {  	s1 =	rddreg [dreg:$0x4]  }
0x32c: {  	s0 =	rddreg [dreg:$0x3];
	s1 =	sadd.s32 $0x1, s1  }
0x32d: {  	p0 =	sne.s32 s1, s0  }
.Ltmp9:
0x32e: {  	_ = 	snop;
	(pc) =	sbr.rel @p0 .LBB2_1-.Ltmp9, $1  }
0x32f: {  	_ =	sdelay $0x3  }
0x330: {  	_ =	sfence.sel $0x180000  }
0x331: {  	[bflag:$0x0] =	sbarrier.arrive $0xFFFF  }
0x332: {  	_ =	strace $0x9000004A  }
0x333: {  	s0 =	stileid.u32;
	[bflag:$0x2] =	sbarrier.arrive $0xFFFF  }
0x334: {  	p0 =	sne.s32 s0, $0x0;
	s0 =	rddreg [dreg:$0x2]  }
0x335: {  	s0 =	sadd.s32 @!p0 $0x100000, s0  }
0x336: {  	[sflag:s0] =	ssyncadd.tile.s32 @!p0 $0x1;
	_ =	shalt  }
.Lfunc_end2:
_tile_overlayer_lowered:
.L_overlay_start_2:
0x337: {  	(tag) =	ssettag $0x2  }
0x338: {  	s0 =	rddreg [dreg:$0x0];
	s2 =	stileid.u32  }
0x339: {  	s1 =	rddreg [dreg:$0x1];
	p0 =	sne.s32 s2, $0x0  }
0x33a: {  	s3 =	rddreg [dreg:$0x2];
	[bflag:$0x3] =	sbarrier.arrive $0xFFFF;
	s2 =	simm.s32 @!p0 $0x1C03  }
0x33b: {  	[timem:s3], [sflag:s2] =	dma.local @!p0 [hbm:s0], s1  }
0x33c: {  	s0 =	simm.s32 @!p0 $0x3  }
0x33d: {  	_ =	swait.ge @!p0 [sflag:s0], s1  }
0x33e: {  	s1 =	ssub.s32 @!p0 $0x0, s1;
	[sflag:s0] =	ssyncset.done @!p0 $0x0  }
0x33f: {  	[sflag:s0] =	ssyncadd.s32 @!p0 s1  }
0x340: {  	[bflag:$0x3] =	sbarrier.arrive $0xFFFF  }
0x341: {  	_ =	shalt  }

</sc_bundles>
